<compile_context>
chip_gen: v7x
topology: tpu7x:2x2x1
jax: 0.10.2.dev20260603
libtpu: 0.0.44.dev20260713+nightly
codegen_flags: <defaults>
</compile_context>

<pallas_src>
import jax
import jax.numpy as jnp
from jax import lax
from jax.experimental import pallas as pl
from jax.experimental.pallas import tpu as pltpu, tpu_sc as plsc

EMBED_DIM = 32
NUM_EMB = 17
N_EDGES = 1600000
NUM_WORKERS = 32
CHUNK = 1280
N_CHUNKS = N_EDGES // CHUNK
BASE_CHUNKS = N_CHUNKS // NUM_WORKERS
EXTRA = N_CHUNKS - BASE_CHUNKS * NUM_WORKERS
MAX_PAIRS = (BASE_CHUNKS + 2) // 2
LANES = 16
GROUPS = CHUNK // LANES
COL_STRIDE = 24
TABLE_WORDS = COL_STRIDE * EMBED_DIM


def _sc_body(edge_hbm, table_hbm, out_hbm,
             table_v, src0, dst0, src1, dst1, rows0, rows1,
             sem_in0, sem_in1, sem_out0, sem_out1):
    wid = lax.axis_index("s") * 2 + lax.axis_index("c")
    n_w = jnp.where(wid < EXTRA, BASE_CHUNKS + 1, BASE_CHUNKS)
    pltpu.sync_copy(table_hbm, table_v)

    def fire_in(i, sv, dv, sem):
        base = (wid + i * NUM_WORKERS) * CHUNK
        pltpu.async_copy(edge_hbm.at[0, pl.ds(base, CHUNK)], sv, sem)
        pltpu.async_copy(edge_hbm.at[1, pl.ds(base, CHUNK)], dv, sem)

    def wait_in(i, sv, dv, sem):
        base = (wid + i * NUM_WORKERS) * CHUNK
        pltpu.make_async_copy(edge_hbm.at[0, pl.ds(base, CHUNK)], sv,
                              sem).wait()
        pltpu.make_async_copy(edge_hbm.at[1, pl.ds(base, CHUNK)], dv,
                              sem).wait()

    def fire_out(i, rows, sem):
        base = (wid + i * NUM_WORKERS) * CHUNK
        pltpu.async_copy(rows, out_hbm.at[:, pl.ds(base, CHUNK)], sem)

    def wait_out(i, rows, sem):
        base = (wid + i * NUM_WORKERS) * CHUNK
        pltpu.make_async_copy(rows, out_hbm.at[:, pl.ds(base, CHUNK)],
                              sem).wait()

    def compute(sv, dv, rows):
        def group_body(g, c2):
            s = sv[pl.ds(g * LANES, LANES)]
            d = dv[pl.ds(g * LANES, LANES)]
            x = jnp.abs(s - d) - 1
            bits = plsc.bitcast(x.astype(jnp.float32), jnp.int32)
            code = jnp.where(x >= 1, (bits >> 23) - 126, 0)
            vs = [None] * EMBED_DIM
            for c in range(EMBED_DIM + 8):
                if c < EMBED_DIM:
                    vs[c] = plsc.load_gather(
                        table_v.at[pl.ds(c * COL_STRIDE, NUM_EMB)], [code])
                if c >= 8:
                    rows[c - 8, pl.ds(g * LANES, LANES)] = vs[c - 8]
            return c2
        lax.fori_loop(0, GROUPS, group_body, 0, unroll=4)

    fire_in(0, src0, dst0, sem_in0)
    fire_in(1, src1, dst1, sem_in1)

    def pair_body(k, carry):
        i0 = 2 * k
        wait_in(i0, src0, dst0, sem_in0)

        @pl.when(k > 0)
        def _():
            wait_out(i0 - 2, rows0, sem_out0)
        compute(src0, dst0, rows0)
        fire_out(i0, rows0, sem_out0)

        @pl.when(i0 + 2 < n_w)
        def _():
            fire_in(i0 + 2, src0, dst0, sem_in0)

        i1 = 2 * k + 1

        @pl.when(k > 0)
        def _():
            wait_out(i1 - 2, rows1, sem_out1)

        @pl.when(i1 < n_w)
        def _():
            wait_in(i1, src1, dst1, sem_in1)
            compute(src1, dst1, rows1)
            fire_out(i1, rows1, sem_out1)

            @pl.when(i1 + 2 < n_w)
            def _():
                fire_in(i1 + 2, src1, dst1, sem_in1)
        return carry

    lax.fori_loop(0, MAX_PAIRS, pair_body, 0)

    wait_out(n_w - 1, rows0, sem_out0)

    @pl.when(n_w == BASE_CHUNKS + 1)
    def _():
        wait_out(n_w - 1, rows1, sem_out1)


def kernel(edge_index, emb_weight):
    mesh = plsc.VectorSubcoreMesh(core_axis_name="c", subcore_axis_name="s")
    run = pl.kernel(
        _sc_body,
        out_type=jax.ShapeDtypeStruct((EMBED_DIM, N_EDGES), jnp.float32),
        mesh=mesh,
        scratch_types=[
            pltpu.VMEM((TABLE_WORDS,), jnp.float32),
            pltpu.VMEM((CHUNK,), jnp.int32),
            pltpu.VMEM((CHUNK,), jnp.int32),
            pltpu.VMEM((CHUNK,), jnp.int32),
            pltpu.VMEM((CHUNK,), jnp.int32),
            pltpu.VMEM((EMBED_DIM, CHUNK), jnp.float32),
            pltpu.VMEM((EMBED_DIM, CHUNK), jnp.float32),
            pltpu.SemaphoreType.DMA,
            pltpu.SemaphoreType.DMA,
            pltpu.SemaphoreType.DMA,
            pltpu.SemaphoreType.DMA,
        ],
        compiler_params=pltpu.CompilerParams(needs_layout_passes=False),
    )
    table = jnp.pad(emb_weight.T,
                    ((0, 0), (0, COL_STRIDE - NUM_EMB))).reshape(-1)
    out_t = run(edge_index, table)
    return out_t.T

# --- scband reference (transcript-rebuilt; emitter-appended) ---
"""Pipeline reference for scband-separation-embedding-42554535969388 (READ-ONLY COPY).

The authoritative reference and input builder live on the scoring server;
editing this copy changes nothing except your own understanding.
"""

import jax, jax.numpy as jnp
import numpy as np

BINS = jnp.array([1, 2, 4, 8, 16, 32, 64, 128, 256, 512, 1024, 2048, 4096, 8192, 16384, 32768], dtype=jnp.int32)
EMBED_DIM = 32
NUM_EMB = BINS.shape[0] + 1  # len(bins) + 1 = 17
N_NODES = 50000
N_EDGES = 1600000


def setup_inputs(seed: int = 0) -> dict:
    key = jax.random.key(seed)
    k1, k2 = jax.random.split(key)
    edge_index = jax.random.randint(k1, (2, N_EDGES), 0, N_NODES, dtype=jnp.int32)
    # learned embedding table (Embedding(num_embeddings=len(bins)+1, embedding_dim))
    emb_weight = jax.random.normal(k2, (NUM_EMB, EMBED_DIM), dtype=jnp.float32)
    return {"edge_index": edge_index, "emb_weight": emb_weight}


def reference(edge_index, emb_weight):
    # separation = edge_index[0] - edge_index[1]
    separation = edge_index[0] - edge_index[1]
    # np.digitize(|sep|, bins, right=True) == searchsorted(bins, |sep|, side='left')
    codes = jnp.searchsorted(BINS, jnp.abs(separation), side="left")
    # embedding lookup (gather rows)
    embeddings = jnp.take(emb_weight, codes, axis=0)
    return embeddings

if __name__ == "__main__":
    import jax
    _d = setup_inputs()
    print(jax.jit(kernel)(*tuple(_d.values())))

</pallas_src>

<mosaic_0001>
#map = affine_map<(d0, d1) -> (0, 0)>
#map1 = affine_map<(d0, d1) -> (0)>
module attributes {stable_mosaic.version = 14 : i64} {
  func.func @_sc_body(%arg0: i32, %arg1: i32, %arg2: memref<2x1600000xi32, #tpu.memory_space<hbm>>, %arg3: memref<768xf32, #tpu.memory_space<hbm>>, %arg4: memref<32x1600000xf32, #tpu.memory_space<hbm>>, %arg5: memref<768xf32, #tpu.memory_space<vmem>>, %arg6: memref<1280xi32, #tpu.memory_space<vmem>>, %arg7: memref<1280xi32, #tpu.memory_space<vmem>>, %arg8: memref<1280xi32, #tpu.memory_space<vmem>>, %arg9: memref<1280xi32, #tpu.memory_space<vmem>>, %arg10: memref<32x1280xf32, #tpu.memory_space<vmem>>, %arg11: memref<32x1280xf32, #tpu.memory_space<vmem>>, %arg12: memref<!tpu.dma_semaphore, #tpu.memory_space<semaphore_mem>>, %arg13: memref<!tpu.dma_semaphore, #tpu.memory_space<semaphore_mem>>, %arg14: memref<!tpu.dma_semaphore, #tpu.memory_space<semaphore_mem>>, %arg15: memref<!tpu.dma_semaphore, #tpu.memory_space<semaphore_mem>>) attributes {dimension_semantics = [#tpu.dimension_semantics<core_parallel>, #tpu.dimension_semantics<subcore_parallel>], iteration_bounds = array<i64: 2, 16>, scalar_prefetch = 0 : i64, scratch_operands = 11 : i64, tpu.core_type = #tpu.core_type<sc_vector_subcore>, window_params = [{transform_indices = #map}, {transform_indices = #map1}, {transform_indices = #map}]} {
    %mul3A = arith.constant 2 : i32
    %mul3A_0 = arith.muli %arg1, %mul3A : i32
    %add3A = arith.addi %mul3A_0, %arg0 : i32
    %lt3A = arith.constant 2 : i32
    %lt3A_1 = arith.cmpi slt, %add3A, %lt3A : i32
    %jit3A = arith.constant 40 : i32
    %jit3A_2 = arith.constant 39 : i32
    %select_n3A = arith.select %lt3A_1, %jit3A, %jit3A_2 : i32
    "tpu.region"() ({
      %run_scoped3A = tpu.sem_alloc : memref<!tpu.dma_semaphore, #tpu.memory_space<semaphore_mem>>
      tpu.enqueue_dma source(%arg3 : memref<768xf32, #tpu.memory_space<hbm>>) target(%arg5 : memref<768xf32, #tpu.memory_space<vmem>>) target_semaphore(%run_scoped3A : memref<!tpu.dma_semaphore, #tpu.memory_space<semaphore_mem>>)
      tpu.wait_dma2 semaphore(%run_scoped3A : memref<!tpu.dma_semaphore, #tpu.memory_space<semaphore_mem>>) src(%arg3 : memref<768xf32, #tpu.memory_space<hbm>>) dst(%arg5 : memref<768xf32, #tpu.memory_space<vmem>>)
      tpu.yield
    }) : () -> ()
    %add3A_3 = arith.constant 0 : i32
    %add3A_4 = arith.addi %add3A, %add3A_3 : i32
    %mul3A_5 = arith.constant 1280 : i32
    %mul3A_6 = arith.muli %add3A_4, %mul3A_5 : i32
    %dma_start3A = arith.constant 0 : i32
    %dma_start3A_7 = tpu.memref_slice %arg2[%dma_start3A, %mul3A_6] : memref<2x1600000xi32, #tpu.memory_space<hbm>> -> memref<1x1280xi32, #tpu.memory_space<hbm>>
    %dma_start3A_8 = tpu.memref_squeeze %dma_start3A_7 : memref<1x1280xi32, #tpu.memory_space<hbm>> -> memref<1280xi32, #tpu.memory_space<hbm>>
    %dma_start3A_9 = tpu.memref_slice %arg2[%dma_start3A, %mul3A_6] : memref<2x1600000xi32, #tpu.memory_space<hbm>> -> memref<1x1280xi32, #tpu.memory_space<hbm>>
    %dma_start3A_10 = tpu.memref_squeeze %dma_start3A_9 : memref<1x1280xi32, #tpu.memory_space<hbm>> -> memref<1280xi32, #tpu.memory_space<hbm>>
    tpu.enqueue_dma source(%dma_start3A_10 : memref<1280xi32, #tpu.memory_space<hbm>>) target(%arg6 : memref<1280xi32, #tpu.memory_space<vmem>>) target_semaphore(%arg12 : memref<!tpu.dma_semaphore, #tpu.memory_space<semaphore_mem>>)
    %dma_start3A_11 = arith.constant 1 : i32
    %dma_start3A_12 = tpu.memref_slice %arg2[%dma_start3A_11, %mul3A_6] : memref<2x1600000xi32, #tpu.memory_space<hbm>> -> memref<1x1280xi32, #tpu.memory_space<hbm>>
    %dma_start3A_13 = tpu.memref_squeeze %dma_start3A_12 : memref<1x1280xi32, #tpu.memory_space<hbm>> -> memref<1280xi32, #tpu.memory_space<hbm>>
    %dma_start3A_14 = tpu.memref_slice %arg2[%dma_start3A_11, %mul3A_6] : memref<2x1600000xi32, #tpu.memory_space<hbm>> -> memref<1x1280xi32, #tpu.memory_space<hbm>>
    %dma_start3A_15 = tpu.memref_squeeze %dma_start3A_14 : memref<1x1280xi32, #tpu.memory_space<hbm>> -> memref<1280xi32, #tpu.memory_space<hbm>>
    tpu.enqueue_dma source(%dma_start3A_15 : memref<1280xi32, #tpu.memory_space<hbm>>) target(%arg7 : memref<1280xi32, #tpu.memory_space<vmem>>) target_semaphore(%arg12 : memref<!tpu.dma_semaphore, #tpu.memory_space<semaphore_mem>>)
    %add3A_16 = arith.constant 32 : i32
    %add3A_17 = arith.addi %add3A, %add3A_16 : i32
    %mul3A_18 = arith.constant 1280 : i32
    %mul3A_19 = arith.muli %add3A_17, %mul3A_18 : i32
    %dma_start3A_20 = arith.constant 0 : i32
    %dma_start3A_21 = tpu.memref_slice %arg2[%dma_start3A_20, %mul3A_19] : memref<2x1600000xi32, #tpu.memory_space<hbm>> -> memref<1x1280xi32, #tpu.memory_space<hbm>>
    %dma_start3A_22 = tpu.memref_squeeze %dma_start3A_21 : memref<1x1280xi32, #tpu.memory_space<hbm>> -> memref<1280xi32, #tpu.memory_space<hbm>>
    %dma_start3A_23 = tpu.memref_slice %arg2[%dma_start3A_20, %mul3A_19] : memref<2x1600000xi32, #tpu.memory_space<hbm>> -> memref<1x1280xi32, #tpu.memory_space<hbm>>
    %dma_start3A_24 = tpu.memref_squeeze %dma_start3A_23 : memref<1x1280xi32, #tpu.memory_space<hbm>> -> memref<1280xi32, #tpu.memory_space<hbm>>
    tpu.enqueue_dma source(%dma_start3A_24 : memref<1280xi32, #tpu.memory_space<hbm>>) target(%arg8 : memref<1280xi32, #tpu.memory_space<vmem>>) target_semaphore(%arg13 : memref<!tpu.dma_semaphore, #tpu.memory_space<semaphore_mem>>)
    %dma_start3A_25 = arith.constant 1 : i32
    %dma_start3A_26 = tpu.memref_slice %arg2[%dma_start3A_25, %mul3A_19] : memref<2x1600000xi32, #tpu.memory_space<hbm>> -> memref<1x1280xi32, #tpu.memory_space<hbm>>
    %dma_start3A_27 = tpu.memref_squeeze %dma_start3A_26 : memref<1x1280xi32, #tpu.memory_space<hbm>> -> memref<1280xi32, #tpu.memory_space<hbm>>
    %dma_start3A_28 = tpu.memref_slice %arg2[%dma_start3A_25, %mul3A_19] : memref<2x1600000xi32, #tpu.memory_space<hbm>> -> memref<1x1280xi32, #tpu.memory_space<hbm>>
    %dma_start3A_29 = tpu.memref_squeeze %dma_start3A_28 : memref<1x1280xi32, #tpu.memory_space<hbm>> -> memref<1280xi32, #tpu.memory_space<hbm>>
    tpu.enqueue_dma source(%dma_start3A_29 : memref<1280xi32, #tpu.memory_space<hbm>>) target(%arg9 : memref<1280xi32, #tpu.memory_space<vmem>>) target_semaphore(%arg13 : memref<!tpu.dma_semaphore, #tpu.memory_space<semaphore_mem>>)
    %scan3A = arith.constant 0 : i32
    %scan3A_30 = arith.constant 0 : i32
    %scan3A_31 = arith.constant 20 : i32
    %scan3A_32 = arith.addi %scan3A_30, %scan3A_31 : i32
    %scan3A_33 = arith.constant 1 : i32
    scf.for %scan3A_46 = %scan3A_30 to %scan3A_32 step %scan3A_33  : i32 {
      %mul3A_47 = arith.constant 2 : i32
      %mul3A_48 = arith.muli %mul3A_47, %scan3A_46 : i32
      %mul3A_49 = arith.constant 32 : i32
      %mul3A_50 = arith.muli %mul3A_48, %mul3A_49 : i32
      %add3A_51 = arith.addi %add3A, %mul3A_50 : i32
      %mul3A_52 = arith.constant 1280 : i32
      %mul3A_53 = arith.muli %add3A_51, %mul3A_52 : i32
      %dma_wait3A_54 = arith.constant 0 : i32
      %dma_wait3A_55 = tpu.memref_slice %arg2[%dma_wait3A_54, %mul3A_53] : memref<2x1600000xi32, #tpu.memory_space<hbm>> -> memref<1x1280xi32, #tpu.memory_space<hbm>>
      %dma_wait3A_56 = tpu.memref_squeeze %dma_wait3A_55 : memref<1x1280xi32, #tpu.memory_space<hbm>> -> memref<1280xi32, #tpu.memory_space<hbm>>
      %dma_wait3A_57 = tpu.memref_slice %arg2[%dma_wait3A_54, %mul3A_53] : memref<2x1600000xi32, #tpu.memory_space<hbm>> -> memref<1x1280xi32, #tpu.memory_space<hbm>>
      %dma_wait3A_58 = tpu.memref_squeeze %dma_wait3A_57 : memref<1x1280xi32, #tpu.memory_space<hbm>> -> memref<1280xi32, #tpu.memory_space<hbm>>
      tpu.wait_dma2 semaphore(%arg12 : memref<!tpu.dma_semaphore, #tpu.memory_space<semaphore_mem>>) src(%dma_wait3A_58 : memref<1280xi32, #tpu.memory_space<hbm>>) dst(%arg6 : memref<1280xi32, #tpu.memory_space<vmem>>)
      %dma_wait3A_59 = arith.constant 1 : i32
      %dma_wait3A_60 = tpu.memref_slice %arg2[%dma_wait3A_59, %mul3A_53] : memref<2x1600000xi32, #tpu.memory_space<hbm>> -> memref<1x1280xi32, #tpu.memory_space<hbm>>
      %dma_wait3A_61 = tpu.memref_squeeze %dma_wait3A_60 : memref<1x1280xi32, #tpu.memory_space<hbm>> -> memref<1280xi32, #tpu.memory_space<hbm>>
      %dma_wait3A_62 = tpu.memref_slice %arg2[%dma_wait3A_59, %mul3A_53] : memref<2x1600000xi32, #tpu.memory_space<hbm>> -> memref<1x1280xi32, #tpu.memory_space<hbm>>
      %dma_wait3A_63 = tpu.memref_squeeze %dma_wait3A_62 : memref<1x1280xi32, #tpu.memory_space<hbm>> -> memref<1280xi32, #tpu.memory_space<hbm>>
      tpu.wait_dma2 semaphore(%arg12 : memref<!tpu.dma_semaphore, #tpu.memory_space<semaphore_mem>>) src(%dma_wait3A_63 : memref<1280xi32, #tpu.memory_space<hbm>>) dst(%arg7 : memref<1280xi32, #tpu.memory_space<vmem>>)
      %gt3A = arith.constant 0 : i32
      %gt3A_64 = arith.cmpi sgt, %scan3A_46, %gt3A : i32
      %convert_element_type3A_65 = arith.extui %gt3A_64 : i1 to i32
      %cond3A_66 = arith.constant 0 : i32
      %cond3A_67 = arith.cmpi ne, %convert_element_type3A_65, %cond3A_66 : i32
      scf.if %cond3A_67 {
        %sub3A_102 = arith.constant 2 : i32
        %sub3A_103 = arith.subi %mul3A_48, %sub3A_102 : i32
        %mul3A_104 = arith.constant 32 : i32
        %mul3A_105 = arith.muli %sub3A_103, %mul3A_104 : i32
        %add3A_106 = arith.addi %add3A, %mul3A_105 : i32
        %mul3A_107 = arith.constant 1280 : i32
        %mul3A_108 = arith.muli %add3A_106, %mul3A_107 : i32
        %dma_wait3A_109 = arith.constant 0 : i32
        %dma_wait3A_110 = tpu.memref_slice %arg4[%dma_wait3A_109, %mul3A_108] : memref<32x1600000xf32, #tpu.memory_space<hbm>> -> memref<32x1280xf32, #tpu.memory_space<hbm>>
        %dma_wait3A_111 = arith.constant 0 : i32
        %dma_wait3A_112 = tpu.memref_slice %arg4[%dma_wait3A_111, %mul3A_108] : memref<32x1600000xf32, #tpu.memory_space<hbm>> -> memref<32x1280xf32, #tpu.memory_space<hbm>>
        tpu.wait_dma2 semaphore(%arg14 : memref<!tpu.dma_semaphore, #tpu.memory_space<semaphore_mem>>) src(%arg10 : memref<32x1280xf32, #tpu.memory_space<vmem>>) dst(%dma_wait3A_112 : memref<32x1280xf32, #tpu.memory_space<hbm>>)
      } else {
      }
      %scan3A_68 = arith.constant 0 : i32
      %scan3A_69 = arith.constant 0 : i32
      %scan3A_70 = arith.constant 80 : i32
      %scan3A_71 = arith.addi %scan3A_69, %scan3A_70 : i32
      %scan3A_72 = arith.constant 4 : i32
      scf.for %scan3A_102 = %scan3A_69 to %scan3A_71 step %scan3A_72  : i32 {
        %mul3A_103 = arith.constant 16 : i32
        %mul3A_104 = arith.muli %scan3A_102, %mul3A_103 : i32
        %get3A = arith.index_cast %mul3A_104 : i32 to index
        %get3A_105 = tpu.vector_load %arg6[%get3A] {strides = array<i32>} : memref<1280xi32, #tpu.memory_space<vmem>>, vector<16xi32>,
        %mul3A_106 = arith.constant 16 : i32
        %mul3A_107 = arith.muli %scan3A_102, %mul3A_106 : i32
        %get3A_108 = arith.index_cast %mul3A_107 : i32 to index
        %get3A_109 = tpu.vector_load %arg7[%get3A_108] {strides = array<i32>} : memref<1280xi32, #tpu.memory_space<vmem>>, vector<16xi32>,
        %sub3A_110 = arith.subi %get3A_105, %get3A_109 : vector<16xi32>
        %abs3A = math.absi %sub3A_110 : vector<16xi32>
        %sub3A_111 = arith.constant 1 : i32
        %sub3A_112 = vector.broadcast %sub3A_111 : i32 to vector<16xi32>
        %sub3A_113 = arith.subi %abs3A, %sub3A_112 : vector<16xi32>
        %convert_element_type3A_114 = arith.sitofp %sub3A_113 : vector<16xi32> to vector<16xf32>
        %bitcast3A = vector.bitcast %convert_element_type3A_114 : vector<16xf32> to vector<16xi32>
        %ge3A = arith.constant 1 : i32
        %ge3A_115 = vector.broadcast %ge3A : i32 to vector<16xi32>
        %ge3A_116 = arith.cmpi sge, %sub3A_113, %ge3A_115 : vector<16xi32>
        %shift_right_arithmetic3A = arith.constant 23 : i32
        %shift_right_arithmetic3A_117 = vector.broadcast %shift_right_arithmetic3A : i32 to vector<16xi32>
        %shift_right_arithmetic3A_118 = arith.shrsi %bitcast3A, %shift_right_arithmetic3A_117 : vector<16xi32>
        %sub3A_119 = arith.constant 126 : i32
        %sub3A_120 = vector.broadcast %sub3A_119 : i32 to vector<16xi32>
        %sub3A_121 = arith.subi %shift_right_arithmetic3A_118, %sub3A_120 : vector<16xi32>
        %jit3A_122 = arith.constant 0 : i32
        %broadcast_in_dim3A = vector.broadcast %jit3A_122 : i32 to vector<16xi32>
        %select_n3A_123 = arith.select %ge3A_116, %sub3A_121, %broadcast_in_dim3A : vector<16xi1>, vector<16xi32>
        %gather3A = arith.constant 0 : i32
        %gather3A_124 = tpu.memref_slice %arg5[%gather3A] : memref<768xf32, #tpu.memory_space<vmem>> -> memref<17xf32, #tpu.memory_space<vmem>>
        %gather3A_125 = tpu.vector_load_idx %gather3A_124[%select_n3A_123] : memref<17xf32, #tpu.memory_space<vmem>>[vector<16xi32>], vector<16xf32>,
        %gather3A_126 = arith.constant 24 : i32
        %gather3A_127 = tpu.memref_slice %arg5[%gather3A_126] : memref<768xf32, #tpu.memory_space<vmem>> -> memref<17xf32, #tpu.memory_space<vmem>>
        %gather3A_128 = tpu.vector_load_idx %gather3A_127[%select_n3A_123] : memref<17xf32, #tpu.memory_space<vmem>>[vector<16xi32>], vector<16xf32>,
        %gather3A_129 = arith.constant 48 : i32
        %gather3A_130 = tpu.memref_slice %arg5[%gather3A_129] : memref<768xf32, #tpu.memory_space<vmem>> -> memref<17xf32, #tpu.memory_space<vmem>>
        %gather3A_131 = tpu.vector_load_idx %gather3A_130[%select_n3A_123] : memref<17xf32, #tpu.memory_space<vmem>>[vector<16xi32>], vector<16xf32>,
        %gather3A_132 = arith.constant 72 : i32
        %gather3A_133 = tpu.memref_slice %arg5[%gather3A_132] : memref<768xf32, #tpu.memory_space<vmem>> -> memref<17xf32, #tpu.memory_space<vmem>>
        %gather3A_134 = tpu.vector_load_idx %gather3A_133[%select_n3A_123] : memref<17xf32, #tpu.memory_space<vmem>>[vector<16xi32>], vector<16xf32>,
        %gather3A_135 = arith.constant 96 : i32
        %gather3A_136 = tpu.memref_slice %arg5[%gather3A_135] : memref<768xf32, #tpu.memory_space<vmem>> -> memref<17xf32, #tpu.memory_space<vmem>>
        %gather3A_137 = tpu.vector_load_idx %gather3A_136[%select_n3A_123] : memref<17xf32, #tpu.memory_space<vmem>>[vector<16xi32>], vector<16xf32>,
        %gather3A_138 = arith.constant 120 : i32
        %gather3A_139 = tpu.memref_slice %arg5[%gather3A_138] : memref<768xf32, #tpu.memory_space<vmem>> -> memref<17xf32, #tpu.memory_space<vmem>>
        %gather3A_140 = tpu.vector_load_idx %gather3A_139[%select_n3A_123] : memref<17xf32, #tpu.memory_space<vmem>>[vector<16xi32>], vector<16xf32>,
        %gather3A_141 = arith.constant 144 : i32
        %gather3A_142 = tpu.memref_slice %arg5[%gather3A_141] : memref<768xf32, #tpu.memory_space<vmem>> -> memref<17xf32, #tpu.memory_space<vmem>>
        %gather3A_143 = tpu.vector_load_idx %gather3A_142[%select_n3A_123] : memref<17xf32, #tpu.memory_space<vmem>>[vector<16xi32>], vector<16xf32>,
        %gather3A_144 = arith.constant 168 : i32
        %gather3A_145 = tpu.memref_slice %arg5[%gather3A_144] : memref<768xf32, #tpu.memory_space<vmem>> -> memref<17xf32, #tpu.memory_space<vmem>>
        %gather3A_146 = tpu.vector_load_idx %gather3A_145[%select_n3A_123] : memref<17xf32, #tpu.memory_space<vmem>>[vector<16xi32>], vector<16xf32>,
        %gather3A_147 = arith.constant 192 : i32
        %gather3A_148 = tpu.memref_slice %arg5[%gather3A_147] : memref<768xf32, #tpu.memory_space<vmem>> -> memref<17xf32, #tpu.memory_space<vmem>>
        %gather3A_149 = tpu.vector_load_idx %gather3A_148[%select_n3A_123] : memref<17xf32, #tpu.memory_space<vmem>>[vector<16xi32>], vector<16xf32>,
        %mul3A_150 = arith.constant 16 : i32
        %mul3A_151 = arith.muli %scan3A_102, %mul3A_150 : i32
        %swap3A = arith.constant 0 : i32
        %swap3A_152 = arith.index_cast %swap3A : i32 to index
        %swap3A_153 = arith.index_cast %mul3A_151 : i32 to index
        %swap3A_154 = tpu.vector_load %arg10[%swap3A_152, %swap3A_153] {strides = array<i32>} : memref<32x1280xf32, #tpu.memory_space<vmem>>, vector<16xf32>,
        tpu.vector_store %arg10[%swap3A_152, %swap3A_153], %gather3A_125 {strides = array<i32>} : memref<32x1280xf32, #tpu.memory_space<vmem>>, vector<16xf32>,
        %gather3A_155 = arith.constant 216 : i32
        %gather3A_156 = tpu.memref_slice %arg5[%gather3A_155] : memref<768xf32, #tpu.memory_space<vmem>> -> memref<17xf32, #tpu.memory_space<vmem>>
        %gather3A_157 = tpu.vector_load_idx %gather3A_156[%select_n3A_123] : memref<17xf32, #tpu.memory_space<vmem>>[vector<16xi32>], vector<16xf32>,
        %mul3A_158 = arith.constant 16 : i32
        %mul3A_159 = arith.muli %scan3A_102, %mul3A_158 : i32
        %swap3A_160 = arith.constant 1 : i32
        %swap3A_161 = arith.index_cast %swap3A_160 : i32 to index
        %swap3A_162 = arith.index_cast %mul3A_159 : i32 to index
        %swap3A_163 = tpu.vector_load %arg10[%swap3A_161, %swap3A_162] {strides = array<i32>} : memref<32x1280xf32, #tpu.memory_space<vmem>>, vector<16xf32>,
        tpu.vector_store %arg10[%swap3A_161, %swap3A_162], %gather3A_128 {strides = array<i32>} : memref<32x1280xf32, #tpu.memory_space<vmem>>, vector<16xf32>,
        %gather3A_164 = arith.constant 240 : i32
        %gather3A_165 = tpu.memref_slice %arg5[%gather3A_164] : memref<768xf32, #tpu.memory_space<vmem>> -> memref<17xf32, #tpu.memory_space<vmem>>
        %gather3A_166 = tpu.vector_load_idx %gather3A_165[%select_n3A_123] : memref<17xf32, #tpu.memory_space<vmem>>[vector<16xi32>], vector<16xf32>,
        %mul3A_167 = arith.constant 16 : i32
        %mul3A_168 = arith.muli %scan3A_102, %mul3A_167 : i32
        %swap3A_169 = arith.constant 2 : i32
        %swap3A_170 = arith.index_cast %swap3A_169 : i32 to index
        %swap3A_171 = arith.index_cast %mul3A_168 : i32 to index
        %swap3A_172 = tpu.vector_load %arg10[%swap3A_170, %swap3A_171] {strides = array<i32>} : memref<32x1280xf32, #tpu.memory_space<vmem>>, vector<16xf32>,
        tpu.vector_store %arg10[%swap3A_170, %swap3A_171], %gather3A_131 {strides = array<i32>} : memref<32x1280xf32, #tpu.memory_space<vmem>>, vector<16xf32>,
        %gather3A_173 = arith.constant 264 : i32
        %gather3A_174 = tpu.memref_slice %arg5[%gather3A_173] : memref<768xf32, #tpu.memory_space<vmem>> -> memref<17xf32, #tpu.memory_space<vmem>>
        %gather3A_175 = tpu.vector_load_idx %gather3A_174[%select_n3A_123] : memref<17xf32, #tpu.memory_space<vmem>>[vector<16xi32>], vector<16xf32>,
        %mul3A_176 = arith.constant 16 : i32
        %mul3A_177 = arith.muli %scan3A_102, %mul3A_176 : i32
        %swap3A_178 = arith.constant 3 : i32
        %swap3A_179 = arith.index_cast %swap3A_178 : i32 to index
        %swap3A_180 = arith.index_cast %mul3A_177 : i32 to index
        %swap3A_181 = tpu.vector_load %arg10[%swap3A_179, %swap3A_180] {strides = array<i32>} : memref<32x1280xf32, #tpu.memory_space<vmem>>, vector<16xf32>,
        tpu.vector_store %arg10[%swap3A_179, %swap3A_180], %gather3A_134 {strides = array<i32>} : memref<32x1280xf32, #tpu.memory_space<vmem>>, vector<16xf32>,
        %gather3A_182 = arith.constant 288 : i32
        %gather3A_183 = tpu.memref_slice %arg5[%gather3A_182] : memref<768xf32, #tpu.memory_space<vmem>> -> memref<17xf32, #tpu.memory_space<vmem>>
        %gather3A_184 = tpu.vector_load_idx %gather3A_183[%select_n3A_123] : memref<17xf32, #tpu.memory_space<vmem>>[vector<16xi32>], vector<16xf32>,
        %mul3A_185 = arith.constant 16 : i32
        %mul3A_186 = arith.muli %scan3A_102, %mul3A_185 : i32
        %swap3A_187 = arith.constant 4 : i32
        %swap3A_188 = arith.index_cast %swap3A_187 : i32 to index
        %swap3A_189 = arith.index_cast %mul3A_186 : i32 to index
        %swap3A_190 = tpu.vector_load %arg10[%swap3A_188, %swap3A_189] {strides = array<i32>} : memref<32x1280xf32, #tpu.memory_space<vmem>>, vector<16xf32>,
        tpu.vector_store %arg10[%swap3A_188, %swap3A_189], %gather3A_137 {strides = array<i32>} : memref<32x1280xf32, #tpu.memory_space<vmem>>, vector<16xf32>,
        %gather3A_191 = arith.constant 312 : i32
        %gather3A_192 = tpu.memref_slice %arg5[%gather3A_191] : memref<768xf32, #tpu.memory_space<vmem>> -> memref<17xf32, #tpu.memory_space<vmem>>
        %gather3A_193 = tpu.vector_load_idx %gather3A_192[%select_n3A_123] : memref<17xf32, #tpu.memory_space<vmem>>[vector<16xi32>], vector<16xf32>,
        %mul3A_194 = arith.constant 16 : i32
        %mul3A_195 = arith.muli %scan3A_102, %mul3A_194 : i32
        %swap3A_196 = arith.constant 5 : i32
        %swap3A_197 = arith.index_cast %swap3A_196 : i32 to index
        %swap3A_198 = arith.index_cast %mul3A_195 : i32 to index
        %swap3A_199 = tpu.vector_load %arg10[%swap3A_197, %swap3A_198] {strides = array<i32>} : memref<32x1280xf32, #tpu.memory_space<vmem>>, vector<16xf32>,
        tpu.vector_store %arg10[%swap3A_197, %swap3A_198], %gather3A_140 {strides = array<i32>} : memref<32x1280xf32, #tpu.memory_space<vmem>>, vector<16xf32>,
        %gather3A_200 = arith.constant 336 : i32
        %gather3A_201 = tpu.memref_slice %arg5[%gather3A_200] : memref<768xf32, #tpu.memory_space<vmem>> -> memref<17xf32, #tpu.memory_space<vmem>>
        %gather3A_202 = tpu.vector_load_idx %gather3A_201[%select_n3A_123] : memref<17xf32, #tpu.memory_space<vmem>>[vector<16xi32>], vector<16xf32>,
        %mul3A_203 = arith.constant 16 : i32
        %mul3A_204 = arith.muli %scan3A_102, %mul3A_203 : i32
        %swap3A_205 = arith.constant 6 : i32
        %swap3A_206 = arith.index_cast %swap3A_205 : i32 to index
        %swap3A_207 = arith.index_cast %mul3A_204 : i32 to index
        %swap3A_208 = tpu.vector_load %arg10[%swap3A_206, %swap3A_207] {strides = array<i32>} : memref<32x1280xf32, #tpu.memory_space<vmem>>, vector<16xf32>,
        tpu.vector_store %arg10[%swap3A_206, %swap3A_207], %gather3A_143 {strides = array<i32>} : memref<32x1280xf32, #tpu.memory_space<vmem>>, vector<16xf32>,
        %gather3A_209 = arith.constant 360 : i32
        %gather3A_210 = tpu.memref_slice %arg5[%gather3A_209] : memref<768xf32, #tpu.memory_space<vmem>> -> memref<17xf32, #tpu.memory_space<vmem>>
        %gather3A_211 = tpu.vector_load_idx %gather3A_210[%select_n3A_123] : memref<17xf32, #tpu.memory_space<vmem>>[vector<16xi32>], vector<16xf32>,
        %mul3A_212 = arith.constant 16 : i32
        %mul3A_213 = arith.muli %scan3A_102, %mul3A_212 : i32
        %swap3A_214 = arith.constant 7 : i32
        %swap3A_215 = arith.index_cast %swap3A_214 : i32 to index
        %swap3A_216 = arith.index_cast %mul3A_213 : i32 to index
        %swap3A_217 = tpu.vector_load %arg10[%swap3A_215, %swap3A_216] {strides = array<i32>} : memref<32x1280xf32, #tpu.memory_space<vmem>>, vector<16xf32>,
        tpu.vector_store %arg10[%swap3A_215, %swap3A_216], %gather3A_146 {strides = array<i32>} : memref<32x1280xf32, #tpu.memory_space<vmem>>, vector<16xf32>,
        %gather3A_218 = arith.constant 384 : i32
        %gather3A_219 = tpu.memref_slice %arg5[%gather3A_218] : memref<768xf32, #tpu.memory_space<vmem>> -> memref<17xf32, #tpu.memory_space<vmem>>
        %gather3A_220 = tpu.vector_load_idx %gather3A_219[%select_n3A_123] : memref<17xf32, #tpu.memory_space<vmem>>[vector<16xi32>], vector<16xf32>,
        %mul3A_221 = arith.constant 16 : i32
        %mul3A_222 = arith.muli %scan3A_102, %mul3A_221 : i32
        %swap3A_223 = arith.constant 8 : i32
        %swap3A_224 = arith.index_cast %swap3A_223 : i32 to index
        %swap3A_225 = arith.index_cast %mul3A_222 : i32 to index
        %swap3A_226 = tpu.vector_load %arg10[%swap3A_224, %swap3A_225] {strides = array<i32>} : memref<32x1280xf32, #tpu.memory_space<vmem>>, vector<16xf32>,
        tpu.vector_store %arg10[%swap3A_224, %swap3A_225], %gather3A_149 {strides = array<i32>} : memref<32x1280xf32, #tpu.memory_space<vmem>>, vector<16xf32>,
        %gather3A_227 = arith.constant 408 : i32
        %gather3A_228 = tpu.memref_slice %arg5[%gather3A_227] : memref<768xf32, #tpu.memory_space<vmem>> -> memref<17xf32, #tpu.memory_space<vmem>>
        %gather3A_229 = tpu.vector_load_idx %gather3A_228[%select_n3A_123] : memref<17xf32, #tpu.memory_space<vmem>>[vector<16xi32>], vector<16xf32>,
        %mul3A_230 = arith.constant 16 : i32
        %mul3A_231 = arith.muli %scan3A_102, %mul3A_230 : i32
        %swap3A_232 = arith.constant 9 : i32
        %swap3A_233 = arith.index_cast %swap3A_232 : i32 to index
        %swap3A_234 = arith.index_cast %mul3A_231 : i32 to index
        %swap3A_235 = tpu.vector_load %arg10[%swap3A_233, %swap3A_234] {strides = array<i32>} : memref<32x1280xf32, #tpu.memory_space<vmem>>, vector<16xf32>,
        tpu.vector_store %arg10[%swap3A_233, %swap3A_234], %gather3A_157 {strides = array<i32>} : memref<32x1280xf32, #tpu.memory_space<vmem>>, vector<16xf32>,
        %gather3A_236 = arith.constant 432 : i32
        %gather3A_237 = tpu.memref_slice %arg5[%gather3A_236] : memref<768xf32, #tpu.memory_space<vmem>> -> memref<17xf32, #tpu.memory_space<vmem>>
        %gather3A_238 = tpu.vector_load_idx %gather3A_237[%select_n3A_123] : memref<17xf32, #tpu.memory_space<vmem>>[vector<16xi32>], vector<16xf32>,
        %mul3A_239 = arith.constant 16 : i32
        %mul3A_240 = arith.muli %scan3A_102, %mul3A_239 : i32
        %swap3A_241 = arith.constant 10 : i32
        %swap3A_242 = arith.index_cast %swap3A_241 : i32 to index
        %swap3A_243 = arith.index_cast %mul3A_240 : i32 to index
        %swap3A_244 = tpu.vector_load %arg10[%swap3A_242, %swap3A_243] {strides = array<i32>} : memref<32x1280xf32, #tpu.memory_space<vmem>>, vector<16xf32>,
        tpu.vector_store %arg10[%swap3A_242, %swap3A_243], %gather3A_166 {strides = array<i32>} : memref<32x1280xf32, #tpu.memory_space<vmem>>, vector<16xf32>,
        %gather3A_245 = arith.constant 456 : i32
        %gather3A_246 = tpu.memref_slice %arg5[%gather3A_245] : memref<768xf32, #tpu.memory_space<vmem>> -> memref<17xf32, #tpu.memory_space<vmem>>
        %gather3A_247 = tpu.vector_load_idx %gather3A_246[%select_n3A_123] : memref<17xf32, #tpu.memory_space<vmem>>[vector<16xi32>], vector<16xf32>,
        %mul3A_248 = arith.constant 16 : i32
        %mul3A_249 = arith.muli %scan3A_102, %mul3A_248 : i32
        %swap3A_250 = arith.constant 11 : i32
        %swap3A_251 = arith.index_cast %swap3A_250 : i32 to index
        %swap3A_252 = arith.index_cast %mul3A_249 : i32 to index
        %swap3A_253 = tpu.vector_load %arg10[%swap3A_251, %swap3A_252] {strides = array<i32>} : memref<32x1280xf32, #tpu.memory_space<vmem>>, vector<16xf32>,
        tpu.vector_store %arg10[%swap3A_251, %swap3A_252], %gather3A_175 {strides = array<i32>} : memref<32x1280xf32, #tpu.memory_space<vmem>>, vector<16xf32>,
        %gather3A_254 = arith.constant 480 : i32
        %gather3A_255 = tpu.memref_slice %arg5[%gather3A_254] : memref<768xf32, #tpu.memory_space<vmem>> -> memref<17xf32, #tpu.memory_space<vmem>>
        %gather3A_256 = tpu.vector_load_idx %gather3A_255[%select_n3A_123] : memref<17xf32, #tpu.memory_space<vmem>>[vector<16xi32>], vector<16xf32>,
        %mul3A_257 = arith.constant 16 : i32
        %mul3A_258 = arith.muli %scan3A_102, %mul3A_257 : i32
        %swap3A_259 = arith.constant 12 : i32
        %swap3A_260 = arith.index_cast %swap3A_259 : i32 to index
        %swap3A_261 = arith.index_cast %mul3A_258 : i32 to index
        %swap3A_262 = tpu.vector_load %arg10[%swap3A_260, %swap3A_261] {strides = array<i32>} : memref<32x1280xf32, #tpu.memory_space<vmem>>, vector<16xf32>,
        tpu.vector_store %arg10[%swap3A_260, %swap3A_261], %gather3A_184 {strides = array<i32>} : memref<32x1280xf32, #tpu.memory_space<vmem>>, vector<16xf32>,
        %gather3A_263 = arith.constant 504 : i32
        %gather3A_264 = tpu.memref_slice %arg5[%gather3A_263] : memref<768xf32, #tpu.memory_space<vmem>> -> memref<17xf32, #tpu.memory_space<vmem>>
        %gather3A_265 = tpu.vector_load_idx %gather3A_264[%select_n3A_123] : memref<17xf32, #tpu.memory_space<vmem>>[vector<16xi32>], vector<16xf32>,
        %mul3A_266 = arith.constant 16 : i32
        %mul3A_267 = arith.muli %scan3A_102, %mul3A_266 : i32
        %swap3A_268 = arith.constant 13 : i32
        %swap3A_269 = arith.index_cast %swap3A_268 : i32 to index
        %swap3A_270 = arith.index_cast %mul3A_267 : i32 to index
        %swap3A_271 = tpu.vector_load %arg10[%swap3A_269, %swap3A_270] {strides = array<i32>} : memref<32x1280xf32, #tpu.memory_space<vmem>>, vector<16xf32>,
        tpu.vector_store %arg10[%swap3A_269, %swap3A_270], %gather3A_193 {strides = array<i32>} : memref<32x1280xf32, #tpu.memory_space<vmem>>, vector<16xf32>,
        %gather3A_272 = arith.constant 528 : i32
        %gather3A_273 = tpu.memref_slice %arg5[%gather3A_272] : memref<768xf32, #tpu.memory_space<vmem>> -> memref<17xf32, #tpu.memory_space<vmem>>
        %gather3A_274 = tpu.vector_load_idx %gather3A_273[%select_n3A_123] : memref<17xf32, #tpu.memory_space<vmem>>[vector<16xi32>], vector<16xf32>,
        %mul3A_275 = arith.constant 16 : i32
        %mul3A_276 = arith.muli %scan3A_102, %mul3A_275 : i32
        %swap3A_277 = arith.constant 14 : i32
        %swap3A_278 = arith.index_cast %swap3A_277 : i32 to index
        %swap3A_279 = arith.index_cast %mul3A_276 : i32 to index
        %swap3A_280 = tpu.vector_load %arg10[%swap3A_278, %swap3A_279] {strides = array<i32>} : memref<32x1280xf32, #tpu.memory_space<vmem>>, vector<16xf32>,
        tpu.vector_store %arg10[%swap3A_278, %swap3A_279], %gather3A_202 {strides = array<i32>} : memref<32x1280xf32, #tpu.memory_space<vmem>>, vector<16xf32>,
        %gather3A_281 = arith.constant 552 : i32
        %gather3A_282 = tpu.memref_slice %arg5[%gather3A_281] : memref<768xf32, #tpu.memory_space<vmem>> -> memref<17xf32, #tpu.memory_space<vmem>>
        %gather3A_283 = tpu.vector_load_idx %gather3A_282[%select_n3A_123] : memref<17xf32, #tpu.memory_space<vmem>>[vector<16xi32>], vector<16xf32>,
        %mul3A_284 = arith.constant 16 : i32
        %mul3A_285 = arith.muli %scan3A_102, %mul3A_284 : i32
        %swap3A_286 = arith.constant 15 : i32
        %swap3A_287 = arith.index_cast %swap3A_286 : i32 to index
        %swap3A_288 = arith.index_cast %mul3A_285 : i32 to index
        %swap3A_289 = tpu.vector_load %arg10[%swap3A_287, %swap3A_288] {strides = array<i32>} : memref<32x1280xf32, #tpu.memory_space<vmem>>, vector<16xf32>,
        tpu.vector_store %arg10[%swap3A_287, %swap3A_288], %gather3A_211 {strides = array<i32>} : memref<32x1280xf32, #tpu.memory_space<vmem>>, vector<16xf32>,
        %gather3A_290 = arith.constant 576 : i32
        %gather3A_291 = tpu.memref_slice %arg5[%gather3A_290] : memref<768xf32, #tpu.memory_space<vmem>> -> memref<17xf32, #tpu.memory_space<vmem>>
        %gather3A_292 = tpu.vector_load_idx %gather3A_291[%select_n3A_123] : memref<17xf32, #tpu.memory_space<vmem>>[vector<16xi32>], vector<16xf32>,
        %mul3A_293 = arith.constant 16 : i32
        %mul3A_294 = arith.muli %scan3A_102, %mul3A_293 : i32
        %swap3A_295 = arith.constant 16 : i32
        %swap3A_296 = arith.index_cast %swap3A_295 : i32 to index
        %swap3A_297 = arith.index_cast %mul3A_294 : i32 to index
        %swap3A_298 = tpu.vector_load %arg10[%swap3A_296, %swap3A_297] {strides = array<i32>} : memref<32x1280xf32, #tpu.memory_space<vmem>>, vector<16xf32>,
        tpu.vector_store %arg10[%swap3A_296, %swap3A_297], %gather3A_220 {strides = array<i32>} : memref<32x1280xf32, #tpu.memory_space<vmem>>, vector<16xf32>,
        %gather3A_299 = arith.constant 600 : i32
        %gather3A_300 = tpu.memref_slice %arg5[%gather3A_299] : memref<768xf32, #tpu.memory_space<vmem>> -> memref<17xf32, #tpu.memory_space<vmem>>
        %gather3A_301 = tpu.vector_load_idx %gather3A_300[%select_n3A_123] : memref<17xf32, #tpu.memory_space<vmem>>[vector<16xi32>], vector<16xf32>,
        %mul3A_302 = arith.constant 16 : i32
        %mul3A_303 = arith.muli %scan3A_102, %mul3A_302 : i32
        %swap3A_304 = arith.constant 17 : i32
        %swap3A_305 = arith.index_cast %swap3A_304 : i32 to index
        %swap3A_306 = arith.index_cast %mul3A_303 : i32 to index
        %swap3A_307 = tpu.vector_load %arg10[%swap3A_305, %swap3A_306] {strides = array<i32>} : memref<32x1280xf32, #tpu.memory_space<vmem>>, vector<16xf32>,
        tpu.vector_store %arg10[%swap3A_305, %swap3A_306], %gather3A_229 {strides = array<i32>} : memref<32x1280xf32, #tpu.memory_space<vmem>>, vector<16xf32>,
        %gather3A_308 = arith.constant 624 : i32
        %gather3A_309 = tpu.memref_slice %arg5[%gather3A_308] : memref<768xf32, #tpu.memory_space<vmem>> -> memref<17xf32, #tpu.memory_space<vmem>>
        %gather3A_310 = tpu.vector_load_idx %gather3A_309[%select_n3A_123] : memref<17xf32, #tpu.memory_space<vmem>>[vector<16xi32>], vector<16xf32>,
        %mul3A_311 = arith.constant 16 : i32
        %mul3A_312 = arith.muli %scan3A_102, %mul3A_311 : i32
        %swap3A_313 = arith.constant 18 : i32
        %swap3A_314 = arith.index_cast %swap3A_313 : i32 to index
        %swap3A_315 = arith.index_cast %mul3A_312 : i32 to index
        %swap3A_316 = tpu.vector_load %arg10[%swap3A_314, %swap3A_315] {strides = array<i32>} : memref<32x1280xf32, #tpu.memory_space<vmem>>, vector<16xf32>,
        tpu.vector_store %arg10[%swap3A_314, %swap3A_315], %gather3A_238 {strides = array<i32>} : memref<32x1280xf32, #tpu.memory_space<vmem>>, vector<16xf32>,
        %gather3A_317 = arith.constant 648 : i32
        %gather3A_318 = tpu.memref_slice %arg5[%gather3A_317] : memref<768xf32, #tpu.memory_space<vmem>> -> memref<17xf32, #tpu.memory_space<vmem>>
        %gather3A_319 = tpu.vector_load_idx %gather3A_318[%select_n3A_123] : memref<17xf32, #tpu.memory_space<vmem>>[vector<16xi32>], vector<16xf32>,
        %mul3A_320 = arith.constant 16 : i32
        %mul3A_321 = arith.muli %scan3A_102, %mul3A_320 : i32
        %swap3A_322 = arith.constant 19 : i32
        %swap3A_323 = arith.index_cast %swap3A_322 : i32 to index
        %swap3A_324 = arith.index_cast %mul3A_321 : i32 to index
        %swap3A_325 = tpu.vector_load %arg10[%swap3A_323, %swap3A_324] {strides = array<i32>} : memref<32x1280xf32, #tpu.memory_space<vmem>>, vector<16xf32>,
        tpu.vector_store %arg10[%swap3A_323, %swap3A_324], %gather3A_247 {strides = array<i32>} : memref<32x1280xf32, #tpu.memory_space<vmem>>, vector<16xf32>,
        %gather3A_326 = arith.constant 672 : i32
        %gather3A_327 = tpu.memref_slice %arg5[%gather3A_326] : memref<768xf32, #tpu.memory_space<vmem>> -> memref<17xf32, #tpu.memory_space<vmem>>
        %gather3A_328 = tpu.vector_load_idx %gather3A_327[%select_n3A_123] : memref<17xf32, #tpu.memory_space<vmem>>[vector<16xi32>], vector<16xf32>,
        %mul3A_329 = arith.constant 16 : i32
        %mul3A_330 = arith.muli %scan3A_102, %mul3A_329 : i32
        %swap3A_331 = arith.constant 20 : i32
        %swap3A_332 = arith.index_cast %swap3A_331 : i32 to index
        %swap3A_333 = arith.index_cast %mul3A_330 : i32 to index
        %swap3A_334 = tpu.vector_load %arg10[%swap3A_332, %swap3A_333] {strides = array<i32>} : memref<32x1280xf32, #tpu.memory_space<vmem>>, vector<16xf32>,
        tpu.vector_store %arg10[%swap3A_332, %swap3A_333], %gather3A_256 {strides = array<i32>} : memref<32x1280xf32, #tpu.memory_space<vmem>>, vector<16xf32>,
        %gather3A_335 = arith.constant 696 : i32
        %gather3A_336 = tpu.memref_slice %arg5[%gather3A_335] : memref<768xf32, #tpu.memory_space<vmem>> -> memref<17xf32, #tpu.memory_space<vmem>>
        %gather3A_337 = tpu.vector_load_idx %gather3A_336[%select_n3A_123] : memref<17xf32, #tpu.memory_space<vmem>>[vector<16xi32>], vector<16xf32>,
        %mul3A_338 = arith.constant 16 : i32
        %mul3A_339 = arith.muli %scan3A_102, %mul3A_338 : i32
        %swap3A_340 = arith.constant 21 : i32
        %swap3A_341 = arith.index_cast %swap3A_340 : i32 to index
        %swap3A_342 = arith.index_cast %mul3A_339 : i32 to index
        %swap3A_343 = tpu.vector_load %arg10[%swap3A_341, %swap3A_342] {strides = array<i32>} : memref<32x1280xf32, #tpu.memory_space<vmem>>, vector<16xf32>,
        tpu.vector_store %arg10[%swap3A_341, %swap3A_342], %gather3A_265 {strides = array<i32>} : memref<32x1280xf32, #tpu.memory_space<vmem>>, vector<16xf32>,
        %gather3A_344 = arith.constant 720 : i32
        %gather3A_345 = tpu.memref_slice %arg5[%gather3A_344] : memref<768xf32, #tpu.memory_space<vmem>> -> memref<17xf32, #tpu.memory_space<vmem>>
        %gather3A_346 = tpu.vector_load_idx %gather3A_345[%select_n3A_123] : memref<17xf32, #tpu.memory_space<vmem>>[vector<16xi32>], vector<16xf32>,
        %mul3A_347 = arith.constant 16 : i32
        %mul3A_348 = arith.muli %scan3A_102, %mul3A_347 : i32
        %swap3A_349 = arith.constant 22 : i32
        %swap3A_350 = arith.index_cast %swap3A_349 : i32 to index
        %swap3A_351 = arith.index_cast %mul3A_348 : i32 to index
        %swap3A_352 = tpu.vector_load %arg10[%swap3A_350, %swap3A_351] {strides = array<i32>} : memref<32x1280xf32, #tpu.memory_space<vmem>>, vector<16xf32>,
        tpu.vector_store %arg10[%swap3A_350, %swap3A_351], %gather3A_274 {strides = array<i32>} : memref<32x1280xf32, #tpu.memory_space<vmem>>, vector<16xf32>,
        %gather3A_353 = arith.constant 744 : i32
        %gather3A_354 = tpu.memref_slice %arg5[%gather3A_353] : memref<768xf32, #tpu.memory_space<vmem>> -> memref<17xf32, #tpu.memory_space<vmem>>
        %gather3A_355 = tpu.vector_load_idx %gather3A_354[%select_n3A_123] : memref<17xf32, #tpu.memory_space<vmem>>[vector<16xi32>], vector<16xf32>,
        %mul3A_356 = arith.constant 16 : i32
        %mul3A_357 = arith.muli %scan3A_102, %mul3A_356 : i32
        %swap3A_358 = arith.constant 23 : i32
        %swap3A_359 = arith.index_cast %swap3A_358 : i32 to index
        %swap3A_360 = arith.index_cast %mul3A_357 : i32 to index
        %swap3A_361 = tpu.vector_load %arg10[%swap3A_359, %swap3A_360] {strides = array<i32>} : memref<32x1280xf32, #tpu.memory_space<vmem>>, vector<16xf32>,
        tpu.vector_store %arg10[%swap3A_359, %swap3A_360], %gather3A_283 {strides = array<i32>} : memref<32x1280xf32, #tpu.memory_space<vmem>>, vector<16xf32>,
        %mul3A_362 = arith.constant 16 : i32
        %mul3A_363 = arith.muli %scan3A_102, %mul3A_362 : i32
        %swap3A_364 = arith.constant 24 : i32
        %swap3A_365 = arith.index_cast %swap3A_364 : i32 to index
        %swap3A_366 = arith.index_cast %mul3A_363 : i32 to index
        %swap3A_367 = tpu.vector_load %arg10[%swap3A_365, %swap3A_366] {strides = array<i32>} : memref<32x1280xf32, #tpu.memory_space<vmem>>, vector<16xf32>,
        tpu.vector_store %arg10[%swap3A_365, %swap3A_366], %gather3A_292 {strides = array<i32>} : memref<32x1280xf32, #tpu.memory_space<vmem>>, vector<16xf32>,
        %mul3A_368 = arith.constant 16 : i32
        %mul3A_369 = arith.muli %scan3A_102, %mul3A_368 : i32
        %swap3A_370 = arith.constant 25 : i32
        %swap3A_371 = arith.index_cast %swap3A_370 : i32 to index
        %swap3A_372 = arith.index_cast %mul3A_369 : i32 to index
        %swap3A_373 = tpu.vector_load %arg10[%swap3A_371, %swap3A_372] {strides = array<i32>} : memref<32x1280xf32, #tpu.memory_space<vmem>>, vector<16xf32>,
        tpu.vector_store %arg10[%swap3A_371, %swap3A_372], %gather3A_301 {strides = array<i32>} : memref<32x1280xf32, #tpu.memory_space<vmem>>, vector<16xf32>,
        %mul3A_374 = arith.constant 16 : i32
        %mul3A_375 = arith.muli %scan3A_102, %mul3A_374 : i32
        %swap3A_376 = arith.constant 26 : i32
        %swap3A_377 = arith.index_cast %swap3A_376 : i32 to index
        %swap3A_378 = arith.index_cast %mul3A_375 : i32 to index
        %swap3A_379 = tpu.vector_load %arg10[%swap3A_377, %swap3A_378] {strides = array<i32>} : memref<32x1280xf32, #tpu.memory_space<vmem>>, vector<16xf32>,
        tpu.vector_store %arg10[%swap3A_377, %swap3A_378], %gather3A_310 {strides = array<i32>} : memref<32x1280xf32, #tpu.memory_space<vmem>>, vector<16xf32>,
        %mul3A_380 = arith.constant 16 : i32
        %mul3A_381 = arith.muli %scan3A_102, %mul3A_380 : i32
        %swap3A_382 = arith.constant 27 : i32
        %swap3A_383 = arith.index_cast %swap3A_382 : i32 to index
        %swap3A_384 = arith.index_cast %mul3A_381 : i32 to index
        %swap3A_385 = tpu.vector_load %arg10[%swap3A_383, %swap3A_384] {strides = array<i32>} : memref<32x1280xf32, #tpu.memory_space<vmem>>, vector<16xf32>,
        tpu.vector_store %arg10[%swap3A_383, %swap3A_384], %gather3A_319 {strides = array<i32>} : memref<32x1280xf32, #tpu.memory_space<vmem>>, vector<16xf32>,
        %mul3A_386 = arith.constant 16 : i32
        %mul3A_387 = arith.muli %scan3A_102, %mul3A_386 : i32
        %swap3A_388 = arith.constant 28 : i32
        %swap3A_389 = arith.index_cast %swap3A_388 : i32 to index
        %swap3A_390 = arith.index_cast %mul3A_387 : i32 to index
        %swap3A_391 = tpu.vector_load %arg10[%swap3A_389, %swap3A_390] {strides = array<i32>} : memref<32x1280xf32, #tpu.memory_space<vmem>>, vector<16xf32>,
        tpu.vector_store %arg10[%swap3A_389, %swap3A_390], %gather3A_328 {strides = array<i32>} : memref<32x1280xf32, #tpu.memory_space<vmem>>, vector<16xf32>,
        %mul3A_392 = arith.constant 16 : i32
        %mul3A_393 = arith.muli %scan3A_102, %mul3A_392 : i32
        %swap3A_394 = arith.constant 29 : i32
        %swap3A_395 = arith.index_cast %swap3A_394 : i32 to index
        %swap3A_396 = arith.index_cast %mul3A_393 : i32 to index
        %swap3A_397 = tpu.vector_load %arg10[%swap3A_395, %swap3A_396] {strides = array<i32>} : memref<32x1280xf32, #tpu.memory_space<vmem>>, vector<16xf32>,
        tpu.vector_store %arg10[%swap3A_395, %swap3A_396], %gather3A_337 {strides = array<i32>} : memref<32x1280xf32, #tpu.memory_space<vmem>>, vector<16xf32>,
        %mul3A_398 = arith.constant 16 : i32
        %mul3A_399 = arith.muli %scan3A_102, %mul3A_398 : i32
        %swap3A_400 = arith.constant 30 : i32
        %swap3A_401 = arith.index_cast %swap3A_400 : i32 to index
        %swap3A_402 = arith.index_cast %mul3A_399 : i32 to index
        %swap3A_403 = tpu.vector_load %arg10[%swap3A_401, %swap3A_402] {strides = array<i32>} : memref<32x1280xf32, #tpu.memory_space<vmem>>, vector<16xf32>,
        tpu.vector_store %arg10[%swap3A_401, %swap3A_402], %gather3A_346 {strides = array<i32>} : memref<32x1280xf32, #tpu.memory_space<vmem>>, vector<16xf32>,
        %mul3A_404 = arith.constant 16 : i32
        %mul3A_405 = arith.muli %scan3A_102, %mul3A_404 : i32
        %swap3A_406 = arith.constant 31 : i32
        %swap3A_407 = arith.index_cast %swap3A_406 : i32 to index
        %swap3A_408 = arith.index_cast %mul3A_405 : i32 to index
        %swap3A_409 = tpu.vector_load %arg10[%swap3A_407, %swap3A_408] {strides = array<i32>} : memref<32x1280xf32, #tpu.memory_space<vmem>>, vector<16xf32>,
        tpu.vector_store %arg10[%swap3A_407, %swap3A_408], %gather3A_355 {strides = array<i32>} : memref<32x1280xf32, #tpu.memory_space<vmem>>, vector<16xf32>,
        %scan3A_410 = arith.constant 1 : i32
        %scan3A_411 = arith.addi %scan3A_102, %scan3A_410 : i32
        %mul3A_412 = arith.constant 16 : i32
        %mul3A_413 = arith.muli %scan3A_411, %mul3A_412 : i32
        %get3A_414 = arith.index_cast %mul3A_413 : i32 to index
        %get3A_415 = tpu.vector_load %arg6[%get3A_414] {strides = array<i32>} : memref<1280xi32, #tpu.memory_space<vmem>>, vector<16xi32>,
        %mul3A_416 = arith.constant 16 : i32
        %mul3A_417 = arith.muli %scan3A_411, %mul3A_416 : i32
        %get3A_418 = arith.index_cast %mul3A_417 : i32 to index
        %get3A_419 = tpu.vector_load %arg7[%get3A_418] {strides = array<i32>} : memref<1280xi32, #tpu.memory_space<vmem>>, vector<16xi32>,
        %sub3A_420 = arith.subi %get3A_415, %get3A_419 : vector<16xi32>
        %abs3A_421 = math.absi %sub3A_420 : vector<16xi32>
        %sub3A_422 = arith.constant 1 : i32
        %sub3A_423 = vector.broadcast %sub3A_422 : i32 to vector<16xi32>
        %sub3A_424 = arith.subi %abs3A_421, %sub3A_423 : vector<16xi32>
        %convert_element_type3A_425 = arith.sitofp %sub3A_424 : vector<16xi32> to vector<16xf32>
        %bitcast3A_426 = vector.bitcast %convert_element_type3A_425 : vector<16xf32> to vector<16xi32>
        %ge3A_427 = arith.constant 1 : i32
        %ge3A_428 = vector.broadcast %ge3A_427 : i32 to vector<16xi32>
        %ge3A_429 = arith.cmpi sge, %sub3A_424, %ge3A_428 : vector<16xi32>
        %shift_right_arithmetic3A_430 = arith.constant 23 : i32
        %shift_right_arithmetic3A_431 = vector.broadcast %shift_right_arithmetic3A_430 : i32 to vector<16xi32>
        %shift_right_arithmetic3A_432 = arith.shrsi %bitcast3A_426, %shift_right_arithmetic3A_431 : vector<16xi32>
        %sub3A_433 = arith.constant 126 : i32
        %sub3A_434 = vector.broadcast %sub3A_433 : i32 to vector<16xi32>
        %sub3A_435 = arith.subi %shift_right_arithmetic3A_432, %sub3A_434 : vector<16xi32>
        %jit3A_436 = arith.constant 0 : i32
        %broadcast_in_dim3A_437 = vector.broadcast %jit3A_436 : i32 to vector<16xi32>
        %select_n3A_438 = arith.select %ge3A_429, %sub3A_435, %broadcast_in_dim3A_437 : vector<16xi1>, vector<16xi32>
        %gather3A_439 = arith.constant 0 : i32
        %gather3A_440 = tpu.memref_slice %arg5[%gather3A_439] : memref<768xf32, #tpu.memory_space<vmem>> -> memref<17xf32, #tpu.memory_space<vmem>>
        %gather3A_441 = tpu.vector_load_idx %gather3A_440[%select_n3A_438] : memref<17xf32, #tpu.memory_space<vmem>>[vector<16xi32>], vector<16xf32>,
        %gather3A_442 = arith.constant 24 : i32
        %gather3A_443 = tpu.memref_slice %arg5[%gather3A_442] : memref<768xf32, #tpu.memory_space<vmem>> -> memref<17xf32, #tpu.memory_space<vmem>>
        %gather3A_444 = tpu.vector_load_idx %gather3A_443[%select_n3A_438] : memref<17xf32, #tpu.memory_space<vmem>>[vector<16xi32>], vector<16xf32>,
        %gather3A_445 = arith.constant 48 : i32
        %gather3A_446 = tpu.memref_slice %arg5[%gather3A_445] : memref<768xf32, #tpu.memory_space<vmem>> -> memref<17xf32, #tpu.memory_space<vmem>>
        %gather3A_447 = tpu.vector_load_idx %gather3A_446[%select_n3A_438] : memref<17xf32, #tpu.memory_space<vmem>>[vector<16xi32>], vector<16xf32>,
        %gather3A_448 = arith.constant 72 : i32
        %gather3A_449 = tpu.memref_slice %arg5[%gather3A_448] : memref<768xf32, #tpu.memory_space<vmem>> -> memref<17xf32, #tpu.memory_space<vmem>>
        %gather3A_450 = tpu.vector_load_idx %gather3A_449[%select_n3A_438] : memref<17xf32, #tpu.memory_space<vmem>>[vector<16xi32>], vector<16xf32>,
        %gather3A_451 = arith.constant 96 : i32
        %gather3A_452 = tpu.memref_slice %arg5[%gather3A_451] : memref<768xf32, #tpu.memory_space<vmem>> -> memref<17xf32, #tpu.memory_space<vmem>>
        %gather3A_453 = tpu.vector_load_idx %gather3A_452[%select_n3A_438] : memref<17xf32, #tpu.memory_space<vmem>>[vector<16xi32>], vector<16xf32>,
        %gather3A_454 = arith.constant 120 : i32
        %gather3A_455 = tpu.memref_slice %arg5[%gather3A_454] : memref<768xf32, #tpu.memory_space<vmem>> -> memref<17xf32, #tpu.memory_space<vmem>>
        %gather3A_456 = tpu.vector_load_idx %gather3A_455[%select_n3A_438] : memref<17xf32, #tpu.memory_space<vmem>>[vector<16xi32>], vector<16xf32>,
        %gather3A_457 = arith.constant 144 : i32
        %gather3A_458 = tpu.memref_slice %arg5[%gather3A_457] : memref<768xf32, #tpu.memory_space<vmem>> -> memref<17xf32, #tpu.memory_space<vmem>>
        %gather3A_459 = tpu.vector_load_idx %gather3A_458[%select_n3A_438] : memref<17xf32, #tpu.memory_space<vmem>>[vector<16xi32>], vector<16xf32>,
        %gather3A_460 = arith.constant 168 : i32
        %gather3A_461 = tpu.memref_slice %arg5[%gather3A_460] : memref<768xf32, #tpu.memory_space<vmem>> -> memref<17xf32, #tpu.memory_space<vmem>>
        %gather3A_462 = tpu.vector_load_idx %gather3A_461[%select_n3A_438] : memref<17xf32, #tpu.memory_space<vmem>>[vector<16xi32>], vector<16xf32>,
        %gather3A_463 = arith.constant 192 : i32
        %gather3A_464 = tpu.memref_slice %arg5[%gather3A_463] : memref<768xf32, #tpu.memory_space<vmem>> -> memref<17xf32, #tpu.memory_space<vmem>>
        %gather3A_465 = tpu.vector_load_idx %gather3A_464[%select_n3A_438] : memref<17xf32, #tpu.memory_space<vmem>>[vector<16xi32>], vector<16xf32>,
        %mul3A_466 = arith.constant 16 : i32
        %mul3A_467 = arith.muli %scan3A_411, %mul3A_466 : i32
        %swap3A_468 = arith.constant 0 : i32
        %swap3A_469 = arith.index_cast %swap3A_468 : i32 to index
        %swap3A_470 = arith.index_cast %mul3A_467 : i32 to index
        %swap3A_471 = tpu.vector_load %arg10[%swap3A_469, %swap3A_470] {strides = array<i32>} : memref<32x1280xf32, #tpu.memory_space<vmem>>, vector<16xf32>,
        tpu.vector_store %arg10[%swap3A_469, %swap3A_470], %gather3A_441 {strides = array<i32>} : memref<32x1280xf32, #tpu.memory_space<vmem>>, vector<16xf32>,
        %gather3A_472 = arith.constant 216 : i32
        %gather3A_473 = tpu.memref_slice %arg5[%gather3A_472] : memref<768xf32, #tpu.memory_space<vmem>> -> memref<17xf32, #tpu.memory_space<vmem>>
        %gather3A_474 = tpu.vector_load_idx %gather3A_473[%select_n3A_438] : memref<17xf32, #tpu.memory_space<vmem>>[vector<16xi32>], vector<16xf32>,
        %mul3A_475 = arith.constant 16 : i32
        %mul3A_476 = arith.muli %scan3A_411, %mul3A_475 : i32
        %swap3A_477 = arith.constant 1 : i32
        %swap3A_478 = arith.index_cast %swap3A_477 : i32 to index
        %swap3A_479 = arith.index_cast %mul3A_476 : i32 to index
        %swap3A_480 = tpu.vector_load %arg10[%swap3A_478, %swap3A_479] {strides = array<i32>} : memref<32x1280xf32, #tpu.memory_space<vmem>>, vector<16xf32>,
        tpu.vector_store %arg10[%swap3A_478, %swap3A_479], %gather3A_444 {strides = array<i32>} : memref<32x1280xf32, #tpu.memory_space<vmem>>, vector<16xf32>,
        %gather3A_481 = arith.constant 240 : i32
        %gather3A_482 = tpu.memref_slice %arg5[%gather3A_481] : memref<768xf32, #tpu.memory_space<vmem>> -> memref<17xf32, #tpu.memory_space<vmem>>
        %gather3A_483 = tpu.vector_load_idx %gather3A_482[%select_n3A_438] : memref<17xf32, #tpu.memory_space<vmem>>[vector<16xi32>], vector<16xf32>,
        %mul3A_484 = arith.constant 16 : i32
        %mul3A_485 = arith.muli %scan3A_411, %mul3A_484 : i32
        %swap3A_486 = arith.constant 2 : i32
        %swap3A_487 = arith.index_cast %swap3A_486 : i32 to index
        %swap3A_488 = arith.index_cast %mul3A_485 : i32 to index
        %swap3A_489 = tpu.vector_load %arg10[%swap3A_487, %swap3A_488] {strides = array<i32>} : memref<32x1280xf32, #tpu.memory_space<vmem>>, vector<16xf32>,
        tpu.vector_store %arg10[%swap3A_487, %swap3A_488], %gather3A_447 {strides = array<i32>} : memref<32x1280xf32, #tpu.memory_space<vmem>>, vector<16xf32>,
        %gather3A_490 = arith.constant 264 : i32
        %gather3A_491 = tpu.memref_slice %arg5[%gather3A_490] : memref<768xf32, #tpu.memory_space<vmem>> -> memref<17xf32, #tpu.memory_space<vmem>>
        %gather3A_492 = tpu.vector_load_idx %gather3A_491[%select_n3A_438] : memref<17xf32, #tpu.memory_space<vmem>>[vector<16xi32>], vector<16xf32>,
        %mul3A_493 = arith.constant 16 : i32
        %mul3A_494 = arith.muli %scan3A_411, %mul3A_493 : i32
        %swap3A_495 = arith.constant 3 : i32
        %swap3A_496 = arith.index_cast %swap3A_495 : i32 to index
        %swap3A_497 = arith.index_cast %mul3A_494 : i32 to index
        %swap3A_498 = tpu.vector_load %arg10[%swap3A_496, %swap3A_497] {strides = array<i32>} : memref<32x1280xf32, #tpu.memory_space<vmem>>, vector<16xf32>,
        tpu.vector_store %arg10[%swap3A_496, %swap3A_497], %gather3A_450 {strides = array<i32>} : memref<32x1280xf32, #tpu.memory_space<vmem>>, vector<16xf32>,
        %gather3A_499 = arith.constant 288 : i32
        %gather3A_500 = tpu.memref_slice %arg5[%gather3A_499] : memref<768xf32, #tpu.memory_space<vmem>> -> memref<17xf32, #tpu.memory_space<vmem>>
        %gather3A_501 = tpu.vector_load_idx %gather3A_500[%select_n3A_438] : memref<17xf32, #tpu.memory_space<vmem>>[vector<16xi32>], vector<16xf32>,
        %mul3A_502 = arith.constant 16 : i32
        %mul3A_503 = arith.muli %scan3A_411, %mul3A_502 : i32
        %swap3A_504 = arith.constant 4 : i32
        %swap3A_505 = arith.index_cast %swap3A_504 : i32 to index
        %swap3A_506 = arith.index_cast %mul3A_503 : i32 to index
        %swap3A_507 = tpu.vector_load %arg10[%swap3A_505, %swap3A_506] {strides = array<i32>} : memref<32x1280xf32, #tpu.memory_space<vmem>>, vector<16xf32>,
        tpu.vector_store %arg10[%swap3A_505, %swap3A_506], %gather3A_453 {strides = array<i32>} : memref<32x1280xf32, #tpu.memory_space<vmem>>, vector<16xf32>,
        %gather3A_508 = arith.constant 312 : i32
        %gather3A_509 = tpu.memref_slice %arg5[%gather3A_508] : memref<768xf32, #tpu.memory_space<vmem>> -> memref<17xf32, #tpu.memory_space<vmem>>
        %gather3A_510 = tpu.vector_load_idx %gather3A_509[%select_n3A_438] : memref<17xf32, #tpu.memory_space<vmem>>[vector<16xi32>], vector<16xf32>,
        %mul3A_511 = arith.constant 16 : i32
        %mul3A_512 = arith.muli %scan3A_411, %mul3A_511 : i32
        %swap3A_513 = arith.constant 5 : i32
        %swap3A_514 = arith.index_cast %swap3A_513 : i32 to index
        %swap3A_515 = arith.index_cast %mul3A_512 : i32 to index
        %swap3A_516 = tpu.vector_load %arg10[%swap3A_514, %swap3A_515] {strides = array<i32>} : memref<32x1280xf32, #tpu.memory_space<vmem>>, vector<16xf32>,
        tpu.vector_store %arg10[%swap3A_514, %swap3A_515], %gather3A_456 {strides = array<i32>} : memref<32x1280xf32, #tpu.memory_space<vmem>>, vector<16xf32>,
        %gather3A_517 = arith.constant 336 : i32
        %gather3A_518 = tpu.memref_slice %arg5[%gather3A_517] : memref<768xf32, #tpu.memory_space<vmem>> -> memref<17xf32, #tpu.memory_space<vmem>>
        %gather3A_519 = tpu.vector_load_idx %gather3A_518[%select_n3A_438] : memref<17xf32, #tpu.memory_space<vmem>>[vector<16xi32>], vector<16xf32>,
        %mul3A_520 = arith.constant 16 : i32
        %mul3A_521 = arith.muli %scan3A_411, %mul3A_520 : i32
        %swap3A_522 = arith.constant 6 : i32
        %swap3A_523 = arith.index_cast %swap3A_522 : i32 to index
        %swap3A_524 = arith.index_cast %mul3A_521 : i32 to index
        %swap3A_525 = tpu.vector_load %arg10[%swap3A_523, %swap3A_524] {strides = array<i32>} : memref<32x1280xf32, #tpu.memory_space<vmem>>, vector<16xf32>,
        tpu.vector_store %arg10[%swap3A_523, %swap3A_524], %gather3A_459 {strides = array<i32>} : memref<32x1280xf32, #tpu.memory_space<vmem>>, vector<16xf32>,
        %gather3A_526 = arith.constant 360 : i32
        %gather3A_527 = tpu.memref_slice %arg5[%gather3A_526] : memref<768xf32, #tpu.memory_space<vmem>> -> memref<17xf32, #tpu.memory_space<vmem>>
        %gather3A_528 = tpu.vector_load_idx %gather3A_527[%select_n3A_438] : memref<17xf32, #tpu.memory_space<vmem>>[vector<16xi32>], vector<16xf32>,
        %mul3A_529 = arith.constant 16 : i32
        %mul3A_530 = arith.muli %scan3A_411, %mul3A_529 : i32
        %swap3A_531 = arith.constant 7 : i32
        %swap3A_532 = arith.index_cast %swap3A_531 : i32 to index
        %swap3A_533 = arith.index_cast %mul3A_530 : i32 to index
        %swap3A_534 = tpu.vector_load %arg10[%swap3A_532, %swap3A_533] {strides = array<i32>} : memref<32x1280xf32, #tpu.memory_space<vmem>>, vector<16xf32>,
        tpu.vector_store %arg10[%swap3A_532, %swap3A_533], %gather3A_462 {strides = array<i32>} : memref<32x1280xf32, #tpu.memory_space<vmem>>, vector<16xf32>,
        %gather3A_535 = arith.constant 384 : i32
        %gather3A_536 = tpu.memref_slice %arg5[%gather3A_535] : memref<768xf32, #tpu.memory_space<vmem>> -> memref<17xf32, #tpu.memory_space<vmem>>
        %gather3A_537 = tpu.vector_load_idx %gather3A_536[%select_n3A_438] : memref<17xf32, #tpu.memory_space<vmem>>[vector<16xi32>], vector<16xf32>,
        %mul3A_538 = arith.constant 16 : i32
        %mul3A_539 = arith.muli %scan3A_411, %mul3A_538 : i32
        %swap3A_540 = arith.constant 8 : i32
        %swap3A_541 = arith.index_cast %swap3A_540 : i32 to index
        %swap3A_542 = arith.index_cast %mul3A_539 : i32 to index
        %swap3A_543 = tpu.vector_load %arg10[%swap3A_541, %swap3A_542] {strides = array<i32>} : memref<32x1280xf32, #tpu.memory_space<vmem>>, vector<16xf32>,
        tpu.vector_store %arg10[%swap3A_541, %swap3A_542], %gather3A_465 {strides = array<i32>} : memref<32x1280xf32, #tpu.memory_space<vmem>>, vector<16xf32>,
        %gather3A_544 = arith.constant 408 : i32
        %gather3A_545 = tpu.memref_slice %arg5[%gather3A_544] : memref<768xf32, #tpu.memory_space<vmem>> -> memref<17xf32, #tpu.memory_space<vmem>>
        %gather3A_546 = tpu.vector_load_idx %gather3A_545[%select_n3A_438] : memref<17xf32, #tpu.memory_space<vmem>>[vector<16xi32>], vector<16xf32>,
        %mul3A_547 = arith.constant 16 : i32
        %mul3A_548 = arith.muli %scan3A_411, %mul3A_547 : i32
        %swap3A_549 = arith.constant 9 : i32
        %swap3A_550 = arith.index_cast %swap3A_549 : i32 to index
        %swap3A_551 = arith.index_cast %mul3A_548 : i32 to index
        %swap3A_552 = tpu.vector_load %arg10[%swap3A_550, %swap3A_551] {strides = array<i32>} : memref<32x1280xf32, #tpu.memory_space<vmem>>, vector<16xf32>,
        tpu.vector_store %arg10[%swap3A_550, %swap3A_551], %gather3A_474 {strides = array<i32>} : memref<32x1280xf32, #tpu.memory_space<vmem>>, vector<16xf32>,
        %gather3A_553 = arith.constant 432 : i32
        %gather3A_554 = tpu.memref_slice %arg5[%gather3A_553] : memref<768xf32, #tpu.memory_space<vmem>> -> memref<17xf32, #tpu.memory_space<vmem>>
        %gather3A_555 = tpu.vector_load_idx %gather3A_554[%select_n3A_438] : memref<17xf32, #tpu.memory_space<vmem>>[vector<16xi32>], vector<16xf32>,
        %mul3A_556 = arith.constant 16 : i32
        %mul3A_557 = arith.muli %scan3A_411, %mul3A_556 : i32
        %swap3A_558 = arith.constant 10 : i32
        %swap3A_559 = arith.index_cast %swap3A_558 : i32 to index
        %swap3A_560 = arith.index_cast %mul3A_557 : i32 to index
        %swap3A_561 = tpu.vector_load %arg10[%swap3A_559, %swap3A_560] {strides = array<i32>} : memref<32x1280xf32, #tpu.memory_space<vmem>>, vector<16xf32>,
        tpu.vector_store %arg10[%swap3A_559, %swap3A_560], %gather3A_483 {strides = array<i32>} : memref<32x1280xf32, #tpu.memory_space<vmem>>, vector<16xf32>,
        %gather3A_562 = arith.constant 456 : i32
        %gather3A_563 = tpu.memref_slice %arg5[%gather3A_562] : memref<768xf32, #tpu.memory_space<vmem>> -> memref<17xf32, #tpu.memory_space<vmem>>
        %gather3A_564 = tpu.vector_load_idx %gather3A_563[%select_n3A_438] : memref<17xf32, #tpu.memory_space<vmem>>[vector<16xi32>], vector<16xf32>,
        %mul3A_565 = arith.constant 16 : i32
        %mul3A_566 = arith.muli %scan3A_411, %mul3A_565 : i32
        %swap3A_567 = arith.constant 11 : i32
        %swap3A_568 = arith.index_cast %swap3A_567 : i32 to index
        %swap3A_569 = arith.index_cast %mul3A_566 : i32 to index
        %swap3A_570 = tpu.vector_load %arg10[%swap3A_568, %swap3A_569] {strides = array<i32>} : memref<32x1280xf32, #tpu.memory_space<vmem>>, vector<16xf32>,
        tpu.vector_store %arg10[%swap3A_568, %swap3A_569], %gather3A_492 {strides = array<i32>} : memref<32x1280xf32, #tpu.memory_space<vmem>>, vector<16xf32>,
        %gather3A_571 = arith.constant 480 : i32
        %gather3A_572 = tpu.memref_slice %arg5[%gather3A_571] : memref<768xf32, #tpu.memory_space<vmem>> -> memref<17xf32, #tpu.memory_space<vmem>>
        %gather3A_573 = tpu.vector_load_idx %gather3A_572[%select_n3A_438] : memref<17xf32, #tpu.memory_space<vmem>>[vector<16xi32>], vector<16xf32>,
        %mul3A_574 = arith.constant 16 : i32
        %mul3A_575 = arith.muli %scan3A_411, %mul3A_574 : i32
        %swap3A_576 = arith.constant 12 : i32
        %swap3A_577 = arith.index_cast %swap3A_576 : i32 to index
        %swap3A_578 = arith.index_cast %mul3A_575 : i32 to index
        %swap3A_579 = tpu.vector_load %arg10[%swap3A_577, %swap3A_578] {strides = array<i32>} : memref<32x1280xf32, #tpu.memory_space<vmem>>, vector<16xf32>,
        tpu.vector_store %arg10[%swap3A_577, %swap3A_578], %gather3A_501 {strides = array<i32>} : memref<32x1280xf32, #tpu.memory_space<vmem>>, vector<16xf32>,
        %gather3A_580 = arith.constant 504 : i32
        %gather3A_581 = tpu.memref_slice %arg5[%gather3A_580] : memref<768xf32, #tpu.memory_space<vmem>> -> memref<17xf32, #tpu.memory_space<vmem>>
        %gather3A_582 = tpu.vector_load_idx %gather3A_581[%select_n3A_438] : memref<17xf32, #tpu.memory_space<vmem>>[vector<16xi32>], vector<16xf32>,
        %mul3A_583 = arith.constant 16 : i32
        %mul3A_584 = arith.muli %scan3A_411, %mul3A_583 : i32
        %swap3A_585 = arith.constant 13 : i32
        %swap3A_586 = arith.index_cast %swap3A_585 : i32 to index
        %swap3A_587 = arith.index_cast %mul3A_584 : i32 to index
        %swap3A_588 = tpu.vector_load %arg10[%swap3A_586, %swap3A_587] {strides = array<i32>} : memref<32x1280xf32, #tpu.memory_space<vmem>>, vector<16xf32>,
        tpu.vector_store %arg10[%swap3A_586, %swap3A_587], %gather3A_510 {strides = array<i32>} : memref<32x1280xf32, #tpu.memory_space<vmem>>, vector<16xf32>,
        %gather3A_589 = arith.constant 528 : i32
        %gather3A_590 = tpu.memref_slice %arg5[%gather3A_589] : memref<768xf32, #tpu.memory_space<vmem>> -> memref<17xf32, #tpu.memory_space<vmem>>
        %gather3A_591 = tpu.vector_load_idx %gather3A_590[%select_n3A_438] : memref<17xf32, #tpu.memory_space<vmem>>[vector<16xi32>], vector<16xf32>,
        %mul3A_592 = arith.constant 16 : i32
        %mul3A_593 = arith.muli %scan3A_411, %mul3A_592 : i32
        %swap3A_594 = arith.constant 14 : i32
        %swap3A_595 = arith.index_cast %swap3A_594 : i32 to index
        %swap3A_596 = arith.index_cast %mul3A_593 : i32 to index
        %swap3A_597 = tpu.vector_load %arg10[%swap3A_595, %swap3A_596] {strides = array<i32>} : memref<32x1280xf32, #tpu.memory_space<vmem>>, vector<16xf32>,
        tpu.vector_store %arg10[%swap3A_595, %swap3A_596], %gather3A_519 {strides = array<i32>} : memref<32x1280xf32, #tpu.memory_space<vmem>>, vector<16xf32>,
        %gather3A_598 = arith.constant 552 : i32
        %gather3A_599 = tpu.memref_slice %arg5[%gather3A_598] : memref<768xf32, #tpu.memory_space<vmem>> -> memref<17xf32, #tpu.memory_space<vmem>>
        %gather3A_600 = tpu.vector_load_idx %gather3A_599[%select_n3A_438] : memref<17xf32, #tpu.memory_space<vmem>>[vector<16xi32>], vector<16xf32>,
        %mul3A_601 = arith.constant 16 : i32
        %mul3A_602 = arith.muli %scan3A_411, %mul3A_601 : i32
        %swap3A_603 = arith.constant 15 : i32
        %swap3A_604 = arith.index_cast %swap3A_603 : i32 to index
        %swap3A_605 = arith.index_cast %mul3A_602 : i32 to index
        %swap3A_606 = tpu.vector_load %arg10[%swap3A_604, %swap3A_605] {strides = array<i32>} : memref<32x1280xf32, #tpu.memory_space<vmem>>, vector<16xf32>,
        tpu.vector_store %arg10[%swap3A_604, %swap3A_605], %gather3A_528 {strides = array<i32>} : memref<32x1280xf32, #tpu.memory_space<vmem>>, vector<16xf32>,
        %gather3A_607 = arith.constant 576 : i32
        %gather3A_608 = tpu.memref_slice %arg5[%gather3A_607] : memref<768xf32, #tpu.memory_space<vmem>> -> memref<17xf32, #tpu.memory_space<vmem>>
        %gather3A_609 = tpu.vector_load_idx %gather3A_608[%select_n3A_438] : memref<17xf32, #tpu.memory_space<vmem>>[vector<16xi32>], vector<16xf32>,
        %mul3A_610 = arith.constant 16 : i32
        %mul3A_611 = arith.muli %scan3A_411, %mul3A_610 : i32
        %swap3A_612 = arith.constant 16 : i32
        %swap3A_613 = arith.index_cast %swap3A_612 : i32 to index
        %swap3A_614 = arith.index_cast %mul3A_611 : i32 to index
        %swap3A_615 = tpu.vector_load %arg10[%swap3A_613, %swap3A_614] {strides = array<i32>} : memref<32x1280xf32, #tpu.memory_space<vmem>>, vector<16xf32>,
        tpu.vector_store %arg10[%swap3A_613, %swap3A_614], %gather3A_537 {strides = array<i32>} : memref<32x1280xf32, #tpu.memory_space<vmem>>, vector<16xf32>,
        %gather3A_616 = arith.constant 600 : i32
        %gather3A_617 = tpu.memref_slice %arg5[%gather3A_616] : memref<768xf32, #tpu.memory_space<vmem>> -> memref<17xf32, #tpu.memory_space<vmem>>
        %gather3A_618 = tpu.vector_load_idx %gather3A_617[%select_n3A_438] : memref<17xf32, #tpu.memory_space<vmem>>[vector<16xi32>], vector<16xf32>,
        %mul3A_619 = arith.constant 16 : i32
        %mul3A_620 = arith.muli %scan3A_411, %mul3A_619 : i32
        %swap3A_621 = arith.constant 17 : i32
        %swap3A_622 = arith.index_cast %swap3A_621 : i32 to index
        %swap3A_623 = arith.index_cast %mul3A_620 : i32 to index
        %swap3A_624 = tpu.vector_load %arg10[%swap3A_622, %swap3A_623] {strides = array<i32>} : memref<32x1280xf32, #tpu.memory_space<vmem>>, vector<16xf32>,
        tpu.vector_store %arg10[%swap3A_622, %swap3A_623], %gather3A_546 {strides = array<i32>} : memref<32x1280xf32, #tpu.memory_space<vmem>>, vector<16xf32>,
        %gather3A_625 = arith.constant 624 : i32
        %gather3A_626 = tpu.memref_slice %arg5[%gather3A_625] : memref<768xf32, #tpu.memory_space<vmem>> -> memref<17xf32, #tpu.memory_space<vmem>>
        %gather3A_627 = tpu.vector_load_idx %gather3A_626[%select_n3A_438] : memref<17xf32, #tpu.memory_space<vmem>>[vector<16xi32>], vector<16xf32>,
        %mul3A_628 = arith.constant 16 : i32
        %mul3A_629 = arith.muli %scan3A_411, %mul3A_628 : i32
        %swap3A_630 = arith.constant 18 : i32
        %swap3A_631 = arith.index_cast %swap3A_630 : i32 to index
        %swap3A_632 = arith.index_cast %mul3A_629 : i32 to index
        %swap3A_633 = tpu.vector_load %arg10[%swap3A_631, %swap3A_632] {strides = array<i32>} : memref<32x1280xf32, #tpu.memory_space<vmem>>, vector<16xf32>,
        tpu.vector_store %arg10[%swap3A_631, %swap3A_632], %gather3A_555 {strides = array<i32>} : memref<32x1280xf32, #tpu.memory_space<vmem>>, vector<16xf32>,
        %gather3A_634 = arith.constant 648 : i32
        %gather3A_635 = tpu.memref_slice %arg5[%gather3A_634] : memref<768xf32, #tpu.memory_space<vmem>> -> memref<17xf32, #tpu.memory_space<vmem>>
        %gather3A_636 = tpu.vector_load_idx %gather3A_635[%select_n3A_438] : memref<17xf32, #tpu.memory_space<vmem>>[vector<16xi32>], vector<16xf32>,
        %mul3A_637 = arith.constant 16 : i32
        %mul3A_638 = arith.muli %scan3A_411, %mul3A_637 : i32
        %swap3A_639 = arith.constant 19 : i32
        %swap3A_640 = arith.index_cast %swap3A_639 : i32 to index
        %swap3A_641 = arith.index_cast %mul3A_638 : i32 to index
        %swap3A_642 = tpu.vector_load %arg10[%swap3A_640, %swap3A_641] {strides = array<i32>} : memref<32x1280xf32, #tpu.memory_space<vmem>>, vector<16xf32>,
        tpu.vector_store %arg10[%swap3A_640, %swap3A_641], %gather3A_564 {strides = array<i32>} : memref<32x1280xf32, #tpu.memory_space<vmem>>, vector<16xf32>,
        %gather3A_643 = arith.constant 672 : i32
        %gather3A_644 = tpu.memref_slice %arg5[%gather3A_643] : memref<768xf32, #tpu.memory_space<vmem>> -> memref<17xf32, #tpu.memory_space<vmem>>
        %gather3A_645 = tpu.vector_load_idx %gather3A_644[%select_n3A_438] : memref<17xf32, #tpu.memory_space<vmem>>[vector<16xi32>], vector<16xf32>,
        %mul3A_646 = arith.constant 16 : i32
        %mul3A_647 = arith.muli %scan3A_411, %mul3A_646 : i32
        %swap3A_648 = arith.constant 20 : i32
        %swap3A_649 = arith.index_cast %swap3A_648 : i32 to index
        %swap3A_650 = arith.index_cast %mul3A_647 : i32 to index
        %swap3A_651 = tpu.vector_load %arg10[%swap3A_649, %swap3A_650] {strides = array<i32>} : memref<32x1280xf32, #tpu.memory_space<vmem>>, vector<16xf32>,
        tpu.vector_store %arg10[%swap3A_649, %swap3A_650], %gather3A_573 {strides = array<i32>} : memref<32x1280xf32, #tpu.memory_space<vmem>>, vector<16xf32>,
        %gather3A_652 = arith.constant 696 : i32
        %gather3A_653 = tpu.memref_slice %arg5[%gather3A_652] : memref<768xf32, #tpu.memory_space<vmem>> -> memref<17xf32, #tpu.memory_space<vmem>>
        %gather3A_654 = tpu.vector_load_idx %gather3A_653[%select_n3A_438] : memref<17xf32, #tpu.memory_space<vmem>>[vector<16xi32>], vector<16xf32>,
        %mul3A_655 = arith.constant 16 : i32
        %mul3A_656 = arith.muli %scan3A_411, %mul3A_655 : i32
        %swap3A_657 = arith.constant 21 : i32
        %swap3A_658 = arith.index_cast %swap3A_657 : i32 to index
        %swap3A_659 = arith.index_cast %mul3A_656 : i32 to index
        %swap3A_660 = tpu.vector_load %arg10[%swap3A_658, %swap3A_659] {strides = array<i32>} : memref<32x1280xf32, #tpu.memory_space<vmem>>, vector<16xf32>,
        tpu.vector_store %arg10[%swap3A_658, %swap3A_659], %gather3A_582 {strides = array<i32>} : memref<32x1280xf32, #tpu.memory_space<vmem>>, vector<16xf32>,
        %gather3A_661 = arith.constant 720 : i32
        %gather3A_662 = tpu.memref_slice %arg5[%gather3A_661] : memref<768xf32, #tpu.memory_space<vmem>> -> memref<17xf32, #tpu.memory_space<vmem>>
        %gather3A_663 = tpu.vector_load_idx %gather3A_662[%select_n3A_438] : memref<17xf32, #tpu.memory_space<vmem>>[vector<16xi32>], vector<16xf32>,
        %mul3A_664 = arith.constant 16 : i32
        %mul3A_665 = arith.muli %scan3A_411, %mul3A_664 : i32
        %swap3A_666 = arith.constant 22 : i32
        %swap3A_667 = arith.index_cast %swap3A_666 : i32 to index
        %swap3A_668 = arith.index_cast %mul3A_665 : i32 to index
        %swap3A_669 = tpu.vector_load %arg10[%swap3A_667, %swap3A_668] {strides = array<i32>} : memref<32x1280xf32, #tpu.memory_space<vmem>>, vector<16xf32>,
        tpu.vector_store %arg10[%swap3A_667, %swap3A_668], %gather3A_591 {strides = array<i32>} : memref<32x1280xf32, #tpu.memory_space<vmem>>, vector<16xf32>,
        %gather3A_670 = arith.constant 744 : i32
        %gather3A_671 = tpu.memref_slice %arg5[%gather3A_670] : memref<768xf32, #tpu.memory_space<vmem>> -> memref<17xf32, #tpu.memory_space<vmem>>
        %gather3A_672 = tpu.vector_load_idx %gather3A_671[%select_n3A_438] : memref<17xf32, #tpu.memory_space<vmem>>[vector<16xi32>], vector<16xf32>,
        %mul3A_673 = arith.constant 16 : i32
        %mul3A_674 = arith.muli %scan3A_411, %mul3A_673 : i32
        %swap3A_675 = arith.constant 23 : i32
        %swap3A_676 = arith.index_cast %swap3A_675 : i32 to index
        %swap3A_677 = arith.index_cast %mul3A_674 : i32 to index
        %swap3A_678 = tpu.vector_load %arg10[%swap3A_676, %swap3A_677] {strides = array<i32>} : memref<32x1280xf32, #tpu.memory_space<vmem>>, vector<16xf32>,
        tpu.vector_store %arg10[%swap3A_676, %swap3A_677], %gather3A_600 {strides = array<i32>} : memref<32x1280xf32, #tpu.memory_space<vmem>>, vector<16xf32>,
        %mul3A_679 = arith.constant 16 : i32
        %mul3A_680 = arith.muli %scan3A_411, %mul3A_679 : i32
        %swap3A_681 = arith.constant 24 : i32
        %swap3A_682 = arith.index_cast %swap3A_681 : i32 to index
        %swap3A_683 = arith.index_cast %mul3A_680 : i32 to index
        %swap3A_684 = tpu.vector_load %arg10[%swap3A_682, %swap3A_683] {strides = array<i32>} : memref<32x1280xf32, #tpu.memory_space<vmem>>, vector<16xf32>,
        tpu.vector_store %arg10[%swap3A_682, %swap3A_683], %gather3A_609 {strides = array<i32>} : memref<32x1280xf32, #tpu.memory_space<vmem>>, vector<16xf32>,
        %mul3A_685 = arith.constant 16 : i32
        %mul3A_686 = arith.muli %scan3A_411, %mul3A_685 : i32
        %swap3A_687 = arith.constant 25 : i32
        %swap3A_688 = arith.index_cast %swap3A_687 : i32 to index
        %swap3A_689 = arith.index_cast %mul3A_686 : i32 to index
        %swap3A_690 = tpu.vector_load %arg10[%swap3A_688, %swap3A_689] {strides = array<i32>} : memref<32x1280xf32, #tpu.memory_space<vmem>>, vector<16xf32>,
        tpu.vector_store %arg10[%swap3A_688, %swap3A_689], %gather3A_618 {strides = array<i32>} : memref<32x1280xf32, #tpu.memory_space<vmem>>, vector<16xf32>,
        %mul3A_691 = arith.constant 16 : i32
        %mul3A_692 = arith.muli %scan3A_411, %mul3A_691 : i32
        %swap3A_693 = arith.constant 26 : i32
        %swap3A_694 = arith.index_cast %swap3A_693 : i32 to index
        %swap3A_695 = arith.index_cast %mul3A_692 : i32 to index
        %swap3A_696 = tpu.vector_load %arg10[%swap3A_694, %swap3A_695] {strides = array<i32>} : memref<32x1280xf32, #tpu.memory_space<vmem>>, vector<16xf32>,
        tpu.vector_store %arg10[%swap3A_694, %swap3A_695], %gather3A_627 {strides = array<i32>} : memref<32x1280xf32, #tpu.memory_space<vmem>>, vector<16xf32>,
        %mul3A_697 = arith.constant 16 : i32
        %mul3A_698 = arith.muli %scan3A_411, %mul3A_697 : i32
        %swap3A_699 = arith.constant 27 : i32
        %swap3A_700 = arith.index_cast %swap3A_699 : i32 to index
        %swap3A_701 = arith.index_cast %mul3A_698 : i32 to index
        %swap3A_702 = tpu.vector_load %arg10[%swap3A_700, %swap3A_701] {strides = array<i32>} : memref<32x1280xf32, #tpu.memory_space<vmem>>, vector<16xf32>,
        tpu.vector_store %arg10[%swap3A_700, %swap3A_701], %gather3A_636 {strides = array<i32>} : memref<32x1280xf32, #tpu.memory_space<vmem>>, vector<16xf32>,
        %mul3A_703 = arith.constant 16 : i32
        %mul3A_704 = arith.muli %scan3A_411, %mul3A_703 : i32
        %swap3A_705 = arith.constant 28 : i32
        %swap3A_706 = arith.index_cast %swap3A_705 : i32 to index
        %swap3A_707 = arith.index_cast %mul3A_704 : i32 to index
        %swap3A_708 = tpu.vector_load %arg10[%swap3A_706, %swap3A_707] {strides = array<i32>} : memref<32x1280xf32, #tpu.memory_space<vmem>>, vector<16xf32>,
        tpu.vector_store %arg10[%swap3A_706, %swap3A_707], %gather3A_645 {strides = array<i32>} : memref<32x1280xf32, #tpu.memory_space<vmem>>, vector<16xf32>,
        %mul3A_709 = arith.constant 16 : i32
        %mul3A_710 = arith.muli %scan3A_411, %mul3A_709 : i32
        %swap3A_711 = arith.constant 29 : i32
        %swap3A_712 = arith.index_cast %swap3A_711 : i32 to index
        %swap3A_713 = arith.index_cast %mul3A_710 : i32 to index
        %swap3A_714 = tpu.vector_load %arg10[%swap3A_712, %swap3A_713] {strides = array<i32>} : memref<32x1280xf32, #tpu.memory_space<vmem>>, vector<16xf32>,
        tpu.vector_store %arg10[%swap3A_712, %swap3A_713], %gather3A_654 {strides = array<i32>} : memref<32x1280xf32, #tpu.memory_space<vmem>>, vector<16xf32>,
        %mul3A_715 = arith.constant 16 : i32
        %mul3A_716 = arith.muli %scan3A_411, %mul3A_715 : i32
        %swap3A_717 = arith.constant 30 : i32
        %swap3A_718 = arith.index_cast %swap3A_717 : i32 to index
        %swap3A_719 = arith.index_cast %mul3A_716 : i32 to index
        %swap3A_720 = tpu.vector_load %arg10[%swap3A_718, %swap3A_719] {strides = array<i32>} : memref<32x1280xf32, #tpu.memory_space<vmem>>, vector<16xf32>,
        tpu.vector_store %arg10[%swap3A_718, %swap3A_719], %gather3A_663 {strides = array<i32>} : memref<32x1280xf32, #tpu.memory_space<vmem>>, vector<16xf32>,
        %mul3A_721 = arith.constant 16 : i32
        %mul3A_722 = arith.muli %scan3A_411, %mul3A_721 : i32
        %swap3A_723 = arith.constant 31 : i32
        %swap3A_724 = arith.index_cast %swap3A_723 : i32 to index
        %swap3A_725 = arith.index_cast %mul3A_722 : i32 to index
        %swap3A_726 = tpu.vector_load %arg10[%swap3A_724, %swap3A_725] {strides = array<i32>} : memref<32x1280xf32, #tpu.memory_space<vmem>>, vector<16xf32>,
        tpu.vector_store %arg10[%swap3A_724, %swap3A_725], %gather3A_672 {strides = array<i32>} : memref<32x1280xf32, #tpu.memory_space<vmem>>, vector<16xf32>,
        %scan3A_727 = arith.constant 2 : i32
        %scan3A_728 = arith.addi %scan3A_102, %scan3A_727 : i32
        %mul3A_729 = arith.constant 16 : i32
        %mul3A_730 = arith.muli %scan3A_728, %mul3A_729 : i32
        %get3A_731 = arith.index_cast %mul3A_730 : i32 to index
        %get3A_732 = tpu.vector_load %arg6[%get3A_731] {strides = array<i32>} : memref<1280xi32, #tpu.memory_space<vmem>>, vector<16xi32>,
        %mul3A_733 = arith.constant 16 : i32
        %mul3A_734 = arith.muli %scan3A_728, %mul3A_733 : i32
        %get3A_735 = arith.index_cast %mul3A_734 : i32 to index
        %get3A_736 = tpu.vector_load %arg7[%get3A_735] {strides = array<i32>} : memref<1280xi32, #tpu.memory_space<vmem>>, vector<16xi32>,
        %sub3A_737 = arith.subi %get3A_732, %get3A_736 : vector<16xi32>
        %abs3A_738 = math.absi %sub3A_737 : vector<16xi32>
        %sub3A_739 = arith.constant 1 : i32
        %sub3A_740 = vector.broadcast %sub3A_739 : i32 to vector<16xi32>
        %sub3A_741 = arith.subi %abs3A_738, %sub3A_740 : vector<16xi32>
        %convert_element_type3A_742 = arith.sitofp %sub3A_741 : vector<16xi32> to vector<16xf32>
        %bitcast3A_743 = vector.bitcast %convert_element_type3A_742 : vector<16xf32> to vector<16xi32>
        %ge3A_744 = arith.constant 1 : i32
        %ge3A_745 = vector.broadcast %ge3A_744 : i32 to vector<16xi32>
        %ge3A_746 = arith.cmpi sge, %sub3A_741, %ge3A_745 : vector<16xi32>
        %shift_right_arithmetic3A_747 = arith.constant 23 : i32
        %shift_right_arithmetic3A_748 = vector.broadcast %shift_right_arithmetic3A_747 : i32 to vector<16xi32>
        %shift_right_arithmetic3A_749 = arith.shrsi %bitcast3A_743, %shift_right_arithmetic3A_748 : vector<16xi32>
        %sub3A_750 = arith.constant 126 : i32
        %sub3A_751 = vector.broadcast %sub3A_750 : i32 to vector<16xi32>
        %sub3A_752 = arith.subi %shift_right_arithmetic3A_749, %sub3A_751 : vector<16xi32>
        %jit3A_753 = arith.constant 0 : i32
        %broadcast_in_dim3A_754 = vector.broadcast %jit3A_753 : i32 to vector<16xi32>
        %select_n3A_755 = arith.select %ge3A_746, %sub3A_752, %broadcast_in_dim3A_754 : vector<16xi1>, vector<16xi32>
        %gather3A_756 = arith.constant 0 : i32
        %gather3A_757 = tpu.memref_slice %arg5[%gather3A_756] : memref<768xf32, #tpu.memory_space<vmem>> -> memref<17xf32, #tpu.memory_space<vmem>>
        %gather3A_758 = tpu.vector_load_idx %gather3A_757[%select_n3A_755] : memref<17xf32, #tpu.memory_space<vmem>>[vector<16xi32>], vector<16xf32>,
        %gather3A_759 = arith.constant 24 : i32
        %gather3A_760 = tpu.memref_slice %arg5[%gather3A_759] : memref<768xf32, #tpu.memory_space<vmem>> -> memref<17xf32, #tpu.memory_space<vmem>>
        %gather3A_761 = tpu.vector_load_idx %gather3A_760[%select_n3A_755] : memref<17xf32, #tpu.memory_space<vmem>>[vector<16xi32>], vector<16xf32>,
        %gather3A_762 = arith.constant 48 : i32
        %gather3A_763 = tpu.memref_slice %arg5[%gather3A_762] : memref<768xf32, #tpu.memory_space<vmem>> -> memref<17xf32, #tpu.memory_space<vmem>>
        %gather3A_764 = tpu.vector_load_idx %gather3A_763[%select_n3A_755] : memref<17xf32, #tpu.memory_space<vmem>>[vector<16xi32>], vector<16xf32>,
        %gather3A_765 = arith.constant 72 : i32
        %gather3A_766 = tpu.memref_slice %arg5[%gather3A_765] : memref<768xf32, #tpu.memory_space<vmem>> -> memref<17xf32, #tpu.memory_space<vmem>>
        %gather3A_767 = tpu.vector_load_idx %gather3A_766[%select_n3A_755] : memref<17xf32, #tpu.memory_space<vmem>>[vector<16xi32>], vector<16xf32>,
        %gather3A_768 = arith.constant 96 : i32
        %gather3A_769 = tpu.memref_slice %arg5[%gather3A_768] : memref<768xf32, #tpu.memory_space<vmem>> -> memref<17xf32, #tpu.memory_space<vmem>>
        %gather3A_770 = tpu.vector_load_idx %gather3A_769[%select_n3A_755] : memref<17xf32, #tpu.memory_space<vmem>>[vector<16xi32>], vector<16xf32>,
        %gather3A_771 = arith.constant 120 : i32
        %gather3A_772 = tpu.memref_slice %arg5[%gather3A_771] : memref<768xf32, #tpu.memory_space<vmem>> -> memref<17xf32, #tpu.memory_space<vmem>>
        %gather3A_773 = tpu.vector_load_idx %gather3A_772[%select_n3A_755] : memref<17xf32, #tpu.memory_space<vmem>>[vector<16xi32>], vector<16xf32>,
        %gather3A_774 = arith.constant 144 : i32
        %gather3A_775 = tpu.memref_slice %arg5[%gather3A_774] : memref<768xf32, #tpu.memory_space<vmem>> -> memref<17xf32, #tpu.memory_space<vmem>>
        %gather3A_776 = tpu.vector_load_idx %gather3A_775[%select_n3A_755] : memref<17xf32, #tpu.memory_space<vmem>>[vector<16xi32>], vector<16xf32>,
        %gather3A_777 = arith.constant 168 : i32
        %gather3A_778 = tpu.memref_slice %arg5[%gather3A_777] : memref<768xf32, #tpu.memory_space<vmem>> -> memref<17xf32, #tpu.memory_space<vmem>>
        %gather3A_779 = tpu.vector_load_idx %gather3A_778[%select_n3A_755] : memref<17xf32, #tpu.memory_space<vmem>>[vector<16xi32>], vector<16xf32>,
        %gather3A_780 = arith.constant 192 : i32
        %gather3A_781 = tpu.memref_slice %arg5[%gather3A_780] : memref<768xf32, #tpu.memory_space<vmem>> -> memref<17xf32, #tpu.memory_space<vmem>>
        %gather3A_782 = tpu.vector_load_idx %gather3A_781[%select_n3A_755] : memref<17xf32, #tpu.memory_space<vmem>>[vector<16xi32>], vector<16xf32>,
        %mul3A_783 = arith.constant 16 : i32
        %mul3A_784 = arith.muli %scan3A_728, %mul3A_783 : i32
        %swap3A_785 = arith.constant 0 : i32
        %swap3A_786 = arith.index_cast %swap3A_785 : i32 to index
        %swap3A_787 = arith.index_cast %mul3A_784 : i32 to index
        %swap3A_788 = tpu.vector_load %arg10[%swap3A_786, %swap3A_787] {strides = array<i32>} : memref<32x1280xf32, #tpu.memory_space<vmem>>, vector<16xf32>,
        tpu.vector_store %arg10[%swap3A_786, %swap3A_787], %gather3A_758 {strides = array<i32>} : memref<32x1280xf32, #tpu.memory_space<vmem>>, vector<16xf32>,
        %gather3A_789 = arith.constant 216 : i32
        %gather3A_790 = tpu.memref_slice %arg5[%gather3A_789] : memref<768xf32, #tpu.memory_space<vmem>> -> memref<17xf32, #tpu.memory_space<vmem>>
        %gather3A_791 = tpu.vector_load_idx %gather3A_790[%select_n3A_755] : memref<17xf32, #tpu.memory_space<vmem>>[vector<16xi32>], vector<16xf32>,
        %mul3A_792 = arith.constant 16 : i32
        %mul3A_793 = arith.muli %scan3A_728, %mul3A_792 : i32
        %swap3A_794 = arith.constant 1 : i32
        %swap3A_795 = arith.index_cast %swap3A_794 : i32 to index
        %swap3A_796 = arith.index_cast %mul3A_793 : i32 to index
        %swap3A_797 = tpu.vector_load %arg10[%swap3A_795, %swap3A_796] {strides = array<i32>} : memref<32x1280xf32, #tpu.memory_space<vmem>>, vector<16xf32>,
        tpu.vector_store %arg10[%swap3A_795, %swap3A_796], %gather3A_761 {strides = array<i32>} : memref<32x1280xf32, #tpu.memory_space<vmem>>, vector<16xf32>,
        %gather3A_798 = arith.constant 240 : i32
        %gather3A_799 = tpu.memref_slice %arg5[%gather3A_798] : memref<768xf32, #tpu.memory_space<vmem>> -> memref<17xf32, #tpu.memory_space<vmem>>
        %gather3A_800 = tpu.vector_load_idx %gather3A_799[%select_n3A_755] : memref<17xf32, #tpu.memory_space<vmem>>[vector<16xi32>], vector<16xf32>,
        %mul3A_801 = arith.constant 16 : i32
        %mul3A_802 = arith.muli %scan3A_728, %mul3A_801 : i32
        %swap3A_803 = arith.constant 2 : i32
        %swap3A_804 = arith.index_cast %swap3A_803 : i32 to index
        %swap3A_805 = arith.index_cast %mul3A_802 : i32 to index
        %swap3A_806 = tpu.vector_load %arg10[%swap3A_804, %swap3A_805] {strides = array<i32>} : memref<32x1280xf32, #tpu.memory_space<vmem>>, vector<16xf32>,
        tpu.vector_store %arg10[%swap3A_804, %swap3A_805], %gather3A_764 {strides = array<i32>} : memref<32x1280xf32, #tpu.memory_space<vmem>>, vector<16xf32>,
        %gather3A_807 = arith.constant 264 : i32
        %gather3A_808 = tpu.memref_slice %arg5[%gather3A_807] : memref<768xf32, #tpu.memory_space<vmem>> -> memref<17xf32, #tpu.memory_space<vmem>>
        %gather3A_809 = tpu.vector_load_idx %gather3A_808[%select_n3A_755] : memref<17xf32, #tpu.memory_space<vmem>>[vector<16xi32>], vector<16xf32>,
        %mul3A_810 = arith.constant 16 : i32
        %mul3A_811 = arith.muli %scan3A_728, %mul3A_810 : i32
        %swap3A_812 = arith.constant 3 : i32
        %swap3A_813 = arith.index_cast %swap3A_812 : i32 to index
        %swap3A_814 = arith.index_cast %mul3A_811 : i32 to index
        %swap3A_815 = tpu.vector_load %arg10[%swap3A_813, %swap3A_814] {strides = array<i32>} : memref<32x1280xf32, #tpu.memory_space<vmem>>, vector<16xf32>,
        tpu.vector_store %arg10[%swap3A_813, %swap3A_814], %gather3A_767 {strides = array<i32>} : memref<32x1280xf32, #tpu.memory_space<vmem>>, vector<16xf32>,
        %gather3A_816 = arith.constant 288 : i32
        %gather3A_817 = tpu.memref_slice %arg5[%gather3A_816] : memref<768xf32, #tpu.memory_space<vmem>> -> memref<17xf32, #tpu.memory_space<vmem>>
        %gather3A_818 = tpu.vector_load_idx %gather3A_817[%select_n3A_755] : memref<17xf32, #tpu.memory_space<vmem>>[vector<16xi32>], vector<16xf32>,
        %mul3A_819 = arith.constant 16 : i32
        %mul3A_820 = arith.muli %scan3A_728, %mul3A_819 : i32
        %swap3A_821 = arith.constant 4 : i32
        %swap3A_822 = arith.index_cast %swap3A_821 : i32 to index
        %swap3A_823 = arith.index_cast %mul3A_820 : i32 to index
        %swap3A_824 = tpu.vector_load %arg10[%swap3A_822, %swap3A_823] {strides = array<i32>} : memref<32x1280xf32, #tpu.memory_space<vmem>>, vector<16xf32>,
        tpu.vector_store %arg10[%swap3A_822, %swap3A_823], %gather3A_770 {strides = array<i32>} : memref<32x1280xf32, #tpu.memory_space<vmem>>, vector<16xf32>,
        %gather3A_825 = arith.constant 312 : i32
        %gather3A_826 = tpu.memref_slice %arg5[%gather3A_825] : memref<768xf32, #tpu.memory_space<vmem>> -> memref<17xf32, #tpu.memory_space<vmem>>
        %gather3A_827 = tpu.vector_load_idx %gather3A_826[%select_n3A_755] : memref<17xf32, #tpu.memory_space<vmem>>[vector<16xi32>], vector<16xf32>,
        %mul3A_828 = arith.constant 16 : i32
        %mul3A_829 = arith.muli %scan3A_728, %mul3A_828 : i32
        %swap3A_830 = arith.constant 5 : i32
        %swap3A_831 = arith.index_cast %swap3A_830 : i32 to index
        %swap3A_832 = arith.index_cast %mul3A_829 : i32 to index
        %swap3A_833 = tpu.vector_load %arg10[%swap3A_831, %swap3A_832] {strides = array<i32>} : memref<32x1280xf32, #tpu.memory_space<vmem>>, vector<16xf32>,
        tpu.vector_store %arg10[%swap3A_831, %swap3A_832], %gather3A_773 {strides = array<i32>} : memref<32x1280xf32, #tpu.memory_space<vmem>>, vector<16xf32>,
        %gather3A_834 = arith.constant 336 : i32
        %gather3A_835 = tpu.memref_slice %arg5[%gather3A_834] : memref<768xf32, #tpu.memory_space<vmem>> -> memref<17xf32, #tpu.memory_space<vmem>>
        %gather3A_836 = tpu.vector_load_idx %gather3A_835[%select_n3A_755] : memref<17xf32, #tpu.memory_space<vmem>>[vector<16xi32>], vector<16xf32>,
        %mul3A_837 = arith.constant 16 : i32
        %mul3A_838 = arith.muli %scan3A_728, %mul3A_837 : i32
        %swap3A_839 = arith.constant 6 : i32
        %swap3A_840 = arith.index_cast %swap3A_839 : i32 to index
        %swap3A_841 = arith.index_cast %mul3A_838 : i32 to index
        %swap3A_842 = tpu.vector_load %arg10[%swap3A_840, %swap3A_841] {strides = array<i32>} : memref<32x1280xf32, #tpu.memory_space<vmem>>, vector<16xf32>,
        tpu.vector_store %arg10[%swap3A_840, %swap3A_841], %gather3A_776 {strides = array<i32>} : memref<32x1280xf32, #tpu.memory_space<vmem>>, vector<16xf32>,
        %gather3A_843 = arith.constant 360 : i32
        %gather3A_844 = tpu.memref_slice %arg5[%gather3A_843] : memref<768xf32, #tpu.memory_space<vmem>> -> memref<17xf32, #tpu.memory_space<vmem>>
        %gather3A_845 = tpu.vector_load_idx %gather3A_844[%select_n3A_755] : memref<17xf32, #tpu.memory_space<vmem>>[vector<16xi32>], vector<16xf32>,
        %mul3A_846 = arith.constant 16 : i32
        %mul3A_847 = arith.muli %scan3A_728, %mul3A_846 : i32
        %swap3A_848 = arith.constant 7 : i32
        %swap3A_849 = arith.index_cast %swap3A_848 : i32 to index
        %swap3A_850 = arith.index_cast %mul3A_847 : i32 to index
        %swap3A_851 = tpu.vector_load %arg10[%swap3A_849, %swap3A_850] {strides = array<i32>} : memref<32x1280xf32, #tpu.memory_space<vmem>>, vector<16xf32>,
        tpu.vector_store %arg10[%swap3A_849, %swap3A_850], %gather3A_779 {strides = array<i32>} : memref<32x1280xf32, #tpu.memory_space<vmem>>, vector<16xf32>,
        %gather3A_852 = arith.constant 384 : i32
        %gather3A_853 = tpu.memref_slice %arg5[%gather3A_852] : memref<768xf32, #tpu.memory_space<vmem>> -> memref<17xf32, #tpu.memory_space<vmem>>
        %gather3A_854 = tpu.vector_load_idx %gather3A_853[%select_n3A_755] : memref<17xf32, #tpu.memory_space<vmem>>[vector<16xi32>], vector<16xf32>,
        %mul3A_855 = arith.constant 16 : i32
        %mul3A_856 = arith.muli %scan3A_728, %mul3A_855 : i32
        %swap3A_857 = arith.constant 8 : i32
        %swap3A_858 = arith.index_cast %swap3A_857 : i32 to index
        %swap3A_859 = arith.index_cast %mul3A_856 : i32 to index
        %swap3A_860 = tpu.vector_load %arg10[%swap3A_858, %swap3A_859] {strides = array<i32>} : memref<32x1280xf32, #tpu.memory_space<vmem>>, vector<16xf32>,
        tpu.vector_store %arg10[%swap3A_858, %swap3A_859], %gather3A_782 {strides = array<i32>} : memref<32x1280xf32, #tpu.memory_space<vmem>>, vector<16xf32>,
        %gather3A_861 = arith.constant 408 : i32
        %gather3A_862 = tpu.memref_slice %arg5[%gather3A_861] : memref<768xf32, #tpu.memory_space<vmem>> -> memref<17xf32, #tpu.memory_space<vmem>>
        %gather3A_863 = tpu.vector_load_idx %gather3A_862[%select_n3A_755] : memref<17xf32, #tpu.memory_space<vmem>>[vector<16xi32>], vector<16xf32>,
        %mul3A_864 = arith.constant 16 : i32
        %mul3A_865 = arith.muli %scan3A_728, %mul3A_864 : i32
        %swap3A_866 = arith.constant 9 : i32
        %swap3A_867 = arith.index_cast %swap3A_866 : i32 to index
        %swap3A_868 = arith.index_cast %mul3A_865 : i32 to index
        %swap3A_869 = tpu.vector_load %arg10[%swap3A_867, %swap3A_868] {strides = array<i32>} : memref<32x1280xf32, #tpu.memory_space<vmem>>, vector<16xf32>,
        tpu.vector_store %arg10[%swap3A_867, %swap3A_868], %gather3A_791 {strides = array<i32>} : memref<32x1280xf32, #tpu.memory_space<vmem>>, vector<16xf32>,
        %gather3A_870 = arith.constant 432 : i32
        %gather3A_871 = tpu.memref_slice %arg5[%gather3A_870] : memref<768xf32, #tpu.memory_space<vmem>> -> memref<17xf32, #tpu.memory_space<vmem>>
        %gather3A_872 = tpu.vector_load_idx %gather3A_871[%select_n3A_755] : memref<17xf32, #tpu.memory_space<vmem>>[vector<16xi32>], vector<16xf32>,
        %mul3A_873 = arith.constant 16 : i32
        %mul3A_874 = arith.muli %scan3A_728, %mul3A_873 : i32
        %swap3A_875 = arith.constant 10 : i32
        %swap3A_876 = arith.index_cast %swap3A_875 : i32 to index
        %swap3A_877 = arith.index_cast %mul3A_874 : i32 to index
        %swap3A_878 = tpu.vector_load %arg10[%swap3A_876, %swap3A_877] {strides = array<i32>} : memref<32x1280xf32, #tpu.memory_space<vmem>>, vector<16xf32>,
        tpu.vector_store %arg10[%swap3A_876, %swap3A_877], %gather3A_800 {strides = array<i32>} : memref<32x1280xf32, #tpu.memory_space<vmem>>, vector<16xf32>,
        %gather3A_879 = arith.constant 456 : i32
        %gather3A_880 = tpu.memref_slice %arg5[%gather3A_879] : memref<768xf32, #tpu.memory_space<vmem>> -> memref<17xf32, #tpu.memory_space<vmem>>
        %gather3A_881 = tpu.vector_load_idx %gather3A_880[%select_n3A_755] : memref<17xf32, #tpu.memory_space<vmem>>[vector<16xi32>], vector<16xf32>,
        %mul3A_882 = arith.constant 16 : i32
        %mul3A_883 = arith.muli %scan3A_728, %mul3A_882 : i32
        %swap3A_884 = arith.constant 11 : i32
        %swap3A_885 = arith.index_cast %swap3A_884 : i32 to index
        %swap3A_886 = arith.index_cast %mul3A_883 : i32 to index
        %swap3A_887 = tpu.vector_load %arg10[%swap3A_885, %swap3A_886] {strides = array<i32>} : memref<32x1280xf32, #tpu.memory_space<vmem>>, vector<16xf32>,
        tpu.vector_store %arg10[%swap3A_885, %swap3A_886], %gather3A_809 {strides = array<i32>} : memref<32x1280xf32, #tpu.memory_space<vmem>>, vector<16xf32>,
        %gather3A_888 = arith.constant 480 : i32
        %gather3A_889 = tpu.memref_slice %arg5[%gather3A_888] : memref<768xf32, #tpu.memory_space<vmem>> -> memref<17xf32, #tpu.memory_space<vmem>>
        %gather3A_890 = tpu.vector_load_idx %gather3A_889[%select_n3A_755] : memref<17xf32, #tpu.memory_space<vmem>>[vector<16xi32>], vector<16xf32>,
        %mul3A_891 = arith.constant 16 : i32
        %mul3A_892 = arith.muli %scan3A_728, %mul3A_891 : i32
        %swap3A_893 = arith.constant 12 : i32
        %swap3A_894 = arith.index_cast %swap3A_893 : i32 to index
        %swap3A_895 = arith.index_cast %mul3A_892 : i32 to index
        %swap3A_896 = tpu.vector_load %arg10[%swap3A_894, %swap3A_895] {strides = array<i32>} : memref<32x1280xf32, #tpu.memory_space<vmem>>, vector<16xf32>,
        tpu.vector_store %arg10[%swap3A_894, %swap3A_895], %gather3A_818 {strides = array<i32>} : memref<32x1280xf32, #tpu.memory_space<vmem>>, vector<16xf32>,
        %gather3A_897 = arith.constant 504 : i32
        %gather3A_898 = tpu.memref_slice %arg5[%gather3A_897] : memref<768xf32, #tpu.memory_space<vmem>> -> memref<17xf32, #tpu.memory_space<vmem>>
        %gather3A_899 = tpu.vector_load_idx %gather3A_898[%select_n3A_755] : memref<17xf32, #tpu.memory_space<vmem>>[vector<16xi32>], vector<16xf32>,
        %mul3A_900 = arith.constant 16 : i32
        %mul3A_901 = arith.muli %scan3A_728, %mul3A_900 : i32
        %swap3A_902 = arith.constant 13 : i32
        %swap3A_903 = arith.index_cast %swap3A_902 : i32 to index
        %swap3A_904 = arith.index_cast %mul3A_901 : i32 to index
        %swap3A_905 = tpu.vector_load %arg10[%swap3A_903, %swap3A_904] {strides = array<i32>} : memref<32x1280xf32, #tpu.memory_space<vmem>>, vector<16xf32>,
        tpu.vector_store %arg10[%swap3A_903, %swap3A_904], %gather3A_827 {strides = array<i32>} : memref<32x1280xf32, #tpu.memory_space<vmem>>, vector<16xf32>,
        %gather3A_906 = arith.constant 528 : i32
        %gather3A_907 = tpu.memref_slice %arg5[%gather3A_906] : memref<768xf32, #tpu.memory_space<vmem>> -> memref<17xf32, #tpu.memory_space<vmem>>
        %gather3A_908 = tpu.vector_load_idx %gather3A_907[%select_n3A_755] : memref<17xf32, #tpu.memory_space<vmem>>[vector<16xi32>], vector<16xf32>,
        %mul3A_909 = arith.constant 16 : i32
        %mul3A_910 = arith.muli %scan3A_728, %mul3A_909 : i32
        %swap3A_911 = arith.constant 14 : i32
        %swap3A_912 = arith.index_cast %swap3A_911 : i32 to index
        %swap3A_913 = arith.index_cast %mul3A_910 : i32 to index
        %swap3A_914 = tpu.vector_load %arg10[%swap3A_912, %swap3A_913] {strides = array<i32>} : memref<32x1280xf32, #tpu.memory_space<vmem>>, vector<16xf32>,
        tpu.vector_store %arg10[%swap3A_912, %swap3A_913], %gather3A_836 {strides = array<i32>} : memref<32x1280xf32, #tpu.memory_space<vmem>>, vector<16xf32>,
        %gather3A_915 = arith.constant 552 : i32
        %gather3A_916 = tpu.memref_slice %arg5[%gather3A_915] : memref<768xf32, #tpu.memory_space<vmem>> -> memref<17xf32, #tpu.memory_space<vmem>>
        %gather3A_917 = tpu.vector_load_idx %gather3A_916[%select_n3A_755] : memref<17xf32, #tpu.memory_space<vmem>>[vector<16xi32>], vector<16xf32>,
        %mul3A_918 = arith.constant 16 : i32
        %mul3A_919 = arith.muli %scan3A_728, %mul3A_918 : i32
        %swap3A_920 = arith.constant 15 : i32
        %swap3A_921 = arith.index_cast %swap3A_920 : i32 to index
        %swap3A_922 = arith.index_cast %mul3A_919 : i32 to index
        %swap3A_923 = tpu.vector_load %arg10[%swap3A_921, %swap3A_922] {strides = array<i32>} : memref<32x1280xf32, #tpu.memory_space<vmem>>, vector<16xf32>,
        tpu.vector_store %arg10[%swap3A_921, %swap3A_922], %gather3A_845 {strides = array<i32>} : memref<32x1280xf32, #tpu.memory_space<vmem>>, vector<16xf32>,
        %gather3A_924 = arith.constant 576 : i32
        %gather3A_925 = tpu.memref_slice %arg5[%gather3A_924] : memref<768xf32, #tpu.memory_space<vmem>> -> memref<17xf32, #tpu.memory_space<vmem>>
        %gather3A_926 = tpu.vector_load_idx %gather3A_925[%select_n3A_755] : memref<17xf32, #tpu.memory_space<vmem>>[vector<16xi32>], vector<16xf32>,
        %mul3A_927 = arith.constant 16 : i32
        %mul3A_928 = arith.muli %scan3A_728, %mul3A_927 : i32
        %swap3A_929 = arith.constant 16 : i32
        %swap3A_930 = arith.index_cast %swap3A_929 : i32 to index
        %swap3A_931 = arith.index_cast %mul3A_928 : i32 to index
        %swap3A_932 = tpu.vector_load %arg10[%swap3A_930, %swap3A_931] {strides = array<i32>} : memref<32x1280xf32, #tpu.memory_space<vmem>>, vector<16xf32>,
        tpu.vector_store %arg10[%swap3A_930, %swap3A_931], %gather3A_854 {strides = array<i32>} : memref<32x1280xf32, #tpu.memory_space<vmem>>, vector<16xf32>,
        %gather3A_933 = arith.constant 600 : i32
        %gather3A_934 = tpu.memref_slice %arg5[%gather3A_933] : memref<768xf32, #tpu.memory_space<vmem>> -> memref<17xf32, #tpu.memory_space<vmem>>
        %gather3A_935 = tpu.vector_load_idx %gather3A_934[%select_n3A_755] : memref<17xf32, #tpu.memory_space<vmem>>[vector<16xi32>], vector<16xf32>,
        %mul3A_936 = arith.constant 16 : i32
        %mul3A_937 = arith.muli %scan3A_728, %mul3A_936 : i32
        %swap3A_938 = arith.constant 17 : i32
        %swap3A_939 = arith.index_cast %swap3A_938 : i32 to index
        %swap3A_940 = arith.index_cast %mul3A_937 : i32 to index
        %swap3A_941 = tpu.vector_load %arg10[%swap3A_939, %swap3A_940] {strides = array<i32>} : memref<32x1280xf32, #tpu.memory_space<vmem>>, vector<16xf32>,
        tpu.vector_store %arg10[%swap3A_939, %swap3A_940], %gather3A_863 {strides = array<i32>} : memref<32x1280xf32, #tpu.memory_space<vmem>>, vector<16xf32>,
        %gather3A_942 = arith.constant 624 : i32
        %gather3A_943 = tpu.memref_slice %arg5[%gather3A_942] : memref<768xf32, #tpu.memory_space<vmem>> -> memref<17xf32, #tpu.memory_space<vmem>>
        %gather3A_944 = tpu.vector_load_idx %gather3A_943[%select_n3A_755] : memref<17xf32, #tpu.memory_space<vmem>>[vector<16xi32>], vector<16xf32>,
        %mul3A_945 = arith.constant 16 : i32
        %mul3A_946 = arith.muli %scan3A_728, %mul3A_945 : i32
        %swap3A_947 = arith.constant 18 : i32
        %swap3A_948 = arith.index_cast %swap3A_947 : i32 to index
        %swap3A_949 = arith.index_cast %mul3A_946 : i32 to index
        %swap3A_950 = tpu.vector_load %arg10[%swap3A_948, %swap3A_949] {strides = array<i32>} : memref<32x1280xf32, #tpu.memory_space<vmem>>, vector<16xf32>,
        tpu.vector_store %arg10[%swap3A_948, %swap3A_949], %gather3A_872 {strides = array<i32>} : memref<32x1280xf32, #tpu.memory_space<vmem>>, vector<16xf32>,
        %gather3A_951 = arith.constant 648 : i32
        %gather3A_952 = tpu.memref_slice %arg5[%gather3A_951] : memref<768xf32, #tpu.memory_space<vmem>> -> memref<17xf32, #tpu.memory_space<vmem>>
        %gather3A_953 = tpu.vector_load_idx %gather3A_952[%select_n3A_755] : memref<17xf32, #tpu.memory_space<vmem>>[vector<16xi32>], vector<16xf32>,
        %mul3A_954 = arith.constant 16 : i32
        %mul3A_955 = arith.muli %scan3A_728, %mul3A_954 : i32
        %swap3A_956 = arith.constant 19 : i32
        %swap3A_957 = arith.index_cast %swap3A_956 : i32 to index
        %swap3A_958 = arith.index_cast %mul3A_955 : i32 to index
        %swap3A_959 = tpu.vector_load %arg10[%swap3A_957, %swap3A_958] {strides = array<i32>} : memref<32x1280xf32, #tpu.memory_space<vmem>>, vector<16xf32>,
        tpu.vector_store %arg10[%swap3A_957, %swap3A_958], %gather3A_881 {strides = array<i32>} : memref<32x1280xf32, #tpu.memory_space<vmem>>, vector<16xf32>,
        %gather3A_960 = arith.constant 672 : i32
        %gather3A_961 = tpu.memref_slice %arg5[%gather3A_960] : memref<768xf32, #tpu.memory_space<vmem>> -> memref<17xf32, #tpu.memory_space<vmem>>
        %gather3A_962 = tpu.vector_load_idx %gather3A_961[%select_n3A_755] : memref<17xf32, #tpu.memory_space<vmem>>[vector<16xi32>], vector<16xf32>,
        %mul3A_963 = arith.constant 16 : i32
        %mul3A_964 = arith.muli %scan3A_728, %mul3A_963 : i32
        %swap3A_965 = arith.constant 20 : i32
        %swap3A_966 = arith.index_cast %swap3A_965 : i32 to index
        %swap3A_967 = arith.index_cast %mul3A_964 : i32 to index
        %swap3A_968 = tpu.vector_load %arg10[%swap3A_966, %swap3A_967] {strides = array<i32>} : memref<32x1280xf32, #tpu.memory_space<vmem>>, vector<16xf32>,
        tpu.vector_store %arg10[%swap3A_966, %swap3A_967], %gather3A_890 {strides = array<i32>} : memref<32x1280xf32, #tpu.memory_space<vmem>>, vector<16xf32>,
        %gather3A_969 = arith.constant 696 : i32
        %gather3A_970 = tpu.memref_slice %arg5[%gather3A_969] : memref<768xf32, #tpu.memory_space<vmem>> -> memref<17xf32, #tpu.memory_space<vmem>>
        %gather3A_971 = tpu.vector_load_idx %gather3A_970[%select_n3A_755] : memref<17xf32, #tpu.memory_space<vmem>>[vector<16xi32>], vector<16xf32>,
        %mul3A_972 = arith.constant 16 : i32
        %mul3A_973 = arith.muli %scan3A_728, %mul3A_972 : i32
        %swap3A_974 = arith.constant 21 : i32
        %swap3A_975 = arith.index_cast %swap3A_974 : i32 to index
        %swap3A_976 = arith.index_cast %mul3A_973 : i32 to index
        %swap3A_977 = tpu.vector_load %arg10[%swap3A_975, %swap3A_976] {strides = array<i32>} : memref<32x1280xf32, #tpu.memory_space<vmem>>, vector<16xf32>,
        tpu.vector_store %arg10[%swap3A_975, %swap3A_976], %gather3A_899 {strides = array<i32>} : memref<32x1280xf32, #tpu.memory_space<vmem>>, vector<16xf32>,
        %gather3A_978 = arith.constant 720 : i32
        %gather3A_979 = tpu.memref_slice %arg5[%gather3A_978] : memref<768xf32, #tpu.memory_space<vmem>> -> memref<17xf32, #tpu.memory_space<vmem>>
        %gather3A_980 = tpu.vector_load_idx %gather3A_979[%select_n3A_755] : memref<17xf32, #tpu.memory_space<vmem>>[vector<16xi32>], vector<16xf32>,
        %mul3A_981 = arith.constant 16 : i32
        %mul3A_982 = arith.muli %scan3A_728, %mul3A_981 : i32
        %swap3A_983 = arith.constant 22 : i32
        %swap3A_984 = arith.index_cast %swap3A_983 : i32 to index
        %swap3A_985 = arith.index_cast %mul3A_982 : i32 to index
        %swap3A_986 = tpu.vector_load %arg10[%swap3A_984, %swap3A_985] {strides = array<i32>} : memref<32x1280xf32, #tpu.memory_space<vmem>>, vector<16xf32>,
        tpu.vector_store %arg10[%swap3A_984, %swap3A_985], %gather3A_908 {strides = array<i32>} : memref<32x1280xf32, #tpu.memory_space<vmem>>, vector<16xf32>,
        %gather3A_987 = arith.constant 744 : i32
        %gather3A_988 = tpu.memref_slice %arg5[%gather3A_987] : memref<768xf32, #tpu.memory_space<vmem>> -> memref<17xf32, #tpu.memory_space<vmem>>
        %gather3A_989 = tpu.vector_load_idx %gather3A_988[%select_n3A_755] : memref<17xf32, #tpu.memory_space<vmem>>[vector<16xi32>], vector<16xf32>,
        %mul3A_990 = arith.constant 16 : i32
        %mul3A_991 = arith.muli %scan3A_728, %mul3A_990 : i32
        %swap3A_992 = arith.constant 23 : i32
        %swap3A_993 = arith.index_cast %swap3A_992 : i32 to index
        %swap3A_994 = arith.index_cast %mul3A_991 : i32 to index
        %swap3A_995 = tpu.vector_load %arg10[%swap3A_993, %swap3A_994] {strides = array<i32>} : memref<32x1280xf32, #tpu.memory_space<vmem>>, vector<16xf32>,
        tpu.vector_store %arg10[%swap3A_993, %swap3A_994], %gather3A_917 {strides = array<i32>} : memref<32x1280xf32, #tpu.memory_space<vmem>>, vector<16xf32>,
        %mul3A_996 = arith.constant 16 : i32
        %mul3A_997 = arith.muli %scan3A_728, %mul3A_996 : i32
        %swap3A_998 = arith.constant 24 : i32
        %swap3A_999 = arith.index_cast %swap3A_998 : i32 to index
        %swap3A_1000 = arith.index_cast %mul3A_997 : i32 to index
        %swap3A_1001 = tpu.vector_load %arg10[%swap3A_999, %swap3A_1000] {strides = array<i32>} : memref<32x1280xf32, #tpu.memory_space<vmem>>, vector<16xf32>,
        tpu.vector_store %arg10[%swap3A_999, %swap3A_1000], %gather3A_926 {strides = array<i32>} : memref<32x1280xf32, #tpu.memory_space<vmem>>, vector<16xf32>,
        %mul3A_1002 = arith.constant 16 : i32
        %mul3A_1003 = arith.muli %scan3A_728, %mul3A_1002 : i32
        %swap3A_1004 = arith.constant 25 : i32
        %swap3A_1005 = arith.index_cast %swap3A_1004 : i32 to index
        %swap3A_1006 = arith.index_cast %mul3A_1003 : i32 to index
        %swap3A_1007 = tpu.vector_load %arg10[%swap3A_1005, %swap3A_1006] {strides = array<i32>} : memref<32x1280xf32, #tpu.memory_space<vmem>>, vector<16xf32>,
        tpu.vector_store %arg10[%swap3A_1005, %swap3A_1006], %gather3A_935 {strides = array<i32>} : memref<32x1280xf32, #tpu.memory_space<vmem>>, vector<16xf32>,
        %mul3A_1008 = arith.constant 16 : i32
        %mul3A_1009 = arith.muli %scan3A_728, %mul3A_1008 : i32
        %swap3A_1010 = arith.constant 26 : i32
        %swap3A_1011 = arith.index_cast %swap3A_1010 : i32 to index
        %swap3A_1012 = arith.index_cast %mul3A_1009 : i32 to index
        %swap3A_1013 = tpu.vector_load %arg10[%swap3A_1011, %swap3A_1012] {strides = array<i32>} : memref<32x1280xf32, #tpu.memory_space<vmem>>, vector<16xf32>,
        tpu.vector_store %arg10[%swap3A_1011, %swap3A_1012], %gather3A_944 {strides = array<i32>} : memref<32x1280xf32, #tpu.memory_space<vmem>>, vector<16xf32>,
        %mul3A_1014 = arith.constant 16 : i32
        %mul3A_1015 = arith.muli %scan3A_728, %mul3A_1014 : i32
        %swap3A_1016 = arith.constant 27 : i32
        %swap3A_1017 = arith.index_cast %swap3A_1016 : i32 to index
        %swap3A_1018 = arith.index_cast %mul3A_1015 : i32 to index
        %swap3A_1019 = tpu.vector_load %arg10[%swap3A_1017, %swap3A_1018] {strides = array<i32>} : memref<32x1280xf32, #tpu.memory_space<vmem>>, vector<16xf32>,
        tpu.vector_store %arg10[%swap3A_1017, %swap3A_1018], %gather3A_953 {strides = array<i32>} : memref<32x1280xf32, #tpu.memory_space<vmem>>, vector<16xf32>,
        %mul3A_1020 = arith.constant 16 : i32
        %mul3A_1021 = arith.muli %scan3A_728, %mul3A_1020 : i32
        %swap3A_1022 = arith.constant 28 : i32
        %swap3A_1023 = arith.index_cast %swap3A_1022 : i32 to index
        %swap3A_1024 = arith.index_cast %mul3A_1021 : i32 to index
        %swap3A_1025 = tpu.vector_load %arg10[%swap3A_1023, %swap3A_1024] {strides = array<i32>} : memref<32x1280xf32, #tpu.memory_space<vmem>>, vector<16xf32>,
        tpu.vector_store %arg10[%swap3A_1023, %swap3A_1024], %gather3A_962 {strides = array<i32>} : memref<32x1280xf32, #tpu.memory_space<vmem>>, vector<16xf32>,
        %mul3A_1026 = arith.constant 16 : i32
        %mul3A_1027 = arith.muli %scan3A_728, %mul3A_1026 : i32
        %swap3A_1028 = arith.constant 29 : i32
        %swap3A_1029 = arith.index_cast %swap3A_1028 : i32 to index
        %swap3A_1030 = arith.index_cast %mul3A_1027 : i32 to index
        %swap3A_1031 = tpu.vector_load %arg10[%swap3A_1029, %swap3A_1030] {strides = array<i32>} : memref<32x1280xf32, #tpu.memory_space<vmem>>, vector<16xf32>,
        tpu.vector_store %arg10[%swap3A_1029, %swap3A_1030], %gather3A_971 {strides = array<i32>} : memref<32x1280xf32, #tpu.memory_space<vmem>>, vector<16xf32>,
        %mul3A_1032 = arith.constant 16 : i32
        %mul3A_1033 = arith.muli %scan3A_728, %mul3A_1032 : i32
        %swap3A_1034 = arith.constant 30 : i32
        %swap3A_1035 = arith.index_cast %swap3A_1034 : i32 to index
        %swap3A_1036 = arith.index_cast %mul3A_1033 : i32 to index
        %swap3A_1037 = tpu.vector_load %arg10[%swap3A_1035, %swap3A_1036] {strides = array<i32>} : memref<32x1280xf32, #tpu.memory_space<vmem>>, vector<16xf32>,
        tpu.vector_store %arg10[%swap3A_1035, %swap3A_1036], %gather3A_980 {strides = array<i32>} : memref<32x1280xf32, #tpu.memory_space<vmem>>, vector<16xf32>,
        %mul3A_1038 = arith.constant 16 : i32
        %mul3A_1039 = arith.muli %scan3A_728, %mul3A_1038 : i32
        %swap3A_1040 = arith.constant 31 : i32
        %swap3A_1041 = arith.index_cast %swap3A_1040 : i32 to index
        %swap3A_1042 = arith.index_cast %mul3A_1039 : i32 to index
        %swap3A_1043 = tpu.vector_load %arg10[%swap3A_1041, %swap3A_1042] {strides = array<i32>} : memref<32x1280xf32, #tpu.memory_space<vmem>>, vector<16xf32>,
        tpu.vector_store %arg10[%swap3A_1041, %swap3A_1042], %gather3A_989 {strides = array<i32>} : memref<32x1280xf32, #tpu.memory_space<vmem>>, vector<16xf32>,
        %scan3A_1044 = arith.constant 3 : i32
        %scan3A_1045 = arith.addi %scan3A_102, %scan3A_1044 : i32
        %mul3A_1046 = arith.constant 16 : i32
        %mul3A_1047 = arith.muli %scan3A_1045, %mul3A_1046 : i32
        %get3A_1048 = arith.index_cast %mul3A_1047 : i32 to index
        %get3A_1049 = tpu.vector_load %arg6[%get3A_1048] {strides = array<i32>} : memref<1280xi32, #tpu.memory_space<vmem>>, vector<16xi32>,
        %mul3A_1050 = arith.constant 16 : i32
        %mul3A_1051 = arith.muli %scan3A_1045, %mul3A_1050 : i32
        %get3A_1052 = arith.index_cast %mul3A_1051 : i32 to index
        %get3A_1053 = tpu.vector_load %arg7[%get3A_1052] {strides = array<i32>} : memref<1280xi32, #tpu.memory_space<vmem>>, vector<16xi32>,
        %sub3A_1054 = arith.subi %get3A_1049, %get3A_1053 : vector<16xi32>
        %abs3A_1055 = math.absi %sub3A_1054 : vector<16xi32>
        %sub3A_1056 = arith.constant 1 : i32
        %sub3A_1057 = vector.broadcast %sub3A_1056 : i32 to vector<16xi32>
        %sub3A_1058 = arith.subi %abs3A_1055, %sub3A_1057 : vector<16xi32>
        %convert_element_type3A_1059 = arith.sitofp %sub3A_1058 : vector<16xi32> to vector<16xf32>
        %bitcast3A_1060 = vector.bitcast %convert_element_type3A_1059 : vector<16xf32> to vector<16xi32>
        %ge3A_1061 = arith.constant 1 : i32
        %ge3A_1062 = vector.broadcast %ge3A_1061 : i32 to vector<16xi32>
        %ge3A_1063 = arith.cmpi sge, %sub3A_1058, %ge3A_1062 : vector<16xi32>
        %shift_right_arithmetic3A_1064 = arith.constant 23 : i32
        %shift_right_arithmetic3A_1065 = vector.broadcast %shift_right_arithmetic3A_1064 : i32 to vector<16xi32>
        %shift_right_arithmetic3A_1066 = arith.shrsi %bitcast3A_1060, %shift_right_arithmetic3A_1065 : vector<16xi32>
        %sub3A_1067 = arith.constant 126 : i32
        %sub3A_1068 = vector.broadcast %sub3A_1067 : i32 to vector<16xi32>
        %sub3A_1069 = arith.subi %shift_right_arithmetic3A_1066, %sub3A_1068 : vector<16xi32>
        %jit3A_1070 = arith.constant 0 : i32
        %broadcast_in_dim3A_1071 = vector.broadcast %jit3A_1070 : i32 to vector<16xi32>
        %select_n3A_1072 = arith.select %ge3A_1063, %sub3A_1069, %broadcast_in_dim3A_1071 : vector<16xi1>, vector<16xi32>
        %gather3A_1073 = arith.constant 0 : i32
        %gather3A_1074 = tpu.memref_slice %arg5[%gather3A_1073] : memref<768xf32, #tpu.memory_space<vmem>> -> memref<17xf32, #tpu.memory_space<vmem>>
        %gather3A_1075 = tpu.vector_load_idx %gather3A_1074[%select_n3A_1072] : memref<17xf32, #tpu.memory_space<vmem>>[vector<16xi32>], vector<16xf32>,
        %gather3A_1076 = arith.constant 24 : i32
        %gather3A_1077 = tpu.memref_slice %arg5[%gather3A_1076] : memref<768xf32, #tpu.memory_space<vmem>> -> memref<17xf32, #tpu.memory_space<vmem>>
        %gather3A_1078 = tpu.vector_load_idx %gather3A_1077[%select_n3A_1072] : memref<17xf32, #tpu.memory_space<vmem>>[vector<16xi32>], vector<16xf32>,
        %gather3A_1079 = arith.constant 48 : i32
        %gather3A_1080 = tpu.memref_slice %arg5[%gather3A_1079] : memref<768xf32, #tpu.memory_space<vmem>> -> memref<17xf32, #tpu.memory_space<vmem>>
        %gather3A_1081 = tpu.vector_load_idx %gather3A_1080[%select_n3A_1072] : memref<17xf32, #tpu.memory_space<vmem>>[vector<16xi32>], vector<16xf32>,
        %gather3A_1082 = arith.constant 72 : i32
        %gather3A_1083 = tpu.memref_slice %arg5[%gather3A_1082] : memref<768xf32, #tpu.memory_space<vmem>> -> memref<17xf32, #tpu.memory_space<vmem>>
        %gather3A_1084 = tpu.vector_load_idx %gather3A_1083[%select_n3A_1072] : memref<17xf32, #tpu.memory_space<vmem>>[vector<16xi32>], vector<16xf32>,
        %gather3A_1085 = arith.constant 96 : i32
        %gather3A_1086 = tpu.memref_slice %arg5[%gather3A_1085] : memref<768xf32, #tpu.memory_space<vmem>> -> memref<17xf32, #tpu.memory_space<vmem>>
        %gather3A_1087 = tpu.vector_load_idx %gather3A_1086[%select_n3A_1072] : memref<17xf32, #tpu.memory_space<vmem>>[vector<16xi32>], vector<16xf32>,
        %gather3A_1088 = arith.constant 120 : i32
        %gather3A_1089 = tpu.memref_slice %arg5[%gather3A_1088] : memref<768xf32, #tpu.memory_space<vmem>> -> memref<17xf32, #tpu.memory_space<vmem>>
        %gather3A_1090 = tpu.vector_load_idx %gather3A_1089[%select_n3A_1072] : memref<17xf32, #tpu.memory_space<vmem>>[vector<16xi32>], vector<16xf32>,
        %gather3A_1091 = arith.constant 144 : i32
        %gather3A_1092 = tpu.memref_slice %arg5[%gather3A_1091] : memref<768xf32, #tpu.memory_space<vmem>> -> memref<17xf32, #tpu.memory_space<vmem>>
        %gather3A_1093 = tpu.vector_load_idx %gather3A_1092[%select_n3A_1072] : memref<17xf32, #tpu.memory_space<vmem>>[vector<16xi32>], vector<16xf32>,
        %gather3A_1094 = arith.constant 168 : i32
        %gather3A_1095 = tpu.memref_slice %arg5[%gather3A_1094] : memref<768xf32, #tpu.memory_space<vmem>> -> memref<17xf32, #tpu.memory_space<vmem>>
        %gather3A_1096 = tpu.vector_load_idx %gather3A_1095[%select_n3A_1072] : memref<17xf32, #tpu.memory_space<vmem>>[vector<16xi32>], vector<16xf32>,
        %gather3A_1097 = arith.constant 192 : i32
        %gather3A_1098 = tpu.memref_slice %arg5[%gather3A_1097] : memref<768xf32, #tpu.memory_space<vmem>> -> memref<17xf32, #tpu.memory_space<vmem>>
        %gather3A_1099 = tpu.vector_load_idx %gather3A_1098[%select_n3A_1072] : memref<17xf32, #tpu.memory_space<vmem>>[vector<16xi32>], vector<16xf32>,
        %mul3A_1100 = arith.constant 16 : i32
        %mul3A_1101 = arith.muli %scan3A_1045, %mul3A_1100 : i32
        %swap3A_1102 = arith.constant 0 : i32
        %swap3A_1103 = arith.index_cast %swap3A_1102 : i32 to index
        %swap3A_1104 = arith.index_cast %mul3A_1101 : i32 to index
        %swap3A_1105 = tpu.vector_load %arg10[%swap3A_1103, %swap3A_1104] {strides = array<i32>} : memref<32x1280xf32, #tpu.memory_space<vmem>>, vector<16xf32>,
        tpu.vector_store %arg10[%swap3A_1103, %swap3A_1104], %gather3A_1075 {strides = array<i32>} : memref<32x1280xf32, #tpu.memory_space<vmem>>, vector<16xf32>,
        %gather3A_1106 = arith.constant 216 : i32
        %gather3A_1107 = tpu.memref_slice %arg5[%gather3A_1106] : memref<768xf32, #tpu.memory_space<vmem>> -> memref<17xf32, #tpu.memory_space<vmem>>
        %gather3A_1108 = tpu.vector_load_idx %gather3A_1107[%select_n3A_1072] : memref<17xf32, #tpu.memory_space<vmem>>[vector<16xi32>], vector<16xf32>,
        %mul3A_1109 = arith.constant 16 : i32
        %mul3A_1110 = arith.muli %scan3A_1045, %mul3A_1109 : i32
        %swap3A_1111 = arith.constant 1 : i32
        %swap3A_1112 = arith.index_cast %swap3A_1111 : i32 to index
        %swap3A_1113 = arith.index_cast %mul3A_1110 : i32 to index
        %swap3A_1114 = tpu.vector_load %arg10[%swap3A_1112, %swap3A_1113] {strides = array<i32>} : memref<32x1280xf32, #tpu.memory_space<vmem>>, vector<16xf32>,
        tpu.vector_store %arg10[%swap3A_1112, %swap3A_1113], %gather3A_1078 {strides = array<i32>} : memref<32x1280xf32, #tpu.memory_space<vmem>>, vector<16xf32>,
        %gather3A_1115 = arith.constant 240 : i32
        %gather3A_1116 = tpu.memref_slice %arg5[%gather3A_1115] : memref<768xf32, #tpu.memory_space<vmem>> -> memref<17xf32, #tpu.memory_space<vmem>>
        %gather3A_1117 = tpu.vector_load_idx %gather3A_1116[%select_n3A_1072] : memref<17xf32, #tpu.memory_space<vmem>>[vector<16xi32>], vector<16xf32>,
        %mul3A_1118 = arith.constant 16 : i32
        %mul3A_1119 = arith.muli %scan3A_1045, %mul3A_1118 : i32
        %swap3A_1120 = arith.constant 2 : i32
        %swap3A_1121 = arith.index_cast %swap3A_1120 : i32 to index
        %swap3A_1122 = arith.index_cast %mul3A_1119 : i32 to index
        %swap3A_1123 = tpu.vector_load %arg10[%swap3A_1121, %swap3A_1122] {strides = array<i32>} : memref<32x1280xf32, #tpu.memory_space<vmem>>, vector<16xf32>,
        tpu.vector_store %arg10[%swap3A_1121, %swap3A_1122], %gather3A_1081 {strides = array<i32>} : memref<32x1280xf32, #tpu.memory_space<vmem>>, vector<16xf32>,
        %gather3A_1124 = arith.constant 264 : i32
        %gather3A_1125 = tpu.memref_slice %arg5[%gather3A_1124] : memref<768xf32, #tpu.memory_space<vmem>> -> memref<17xf32, #tpu.memory_space<vmem>>
        %gather3A_1126 = tpu.vector_load_idx %gather3A_1125[%select_n3A_1072] : memref<17xf32, #tpu.memory_space<vmem>>[vector<16xi32>], vector<16xf32>,
        %mul3A_1127 = arith.constant 16 : i32
        %mul3A_1128 = arith.muli %scan3A_1045, %mul3A_1127 : i32
        %swap3A_1129 = arith.constant 3 : i32
        %swap3A_1130 = arith.index_cast %swap3A_1129 : i32 to index
        %swap3A_1131 = arith.index_cast %mul3A_1128 : i32 to index
        %swap3A_1132 = tpu.vector_load %arg10[%swap3A_1130, %swap3A_1131] {strides = array<i32>} : memref<32x1280xf32, #tpu.memory_space<vmem>>, vector<16xf32>,
        tpu.vector_store %arg10[%swap3A_1130, %swap3A_1131], %gather3A_1084 {strides = array<i32>} : memref<32x1280xf32, #tpu.memory_space<vmem>>, vector<16xf32>,
        %gather3A_1133 = arith.constant 288 : i32
        %gather3A_1134 = tpu.memref_slice %arg5[%gather3A_1133] : memref<768xf32, #tpu.memory_space<vmem>> -> memref<17xf32, #tpu.memory_space<vmem>>
        %gather3A_1135 = tpu.vector_load_idx %gather3A_1134[%select_n3A_1072] : memref<17xf32, #tpu.memory_space<vmem>>[vector<16xi32>], vector<16xf32>,
        %mul3A_1136 = arith.constant 16 : i32
        %mul3A_1137 = arith.muli %scan3A_1045, %mul3A_1136 : i32
        %swap3A_1138 = arith.constant 4 : i32
        %swap3A_1139 = arith.index_cast %swap3A_1138 : i32 to index
        %swap3A_1140 = arith.index_cast %mul3A_1137 : i32 to index
        %swap3A_1141 = tpu.vector_load %arg10[%swap3A_1139, %swap3A_1140] {strides = array<i32>} : memref<32x1280xf32, #tpu.memory_space<vmem>>, vector<16xf32>,
        tpu.vector_store %arg10[%swap3A_1139, %swap3A_1140], %gather3A_1087 {strides = array<i32>} : memref<32x1280xf32, #tpu.memory_space<vmem>>, vector<16xf32>,
        %gather3A_1142 = arith.constant 312 : i32
        %gather3A_1143 = tpu.memref_slice %arg5[%gather3A_1142] : memref<768xf32, #tpu.memory_space<vmem>> -> memref<17xf32, #tpu.memory_space<vmem>>
        %gather3A_1144 = tpu.vector_load_idx %gather3A_1143[%select_n3A_1072] : memref<17xf32, #tpu.memory_space<vmem>>[vector<16xi32>], vector<16xf32>,
        %mul3A_1145 = arith.constant 16 : i32
        %mul3A_1146 = arith.muli %scan3A_1045, %mul3A_1145 : i32
        %swap3A_1147 = arith.constant 5 : i32
        %swap3A_1148 = arith.index_cast %swap3A_1147 : i32 to index
        %swap3A_1149 = arith.index_cast %mul3A_1146 : i32 to index
        %swap3A_1150 = tpu.vector_load %arg10[%swap3A_1148, %swap3A_1149] {strides = array<i32>} : memref<32x1280xf32, #tpu.memory_space<vmem>>, vector<16xf32>,
        tpu.vector_store %arg10[%swap3A_1148, %swap3A_1149], %gather3A_1090 {strides = array<i32>} : memref<32x1280xf32, #tpu.memory_space<vmem>>, vector<16xf32>,
        %gather3A_1151 = arith.constant 336 : i32
        %gather3A_1152 = tpu.memref_slice %arg5[%gather3A_1151] : memref<768xf32, #tpu.memory_space<vmem>> -> memref<17xf32, #tpu.memory_space<vmem>>
        %gather3A_1153 = tpu.vector_load_idx %gather3A_1152[%select_n3A_1072] : memref<17xf32, #tpu.memory_space<vmem>>[vector<16xi32>], vector<16xf32>,
        %mul3A_1154 = arith.constant 16 : i32
        %mul3A_1155 = arith.muli %scan3A_1045, %mul3A_1154 : i32
        %swap3A_1156 = arith.constant 6 : i32
        %swap3A_1157 = arith.index_cast %swap3A_1156 : i32 to index
        %swap3A_1158 = arith.index_cast %mul3A_1155 : i32 to index
        %swap3A_1159 = tpu.vector_load %arg10[%swap3A_1157, %swap3A_1158] {strides = array<i32>} : memref<32x1280xf32, #tpu.memory_space<vmem>>, vector<16xf32>,
        tpu.vector_store %arg10[%swap3A_1157, %swap3A_1158], %gather3A_1093 {strides = array<i32>} : memref<32x1280xf32, #tpu.memory_space<vmem>>, vector<16xf32>,
        %gather3A_1160 = arith.constant 360 : i32
        %gather3A_1161 = tpu.memref_slice %arg5[%gather3A_1160] : memref<768xf32, #tpu.memory_space<vmem>> -> memref<17xf32, #tpu.memory_space<vmem>>
        %gather3A_1162 = tpu.vector_load_idx %gather3A_1161[%select_n3A_1072] : memref<17xf32, #tpu.memory_space<vmem>>[vector<16xi32>], vector<16xf32>,
        %mul3A_1163 = arith.constant 16 : i32
        %mul3A_1164 = arith.muli %scan3A_1045, %mul3A_1163 : i32
        %swap3A_1165 = arith.constant 7 : i32
        %swap3A_1166 = arith.index_cast %swap3A_1165 : i32 to index
        %swap3A_1167 = arith.index_cast %mul3A_1164 : i32 to index
        %swap3A_1168 = tpu.vector_load %arg10[%swap3A_1166, %swap3A_1167] {strides = array<i32>} : memref<32x1280xf32, #tpu.memory_space<vmem>>, vector<16xf32>,
        tpu.vector_store %arg10[%swap3A_1166, %swap3A_1167], %gather3A_1096 {strides = array<i32>} : memref<32x1280xf32, #tpu.memory_space<vmem>>, vector<16xf32>,
        %gather3A_1169 = arith.constant 384 : i32
        %gather3A_1170 = tpu.memref_slice %arg5[%gather3A_1169] : memref<768xf32, #tpu.memory_space<vmem>> -> memref<17xf32, #tpu.memory_space<vmem>>
        %gather3A_1171 = tpu.vector_load_idx %gather3A_1170[%select_n3A_1072] : memref<17xf32, #tpu.memory_space<vmem>>[vector<16xi32>], vector<16xf32>,
        %mul3A_1172 = arith.constant 16 : i32
        %mul3A_1173 = arith.muli %scan3A_1045, %mul3A_1172 : i32
        %swap3A_1174 = arith.constant 8 : i32
        %swap3A_1175 = arith.index_cast %swap3A_1174 : i32 to index
        %swap3A_1176 = arith.index_cast %mul3A_1173 : i32 to index
        %swap3A_1177 = tpu.vector_load %arg10[%swap3A_1175, %swap3A_1176] {strides = array<i32>} : memref<32x1280xf32, #tpu.memory_space<vmem>>, vector<16xf32>,
        tpu.vector_store %arg10[%swap3A_1175, %swap3A_1176], %gather3A_1099 {strides = array<i32>} : memref<32x1280xf32, #tpu.memory_space<vmem>>, vector<16xf32>,
        %gather3A_1178 = arith.constant 408 : i32
        %gather3A_1179 = tpu.memref_slice %arg5[%gather3A_1178] : memref<768xf32, #tpu.memory_space<vmem>> -> memref<17xf32, #tpu.memory_space<vmem>>
        %gather3A_1180 = tpu.vector_load_idx %gather3A_1179[%select_n3A_1072] : memref<17xf32, #tpu.memory_space<vmem>>[vector<16xi32>], vector<16xf32>,
        %mul3A_1181 = arith.constant 16 : i32
        %mul3A_1182 = arith.muli %scan3A_1045, %mul3A_1181 : i32
        %swap3A_1183 = arith.constant 9 : i32
        %swap3A_1184 = arith.index_cast %swap3A_1183 : i32 to index
        %swap3A_1185 = arith.index_cast %mul3A_1182 : i32 to index
        %swap3A_1186 = tpu.vector_load %arg10[%swap3A_1184, %swap3A_1185] {strides = array<i32>} : memref<32x1280xf32, #tpu.memory_space<vmem>>, vector<16xf32>,
        tpu.vector_store %arg10[%swap3A_1184, %swap3A_1185], %gather3A_1108 {strides = array<i32>} : memref<32x1280xf32, #tpu.memory_space<vmem>>, vector<16xf32>,
        %gather3A_1187 = arith.constant 432 : i32
        %gather3A_1188 = tpu.memref_slice %arg5[%gather3A_1187] : memref<768xf32, #tpu.memory_space<vmem>> -> memref<17xf32, #tpu.memory_space<vmem>>
        %gather3A_1189 = tpu.vector_load_idx %gather3A_1188[%select_n3A_1072] : memref<17xf32, #tpu.memory_space<vmem>>[vector<16xi32>], vector<16xf32>,
        %mul3A_1190 = arith.constant 16 : i32
        %mul3A_1191 = arith.muli %scan3A_1045, %mul3A_1190 : i32
        %swap3A_1192 = arith.constant 10 : i32
        %swap3A_1193 = arith.index_cast %swap3A_1192 : i32 to index
        %swap3A_1194 = arith.index_cast %mul3A_1191 : i32 to index
        %swap3A_1195 = tpu.vector_load %arg10[%swap3A_1193, %swap3A_1194] {strides = array<i32>} : memref<32x1280xf32, #tpu.memory_space<vmem>>, vector<16xf32>,
        tpu.vector_store %arg10[%swap3A_1193, %swap3A_1194], %gather3A_1117 {strides = array<i32>} : memref<32x1280xf32, #tpu.memory_space<vmem>>, vector<16xf32>,
        %gather3A_1196 = arith.constant 456 : i32
        %gather3A_1197 = tpu.memref_slice %arg5[%gather3A_1196] : memref<768xf32, #tpu.memory_space<vmem>> -> memref<17xf32, #tpu.memory_space<vmem>>
        %gather3A_1198 = tpu.vector_load_idx %gather3A_1197[%select_n3A_1072] : memref<17xf32, #tpu.memory_space<vmem>>[vector<16xi32>], vector<16xf32>,
        %mul3A_1199 = arith.constant 16 : i32
        %mul3A_1200 = arith.muli %scan3A_1045, %mul3A_1199 : i32
        %swap3A_1201 = arith.constant 11 : i32
        %swap3A_1202 = arith.index_cast %swap3A_1201 : i32 to index
        %swap3A_1203 = arith.index_cast %mul3A_1200 : i32 to index
        %swap3A_1204 = tpu.vector_load %arg10[%swap3A_1202, %swap3A_1203] {strides = array<i32>} : memref<32x1280xf32, #tpu.memory_space<vmem>>, vector<16xf32>,
        tpu.vector_store %arg10[%swap3A_1202, %swap3A_1203], %gather3A_1126 {strides = array<i32>} : memref<32x1280xf32, #tpu.memory_space<vmem>>, vector<16xf32>,
        %gather3A_1205 = arith.constant 480 : i32
        %gather3A_1206 = tpu.memref_slice %arg5[%gather3A_1205] : memref<768xf32, #tpu.memory_space<vmem>> -> memref<17xf32, #tpu.memory_space<vmem>>
        %gather3A_1207 = tpu.vector_load_idx %gather3A_1206[%select_n3A_1072] : memref<17xf32, #tpu.memory_space<vmem>>[vector<16xi32>], vector<16xf32>,
        %mul3A_1208 = arith.constant 16 : i32
        %mul3A_1209 = arith.muli %scan3A_1045, %mul3A_1208 : i32
        %swap3A_1210 = arith.constant 12 : i32
        %swap3A_1211 = arith.index_cast %swap3A_1210 : i32 to index
        %swap3A_1212 = arith.index_cast %mul3A_1209 : i32 to index
        %swap3A_1213 = tpu.vector_load %arg10[%swap3A_1211, %swap3A_1212] {strides = array<i32>} : memref<32x1280xf32, #tpu.memory_space<vmem>>, vector<16xf32>,
        tpu.vector_store %arg10[%swap3A_1211, %swap3A_1212], %gather3A_1135 {strides = array<i32>} : memref<32x1280xf32, #tpu.memory_space<vmem>>, vector<16xf32>,
        %gather3A_1214 = arith.constant 504 : i32
        %gather3A_1215 = tpu.memref_slice %arg5[%gather3A_1214] : memref<768xf32, #tpu.memory_space<vmem>> -> memref<17xf32, #tpu.memory_space<vmem>>
        %gather3A_1216 = tpu.vector_load_idx %gather3A_1215[%select_n3A_1072] : memref<17xf32, #tpu.memory_space<vmem>>[vector<16xi32>], vector<16xf32>,
        %mul3A_1217 = arith.constant 16 : i32
        %mul3A_1218 = arith.muli %scan3A_1045, %mul3A_1217 : i32
        %swap3A_1219 = arith.constant 13 : i32
        %swap3A_1220 = arith.index_cast %swap3A_1219 : i32 to index
        %swap3A_1221 = arith.index_cast %mul3A_1218 : i32 to index
        %swap3A_1222 = tpu.vector_load %arg10[%swap3A_1220, %swap3A_1221] {strides = array<i32>} : memref<32x1280xf32, #tpu.memory_space<vmem>>, vector<16xf32>,
        tpu.vector_store %arg10[%swap3A_1220, %swap3A_1221], %gather3A_1144 {strides = array<i32>} : memref<32x1280xf32, #tpu.memory_space<vmem>>, vector<16xf32>,
        %gather3A_1223 = arith.constant 528 : i32
        %gather3A_1224 = tpu.memref_slice %arg5[%gather3A_1223] : memref<768xf32, #tpu.memory_space<vmem>> -> memref<17xf32, #tpu.memory_space<vmem>>
        %gather3A_1225 = tpu.vector_load_idx %gather3A_1224[%select_n3A_1072] : memref<17xf32, #tpu.memory_space<vmem>>[vector<16xi32>], vector<16xf32>,
        %mul3A_1226 = arith.constant 16 : i32
        %mul3A_1227 = arith.muli %scan3A_1045, %mul3A_1226 : i32
        %swap3A_1228 = arith.constant 14 : i32
        %swap3A_1229 = arith.index_cast %swap3A_1228 : i32 to index
        %swap3A_1230 = arith.index_cast %mul3A_1227 : i32 to index
        %swap3A_1231 = tpu.vector_load %arg10[%swap3A_1229, %swap3A_1230] {strides = array<i32>} : memref<32x1280xf32, #tpu.memory_space<vmem>>, vector<16xf32>,
        tpu.vector_store %arg10[%swap3A_1229, %swap3A_1230], %gather3A_1153 {strides = array<i32>} : memref<32x1280xf32, #tpu.memory_space<vmem>>, vector<16xf32>,
        %gather3A_1232 = arith.constant 552 : i32
        %gather3A_1233 = tpu.memref_slice %arg5[%gather3A_1232] : memref<768xf32, #tpu.memory_space<vmem>> -> memref<17xf32, #tpu.memory_space<vmem>>
        %gather3A_1234 = tpu.vector_load_idx %gather3A_1233[%select_n3A_1072] : memref<17xf32, #tpu.memory_space<vmem>>[vector<16xi32>], vector<16xf32>,
        %mul3A_1235 = arith.constant 16 : i32
        %mul3A_1236 = arith.muli %scan3A_1045, %mul3A_1235 : i32
        %swap3A_1237 = arith.constant 15 : i32
        %swap3A_1238 = arith.index_cast %swap3A_1237 : i32 to index
        %swap3A_1239 = arith.index_cast %mul3A_1236 : i32 to index
        %swap3A_1240 = tpu.vector_load %arg10[%swap3A_1238, %swap3A_1239] {strides = array<i32>} : memref<32x1280xf32, #tpu.memory_space<vmem>>, vector<16xf32>,
        tpu.vector_store %arg10[%swap3A_1238, %swap3A_1239], %gather3A_1162 {strides = array<i32>} : memref<32x1280xf32, #tpu.memory_space<vmem>>, vector<16xf32>,
        %gather3A_1241 = arith.constant 576 : i32
        %gather3A_1242 = tpu.memref_slice %arg5[%gather3A_1241] : memref<768xf32, #tpu.memory_space<vmem>> -> memref<17xf32, #tpu.memory_space<vmem>>
        %gather3A_1243 = tpu.vector_load_idx %gather3A_1242[%select_n3A_1072] : memref<17xf32, #tpu.memory_space<vmem>>[vector<16xi32>], vector<16xf32>,
        %mul3A_1244 = arith.constant 16 : i32
        %mul3A_1245 = arith.muli %scan3A_1045, %mul3A_1244 : i32
        %swap3A_1246 = arith.constant 16 : i32
        %swap3A_1247 = arith.index_cast %swap3A_1246 : i32 to index
        %swap3A_1248 = arith.index_cast %mul3A_1245 : i32 to index
        %swap3A_1249 = tpu.vector_load %arg10[%swap3A_1247, %swap3A_1248] {strides = array<i32>} : memref<32x1280xf32, #tpu.memory_space<vmem>>, vector<16xf32>,
        tpu.vector_store %arg10[%swap3A_1247, %swap3A_1248], %gather3A_1171 {strides = array<i32>} : memref<32x1280xf32, #tpu.memory_space<vmem>>, vector<16xf32>,
        %gather3A_1250 = arith.constant 600 : i32
        %gather3A_1251 = tpu.memref_slice %arg5[%gather3A_1250] : memref<768xf32, #tpu.memory_space<vmem>> -> memref<17xf32, #tpu.memory_space<vmem>>
        %gather3A_1252 = tpu.vector_load_idx %gather3A_1251[%select_n3A_1072] : memref<17xf32, #tpu.memory_space<vmem>>[vector<16xi32>], vector<16xf32>,
        %mul3A_1253 = arith.constant 16 : i32
        %mul3A_1254 = arith.muli %scan3A_1045, %mul3A_1253 : i32
        %swap3A_1255 = arith.constant 17 : i32
        %swap3A_1256 = arith.index_cast %swap3A_1255 : i32 to index
        %swap3A_1257 = arith.index_cast %mul3A_1254 : i32 to index
        %swap3A_1258 = tpu.vector_load %arg10[%swap3A_1256, %swap3A_1257] {strides = array<i32>} : memref<32x1280xf32, #tpu.memory_space<vmem>>, vector<16xf32>,
        tpu.vector_store %arg10[%swap3A_1256, %swap3A_1257], %gather3A_1180 {strides = array<i32>} : memref<32x1280xf32, #tpu.memory_space<vmem>>, vector<16xf32>,
        %gather3A_1259 = arith.constant 624 : i32
        %gather3A_1260 = tpu.memref_slice %arg5[%gather3A_1259] : memref<768xf32, #tpu.memory_space<vmem>> -> memref<17xf32, #tpu.memory_space<vmem>>
        %gather3A_1261 = tpu.vector_load_idx %gather3A_1260[%select_n3A_1072] : memref<17xf32, #tpu.memory_space<vmem>>[vector<16xi32>], vector<16xf32>,
        %mul3A_1262 = arith.constant 16 : i32
        %mul3A_1263 = arith.muli %scan3A_1045, %mul3A_1262 : i32
        %swap3A_1264 = arith.constant 18 : i32
        %swap3A_1265 = arith.index_cast %swap3A_1264 : i32 to index
        %swap3A_1266 = arith.index_cast %mul3A_1263 : i32 to index
        %swap3A_1267 = tpu.vector_load %arg10[%swap3A_1265, %swap3A_1266] {strides = array<i32>} : memref<32x1280xf32, #tpu.memory_space<vmem>>, vector<16xf32>,
        tpu.vector_store %arg10[%swap3A_1265, %swap3A_1266], %gather3A_1189 {strides = array<i32>} : memref<32x1280xf32, #tpu.memory_space<vmem>>, vector<16xf32>,
        %gather3A_1268 = arith.constant 648 : i32
        %gather3A_1269 = tpu.memref_slice %arg5[%gather3A_1268] : memref<768xf32, #tpu.memory_space<vmem>> -> memref<17xf32, #tpu.memory_space<vmem>>
        %gather3A_1270 = tpu.vector_load_idx %gather3A_1269[%select_n3A_1072] : memref<17xf32, #tpu.memory_space<vmem>>[vector<16xi32>], vector<16xf32>,
        %mul3A_1271 = arith.constant 16 : i32
        %mul3A_1272 = arith.muli %scan3A_1045, %mul3A_1271 : i32
        %swap3A_1273 = arith.constant 19 : i32
        %swap3A_1274 = arith.index_cast %swap3A_1273 : i32 to index
        %swap3A_1275 = arith.index_cast %mul3A_1272 : i32 to index
        %swap3A_1276 = tpu.vector_load %arg10[%swap3A_1274, %swap3A_1275] {strides = array<i32>} : memref<32x1280xf32, #tpu.memory_space<vmem>>, vector<16xf32>,
        tpu.vector_store %arg10[%swap3A_1274, %swap3A_1275], %gather3A_1198 {strides = array<i32>} : memref<32x1280xf32, #tpu.memory_space<vmem>>, vector<16xf32>,
        %gather3A_1277 = arith.constant 672 : i32
        %gather3A_1278 = tpu.memref_slice %arg5[%gather3A_1277] : memref<768xf32, #tpu.memory_space<vmem>> -> memref<17xf32, #tpu.memory_space<vmem>>
        %gather3A_1279 = tpu.vector_load_idx %gather3A_1278[%select_n3A_1072] : memref<17xf32, #tpu.memory_space<vmem>>[vector<16xi32>], vector<16xf32>,
        %mul3A_1280 = arith.constant 16 : i32
        %mul3A_1281 = arith.muli %scan3A_1045, %mul3A_1280 : i32
        %swap3A_1282 = arith.constant 20 : i32
        %swap3A_1283 = arith.index_cast %swap3A_1282 : i32 to index
        %swap3A_1284 = arith.index_cast %mul3A_1281 : i32 to index
        %swap3A_1285 = tpu.vector_load %arg10[%swap3A_1283, %swap3A_1284] {strides = array<i32>} : memref<32x1280xf32, #tpu.memory_space<vmem>>, vector<16xf32>,
        tpu.vector_store %arg10[%swap3A_1283, %swap3A_1284], %gather3A_1207 {strides = array<i32>} : memref<32x1280xf32, #tpu.memory_space<vmem>>, vector<16xf32>,
        %gather3A_1286 = arith.constant 696 : i32
        %gather3A_1287 = tpu.memref_slice %arg5[%gather3A_1286] : memref<768xf32, #tpu.memory_space<vmem>> -> memref<17xf32, #tpu.memory_space<vmem>>
        %gather3A_1288 = tpu.vector_load_idx %gather3A_1287[%select_n3A_1072] : memref<17xf32, #tpu.memory_space<vmem>>[vector<16xi32>], vector<16xf32>,
        %mul3A_1289 = arith.constant 16 : i32
        %mul3A_1290 = arith.muli %scan3A_1045, %mul3A_1289 : i32
        %swap3A_1291 = arith.constant 21 : i32
        %swap3A_1292 = arith.index_cast %swap3A_1291 : i32 to index
        %swap3A_1293 = arith.index_cast %mul3A_1290 : i32 to index
        %swap3A_1294 = tpu.vector_load %arg10[%swap3A_1292, %swap3A_1293] {strides = array<i32>} : memref<32x1280xf32, #tpu.memory_space<vmem>>, vector<16xf32>,
        tpu.vector_store %arg10[%swap3A_1292, %swap3A_1293], %gather3A_1216 {strides = array<i32>} : memref<32x1280xf32, #tpu.memory_space<vmem>>, vector<16xf32>,
        %gather3A_1295 = arith.constant 720 : i32
        %gather3A_1296 = tpu.memref_slice %arg5[%gather3A_1295] : memref<768xf32, #tpu.memory_space<vmem>> -> memref<17xf32, #tpu.memory_space<vmem>>
        %gather3A_1297 = tpu.vector_load_idx %gather3A_1296[%select_n3A_1072] : memref<17xf32, #tpu.memory_space<vmem>>[vector<16xi32>], vector<16xf32>,
        %mul3A_1298 = arith.constant 16 : i32
        %mul3A_1299 = arith.muli %scan3A_1045, %mul3A_1298 : i32
        %swap3A_1300 = arith.constant 22 : i32
        %swap3A_1301 = arith.index_cast %swap3A_1300 : i32 to index
        %swap3A_1302 = arith.index_cast %mul3A_1299 : i32 to index
        %swap3A_1303 = tpu.vector_load %arg10[%swap3A_1301, %swap3A_1302] {strides = array<i32>} : memref<32x1280xf32, #tpu.memory_space<vmem>>, vector<16xf32>,
        tpu.vector_store %arg10[%swap3A_1301, %swap3A_1302], %gather3A_1225 {strides = array<i32>} : memref<32x1280xf32, #tpu.memory_space<vmem>>, vector<16xf32>,
        %gather3A_1304 = arith.constant 744 : i32
        %gather3A_1305 = tpu.memref_slice %arg5[%gather3A_1304] : memref<768xf32, #tpu.memory_space<vmem>> -> memref<17xf32, #tpu.memory_space<vmem>>
        %gather3A_1306 = tpu.vector_load_idx %gather3A_1305[%select_n3A_1072] : memref<17xf32, #tpu.memory_space<vmem>>[vector<16xi32>], vector<16xf32>,
        %mul3A_1307 = arith.constant 16 : i32
        %mul3A_1308 = arith.muli %scan3A_1045, %mul3A_1307 : i32
        %swap3A_1309 = arith.constant 23 : i32
        %swap3A_1310 = arith.index_cast %swap3A_1309 : i32 to index
        %swap3A_1311 = arith.index_cast %mul3A_1308 : i32 to index
        %swap3A_1312 = tpu.vector_load %arg10[%swap3A_1310, %swap3A_1311] {strides = array<i32>} : memref<32x1280xf32, #tpu.memory_space<vmem>>, vector<16xf32>,
        tpu.vector_store %arg10[%swap3A_1310, %swap3A_1311], %gather3A_1234 {strides = array<i32>} : memref<32x1280xf32, #tpu.memory_space<vmem>>, vector<16xf32>,
        %mul3A_1313 = arith.constant 16 : i32
        %mul3A_1314 = arith.muli %scan3A_1045, %mul3A_1313 : i32
        %swap3A_1315 = arith.constant 24 : i32
        %swap3A_1316 = arith.index_cast %swap3A_1315 : i32 to index
        %swap3A_1317 = arith.index_cast %mul3A_1314 : i32 to index
        %swap3A_1318 = tpu.vector_load %arg10[%swap3A_1316, %swap3A_1317] {strides = array<i32>} : memref<32x1280xf32, #tpu.memory_space<vmem>>, vector<16xf32>,
        tpu.vector_store %arg10[%swap3A_1316, %swap3A_1317], %gather3A_1243 {strides = array<i32>} : memref<32x1280xf32, #tpu.memory_space<vmem>>, vector<16xf32>,
        %mul3A_1319 = arith.constant 16 : i32
        %mul3A_1320 = arith.muli %scan3A_1045, %mul3A_1319 : i32
        %swap3A_1321 = arith.constant 25 : i32
        %swap3A_1322 = arith.index_cast %swap3A_1321 : i32 to index
        %swap3A_1323 = arith.index_cast %mul3A_1320 : i32 to index
        %swap3A_1324 = tpu.vector_load %arg10[%swap3A_1322, %swap3A_1323] {strides = array<i32>} : memref<32x1280xf32, #tpu.memory_space<vmem>>, vector<16xf32>,
        tpu.vector_store %arg10[%swap3A_1322, %swap3A_1323], %gather3A_1252 {strides = array<i32>} : memref<32x1280xf32, #tpu.memory_space<vmem>>, vector<16xf32>,
        %mul3A_1325 = arith.constant 16 : i32
        %mul3A_1326 = arith.muli %scan3A_1045, %mul3A_1325 : i32
        %swap3A_1327 = arith.constant 26 : i32
        %swap3A_1328 = arith.index_cast %swap3A_1327 : i32 to index
        %swap3A_1329 = arith.index_cast %mul3A_1326 : i32 to index
        %swap3A_1330 = tpu.vector_load %arg10[%swap3A_1328, %swap3A_1329] {strides = array<i32>} : memref<32x1280xf32, #tpu.memory_space<vmem>>, vector<16xf32>,
        tpu.vector_store %arg10[%swap3A_1328, %swap3A_1329], %gather3A_1261 {strides = array<i32>} : memref<32x1280xf32, #tpu.memory_space<vmem>>, vector<16xf32>,
        %mul3A_1331 = arith.constant 16 : i32
        %mul3A_1332 = arith.muli %scan3A_1045, %mul3A_1331 : i32
        %swap3A_1333 = arith.constant 27 : i32
        %swap3A_1334 = arith.index_cast %swap3A_1333 : i32 to index
        %swap3A_1335 = arith.index_cast %mul3A_1332 : i32 to index
        %swap3A_1336 = tpu.vector_load %arg10[%swap3A_1334, %swap3A_1335] {strides = array<i32>} : memref<32x1280xf32, #tpu.memory_space<vmem>>, vector<16xf32>,
        tpu.vector_store %arg10[%swap3A_1334, %swap3A_1335], %gather3A_1270 {strides = array<i32>} : memref<32x1280xf32, #tpu.memory_space<vmem>>, vector<16xf32>,
        %mul3A_1337 = arith.constant 16 : i32
        %mul3A_1338 = arith.muli %scan3A_1045, %mul3A_1337 : i32
        %swap3A_1339 = arith.constant 28 : i32
        %swap3A_1340 = arith.index_cast %swap3A_1339 : i32 to index
        %swap3A_1341 = arith.index_cast %mul3A_1338 : i32 to index
        %swap3A_1342 = tpu.vector_load %arg10[%swap3A_1340, %swap3A_1341] {strides = array<i32>} : memref<32x1280xf32, #tpu.memory_space<vmem>>, vector<16xf32>,
        tpu.vector_store %arg10[%swap3A_1340, %swap3A_1341], %gather3A_1279 {strides = array<i32>} : memref<32x1280xf32, #tpu.memory_space<vmem>>, vector<16xf32>,
        %mul3A_1343 = arith.constant 16 : i32
        %mul3A_1344 = arith.muli %scan3A_1045, %mul3A_1343 : i32
        %swap3A_1345 = arith.constant 29 : i32
        %swap3A_1346 = arith.index_cast %swap3A_1345 : i32 to index
        %swap3A_1347 = arith.index_cast %mul3A_1344 : i32 to index
        %swap3A_1348 = tpu.vector_load %arg10[%swap3A_1346, %swap3A_1347] {strides = array<i32>} : memref<32x1280xf32, #tpu.memory_space<vmem>>, vector<16xf32>,
        tpu.vector_store %arg10[%swap3A_1346, %swap3A_1347], %gather3A_1288 {strides = array<i32>} : memref<32x1280xf32, #tpu.memory_space<vmem>>, vector<16xf32>,
        %mul3A_1349 = arith.constant 16 : i32
        %mul3A_1350 = arith.muli %scan3A_1045, %mul3A_1349 : i32
        %swap3A_1351 = arith.constant 30 : i32
        %swap3A_1352 = arith.index_cast %swap3A_1351 : i32 to index
        %swap3A_1353 = arith.index_cast %mul3A_1350 : i32 to index
        %swap3A_1354 = tpu.vector_load %arg10[%swap3A_1352, %swap3A_1353] {strides = array<i32>} : memref<32x1280xf32, #tpu.memory_space<vmem>>, vector<16xf32>,
        tpu.vector_store %arg10[%swap3A_1352, %swap3A_1353], %gather3A_1297 {strides = array<i32>} : memref<32x1280xf32, #tpu.memory_space<vmem>>, vector<16xf32>,
        %mul3A_1355 = arith.constant 16 : i32
        %mul3A_1356 = arith.muli %scan3A_1045, %mul3A_1355 : i32
        %swap3A_1357 = arith.constant 31 : i32
        %swap3A_1358 = arith.index_cast %swap3A_1357 : i32 to index
        %swap3A_1359 = arith.index_cast %mul3A_1356 : i32 to index
        %swap3A_1360 = tpu.vector_load %arg10[%swap3A_1358, %swap3A_1359] {strides = array<i32>} : memref<32x1280xf32, #tpu.memory_space<vmem>>, vector<16xf32>,
        tpu.vector_store %arg10[%swap3A_1358, %swap3A_1359], %gather3A_1306 {strides = array<i32>} : memref<32x1280xf32, #tpu.memory_space<vmem>>, vector<16xf32>,
      }
      %scan3A_73 = arith.constant 80 : i32
      %mul3A_74 = arith.constant 32 : i32
      %mul3A_75 = arith.muli %mul3A_48, %mul3A_74 : i32
      %add3A_76 = arith.addi %add3A, %mul3A_75 : i32
      %mul3A_77 = arith.constant 1280 : i32
      %mul3A_78 = arith.muli %add3A_76, %mul3A_77 : i32
      %dma_start3A_79 = arith.constant 0 : i32
      %dma_start3A_80 = tpu.memref_slice %arg4[%dma_start3A_79, %mul3A_78] : memref<32x1600000xf32, #tpu.memory_space<hbm>> -> memref<32x1280xf32, #tpu.memory_space<hbm>>
      %dma_start3A_81 = arith.constant 0 : i32
      %dma_start3A_82 = tpu.memref_slice %arg4[%dma_start3A_81, %mul3A_78] : memref<32x1600000xf32, #tpu.memory_space<hbm>> -> memref<32x1280xf32, #tpu.memory_space<hbm>>
      tpu.enqueue_dma source(%arg10 : memref<32x1280xf32, #tpu.memory_space<vmem>>) target(%dma_start3A_82 : memref<32x1280xf32, #tpu.memory_space<hbm>>) target_semaphore(%arg14 : memref<!tpu.dma_semaphore, #tpu.memory_space<semaphore_mem>>)
      %add3A_83 = arith.constant 2 : i32
      %add3A_84 = arith.addi %mul3A_48, %add3A_83 : i32
      %lt3A_85 = arith.cmpi slt, %add3A_84, %select_n3A : i32
      %convert_element_type3A_86 = arith.extui %lt3A_85 : i1 to i32
      %cond3A_87 = arith.constant 0 : i32
      %cond3A_88 = arith.cmpi ne, %convert_element_type3A_86, %cond3A_87 : i32
      scf.if %cond3A_88 {
        %add3A_102 = arith.constant 2 : i32
        %add3A_103 = arith.addi %mul3A_48, %add3A_102 : i32
        %mul3A_104 = arith.constant 32 : i32
        %mul3A_105 = arith.muli %add3A_103, %mul3A_104 : i32
        %add3A_106 = arith.addi %add3A, %mul3A_105 : i32
        %mul3A_107 = arith.constant 1280 : i32
        %mul3A_108 = arith.muli %add3A_106, %mul3A_107 : i32
        %dma_start3A_109 = arith.constant 0 : i32
        %dma_start3A_110 = tpu.memref_slice %arg2[%dma_start3A_109, %mul3A_108] : memref<2x1600000xi32, #tpu.memory_space<hbm>> -> memref<1x1280xi32, #tpu.memory_space<hbm>>
        %dma_start3A_111 = tpu.memref_squeeze %dma_start3A_110 : memref<1x1280xi32, #tpu.memory_space<hbm>> -> memref<1280xi32, #tpu.memory_space<hbm>>
        %dma_start3A_112 = tpu.memref_slice %arg2[%dma_start3A_109, %mul3A_108] : memref<2x1600000xi32, #tpu.memory_space<hbm>> -> memref<1x1280xi32, #tpu.memory_space<hbm>>
        %dma_start3A_113 = tpu.memref_squeeze %dma_start3A_112 : memref<1x1280xi32, #tpu.memory_space<hbm>> -> memref<1280xi32, #tpu.memory_space<hbm>>
        tpu.enqueue_dma source(%dma_start3A_113 : memref<1280xi32, #tpu.memory_space<hbm>>) target(%arg6 : memref<1280xi32, #tpu.memory_space<vmem>>) target_semaphore(%arg12 : memref<!tpu.dma_semaphore, #tpu.memory_space<semaphore_mem>>)
        %dma_start3A_114 = arith.constant 1 : i32
        %dma_start3A_115 = tpu.memref_slice %arg2[%dma_start3A_114, %mul3A_108] : memref<2x1600000xi32, #tpu.memory_space<hbm>> -> memref<1x1280xi32, #tpu.memory_space<hbm>>
        %dma_start3A_116 = tpu.memref_squeeze %dma_start3A_115 : memref<1x1280xi32, #tpu.memory_space<hbm>> -> memref<1280xi32, #tpu.memory_space<hbm>>
        %dma_start3A_117 = tpu.memref_slice %arg2[%dma_start3A_114, %mul3A_108] : memref<2x1600000xi32, #tpu.memory_space<hbm>> -> memref<1x1280xi32, #tpu.memory_space<hbm>>
        %dma_start3A_118 = tpu.memref_squeeze %dma_start3A_117 : memref<1x1280xi32, #tpu.memory_space<hbm>> -> memref<1280xi32, #tpu.memory_space<hbm>>
        tpu.enqueue_dma source(%dma_start3A_118 : memref<1280xi32, #tpu.memory_space<hbm>>) target(%arg7 : memref<1280xi32, #tpu.memory_space<vmem>>) target_semaphore(%arg12 : memref<!tpu.dma_semaphore, #tpu.memory_space<semaphore_mem>>)
      } else {
      }
      %mul3A_89 = arith.constant 2 : i32
      %mul3A_90 = arith.muli %mul3A_89, %scan3A_46 : i32
      %add3A_91 = arith.constant 1 : i32
      %add3A_92 = arith.addi %mul3A_90, %add3A_91 : i32
      %gt3A_93 = arith.constant 0 : i32
      %gt3A_94 = arith.cmpi sgt, %scan3A_46, %gt3A_93 : i32
      %convert_element_type3A_95 = arith.extui %gt3A_94 : i1 to i32
      %cond3A_96 = arith.constant 0 : i32
      %cond3A_97 = arith.cmpi ne, %convert_element_type3A_95, %cond3A_96 : i32
      scf.if %cond3A_97 {
        %sub3A_102 = arith.constant 2 : i32
        %sub3A_103 = arith.subi %add3A_92, %sub3A_102 : i32
        %mul3A_104 = arith.constant 32 : i32
        %mul3A_105 = arith.muli %sub3A_103, %mul3A_104 : i32
        %add3A_106 = arith.addi %add3A, %mul3A_105 : i32
        %mul3A_107 = arith.constant 1280 : i32
        %mul3A_108 = arith.muli %add3A_106, %mul3A_107 : i32
        %dma_wait3A_109 = arith.constant 0 : i32
        %dma_wait3A_110 = tpu.memref_slice %arg4[%dma_wait3A_109, %mul3A_108] : memref<32x1600000xf32, #tpu.memory_space<hbm>> -> memref<32x1280xf32, #tpu.memory_space<hbm>>
        %dma_wait3A_111 = arith.constant 0 : i32
        %dma_wait3A_112 = tpu.memref_slice %arg4[%dma_wait3A_111, %mul3A_108] : memref<32x1600000xf32, #tpu.memory_space<hbm>> -> memref<32x1280xf32, #tpu.memory_space<hbm>>
        tpu.wait_dma2 semaphore(%arg15 : memref<!tpu.dma_semaphore, #tpu.memory_space<semaphore_mem>>) src(%arg11 : memref<32x1280xf32, #tpu.memory_space<vmem>>) dst(%dma_wait3A_112 : memref<32x1280xf32, #tpu.memory_space<hbm>>)
      } else {
      }
      %lt3A_98 = arith.cmpi slt, %add3A_92, %select_n3A : i32
      %convert_element_type3A_99 = arith.extui %lt3A_98 : i1 to i32
      %cond3A_100 = arith.constant 0 : i32
      %cond3A_101 = arith.cmpi ne, %convert_element_type3A_99, %cond3A_100 : i32
      scf.if %cond3A_101 {
        %mul3A_102 = arith.constant 32 : i32
        %mul3A_103 = arith.muli %add3A_92, %mul3A_102 : i32
        %add3A_104 = arith.addi %add3A, %mul3A_103 : i32
        %mul3A_105 = arith.constant 1280 : i32
        %mul3A_106 = arith.muli %add3A_104, %mul3A_105 : i32
        %dma_wait3A_107 = arith.constant 0 : i32
        %dma_wait3A_108 = tpu.memref_slice %arg2[%dma_wait3A_107, %mul3A_106] : memref<2x1600000xi32, #tpu.memory_space<hbm>> -> memref<1x1280xi32, #tpu.memory_space<hbm>>
        %dma_wait3A_109 = tpu.memref_squeeze %dma_wait3A_108 : memref<1x1280xi32, #tpu.memory_space<hbm>> -> memref<1280xi32, #tpu.memory_space<hbm>>
        %dma_wait3A_110 = tpu.memref_slice %arg2[%dma_wait3A_107, %mul3A_106] : memref<2x1600000xi32, #tpu.memory_space<hbm>> -> memref<1x1280xi32, #tpu.memory_space<hbm>>
        %dma_wait3A_111 = tpu.memref_squeeze %dma_wait3A_110 : memref<1x1280xi32, #tpu.memory_space<hbm>> -> memref<1280xi32, #tpu.memory_space<hbm>>
        tpu.wait_dma2 semaphore(%arg13 : memref<!tpu.dma_semaphore, #tpu.memory_space<semaphore_mem>>) src(%dma_wait3A_111 : memref<1280xi32, #tpu.memory_space<hbm>>) dst(%arg8 : memref<1280xi32, #tpu.memory_space<vmem>>)
        %dma_wait3A_112 = arith.constant 1 : i32
        %dma_wait3A_113 = tpu.memref_slice %arg2[%dma_wait3A_112, %mul3A_106] : memref<2x1600000xi32, #tpu.memory_space<hbm>> -> memref<1x1280xi32, #tpu.memory_space<hbm>>
        %dma_wait3A_114 = tpu.memref_squeeze %dma_wait3A_113 : memref<1x1280xi32, #tpu.memory_space<hbm>> -> memref<1280xi32, #tpu.memory_space<hbm>>
        %dma_wait3A_115 = tpu.memref_slice %arg2[%dma_wait3A_112, %mul3A_106] : memref<2x1600000xi32, #tpu.memory_space<hbm>> -> memref<1x1280xi32, #tpu.memory_space<hbm>>
        %dma_wait3A_116 = tpu.memref_squeeze %dma_wait3A_115 : memref<1x1280xi32, #tpu.memory_space<hbm>> -> memref<1280xi32, #tpu.memory_space<hbm>>
        tpu.wait_dma2 semaphore(%arg13 : memref<!tpu.dma_semaphore, #tpu.memory_space<semaphore_mem>>) src(%dma_wait3A_116 : memref<1280xi32, #tpu.memory_space<hbm>>) dst(%arg9 : memref<1280xi32, #tpu.memory_space<vmem>>)
        %scan3A_117 = arith.constant 0 : i32
        %scan3A_118 = arith.constant 0 : i32
        %scan3A_119 = arith.constant 80 : i32
        %scan3A_120 = arith.addi %scan3A_118, %scan3A_119 : i32
        %scan3A_121 = arith.constant 4 : i32
        scf.for %scan3A_138 = %scan3A_118 to %scan3A_120 step %scan3A_121  : i32 {
          %mul3A_139 = arith.constant 16 : i32
          %mul3A_140 = arith.muli %scan3A_138, %mul3A_139 : i32
          %get3A = arith.index_cast %mul3A_140 : i32 to index
          %get3A_141 = tpu.vector_load %arg8[%get3A] {strides = array<i32>} : memref<1280xi32, #tpu.memory_space<vmem>>, vector<16xi32>,
          %mul3A_142 = arith.constant 16 : i32
          %mul3A_143 = arith.muli %scan3A_138, %mul3A_142 : i32
          %get3A_144 = arith.index_cast %mul3A_143 : i32 to index
          %get3A_145 = tpu.vector_load %arg9[%get3A_144] {strides = array<i32>} : memref<1280xi32, #tpu.memory_space<vmem>>, vector<16xi32>,
          %sub3A_146 = arith.subi %get3A_141, %get3A_145 : vector<16xi32>
          %abs3A = math.absi %sub3A_146 : vector<16xi32>
          %sub3A_147 = arith.constant 1 : i32
          %sub3A_148 = vector.broadcast %sub3A_147 : i32 to vector<16xi32>
          %sub3A_149 = arith.subi %abs3A, %sub3A_148 : vector<16xi32>
          %convert_element_type3A_150 = arith.sitofp %sub3A_149 : vector<16xi32> to vector<16xf32>
          %bitcast3A = vector.bitcast %convert_element_type3A_150 : vector<16xf32> to vector<16xi32>
          %ge3A = arith.constant 1 : i32
          %ge3A_151 = vector.broadcast %ge3A : i32 to vector<16xi32>
          %ge3A_152 = arith.cmpi sge, %sub3A_149, %ge3A_151 : vector<16xi32>
          %shift_right_arithmetic3A = arith.constant 23 : i32
          %shift_right_arithmetic3A_153 = vector.broadcast %shift_right_arithmetic3A : i32 to vector<16xi32>
          %shift_right_arithmetic3A_154 = arith.shrsi %bitcast3A, %shift_right_arithmetic3A_153 : vector<16xi32>
          %sub3A_155 = arith.constant 126 : i32
          %sub3A_156 = vector.broadcast %sub3A_155 : i32 to vector<16xi32>
          %sub3A_157 = arith.subi %shift_right_arithmetic3A_154, %sub3A_156 : vector<16xi32>
          %jit3A_158 = arith.constant 0 : i32
          %broadcast_in_dim3A = vector.broadcast %jit3A_158 : i32 to vector<16xi32>
          %select_n3A_159 = arith.select %ge3A_152, %sub3A_157, %broadcast_in_dim3A : vector<16xi1>, vector<16xi32>
          %gather3A = arith.constant 0 : i32
          %gather3A_160 = tpu.memref_slice %arg5[%gather3A] : memref<768xf32, #tpu.memory_space<vmem>> -> memref<17xf32, #tpu.memory_space<vmem>>
          %gather3A_161 = tpu.vector_load_idx %gather3A_160[%select_n3A_159] : memref<17xf32, #tpu.memory_space<vmem>>[vector<16xi32>], vector<16xf32>,
          %gather3A_162 = arith.constant 24 : i32
          %gather3A_163 = tpu.memref_slice %arg5[%gather3A_162] : memref<768xf32, #tpu.memory_space<vmem>> -> memref<17xf32, #tpu.memory_space<vmem>>
          %gather3A_164 = tpu.vector_load_idx %gather3A_163[%select_n3A_159] : memref<17xf32, #tpu.memory_space<vmem>>[vector<16xi32>], vector<16xf32>,
          %gather3A_165 = arith.constant 48 : i32
          %gather3A_166 = tpu.memref_slice %arg5[%gather3A_165] : memref<768xf32, #tpu.memory_space<vmem>> -> memref<17xf32, #tpu.memory_space<vmem>>
          %gather3A_167 = tpu.vector_load_idx %gather3A_166[%select_n3A_159] : memref<17xf32, #tpu.memory_space<vmem>>[vector<16xi32>], vector<16xf32>,
          %gather3A_168 = arith.constant 72 : i32
          %gather3A_169 = tpu.memref_slice %arg5[%gather3A_168] : memref<768xf32, #tpu.memory_space<vmem>> -> memref<17xf32, #tpu.memory_space<vmem>>
          %gather3A_170 = tpu.vector_load_idx %gather3A_169[%select_n3A_159] : memref<17xf32, #tpu.memory_space<vmem>>[vector<16xi32>], vector<16xf32>,
          %gather3A_171 = arith.constant 96 : i32
          %gather3A_172 = tpu.memref_slice %arg5[%gather3A_171] : memref<768xf32, #tpu.memory_space<vmem>> -> memref<17xf32, #tpu.memory_space<vmem>>
          %gather3A_173 = tpu.vector_load_idx %gather3A_172[%select_n3A_159] : memref<17xf32, #tpu.memory_space<vmem>>[vector<16xi32>], vector<16xf32>,
          %gather3A_174 = arith.constant 120 : i32
          %gather3A_175 = tpu.memref_slice %arg5[%gather3A_174] : memref<768xf32, #tpu.memory_space<vmem>> -> memref<17xf32, #tpu.memory_space<vmem>>
          %gather3A_176 = tpu.vector_load_idx %gather3A_175[%select_n3A_159] : memref<17xf32, #tpu.memory_space<vmem>>[vector<16xi32>], vector<16xf32>,
          %gather3A_177 = arith.constant 144 : i32
          %gather3A_178 = tpu.memref_slice %arg5[%gather3A_177] : memref<768xf32, #tpu.memory_space<vmem>> -> memref<17xf32, #tpu.memory_space<vmem>>
          %gather3A_179 = tpu.vector_load_idx %gather3A_178[%select_n3A_159] : memref<17xf32, #tpu.memory_space<vmem>>[vector<16xi32>], vector<16xf32>,
          %gather3A_180 = arith.constant 168 : i32
          %gather3A_181 = tpu.memref_slice %arg5[%gather3A_180] : memref<768xf32, #tpu.memory_space<vmem>> -> memref<17xf32, #tpu.memory_space<vmem>>
          %gather3A_182 = tpu.vector_load_idx %gather3A_181[%select_n3A_159] : memref<17xf32, #tpu.memory_space<vmem>>[vector<16xi32>], vector<16xf32>,
          %gather3A_183 = arith.constant 192 : i32
          %gather3A_184 = tpu.memref_slice %arg5[%gather3A_183] : memref<768xf32, #tpu.memory_space<vmem>> -> memref<17xf32, #tpu.memory_space<vmem>>
          %gather3A_185 = tpu.vector_load_idx %gather3A_184[%select_n3A_159] : memref<17xf32, #tpu.memory_space<vmem>>[vector<16xi32>], vector<16xf32>,
          %mul3A_186 = arith.constant 16 : i32
          %mul3A_187 = arith.muli %scan3A_138, %mul3A_186 : i32
          %swap3A = arith.constant 0 : i32
          %swap3A_188 = arith.index_cast %swap3A : i32 to index
          %swap3A_189 = arith.index_cast %mul3A_187 : i32 to index
          %swap3A_190 = tpu.vector_load %arg11[%swap3A_188, %swap3A_189] {strides = array<i32>} : memref<32x1280xf32, #tpu.memory_space<vmem>>, vector<16xf32>,
          tpu.vector_store %arg11[%swap3A_188, %swap3A_189], %gather3A_161 {strides = array<i32>} : memref<32x1280xf32, #tpu.memory_space<vmem>>, vector<16xf32>,
          %gather3A_191 = arith.constant 216 : i32
          %gather3A_192 = tpu.memref_slice %arg5[%gather3A_191] : memref<768xf32, #tpu.memory_space<vmem>> -> memref<17xf32, #tpu.memory_space<vmem>>
          %gather3A_193 = tpu.vector_load_idx %gather3A_192[%select_n3A_159] : memref<17xf32, #tpu.memory_space<vmem>>[vector<16xi32>], vector<16xf32>,
          %mul3A_194 = arith.constant 16 : i32
          %mul3A_195 = arith.muli %scan3A_138, %mul3A_194 : i32
          %swap3A_196 = arith.constant 1 : i32
          %swap3A_197 = arith.index_cast %swap3A_196 : i32 to index
          %swap3A_198 = arith.index_cast %mul3A_195 : i32 to index
          %swap3A_199 = tpu.vector_load %arg11[%swap3A_197, %swap3A_198] {strides = array<i32>} : memref<32x1280xf32, #tpu.memory_space<vmem>>, vector<16xf32>,
          tpu.vector_store %arg11[%swap3A_197, %swap3A_198], %gather3A_164 {strides = array<i32>} : memref<32x1280xf32, #tpu.memory_space<vmem>>, vector<16xf32>,
          %gather3A_200 = arith.constant 240 : i32
          %gather3A_201 = tpu.memref_slice %arg5[%gather3A_200] : memref<768xf32, #tpu.memory_space<vmem>> -> memref<17xf32, #tpu.memory_space<vmem>>
          %gather3A_202 = tpu.vector_load_idx %gather3A_201[%select_n3A_159] : memref<17xf32, #tpu.memory_space<vmem>>[vector<16xi32>], vector<16xf32>,
          %mul3A_203 = arith.constant 16 : i32
          %mul3A_204 = arith.muli %scan3A_138, %mul3A_203 : i32
          %swap3A_205 = arith.constant 2 : i32
          %swap3A_206 = arith.index_cast %swap3A_205 : i32 to index
          %swap3A_207 = arith.index_cast %mul3A_204 : i32 to index
          %swap3A_208 = tpu.vector_load %arg11[%swap3A_206, %swap3A_207] {strides = array<i32>} : memref<32x1280xf32, #tpu.memory_space<vmem>>, vector<16xf32>,
          tpu.vector_store %arg11[%swap3A_206, %swap3A_207], %gather3A_167 {strides = array<i32>} : memref<32x1280xf32, #tpu.memory_space<vmem>>, vector<16xf32>,
          %gather3A_209 = arith.constant 264 : i32
          %gather3A_210 = tpu.memref_slice %arg5[%gather3A_209] : memref<768xf32, #tpu.memory_space<vmem>> -> memref<17xf32, #tpu.memory_space<vmem>>
          %gather3A_211 = tpu.vector_load_idx %gather3A_210[%select_n3A_159] : memref<17xf32, #tpu.memory_space<vmem>>[vector<16xi32>], vector<16xf32>,
          %mul3A_212 = arith.constant 16 : i32
          %mul3A_213 = arith.muli %scan3A_138, %mul3A_212 : i32
          %swap3A_214 = arith.constant 3 : i32
          %swap3A_215 = arith.index_cast %swap3A_214 : i32 to index
          %swap3A_216 = arith.index_cast %mul3A_213 : i32 to index
          %swap3A_217 = tpu.vector_load %arg11[%swap3A_215, %swap3A_216] {strides = array<i32>} : memref<32x1280xf32, #tpu.memory_space<vmem>>, vector<16xf32>,
          tpu.vector_store %arg11[%swap3A_215, %swap3A_216], %gather3A_170 {strides = array<i32>} : memref<32x1280xf32, #tpu.memory_space<vmem>>, vector<16xf32>,
          %gather3A_218 = arith.constant 288 : i32
          %gather3A_219 = tpu.memref_slice %arg5[%gather3A_218] : memref<768xf32, #tpu.memory_space<vmem>> -> memref<17xf32, #tpu.memory_space<vmem>>
          %gather3A_220 = tpu.vector_load_idx %gather3A_219[%select_n3A_159] : memref<17xf32, #tpu.memory_space<vmem>>[vector<16xi32>], vector<16xf32>,
          %mul3A_221 = arith.constant 16 : i32
          %mul3A_222 = arith.muli %scan3A_138, %mul3A_221 : i32
          %swap3A_223 = arith.constant 4 : i32
          %swap3A_224 = arith.index_cast %swap3A_223 : i32 to index
          %swap3A_225 = arith.index_cast %mul3A_222 : i32 to index
          %swap3A_226 = tpu.vector_load %arg11[%swap3A_224, %swap3A_225] {strides = array<i32>} : memref<32x1280xf32, #tpu.memory_space<vmem>>, vector<16xf32>,
          tpu.vector_store %arg11[%swap3A_224, %swap3A_225], %gather3A_173 {strides = array<i32>} : memref<32x1280xf32, #tpu.memory_space<vmem>>, vector<16xf32>,
          %gather3A_227 = arith.constant 312 : i32
          %gather3A_228 = tpu.memref_slice %arg5[%gather3A_227] : memref<768xf32, #tpu.memory_space<vmem>> -> memref<17xf32, #tpu.memory_space<vmem>>
          %gather3A_229 = tpu.vector_load_idx %gather3A_228[%select_n3A_159] : memref<17xf32, #tpu.memory_space<vmem>>[vector<16xi32>], vector<16xf32>,
          %mul3A_230 = arith.constant 16 : i32
          %mul3A_231 = arith.muli %scan3A_138, %mul3A_230 : i32
          %swap3A_232 = arith.constant 5 : i32
          %swap3A_233 = arith.index_cast %swap3A_232 : i32 to index
          %swap3A_234 = arith.index_cast %mul3A_231 : i32 to index
          %swap3A_235 = tpu.vector_load %arg11[%swap3A_233, %swap3A_234] {strides = array<i32>} : memref<32x1280xf32, #tpu.memory_space<vmem>>, vector<16xf32>,
          tpu.vector_store %arg11[%swap3A_233, %swap3A_234], %gather3A_176 {strides = array<i32>} : memref<32x1280xf32, #tpu.memory_space<vmem>>, vector<16xf32>,
          %gather3A_236 = arith.constant 336 : i32
          %gather3A_237 = tpu.memref_slice %arg5[%gather3A_236] : memref<768xf32, #tpu.memory_space<vmem>> -> memref<17xf32, #tpu.memory_space<vmem>>
          %gather3A_238 = tpu.vector_load_idx %gather3A_237[%select_n3A_159] : memref<17xf32, #tpu.memory_space<vmem>>[vector<16xi32>], vector<16xf32>,
          %mul3A_239 = arith.constant 16 : i32
          %mul3A_240 = arith.muli %scan3A_138, %mul3A_239 : i32
          %swap3A_241 = arith.constant 6 : i32
          %swap3A_242 = arith.index_cast %swap3A_241 : i32 to index
          %swap3A_243 = arith.index_cast %mul3A_240 : i32 to index
          %swap3A_244 = tpu.vector_load %arg11[%swap3A_242, %swap3A_243] {strides = array<i32>} : memref<32x1280xf32, #tpu.memory_space<vmem>>, vector<16xf32>,
          tpu.vector_store %arg11[%swap3A_242, %swap3A_243], %gather3A_179 {strides = array<i32>} : memref<32x1280xf32, #tpu.memory_space<vmem>>, vector<16xf32>,
          %gather3A_245 = arith.constant 360 : i32
          %gather3A_246 = tpu.memref_slice %arg5[%gather3A_245] : memref<768xf32, #tpu.memory_space<vmem>> -> memref<17xf32, #tpu.memory_space<vmem>>
          %gather3A_247 = tpu.vector_load_idx %gather3A_246[%select_n3A_159] : memref<17xf32, #tpu.memory_space<vmem>>[vector<16xi32>], vector<16xf32>,
          %mul3A_248 = arith.constant 16 : i32
          %mul3A_249 = arith.muli %scan3A_138, %mul3A_248 : i32
          %swap3A_250 = arith.constant 7 : i32
          %swap3A_251 = arith.index_cast %swap3A_250 : i32 to index
          %swap3A_252 = arith.index_cast %mul3A_249 : i32 to index
          %swap3A_253 = tpu.vector_load %arg11[%swap3A_251, %swap3A_252] {strides = array<i32>} : memref<32x1280xf32, #tpu.memory_space<vmem>>, vector<16xf32>,
          tpu.vector_store %arg11[%swap3A_251, %swap3A_252], %gather3A_182 {strides = array<i32>} : memref<32x1280xf32, #tpu.memory_space<vmem>>, vector<16xf32>,
          %gather3A_254 = arith.constant 384 : i32
          %gather3A_255 = tpu.memref_slice %arg5[%gather3A_254] : memref<768xf32, #tpu.memory_space<vmem>> -> memref<17xf32, #tpu.memory_space<vmem>>
          %gather3A_256 = tpu.vector_load_idx %gather3A_255[%select_n3A_159] : memref<17xf32, #tpu.memory_space<vmem>>[vector<16xi32>], vector<16xf32>,
          %mul3A_257 = arith.constant 16 : i32
          %mul3A_258 = arith.muli %scan3A_138, %mul3A_257 : i32
          %swap3A_259 = arith.constant 8 : i32
          %swap3A_260 = arith.index_cast %swap3A_259 : i32 to index
          %swap3A_261 = arith.index_cast %mul3A_258 : i32 to index
          %swap3A_262 = tpu.vector_load %arg11[%swap3A_260, %swap3A_261] {strides = array<i32>} : memref<32x1280xf32, #tpu.memory_space<vmem>>, vector<16xf32>,
          tpu.vector_store %arg11[%swap3A_260, %swap3A_261], %gather3A_185 {strides = array<i32>} : memref<32x1280xf32, #tpu.memory_space<vmem>>, vector<16xf32>,
          %gather3A_263 = arith.constant 408 : i32
          %gather3A_264 = tpu.memref_slice %arg5[%gather3A_263] : memref<768xf32, #tpu.memory_space<vmem>> -> memref<17xf32, #tpu.memory_space<vmem>>
          %gather3A_265 = tpu.vector_load_idx %gather3A_264[%select_n3A_159] : memref<17xf32, #tpu.memory_space<vmem>>[vector<16xi32>], vector<16xf32>,
          %mul3A_266 = arith.constant 16 : i32
          %mul3A_267 = arith.muli %scan3A_138, %mul3A_266 : i32
          %swap3A_268 = arith.constant 9 : i32
          %swap3A_269 = arith.index_cast %swap3A_268 : i32 to index
          %swap3A_270 = arith.index_cast %mul3A_267 : i32 to index
          %swap3A_271 = tpu.vector_load %arg11[%swap3A_269, %swap3A_270] {strides = array<i32>} : memref<32x1280xf32, #tpu.memory_space<vmem>>, vector<16xf32>,
          tpu.vector_store %arg11[%swap3A_269, %swap3A_270], %gather3A_193 {strides = array<i32>} : memref<32x1280xf32, #tpu.memory_space<vmem>>, vector<16xf32>,
          %gather3A_272 = arith.constant 432 : i32
          %gather3A_273 = tpu.memref_slice %arg5[%gather3A_272] : memref<768xf32, #tpu.memory_space<vmem>> -> memref<17xf32, #tpu.memory_space<vmem>>
          %gather3A_274 = tpu.vector_load_idx %gather3A_273[%select_n3A_159] : memref<17xf32, #tpu.memory_space<vmem>>[vector<16xi32>], vector<16xf32>,
          %mul3A_275 = arith.constant 16 : i32
          %mul3A_276 = arith.muli %scan3A_138, %mul3A_275 : i32
          %swap3A_277 = arith.constant 10 : i32
          %swap3A_278 = arith.index_cast %swap3A_277 : i32 to index
          %swap3A_279 = arith.index_cast %mul3A_276 : i32 to index
          %swap3A_280 = tpu.vector_load %arg11[%swap3A_278, %swap3A_279] {strides = array<i32>} : memref<32x1280xf32, #tpu.memory_space<vmem>>, vector<16xf32>,
          tpu.vector_store %arg11[%swap3A_278, %swap3A_279], %gather3A_202 {strides = array<i32>} : memref<32x1280xf32, #tpu.memory_space<vmem>>, vector<16xf32>,
          %gather3A_281 = arith.constant 456 : i32
          %gather3A_282 = tpu.memref_slice %arg5[%gather3A_281] : memref<768xf32, #tpu.memory_space<vmem>> -> memref<17xf32, #tpu.memory_space<vmem>>
          %gather3A_283 = tpu.vector_load_idx %gather3A_282[%select_n3A_159] : memref<17xf32, #tpu.memory_space<vmem>>[vector<16xi32>], vector<16xf32>,
          %mul3A_284 = arith.constant 16 : i32
          %mul3A_285 = arith.muli %scan3A_138, %mul3A_284 : i32
          %swap3A_286 = arith.constant 11 : i32
          %swap3A_287 = arith.index_cast %swap3A_286 : i32 to index
          %swap3A_288 = arith.index_cast %mul3A_285 : i32 to index
          %swap3A_289 = tpu.vector_load %arg11[%swap3A_287, %swap3A_288] {strides = array<i32>} : memref<32x1280xf32, #tpu.memory_space<vmem>>, vector<16xf32>,
          tpu.vector_store %arg11[%swap3A_287, %swap3A_288], %gather3A_211 {strides = array<i32>} : memref<32x1280xf32, #tpu.memory_space<vmem>>, vector<16xf32>,
          %gather3A_290 = arith.constant 480 : i32
          %gather3A_291 = tpu.memref_slice %arg5[%gather3A_290] : memref<768xf32, #tpu.memory_space<vmem>> -> memref<17xf32, #tpu.memory_space<vmem>>
          %gather3A_292 = tpu.vector_load_idx %gather3A_291[%select_n3A_159] : memref<17xf32, #tpu.memory_space<vmem>>[vector<16xi32>], vector<16xf32>,
          %mul3A_293 = arith.constant 16 : i32
          %mul3A_294 = arith.muli %scan3A_138, %mul3A_293 : i32
          %swap3A_295 = arith.constant 12 : i32
          %swap3A_296 = arith.index_cast %swap3A_295 : i32 to index
          %swap3A_297 = arith.index_cast %mul3A_294 : i32 to index
          %swap3A_298 = tpu.vector_load %arg11[%swap3A_296, %swap3A_297] {strides = array<i32>} : memref<32x1280xf32, #tpu.memory_space<vmem>>, vector<16xf32>,
          tpu.vector_store %arg11[%swap3A_296, %swap3A_297], %gather3A_220 {strides = array<i32>} : memref<32x1280xf32, #tpu.memory_space<vmem>>, vector<16xf32>,
          %gather3A_299 = arith.constant 504 : i32
          %gather3A_300 = tpu.memref_slice %arg5[%gather3A_299] : memref<768xf32, #tpu.memory_space<vmem>> -> memref<17xf32, #tpu.memory_space<vmem>>
          %gather3A_301 = tpu.vector_load_idx %gather3A_300[%select_n3A_159] : memref<17xf32, #tpu.memory_space<vmem>>[vector<16xi32>], vector<16xf32>,
          %mul3A_302 = arith.constant 16 : i32
          %mul3A_303 = arith.muli %scan3A_138, %mul3A_302 : i32
          %swap3A_304 = arith.constant 13 : i32
          %swap3A_305 = arith.index_cast %swap3A_304 : i32 to index
          %swap3A_306 = arith.index_cast %mul3A_303 : i32 to index
          %swap3A_307 = tpu.vector_load %arg11[%swap3A_305, %swap3A_306] {strides = array<i32>} : memref<32x1280xf32, #tpu.memory_space<vmem>>, vector<16xf32>,
          tpu.vector_store %arg11[%swap3A_305, %swap3A_306], %gather3A_229 {strides = array<i32>} : memref<32x1280xf32, #tpu.memory_space<vmem>>, vector<16xf32>,
          %gather3A_308 = arith.constant 528 : i32
          %gather3A_309 = tpu.memref_slice %arg5[%gather3A_308] : memref<768xf32, #tpu.memory_space<vmem>> -> memref<17xf32, #tpu.memory_space<vmem>>
          %gather3A_310 = tpu.vector_load_idx %gather3A_309[%select_n3A_159] : memref<17xf32, #tpu.memory_space<vmem>>[vector<16xi32>], vector<16xf32>,
          %mul3A_311 = arith.constant 16 : i32
          %mul3A_312 = arith.muli %scan3A_138, %mul3A_311 : i32
          %swap3A_313 = arith.constant 14 : i32
          %swap3A_314 = arith.index_cast %swap3A_313 : i32 to index
          %swap3A_315 = arith.index_cast %mul3A_312 : i32 to index
          %swap3A_316 = tpu.vector_load %arg11[%swap3A_314, %swap3A_315] {strides = array<i32>} : memref<32x1280xf32, #tpu.memory_space<vmem>>, vector<16xf32>,
          tpu.vector_store %arg11[%swap3A_314, %swap3A_315], %gather3A_238 {strides = array<i32>} : memref<32x1280xf32, #tpu.memory_space<vmem>>, vector<16xf32>,
          %gather3A_317 = arith.constant 552 : i32
          %gather3A_318 = tpu.memref_slice %arg5[%gather3A_317] : memref<768xf32, #tpu.memory_space<vmem>> -> memref<17xf32, #tpu.memory_space<vmem>>
          %gather3A_319 = tpu.vector_load_idx %gather3A_318[%select_n3A_159] : memref<17xf32, #tpu.memory_space<vmem>>[vector<16xi32>], vector<16xf32>,
          %mul3A_320 = arith.constant 16 : i32
          %mul3A_321 = arith.muli %scan3A_138, %mul3A_320 : i32
          %swap3A_322 = arith.constant 15 : i32
          %swap3A_323 = arith.index_cast %swap3A_322 : i32 to index
          %swap3A_324 = arith.index_cast %mul3A_321 : i32 to index
          %swap3A_325 = tpu.vector_load %arg11[%swap3A_323, %swap3A_324] {strides = array<i32>} : memref<32x1280xf32, #tpu.memory_space<vmem>>, vector<16xf32>,
          tpu.vector_store %arg11[%swap3A_323, %swap3A_324], %gather3A_247 {strides = array<i32>} : memref<32x1280xf32, #tpu.memory_space<vmem>>, vector<16xf32>,
          %gather3A_326 = arith.constant 576 : i32
          %gather3A_327 = tpu.memref_slice %arg5[%gather3A_326] : memref<768xf32, #tpu.memory_space<vmem>> -> memref<17xf32, #tpu.memory_space<vmem>>
          %gather3A_328 = tpu.vector_load_idx %gather3A_327[%select_n3A_159] : memref<17xf32, #tpu.memory_space<vmem>>[vector<16xi32>], vector<16xf32>,
          %mul3A_329 = arith.constant 16 : i32
          %mul3A_330 = arith.muli %scan3A_138, %mul3A_329 : i32
          %swap3A_331 = arith.constant 16 : i32
          %swap3A_332 = arith.index_cast %swap3A_331 : i32 to index
          %swap3A_333 = arith.index_cast %mul3A_330 : i32 to index
          %swap3A_334 = tpu.vector_load %arg11[%swap3A_332, %swap3A_333] {strides = array<i32>} : memref<32x1280xf32, #tpu.memory_space<vmem>>, vector<16xf32>,
          tpu.vector_store %arg11[%swap3A_332, %swap3A_333], %gather3A_256 {strides = array<i32>} : memref<32x1280xf32, #tpu.memory_space<vmem>>, vector<16xf32>,
          %gather3A_335 = arith.constant 600 : i32
          %gather3A_336 = tpu.memref_slice %arg5[%gather3A_335] : memref<768xf32, #tpu.memory_space<vmem>> -> memref<17xf32, #tpu.memory_space<vmem>>
          %gather3A_337 = tpu.vector_load_idx %gather3A_336[%select_n3A_159] : memref<17xf32, #tpu.memory_space<vmem>>[vector<16xi32>], vector<16xf32>,
          %mul3A_338 = arith.constant 16 : i32
          %mul3A_339 = arith.muli %scan3A_138, %mul3A_338 : i32
          %swap3A_340 = arith.constant 17 : i32
          %swap3A_341 = arith.index_cast %swap3A_340 : i32 to index
          %swap3A_342 = arith.index_cast %mul3A_339 : i32 to index
          %swap3A_343 = tpu.vector_load %arg11[%swap3A_341, %swap3A_342] {strides = array<i32>} : memref<32x1280xf32, #tpu.memory_space<vmem>>, vector<16xf32>,
          tpu.vector_store %arg11[%swap3A_341, %swap3A_342], %gather3A_265 {strides = array<i32>} : memref<32x1280xf32, #tpu.memory_space<vmem>>, vector<16xf32>,
          %gather3A_344 = arith.constant 624 : i32
          %gather3A_345 = tpu.memref_slice %arg5[%gather3A_344] : memref<768xf32, #tpu.memory_space<vmem>> -> memref<17xf32, #tpu.memory_space<vmem>>
          %gather3A_346 = tpu.vector_load_idx %gather3A_345[%select_n3A_159] : memref<17xf32, #tpu.memory_space<vmem>>[vector<16xi32>], vector<16xf32>,
          %mul3A_347 = arith.constant 16 : i32
          %mul3A_348 = arith.muli %scan3A_138, %mul3A_347 : i32
          %swap3A_349 = arith.constant 18 : i32
          %swap3A_350 = arith.index_cast %swap3A_349 : i32 to index
          %swap3A_351 = arith.index_cast %mul3A_348 : i32 to index
          %swap3A_352 = tpu.vector_load %arg11[%swap3A_350, %swap3A_351] {strides = array<i32>} : memref<32x1280xf32, #tpu.memory_space<vmem>>, vector<16xf32>,
          tpu.vector_store %arg11[%swap3A_350, %swap3A_351], %gather3A_274 {strides = array<i32>} : memref<32x1280xf32, #tpu.memory_space<vmem>>, vector<16xf32>,
          %gather3A_353 = arith.constant 648 : i32
          %gather3A_354 = tpu.memref_slice %arg5[%gather3A_353] : memref<768xf32, #tpu.memory_space<vmem>> -> memref<17xf32, #tpu.memory_space<vmem>>
          %gather3A_355 = tpu.vector_load_idx %gather3A_354[%select_n3A_159] : memref<17xf32, #tpu.memory_space<vmem>>[vector<16xi32>], vector<16xf32>,
          %mul3A_356 = arith.constant 16 : i32
          %mul3A_357 = arith.muli %scan3A_138, %mul3A_356 : i32
          %swap3A_358 = arith.constant 19 : i32
          %swap3A_359 = arith.index_cast %swap3A_358 : i32 to index
          %swap3A_360 = arith.index_cast %mul3A_357 : i32 to index
          %swap3A_361 = tpu.vector_load %arg11[%swap3A_359, %swap3A_360] {strides = array<i32>} : memref<32x1280xf32, #tpu.memory_space<vmem>>, vector<16xf32>,
          tpu.vector_store %arg11[%swap3A_359, %swap3A_360], %gather3A_283 {strides = array<i32>} : memref<32x1280xf32, #tpu.memory_space<vmem>>, vector<16xf32>,
          %gather3A_362 = arith.constant 672 : i32
          %gather3A_363 = tpu.memref_slice %arg5[%gather3A_362] : memref<768xf32, #tpu.memory_space<vmem>> -> memref<17xf32, #tpu.memory_space<vmem>>
          %gather3A_364 = tpu.vector_load_idx %gather3A_363[%select_n3A_159] : memref<17xf32, #tpu.memory_space<vmem>>[vector<16xi32>], vector<16xf32>,
          %mul3A_365 = arith.constant 16 : i32
          %mul3A_366 = arith.muli %scan3A_138, %mul3A_365 : i32
          %swap3A_367 = arith.constant 20 : i32
          %swap3A_368 = arith.index_cast %swap3A_367 : i32 to index
          %swap3A_369 = arith.index_cast %mul3A_366 : i32 to index
          %swap3A_370 = tpu.vector_load %arg11[%swap3A_368, %swap3A_369] {strides = array<i32>} : memref<32x1280xf32, #tpu.memory_space<vmem>>, vector<16xf32>,
          tpu.vector_store %arg11[%swap3A_368, %swap3A_369], %gather3A_292 {strides = array<i32>} : memref<32x1280xf32, #tpu.memory_space<vmem>>, vector<16xf32>,
          %gather3A_371 = arith.constant 696 : i32
          %gather3A_372 = tpu.memref_slice %arg5[%gather3A_371] : memref<768xf32, #tpu.memory_space<vmem>> -> memref<17xf32, #tpu.memory_space<vmem>>
          %gather3A_373 = tpu.vector_load_idx %gather3A_372[%select_n3A_159] : memref<17xf32, #tpu.memory_space<vmem>>[vector<16xi32>], vector<16xf32>,
          %mul3A_374 = arith.constant 16 : i32
          %mul3A_375 = arith.muli %scan3A_138, %mul3A_374 : i32
          %swap3A_376 = arith.constant 21 : i32
          %swap3A_377 = arith.index_cast %swap3A_376 : i32 to index
          %swap3A_378 = arith.index_cast %mul3A_375 : i32 to index
          %swap3A_379 = tpu.vector_load %arg11[%swap3A_377, %swap3A_378] {strides = array<i32>} : memref<32x1280xf32, #tpu.memory_space<vmem>>, vector<16xf32>,
          tpu.vector_store %arg11[%swap3A_377, %swap3A_378], %gather3A_301 {strides = array<i32>} : memref<32x1280xf32, #tpu.memory_space<vmem>>, vector<16xf32>,
          %gather3A_380 = arith.constant 720 : i32
          %gather3A_381 = tpu.memref_slice %arg5[%gather3A_380] : memref<768xf32, #tpu.memory_space<vmem>> -> memref<17xf32, #tpu.memory_space<vmem>>
          %gather3A_382 = tpu.vector_load_idx %gather3A_381[%select_n3A_159] : memref<17xf32, #tpu.memory_space<vmem>>[vector<16xi32>], vector<16xf32>,
          %mul3A_383 = arith.constant 16 : i32
          %mul3A_384 = arith.muli %scan3A_138, %mul3A_383 : i32
          %swap3A_385 = arith.constant 22 : i32
          %swap3A_386 = arith.index_cast %swap3A_385 : i32 to index
          %swap3A_387 = arith.index_cast %mul3A_384 : i32 to index
          %swap3A_388 = tpu.vector_load %arg11[%swap3A_386, %swap3A_387] {strides = array<i32>} : memref<32x1280xf32, #tpu.memory_space<vmem>>, vector<16xf32>,
          tpu.vector_store %arg11[%swap3A_386, %swap3A_387], %gather3A_310 {strides = array<i32>} : memref<32x1280xf32, #tpu.memory_space<vmem>>, vector<16xf32>,
          %gather3A_389 = arith.constant 744 : i32
          %gather3A_390 = tpu.memref_slice %arg5[%gather3A_389] : memref<768xf32, #tpu.memory_space<vmem>> -> memref<17xf32, #tpu.memory_space<vmem>>
          %gather3A_391 = tpu.vector_load_idx %gather3A_390[%select_n3A_159] : memref<17xf32, #tpu.memory_space<vmem>>[vector<16xi32>], vector<16xf32>,
          %mul3A_392 = arith.constant 16 : i32
          %mul3A_393 = arith.muli %scan3A_138, %mul3A_392 : i32
          %swap3A_394 = arith.constant 23 : i32
          %swap3A_395 = arith.index_cast %swap3A_394 : i32 to index
          %swap3A_396 = arith.index_cast %mul3A_393 : i32 to index
          %swap3A_397 = tpu.vector_load %arg11[%swap3A_395, %swap3A_396] {strides = array<i32>} : memref<32x1280xf32, #tpu.memory_space<vmem>>, vector<16xf32>,
          tpu.vector_store %arg11[%swap3A_395, %swap3A_396], %gather3A_319 {strides = array<i32>} : memref<32x1280xf32, #tpu.memory_space<vmem>>, vector<16xf32>,
          %mul3A_398 = arith.constant 16 : i32
          %mul3A_399 = arith.muli %scan3A_138, %mul3A_398 : i32
          %swap3A_400 = arith.constant 24 : i32
          %swap3A_401 = arith.index_cast %swap3A_400 : i32 to index
          %swap3A_402 = arith.index_cast %mul3A_399 : i32 to index
          %swap3A_403 = tpu.vector_load %arg11[%swap3A_401, %swap3A_402] {strides = array<i32>} : memref<32x1280xf32, #tpu.memory_space<vmem>>, vector<16xf32>,
          tpu.vector_store %arg11[%swap3A_401, %swap3A_402], %gather3A_328 {strides = array<i32>} : memref<32x1280xf32, #tpu.memory_space<vmem>>, vector<16xf32>,
          %mul3A_404 = arith.constant 16 : i32
          %mul3A_405 = arith.muli %scan3A_138, %mul3A_404 : i32
          %swap3A_406 = arith.constant 25 : i32
          %swap3A_407 = arith.index_cast %swap3A_406 : i32 to index
          %swap3A_408 = arith.index_cast %mul3A_405 : i32 to index
          %swap3A_409 = tpu.vector_load %arg11[%swap3A_407, %swap3A_408] {strides = array<i32>} : memref<32x1280xf32, #tpu.memory_space<vmem>>, vector<16xf32>,
          tpu.vector_store %arg11[%swap3A_407, %swap3A_408], %gather3A_337 {strides = array<i32>} : memref<32x1280xf32, #tpu.memory_space<vmem>>, vector<16xf32>,
          %mul3A_410 = arith.constant 16 : i32
          %mul3A_411 = arith.muli %scan3A_138, %mul3A_410 : i32
          %swap3A_412 = arith.constant 26 : i32
          %swap3A_413 = arith.index_cast %swap3A_412 : i32 to index
          %swap3A_414 = arith.index_cast %mul3A_411 : i32 to index
          %swap3A_415 = tpu.vector_load %arg11[%swap3A_413, %swap3A_414] {strides = array<i32>} : memref<32x1280xf32, #tpu.memory_space<vmem>>, vector<16xf32>,
          tpu.vector_store %arg11[%swap3A_413, %swap3A_414], %gather3A_346 {strides = array<i32>} : memref<32x1280xf32, #tpu.memory_space<vmem>>, vector<16xf32>,
          %mul3A_416 = arith.constant 16 : i32
          %mul3A_417 = arith.muli %scan3A_138, %mul3A_416 : i32
          %swap3A_418 = arith.constant 27 : i32
          %swap3A_419 = arith.index_cast %swap3A_418 : i32 to index
          %swap3A_420 = arith.index_cast %mul3A_417 : i32 to index
          %swap3A_421 = tpu.vector_load %arg11[%swap3A_419, %swap3A_420] {strides = array<i32>} : memref<32x1280xf32, #tpu.memory_space<vmem>>, vector<16xf32>,
          tpu.vector_store %arg11[%swap3A_419, %swap3A_420], %gather3A_355 {strides = array<i32>} : memref<32x1280xf32, #tpu.memory_space<vmem>>, vector<16xf32>,
          %mul3A_422 = arith.constant 16 : i32
          %mul3A_423 = arith.muli %scan3A_138, %mul3A_422 : i32
          %swap3A_424 = arith.constant 28 : i32
          %swap3A_425 = arith.index_cast %swap3A_424 : i32 to index
          %swap3A_426 = arith.index_cast %mul3A_423 : i32 to index
          %swap3A_427 = tpu.vector_load %arg11[%swap3A_425, %swap3A_426] {strides = array<i32>} : memref<32x1280xf32, #tpu.memory_space<vmem>>, vector<16xf32>,
          tpu.vector_store %arg11[%swap3A_425, %swap3A_426], %gather3A_364 {strides = array<i32>} : memref<32x1280xf32, #tpu.memory_space<vmem>>, vector<16xf32>,
          %mul3A_428 = arith.constant 16 : i32
          %mul3A_429 = arith.muli %scan3A_138, %mul3A_428 : i32
          %swap3A_430 = arith.constant 29 : i32
          %swap3A_431 = arith.index_cast %swap3A_430 : i32 to index
          %swap3A_432 = arith.index_cast %mul3A_429 : i32 to index
          %swap3A_433 = tpu.vector_load %arg11[%swap3A_431, %swap3A_432] {strides = array<i32>} : memref<32x1280xf32, #tpu.memory_space<vmem>>, vector<16xf32>,
          tpu.vector_store %arg11[%swap3A_431, %swap3A_432], %gather3A_373 {strides = array<i32>} : memref<32x1280xf32, #tpu.memory_space<vmem>>, vector<16xf32>,
          %mul3A_434 = arith.constant 16 : i32
          %mul3A_435 = arith.muli %scan3A_138, %mul3A_434 : i32
          %swap3A_436 = arith.constant 30 : i32
          %swap3A_437 = arith.index_cast %swap3A_436 : i32 to index
          %swap3A_438 = arith.index_cast %mul3A_435 : i32 to index
          %swap3A_439 = tpu.vector_load %arg11[%swap3A_437, %swap3A_438] {strides = array<i32>} : memref<32x1280xf32, #tpu.memory_space<vmem>>, vector<16xf32>,
          tpu.vector_store %arg11[%swap3A_437, %swap3A_438], %gather3A_382 {strides = array<i32>} : memref<32x1280xf32, #tpu.memory_space<vmem>>, vector<16xf32>,
          %mul3A_440 = arith.constant 16 : i32
          %mul3A_441 = arith.muli %scan3A_138, %mul3A_440 : i32
          %swap3A_442 = arith.constant 31 : i32
          %swap3A_443 = arith.index_cast %swap3A_442 : i32 to index
          %swap3A_444 = arith.index_cast %mul3A_441 : i32 to index
          %swap3A_445 = tpu.vector_load %arg11[%swap3A_443, %swap3A_444] {strides = array<i32>} : memref<32x1280xf32, #tpu.memory_space<vmem>>, vector<16xf32>,
          tpu.vector_store %arg11[%swap3A_443, %swap3A_444], %gather3A_391 {strides = array<i32>} : memref<32x1280xf32, #tpu.memory_space<vmem>>, vector<16xf32>,
          %scan3A_446 = arith.constant 1 : i32
          %scan3A_447 = arith.addi %scan3A_138, %scan3A_446 : i32
          %mul3A_448 = arith.constant 16 : i32
          %mul3A_449 = arith.muli %scan3A_447, %mul3A_448 : i32
          %get3A_450 = arith.index_cast %mul3A_449 : i32 to index
          %get3A_451 = tpu.vector_load %arg8[%get3A_450] {strides = array<i32>} : memref<1280xi32, #tpu.memory_space<vmem>>, vector<16xi32>,
          %mul3A_452 = arith.constant 16 : i32
          %mul3A_453 = arith.muli %scan3A_447, %mul3A_452 : i32
          %get3A_454 = arith.index_cast %mul3A_453 : i32 to index
          %get3A_455 = tpu.vector_load %arg9[%get3A_454] {strides = array<i32>} : memref<1280xi32, #tpu.memory_space<vmem>>, vector<16xi32>,
          %sub3A_456 = arith.subi %get3A_451, %get3A_455 : vector<16xi32>
          %abs3A_457 = math.absi %sub3A_456 : vector<16xi32>
          %sub3A_458 = arith.constant 1 : i32
          %sub3A_459 = vector.broadcast %sub3A_458 : i32 to vector<16xi32>
          %sub3A_460 = arith.subi %abs3A_457, %sub3A_459 : vector<16xi32>
          %convert_element_type3A_461 = arith.sitofp %sub3A_460 : vector<16xi32> to vector<16xf32>
          %bitcast3A_462 = vector.bitcast %convert_element_type3A_461 : vector<16xf32> to vector<16xi32>
          %ge3A_463 = arith.constant 1 : i32
          %ge3A_464 = vector.broadcast %ge3A_463 : i32 to vector<16xi32>
          %ge3A_465 = arith.cmpi sge, %sub3A_460, %ge3A_464 : vector<16xi32>
          %shift_right_arithmetic3A_466 = arith.constant 23 : i32
          %shift_right_arithmetic3A_467 = vector.broadcast %shift_right_arithmetic3A_466 : i32 to vector<16xi32>
          %shift_right_arithmetic3A_468 = arith.shrsi %bitcast3A_462, %shift_right_arithmetic3A_467 : vector<16xi32>
          %sub3A_469 = arith.constant 126 : i32
          %sub3A_470 = vector.broadcast %sub3A_469 : i32 to vector<16xi32>
          %sub3A_471 = arith.subi %shift_right_arithmetic3A_468, %sub3A_470 : vector<16xi32>
          %jit3A_472 = arith.constant 0 : i32
          %broadcast_in_dim3A_473 = vector.broadcast %jit3A_472 : i32 to vector<16xi32>
          %select_n3A_474 = arith.select %ge3A_465, %sub3A_471, %broadcast_in_dim3A_473 : vector<16xi1>, vector<16xi32>
          %gather3A_475 = arith.constant 0 : i32
          %gather3A_476 = tpu.memref_slice %arg5[%gather3A_475] : memref<768xf32, #tpu.memory_space<vmem>> -> memref<17xf32, #tpu.memory_space<vmem>>
          %gather3A_477 = tpu.vector_load_idx %gather3A_476[%select_n3A_474] : memref<17xf32, #tpu.memory_space<vmem>>[vector<16xi32>], vector<16xf32>,
          %gather3A_478 = arith.constant 24 : i32
          %gather3A_479 = tpu.memref_slice %arg5[%gather3A_478] : memref<768xf32, #tpu.memory_space<vmem>> -> memref<17xf32, #tpu.memory_space<vmem>>
          %gather3A_480 = tpu.vector_load_idx %gather3A_479[%select_n3A_474] : memref<17xf32, #tpu.memory_space<vmem>>[vector<16xi32>], vector<16xf32>,
          %gather3A_481 = arith.constant 48 : i32
          %gather3A_482 = tpu.memref_slice %arg5[%gather3A_481] : memref<768xf32, #tpu.memory_space<vmem>> -> memref<17xf32, #tpu.memory_space<vmem>>
          %gather3A_483 = tpu.vector_load_idx %gather3A_482[%select_n3A_474] : memref<17xf32, #tpu.memory_space<vmem>>[vector<16xi32>], vector<16xf32>,
          %gather3A_484 = arith.constant 72 : i32
          %gather3A_485 = tpu.memref_slice %arg5[%gather3A_484] : memref<768xf32, #tpu.memory_space<vmem>> -> memref<17xf32, #tpu.memory_space<vmem>>
          %gather3A_486 = tpu.vector_load_idx %gather3A_485[%select_n3A_474] : memref<17xf32, #tpu.memory_space<vmem>>[vector<16xi32>], vector<16xf32>,
          %gather3A_487 = arith.constant 96 : i32
          %gather3A_488 = tpu.memref_slice %arg5[%gather3A_487] : memref<768xf32, #tpu.memory_space<vmem>> -> memref<17xf32, #tpu.memory_space<vmem>>
          %gather3A_489 = tpu.vector_load_idx %gather3A_488[%select_n3A_474] : memref<17xf32, #tpu.memory_space<vmem>>[vector<16xi32>], vector<16xf32>,
          %gather3A_490 = arith.constant 120 : i32
          %gather3A_491 = tpu.memref_slice %arg5[%gather3A_490] : memref<768xf32, #tpu.memory_space<vmem>> -> memref<17xf32, #tpu.memory_space<vmem>>
          %gather3A_492 = tpu.vector_load_idx %gather3A_491[%select_n3A_474] : memref<17xf32, #tpu.memory_space<vmem>>[vector<16xi32>], vector<16xf32>,
          %gather3A_493 = arith.constant 144 : i32
          %gather3A_494 = tpu.memref_slice %arg5[%gather3A_493] : memref<768xf32, #tpu.memory_space<vmem>> -> memref<17xf32, #tpu.memory_space<vmem>>
          %gather3A_495 = tpu.vector_load_idx %gather3A_494[%select_n3A_474] : memref<17xf32, #tpu.memory_space<vmem>>[vector<16xi32>], vector<16xf32>,
          %gather3A_496 = arith.constant 168 : i32
          %gather3A_497 = tpu.memref_slice %arg5[%gather3A_496] : memref<768xf32, #tpu.memory_space<vmem>> -> memref<17xf32, #tpu.memory_space<vmem>>
          %gather3A_498 = tpu.vector_load_idx %gather3A_497[%select_n3A_474] : memref<17xf32, #tpu.memory_space<vmem>>[vector<16xi32>], vector<16xf32>,
          %gather3A_499 = arith.constant 192 : i32
          %gather3A_500 = tpu.memref_slice %arg5[%gather3A_499] : memref<768xf32, #tpu.memory_space<vmem>> -> memref<17xf32, #tpu.memory_space<vmem>>
          %gather3A_501 = tpu.vector_load_idx %gather3A_500[%select_n3A_474] : memref<17xf32, #tpu.memory_space<vmem>>[vector<16xi32>], vector<16xf32>,
          %mul3A_502 = arith.constant 16 : i32
          %mul3A_503 = arith.muli %scan3A_447, %mul3A_502 : i32
          %swap3A_504 = arith.constant 0 : i32
          %swap3A_505 = arith.index_cast %swap3A_504 : i32 to index
          %swap3A_506 = arith.index_cast %mul3A_503 : i32 to index
          %swap3A_507 = tpu.vector_load %arg11[%swap3A_505, %swap3A_506] {strides = array<i32>} : memref<32x1280xf32, #tpu.memory_space<vmem>>, vector<16xf32>,
          tpu.vector_store %arg11[%swap3A_505, %swap3A_506], %gather3A_477 {strides = array<i32>} : memref<32x1280xf32, #tpu.memory_space<vmem>>, vector<16xf32>,
          %gather3A_508 = arith.constant 216 : i32
          %gather3A_509 = tpu.memref_slice %arg5[%gather3A_508] : memref<768xf32, #tpu.memory_space<vmem>> -> memref<17xf32, #tpu.memory_space<vmem>>
          %gather3A_510 = tpu.vector_load_idx %gather3A_509[%select_n3A_474] : memref<17xf32, #tpu.memory_space<vmem>>[vector<16xi32>], vector<16xf32>,
          %mul3A_511 = arith.constant 16 : i32
          %mul3A_512 = arith.muli %scan3A_447, %mul3A_511 : i32
          %swap3A_513 = arith.constant 1 : i32
          %swap3A_514 = arith.index_cast %swap3A_513 : i32 to index
          %swap3A_515 = arith.index_cast %mul3A_512 : i32 to index
          %swap3A_516 = tpu.vector_load %arg11[%swap3A_514, %swap3A_515] {strides = array<i32>} : memref<32x1280xf32, #tpu.memory_space<vmem>>, vector<16xf32>,
          tpu.vector_store %arg11[%swap3A_514, %swap3A_515], %gather3A_480 {strides = array<i32>} : memref<32x1280xf32, #tpu.memory_space<vmem>>, vector<16xf32>,
          %gather3A_517 = arith.constant 240 : i32
          %gather3A_518 = tpu.memref_slice %arg5[%gather3A_517] : memref<768xf32, #tpu.memory_space<vmem>> -> memref<17xf32, #tpu.memory_space<vmem>>
          %gather3A_519 = tpu.vector_load_idx %gather3A_518[%select_n3A_474] : memref<17xf32, #tpu.memory_space<vmem>>[vector<16xi32>], vector<16xf32>,
          %mul3A_520 = arith.constant 16 : i32
          %mul3A_521 = arith.muli %scan3A_447, %mul3A_520 : i32
          %swap3A_522 = arith.constant 2 : i32
          %swap3A_523 = arith.index_cast %swap3A_522 : i32 to index
          %swap3A_524 = arith.index_cast %mul3A_521 : i32 to index
          %swap3A_525 = tpu.vector_load %arg11[%swap3A_523, %swap3A_524] {strides = array<i32>} : memref<32x1280xf32, #tpu.memory_space<vmem>>, vector<16xf32>,
          tpu.vector_store %arg11[%swap3A_523, %swap3A_524], %gather3A_483 {strides = array<i32>} : memref<32x1280xf32, #tpu.memory_space<vmem>>, vector<16xf32>,
          %gather3A_526 = arith.constant 264 : i32
          %gather3A_527 = tpu.memref_slice %arg5[%gather3A_526] : memref<768xf32, #tpu.memory_space<vmem>> -> memref<17xf32, #tpu.memory_space<vmem>>
          %gather3A_528 = tpu.vector_load_idx %gather3A_527[%select_n3A_474] : memref<17xf32, #tpu.memory_space<vmem>>[vector<16xi32>], vector<16xf32>,
          %mul3A_529 = arith.constant 16 : i32
          %mul3A_530 = arith.muli %scan3A_447, %mul3A_529 : i32
          %swap3A_531 = arith.constant 3 : i32
          %swap3A_532 = arith.index_cast %swap3A_531 : i32 to index
          %swap3A_533 = arith.index_cast %mul3A_530 : i32 to index
          %swap3A_534 = tpu.vector_load %arg11[%swap3A_532, %swap3A_533] {strides = array<i32>} : memref<32x1280xf32, #tpu.memory_space<vmem>>, vector<16xf32>,
          tpu.vector_store %arg11[%swap3A_532, %swap3A_533], %gather3A_486 {strides = array<i32>} : memref<32x1280xf32, #tpu.memory_space<vmem>>, vector<16xf32>,
          %gather3A_535 = arith.constant 288 : i32
          %gather3A_536 = tpu.memref_slice %arg5[%gather3A_535] : memref<768xf32, #tpu.memory_space<vmem>> -> memref<17xf32, #tpu.memory_space<vmem>>
          %gather3A_537 = tpu.vector_load_idx %gather3A_536[%select_n3A_474] : memref<17xf32, #tpu.memory_space<vmem>>[vector<16xi32>], vector<16xf32>,
          %mul3A_538 = arith.constant 16 : i32
          %mul3A_539 = arith.muli %scan3A_447, %mul3A_538 : i32
          %swap3A_540 = arith.constant 4 : i32
          %swap3A_541 = arith.index_cast %swap3A_540 : i32 to index
          %swap3A_542 = arith.index_cast %mul3A_539 : i32 to index
          %swap3A_543 = tpu.vector_load %arg11[%swap3A_541, %swap3A_542] {strides = array<i32>} : memref<32x1280xf32, #tpu.memory_space<vmem>>, vector<16xf32>,
          tpu.vector_store %arg11[%swap3A_541, %swap3A_542], %gather3A_489 {strides = array<i32>} : memref<32x1280xf32, #tpu.memory_space<vmem>>, vector<16xf32>,
          %gather3A_544 = arith.constant 312 : i32
          %gather3A_545 = tpu.memref_slice %arg5[%gather3A_544] : memref<768xf32, #tpu.memory_space<vmem>> -> memref<17xf32, #tpu.memory_space<vmem>>
          %gather3A_546 = tpu.vector_load_idx %gather3A_545[%select_n3A_474] : memref<17xf32, #tpu.memory_space<vmem>>[vector<16xi32>], vector<16xf32>,
          %mul3A_547 = arith.constant 16 : i32
          %mul3A_548 = arith.muli %scan3A_447, %mul3A_547 : i32
          %swap3A_549 = arith.constant 5 : i32
          %swap3A_550 = arith.index_cast %swap3A_549 : i32 to index
          %swap3A_551 = arith.index_cast %mul3A_548 : i32 to index
          %swap3A_552 = tpu.vector_load %arg11[%swap3A_550, %swap3A_551] {strides = array<i32>} : memref<32x1280xf32, #tpu.memory_space<vmem>>, vector<16xf32>,
          tpu.vector_store %arg11[%swap3A_550, %swap3A_551], %gather3A_492 {strides = array<i32>} : memref<32x1280xf32, #tpu.memory_space<vmem>>, vector<16xf32>,
          %gather3A_553 = arith.constant 336 : i32
          %gather3A_554 = tpu.memref_slice %arg5[%gather3A_553] : memref<768xf32, #tpu.memory_space<vmem>> -> memref<17xf32, #tpu.memory_space<vmem>>
          %gather3A_555 = tpu.vector_load_idx %gather3A_554[%select_n3A_474] : memref<17xf32, #tpu.memory_space<vmem>>[vector<16xi32>], vector<16xf32>,
          %mul3A_556 = arith.constant 16 : i32
          %mul3A_557 = arith.muli %scan3A_447, %mul3A_556 : i32
          %swap3A_558 = arith.constant 6 : i32
          %swap3A_559 = arith.index_cast %swap3A_558 : i32 to index
          %swap3A_560 = arith.index_cast %mul3A_557 : i32 to index
          %swap3A_561 = tpu.vector_load %arg11[%swap3A_559, %swap3A_560] {strides = array<i32>} : memref<32x1280xf32, #tpu.memory_space<vmem>>, vector<16xf32>,
          tpu.vector_store %arg11[%swap3A_559, %swap3A_560], %gather3A_495 {strides = array<i32>} : memref<32x1280xf32, #tpu.memory_space<vmem>>, vector<16xf32>,
          %gather3A_562 = arith.constant 360 : i32
          %gather3A_563 = tpu.memref_slice %arg5[%gather3A_562] : memref<768xf32, #tpu.memory_space<vmem>> -> memref<17xf32, #tpu.memory_space<vmem>>
          %gather3A_564 = tpu.vector_load_idx %gather3A_563[%select_n3A_474] : memref<17xf32, #tpu.memory_space<vmem>>[vector<16xi32>], vector<16xf32>,
          %mul3A_565 = arith.constant 16 : i32
          %mul3A_566 = arith.muli %scan3A_447, %mul3A_565 : i32
          %swap3A_567 = arith.constant 7 : i32
          %swap3A_568 = arith.index_cast %swap3A_567 : i32 to index
          %swap3A_569 = arith.index_cast %mul3A_566 : i32 to index
          %swap3A_570 = tpu.vector_load %arg11[%swap3A_568, %swap3A_569] {strides = array<i32>} : memref<32x1280xf32, #tpu.memory_space<vmem>>, vector<16xf32>,
          tpu.vector_store %arg11[%swap3A_568, %swap3A_569], %gather3A_498 {strides = array<i32>} : memref<32x1280xf32, #tpu.memory_space<vmem>>, vector<16xf32>,
          %gather3A_571 = arith.constant 384 : i32
          %gather3A_572 = tpu.memref_slice %arg5[%gather3A_571] : memref<768xf32, #tpu.memory_space<vmem>> -> memref<17xf32, #tpu.memory_space<vmem>>
          %gather3A_573 = tpu.vector_load_idx %gather3A_572[%select_n3A_474] : memref<17xf32, #tpu.memory_space<vmem>>[vector<16xi32>], vector<16xf32>,
          %mul3A_574 = arith.constant 16 : i32
          %mul3A_575 = arith.muli %scan3A_447, %mul3A_574 : i32
          %swap3A_576 = arith.constant 8 : i32
          %swap3A_577 = arith.index_cast %swap3A_576 : i32 to index
          %swap3A_578 = arith.index_cast %mul3A_575 : i32 to index
          %swap3A_579 = tpu.vector_load %arg11[%swap3A_577, %swap3A_578] {strides = array<i32>} : memref<32x1280xf32, #tpu.memory_space<vmem>>, vector<16xf32>,
          tpu.vector_store %arg11[%swap3A_577, %swap3A_578], %gather3A_501 {strides = array<i32>} : memref<32x1280xf32, #tpu.memory_space<vmem>>, vector<16xf32>,
          %gather3A_580 = arith.constant 408 : i32
          %gather3A_581 = tpu.memref_slice %arg5[%gather3A_580] : memref<768xf32, #tpu.memory_space<vmem>> -> memref<17xf32, #tpu.memory_space<vmem>>
          %gather3A_582 = tpu.vector_load_idx %gather3A_581[%select_n3A_474] : memref<17xf32, #tpu.memory_space<vmem>>[vector<16xi32>], vector<16xf32>,
          %mul3A_583 = arith.constant 16 : i32
          %mul3A_584 = arith.muli %scan3A_447, %mul3A_583 : i32
          %swap3A_585 = arith.constant 9 : i32
          %swap3A_586 = arith.index_cast %swap3A_585 : i32 to index
          %swap3A_587 = arith.index_cast %mul3A_584 : i32 to index
          %swap3A_588 = tpu.vector_load %arg11[%swap3A_586, %swap3A_587] {strides = array<i32>} : memref<32x1280xf32, #tpu.memory_space<vmem>>, vector<16xf32>,
          tpu.vector_store %arg11[%swap3A_586, %swap3A_587], %gather3A_510 {strides = array<i32>} : memref<32x1280xf32, #tpu.memory_space<vmem>>, vector<16xf32>,
          %gather3A_589 = arith.constant 432 : i32
          %gather3A_590 = tpu.memref_slice %arg5[%gather3A_589] : memref<768xf32, #tpu.memory_space<vmem>> -> memref<17xf32, #tpu.memory_space<vmem>>
          %gather3A_591 = tpu.vector_load_idx %gather3A_590[%select_n3A_474] : memref<17xf32, #tpu.memory_space<vmem>>[vector<16xi32>], vector<16xf32>,
          %mul3A_592 = arith.constant 16 : i32
          %mul3A_593 = arith.muli %scan3A_447, %mul3A_592 : i32
          %swap3A_594 = arith.constant 10 : i32
          %swap3A_595 = arith.index_cast %swap3A_594 : i32 to index
          %swap3A_596 = arith.index_cast %mul3A_593 : i32 to index
          %swap3A_597 = tpu.vector_load %arg11[%swap3A_595, %swap3A_596] {strides = array<i32>} : memref<32x1280xf32, #tpu.memory_space<vmem>>, vector<16xf32>,
          tpu.vector_store %arg11[%swap3A_595, %swap3A_596], %gather3A_519 {strides = array<i32>} : memref<32x1280xf32, #tpu.memory_space<vmem>>, vector<16xf32>,
          %gather3A_598 = arith.constant 456 : i32
          %gather3A_599 = tpu.memref_slice %arg5[%gather3A_598] : memref<768xf32, #tpu.memory_space<vmem>> -> memref<17xf32, #tpu.memory_space<vmem>>
          %gather3A_600 = tpu.vector_load_idx %gather3A_599[%select_n3A_474] : memref<17xf32, #tpu.memory_space<vmem>>[vector<16xi32>], vector<16xf32>,
          %mul3A_601 = arith.constant 16 : i32
          %mul3A_602 = arith.muli %scan3A_447, %mul3A_601 : i32
          %swap3A_603 = arith.constant 11 : i32
          %swap3A_604 = arith.index_cast %swap3A_603 : i32 to index
          %swap3A_605 = arith.index_cast %mul3A_602 : i32 to index
          %swap3A_606 = tpu.vector_load %arg11[%swap3A_604, %swap3A_605] {strides = array<i32>} : memref<32x1280xf32, #tpu.memory_space<vmem>>, vector<16xf32>,
          tpu.vector_store %arg11[%swap3A_604, %swap3A_605], %gather3A_528 {strides = array<i32>} : memref<32x1280xf32, #tpu.memory_space<vmem>>, vector<16xf32>,
          %gather3A_607 = arith.constant 480 : i32
          %gather3A_608 = tpu.memref_slice %arg5[%gather3A_607] : memref<768xf32, #tpu.memory_space<vmem>> -> memref<17xf32, #tpu.memory_space<vmem>>
          %gather3A_609 = tpu.vector_load_idx %gather3A_608[%select_n3A_474] : memref<17xf32, #tpu.memory_space<vmem>>[vector<16xi32>], vector<16xf32>,
          %mul3A_610 = arith.constant 16 : i32
          %mul3A_611 = arith.muli %scan3A_447, %mul3A_610 : i32
          %swap3A_612 = arith.constant 12 : i32
          %swap3A_613 = arith.index_cast %swap3A_612 : i32 to index
          %swap3A_614 = arith.index_cast %mul3A_611 : i32 to index
          %swap3A_615 = tpu.vector_load %arg11[%swap3A_613, %swap3A_614] {strides = array<i32>} : memref<32x1280xf32, #tpu.memory_space<vmem>>, vector<16xf32>,
          tpu.vector_store %arg11[%swap3A_613, %swap3A_614], %gather3A_537 {strides = array<i32>} : memref<32x1280xf32, #tpu.memory_space<vmem>>, vector<16xf32>,
          %gather3A_616 = arith.constant 504 : i32
          %gather3A_617 = tpu.memref_slice %arg5[%gather3A_616] : memref<768xf32, #tpu.memory_space<vmem>> -> memref<17xf32, #tpu.memory_space<vmem>>
          %gather3A_618 = tpu.vector_load_idx %gather3A_617[%select_n3A_474] : memref<17xf32, #tpu.memory_space<vmem>>[vector<16xi32>], vector<16xf32>,
          %mul3A_619 = arith.constant 16 : i32
          %mul3A_620 = arith.muli %scan3A_447, %mul3A_619 : i32
          %swap3A_621 = arith.constant 13 : i32
          %swap3A_622 = arith.index_cast %swap3A_621 : i32 to index
          %swap3A_623 = arith.index_cast %mul3A_620 : i32 to index
          %swap3A_624 = tpu.vector_load %arg11[%swap3A_622, %swap3A_623] {strides = array<i32>} : memref<32x1280xf32, #tpu.memory_space<vmem>>, vector<16xf32>,
          tpu.vector_store %arg11[%swap3A_622, %swap3A_623], %gather3A_546 {strides = array<i32>} : memref<32x1280xf32, #tpu.memory_space<vmem>>, vector<16xf32>,
          %gather3A_625 = arith.constant 528 : i32
          %gather3A_626 = tpu.memref_slice %arg5[%gather3A_625] : memref<768xf32, #tpu.memory_space<vmem>> -> memref<17xf32, #tpu.memory_space<vmem>>
          %gather3A_627 = tpu.vector_load_idx %gather3A_626[%select_n3A_474] : memref<17xf32, #tpu.memory_space<vmem>>[vector<16xi32>], vector<16xf32>,
          %mul3A_628 = arith.constant 16 : i32
          %mul3A_629 = arith.muli %scan3A_447, %mul3A_628 : i32
          %swap3A_630 = arith.constant 14 : i32
          %swap3A_631 = arith.index_cast %swap3A_630 : i32 to index
          %swap3A_632 = arith.index_cast %mul3A_629 : i32 to index
          %swap3A_633 = tpu.vector_load %arg11[%swap3A_631, %swap3A_632] {strides = array<i32>} : memref<32x1280xf32, #tpu.memory_space<vmem>>, vector<16xf32>,
          tpu.vector_store %arg11[%swap3A_631, %swap3A_632], %gather3A_555 {strides = array<i32>} : memref<32x1280xf32, #tpu.memory_space<vmem>>, vector<16xf32>,
          %gather3A_634 = arith.constant 552 : i32
          %gather3A_635 = tpu.memref_slice %arg5[%gather3A_634] : memref<768xf32, #tpu.memory_space<vmem>> -> memref<17xf32, #tpu.memory_space<vmem>>
          %gather3A_636 = tpu.vector_load_idx %gather3A_635[%select_n3A_474] : memref<17xf32, #tpu.memory_space<vmem>>[vector<16xi32>], vector<16xf32>,
          %mul3A_637 = arith.constant 16 : i32
          %mul3A_638 = arith.muli %scan3A_447, %mul3A_637 : i32
          %swap3A_639 = arith.constant 15 : i32
          %swap3A_640 = arith.index_cast %swap3A_639 : i32 to index
          %swap3A_641 = arith.index_cast %mul3A_638 : i32 to index
          %swap3A_642 = tpu.vector_load %arg11[%swap3A_640, %swap3A_641] {strides = array<i32>} : memref<32x1280xf32, #tpu.memory_space<vmem>>, vector<16xf32>,
          tpu.vector_store %arg11[%swap3A_640, %swap3A_641], %gather3A_564 {strides = array<i32>} : memref<32x1280xf32, #tpu.memory_space<vmem>>, vector<16xf32>,
          %gather3A_643 = arith.constant 576 : i32
          %gather3A_644 = tpu.memref_slice %arg5[%gather3A_643] : memref<768xf32, #tpu.memory_space<vmem>> -> memref<17xf32, #tpu.memory_space<vmem>>
          %gather3A_645 = tpu.vector_load_idx %gather3A_644[%select_n3A_474] : memref<17xf32, #tpu.memory_space<vmem>>[vector<16xi32>], vector<16xf32>,
          %mul3A_646 = arith.constant 16 : i32
          %mul3A_647 = arith.muli %scan3A_447, %mul3A_646 : i32
          %swap3A_648 = arith.constant 16 : i32
          %swap3A_649 = arith.index_cast %swap3A_648 : i32 to index
          %swap3A_650 = arith.index_cast %mul3A_647 : i32 to index
          %swap3A_651 = tpu.vector_load %arg11[%swap3A_649, %swap3A_650] {strides = array<i32>} : memref<32x1280xf32, #tpu.memory_space<vmem>>, vector<16xf32>,
          tpu.vector_store %arg11[%swap3A_649, %swap3A_650], %gather3A_573 {strides = array<i32>} : memref<32x1280xf32, #tpu.memory_space<vmem>>, vector<16xf32>,
          %gather3A_652 = arith.constant 600 : i32
          %gather3A_653 = tpu.memref_slice %arg5[%gather3A_652] : memref<768xf32, #tpu.memory_space<vmem>> -> memref<17xf32, #tpu.memory_space<vmem>>
          %gather3A_654 = tpu.vector_load_idx %gather3A_653[%select_n3A_474] : memref<17xf32, #tpu.memory_space<vmem>>[vector<16xi32>], vector<16xf32>,
          %mul3A_655 = arith.constant 16 : i32
          %mul3A_656 = arith.muli %scan3A_447, %mul3A_655 : i32
          %swap3A_657 = arith.constant 17 : i32
          %swap3A_658 = arith.index_cast %swap3A_657 : i32 to index
          %swap3A_659 = arith.index_cast %mul3A_656 : i32 to index
          %swap3A_660 = tpu.vector_load %arg11[%swap3A_658, %swap3A_659] {strides = array<i32>} : memref<32x1280xf32, #tpu.memory_space<vmem>>, vector<16xf32>,
          tpu.vector_store %arg11[%swap3A_658, %swap3A_659], %gather3A_582 {strides = array<i32>} : memref<32x1280xf32, #tpu.memory_space<vmem>>, vector<16xf32>,
          %gather3A_661 = arith.constant 624 : i32
          %gather3A_662 = tpu.memref_slice %arg5[%gather3A_661] : memref<768xf32, #tpu.memory_space<vmem>> -> memref<17xf32, #tpu.memory_space<vmem>>
          %gather3A_663 = tpu.vector_load_idx %gather3A_662[%select_n3A_474] : memref<17xf32, #tpu.memory_space<vmem>>[vector<16xi32>], vector<16xf32>,
          %mul3A_664 = arith.constant 16 : i32
          %mul3A_665 = arith.muli %scan3A_447, %mul3A_664 : i32
          %swap3A_666 = arith.constant 18 : i32
          %swap3A_667 = arith.index_cast %swap3A_666 : i32 to index
          %swap3A_668 = arith.index_cast %mul3A_665 : i32 to index
          %swap3A_669 = tpu.vector_load %arg11[%swap3A_667, %swap3A_668] {strides = array<i32>} : memref<32x1280xf32, #tpu.memory_space<vmem>>, vector<16xf32>,
          tpu.vector_store %arg11[%swap3A_667, %swap3A_668], %gather3A_591 {strides = array<i32>} : memref<32x1280xf32, #tpu.memory_space<vmem>>, vector<16xf32>,
          %gather3A_670 = arith.constant 648 : i32
          %gather3A_671 = tpu.memref_slice %arg5[%gather3A_670] : memref<768xf32, #tpu.memory_space<vmem>> -> memref<17xf32, #tpu.memory_space<vmem>>
          %gather3A_672 = tpu.vector_load_idx %gather3A_671[%select_n3A_474] : memref<17xf32, #tpu.memory_space<vmem>>[vector<16xi32>], vector<16xf32>,
          %mul3A_673 = arith.constant 16 : i32
          %mul3A_674 = arith.muli %scan3A_447, %mul3A_673 : i32
          %swap3A_675 = arith.constant 19 : i32
          %swap3A_676 = arith.index_cast %swap3A_675 : i32 to index
          %swap3A_677 = arith.index_cast %mul3A_674 : i32 to index
          %swap3A_678 = tpu.vector_load %arg11[%swap3A_676, %swap3A_677] {strides = array<i32>} : memref<32x1280xf32, #tpu.memory_space<vmem>>, vector<16xf32>,
          tpu.vector_store %arg11[%swap3A_676, %swap3A_677], %gather3A_600 {strides = array<i32>} : memref<32x1280xf32, #tpu.memory_space<vmem>>, vector<16xf32>,
          %gather3A_679 = arith.constant 672 : i32
          %gather3A_680 = tpu.memref_slice %arg5[%gather3A_679] : memref<768xf32, #tpu.memory_space<vmem>> -> memref<17xf32, #tpu.memory_space<vmem>>
          %gather3A_681 = tpu.vector_load_idx %gather3A_680[%select_n3A_474] : memref<17xf32, #tpu.memory_space<vmem>>[vector<16xi32>], vector<16xf32>,
          %mul3A_682 = arith.constant 16 : i32
          %mul3A_683 = arith.muli %scan3A_447, %mul3A_682 : i32
          %swap3A_684 = arith.constant 20 : i32
          %swap3A_685 = arith.index_cast %swap3A_684 : i32 to index
          %swap3A_686 = arith.index_cast %mul3A_683 : i32 to index
          %swap3A_687 = tpu.vector_load %arg11[%swap3A_685, %swap3A_686] {strides = array<i32>} : memref<32x1280xf32, #tpu.memory_space<vmem>>, vector<16xf32>,
          tpu.vector_store %arg11[%swap3A_685, %swap3A_686], %gather3A_609 {strides = array<i32>} : memref<32x1280xf32, #tpu.memory_space<vmem>>, vector<16xf32>,
          %gather3A_688 = arith.constant 696 : i32
          %gather3A_689 = tpu.memref_slice %arg5[%gather3A_688] : memref<768xf32, #tpu.memory_space<vmem>> -> memref<17xf32, #tpu.memory_space<vmem>>
          %gather3A_690 = tpu.vector_load_idx %gather3A_689[%select_n3A_474] : memref<17xf32, #tpu.memory_space<vmem>>[vector<16xi32>], vector<16xf32>,
          %mul3A_691 = arith.constant 16 : i32
          %mul3A_692 = arith.muli %scan3A_447, %mul3A_691 : i32
          %swap3A_693 = arith.constant 21 : i32
          %swap3A_694 = arith.index_cast %swap3A_693 : i32 to index
          %swap3A_695 = arith.index_cast %mul3A_692 : i32 to index
          %swap3A_696 = tpu.vector_load %arg11[%swap3A_694, %swap3A_695] {strides = array<i32>} : memref<32x1280xf32, #tpu.memory_space<vmem>>, vector<16xf32>,
          tpu.vector_store %arg11[%swap3A_694, %swap3A_695], %gather3A_618 {strides = array<i32>} : memref<32x1280xf32, #tpu.memory_space<vmem>>, vector<16xf32>,
          %gather3A_697 = arith.constant 720 : i32
          %gather3A_698 = tpu.memref_slice %arg5[%gather3A_697] : memref<768xf32, #tpu.memory_space<vmem>> -> memref<17xf32, #tpu.memory_space<vmem>>
          %gather3A_699 = tpu.vector_load_idx %gather3A_698[%select_n3A_474] : memref<17xf32, #tpu.memory_space<vmem>>[vector<16xi32>], vector<16xf32>,
          %mul3A_700 = arith.constant 16 : i32
          %mul3A_701 = arith.muli %scan3A_447, %mul3A_700 : i32
          %swap3A_702 = arith.constant 22 : i32
          %swap3A_703 = arith.index_cast %swap3A_702 : i32 to index
          %swap3A_704 = arith.index_cast %mul3A_701 : i32 to index
          %swap3A_705 = tpu.vector_load %arg11[%swap3A_703, %swap3A_704] {strides = array<i32>} : memref<32x1280xf32, #tpu.memory_space<vmem>>, vector<16xf32>,
          tpu.vector_store %arg11[%swap3A_703, %swap3A_704], %gather3A_627 {strides = array<i32>} : memref<32x1280xf32, #tpu.memory_space<vmem>>, vector<16xf32>,
          %gather3A_706 = arith.constant 744 : i32
          %gather3A_707 = tpu.memref_slice %arg5[%gather3A_706] : memref<768xf32, #tpu.memory_space<vmem>> -> memref<17xf32, #tpu.memory_space<vmem>>
          %gather3A_708 = tpu.vector_load_idx %gather3A_707[%select_n3A_474] : memref<17xf32, #tpu.memory_space<vmem>>[vector<16xi32>], vector<16xf32>,
          %mul3A_709 = arith.constant 16 : i32
          %mul3A_710 = arith.muli %scan3A_447, %mul3A_709 : i32
          %swap3A_711 = arith.constant 23 : i32
          %swap3A_712 = arith.index_cast %swap3A_711 : i32 to index
          %swap3A_713 = arith.index_cast %mul3A_710 : i32 to index
          %swap3A_714 = tpu.vector_load %arg11[%swap3A_712, %swap3A_713] {strides = array<i32>} : memref<32x1280xf32, #tpu.memory_space<vmem>>, vector<16xf32>,
          tpu.vector_store %arg11[%swap3A_712, %swap3A_713], %gather3A_636 {strides = array<i32>} : memref<32x1280xf32, #tpu.memory_space<vmem>>, vector<16xf32>,
          %mul3A_715 = arith.constant 16 : i32
          %mul3A_716 = arith.muli %scan3A_447, %mul3A_715 : i32
          %swap3A_717 = arith.constant 24 : i32
          %swap3A_718 = arith.index_cast %swap3A_717 : i32 to index
          %swap3A_719 = arith.index_cast %mul3A_716 : i32 to index
          %swap3A_720 = tpu.vector_load %arg11[%swap3A_718, %swap3A_719] {strides = array<i32>} : memref<32x1280xf32, #tpu.memory_space<vmem>>, vector<16xf32>,
          tpu.vector_store %arg11[%swap3A_718, %swap3A_719], %gather3A_645 {strides = array<i32>} : memref<32x1280xf32, #tpu.memory_space<vmem>>, vector<16xf32>,
          %mul3A_721 = arith.constant 16 : i32
          %mul3A_722 = arith.muli %scan3A_447, %mul3A_721 : i32
          %swap3A_723 = arith.constant 25 : i32
          %swap3A_724 = arith.index_cast %swap3A_723 : i32 to index
          %swap3A_725 = arith.index_cast %mul3A_722 : i32 to index
          %swap3A_726 = tpu.vector_load %arg11[%swap3A_724, %swap3A_725] {strides = array<i32>} : memref<32x1280xf32, #tpu.memory_space<vmem>>, vector<16xf32>,
          tpu.vector_store %arg11[%swap3A_724, %swap3A_725], %gather3A_654 {strides = array<i32>} : memref<32x1280xf32, #tpu.memory_space<vmem>>, vector<16xf32>,
          %mul3A_727 = arith.constant 16 : i32
          %mul3A_728 = arith.muli %scan3A_447, %mul3A_727 : i32
          %swap3A_729 = arith.constant 26 : i32
          %swap3A_730 = arith.index_cast %swap3A_729 : i32 to index
          %swap3A_731 = arith.index_cast %mul3A_728 : i32 to index
          %swap3A_732 = tpu.vector_load %arg11[%swap3A_730, %swap3A_731] {strides = array<i32>} : memref<32x1280xf32, #tpu.memory_space<vmem>>, vector<16xf32>,
          tpu.vector_store %arg11[%swap3A_730, %swap3A_731], %gather3A_663 {strides = array<i32>} : memref<32x1280xf32, #tpu.memory_space<vmem>>, vector<16xf32>,
          %mul3A_733 = arith.constant 16 : i32
          %mul3A_734 = arith.muli %scan3A_447, %mul3A_733 : i32
          %swap3A_735 = arith.constant 27 : i32
          %swap3A_736 = arith.index_cast %swap3A_735 : i32 to index
          %swap3A_737 = arith.index_cast %mul3A_734 : i32 to index
          %swap3A_738 = tpu.vector_load %arg11[%swap3A_736, %swap3A_737] {strides = array<i32>} : memref<32x1280xf32, #tpu.memory_space<vmem>>, vector<16xf32>,
          tpu.vector_store %arg11[%swap3A_736, %swap3A_737], %gather3A_672 {strides = array<i32>} : memref<32x1280xf32, #tpu.memory_space<vmem>>, vector<16xf32>,
          %mul3A_739 = arith.constant 16 : i32
          %mul3A_740 = arith.muli %scan3A_447, %mul3A_739 : i32
          %swap3A_741 = arith.constant 28 : i32
          %swap3A_742 = arith.index_cast %swap3A_741 : i32 to index
          %swap3A_743 = arith.index_cast %mul3A_740 : i32 to index
          %swap3A_744 = tpu.vector_load %arg11[%swap3A_742, %swap3A_743] {strides = array<i32>} : memref<32x1280xf32, #tpu.memory_space<vmem>>, vector<16xf32>,
          tpu.vector_store %arg11[%swap3A_742, %swap3A_743], %gather3A_681 {strides = array<i32>} : memref<32x1280xf32, #tpu.memory_space<vmem>>, vector<16xf32>,
          %mul3A_745 = arith.constant 16 : i32
          %mul3A_746 = arith.muli %scan3A_447, %mul3A_745 : i32
          %swap3A_747 = arith.constant 29 : i32
          %swap3A_748 = arith.index_cast %swap3A_747 : i32 to index
          %swap3A_749 = arith.index_cast %mul3A_746 : i32 to index
          %swap3A_750 = tpu.vector_load %arg11[%swap3A_748, %swap3A_749] {strides = array<i32>} : memref<32x1280xf32, #tpu.memory_space<vmem>>, vector<16xf32>,
          tpu.vector_store %arg11[%swap3A_748, %swap3A_749], %gather3A_690 {strides = array<i32>} : memref<32x1280xf32, #tpu.memory_space<vmem>>, vector<16xf32>,
          %mul3A_751 = arith.constant 16 : i32
          %mul3A_752 = arith.muli %scan3A_447, %mul3A_751 : i32
          %swap3A_753 = arith.constant 30 : i32
          %swap3A_754 = arith.index_cast %swap3A_753 : i32 to index
          %swap3A_755 = arith.index_cast %mul3A_752 : i32 to index
          %swap3A_756 = tpu.vector_load %arg11[%swap3A_754, %swap3A_755] {strides = array<i32>} : memref<32x1280xf32, #tpu.memory_space<vmem>>, vector<16xf32>,
          tpu.vector_store %arg11[%swap3A_754, %swap3A_755], %gather3A_699 {strides = array<i32>} : memref<32x1280xf32, #tpu.memory_space<vmem>>, vector<16xf32>,
          %mul3A_757 = arith.constant 16 : i32
          %mul3A_758 = arith.muli %scan3A_447, %mul3A_757 : i32
          %swap3A_759 = arith.constant 31 : i32
          %swap3A_760 = arith.index_cast %swap3A_759 : i32 to index
          %swap3A_761 = arith.index_cast %mul3A_758 : i32 to index
          %swap3A_762 = tpu.vector_load %arg11[%swap3A_760, %swap3A_761] {strides = array<i32>} : memref<32x1280xf32, #tpu.memory_space<vmem>>, vector<16xf32>,
          tpu.vector_store %arg11[%swap3A_760, %swap3A_761], %gather3A_708 {strides = array<i32>} : memref<32x1280xf32, #tpu.memory_space<vmem>>, vector<16xf32>,
          %scan3A_763 = arith.constant 2 : i32
          %scan3A_764 = arith.addi %scan3A_138, %scan3A_763 : i32
          %mul3A_765 = arith.constant 16 : i32
          %mul3A_766 = arith.muli %scan3A_764, %mul3A_765 : i32
          %get3A_767 = arith.index_cast %mul3A_766 : i32 to index
          %get3A_768 = tpu.vector_load %arg8[%get3A_767] {strides = array<i32>} : memref<1280xi32, #tpu.memory_space<vmem>>, vector<16xi32>,
          %mul3A_769 = arith.constant 16 : i32
          %mul3A_770 = arith.muli %scan3A_764, %mul3A_769 : i32
          %get3A_771 = arith.index_cast %mul3A_770 : i32 to index
          %get3A_772 = tpu.vector_load %arg9[%get3A_771] {strides = array<i32>} : memref<1280xi32, #tpu.memory_space<vmem>>, vector<16xi32>,
          %sub3A_773 = arith.subi %get3A_768, %get3A_772 : vector<16xi32>
          %abs3A_774 = math.absi %sub3A_773 : vector<16xi32>
          %sub3A_775 = arith.constant 1 : i32
          %sub3A_776 = vector.broadcast %sub3A_775 : i32 to vector<16xi32>
          %sub3A_777 = arith.subi %abs3A_774, %sub3A_776 : vector<16xi32>
          %convert_element_type3A_778 = arith.sitofp %sub3A_777 : vector<16xi32> to vector<16xf32>
          %bitcast3A_779 = vector.bitcast %convert_element_type3A_778 : vector<16xf32> to vector<16xi32>
          %ge3A_780 = arith.constant 1 : i32
          %ge3A_781 = vector.broadcast %ge3A_780 : i32 to vector<16xi32>
          %ge3A_782 = arith.cmpi sge, %sub3A_777, %ge3A_781 : vector<16xi32>
          %shift_right_arithmetic3A_783 = arith.constant 23 : i32
          %shift_right_arithmetic3A_784 = vector.broadcast %shift_right_arithmetic3A_783 : i32 to vector<16xi32>
          %shift_right_arithmetic3A_785 = arith.shrsi %bitcast3A_779, %shift_right_arithmetic3A_784 : vector<16xi32>
          %sub3A_786 = arith.constant 126 : i32
          %sub3A_787 = vector.broadcast %sub3A_786 : i32 to vector<16xi32>
          %sub3A_788 = arith.subi %shift_right_arithmetic3A_785, %sub3A_787 : vector<16xi32>
          %jit3A_789 = arith.constant 0 : i32
          %broadcast_in_dim3A_790 = vector.broadcast %jit3A_789 : i32 to vector<16xi32>
          %select_n3A_791 = arith.select %ge3A_782, %sub3A_788, %broadcast_in_dim3A_790 : vector<16xi1>, vector<16xi32>
          %gather3A_792 = arith.constant 0 : i32
          %gather3A_793 = tpu.memref_slice %arg5[%gather3A_792] : memref<768xf32, #tpu.memory_space<vmem>> -> memref<17xf32, #tpu.memory_space<vmem>>
          %gather3A_794 = tpu.vector_load_idx %gather3A_793[%select_n3A_791] : memref<17xf32, #tpu.memory_space<vmem>>[vector<16xi32>], vector<16xf32>,
          %gather3A_795 = arith.constant 24 : i32
          %gather3A_796 = tpu.memref_slice %arg5[%gather3A_795] : memref<768xf32, #tpu.memory_space<vmem>> -> memref<17xf32, #tpu.memory_space<vmem>>
          %gather3A_797 = tpu.vector_load_idx %gather3A_796[%select_n3A_791] : memref<17xf32, #tpu.memory_space<vmem>>[vector<16xi32>], vector<16xf32>,
          %gather3A_798 = arith.constant 48 : i32
          %gather3A_799 = tpu.memref_slice %arg5[%gather3A_798] : memref<768xf32, #tpu.memory_space<vmem>> -> memref<17xf32, #tpu.memory_space<vmem>>
          %gather3A_800 = tpu.vector_load_idx %gather3A_799[%select_n3A_791] : memref<17xf32, #tpu.memory_space<vmem>>[vector<16xi32>], vector<16xf32>,
          %gather3A_801 = arith.constant 72 : i32
          %gather3A_802 = tpu.memref_slice %arg5[%gather3A_801] : memref<768xf32, #tpu.memory_space<vmem>> -> memref<17xf32, #tpu.memory_space<vmem>>
          %gather3A_803 = tpu.vector_load_idx %gather3A_802[%select_n3A_791] : memref<17xf32, #tpu.memory_space<vmem>>[vector<16xi32>], vector<16xf32>,
          %gather3A_804 = arith.constant 96 : i32
          %gather3A_805 = tpu.memref_slice %arg5[%gather3A_804] : memref<768xf32, #tpu.memory_space<vmem>> -> memref<17xf32, #tpu.memory_space<vmem>>
          %gather3A_806 = tpu.vector_load_idx %gather3A_805[%select_n3A_791] : memref<17xf32, #tpu.memory_space<vmem>>[vector<16xi32>], vector<16xf32>,
          %gather3A_807 = arith.constant 120 : i32
          %gather3A_808 = tpu.memref_slice %arg5[%gather3A_807] : memref<768xf32, #tpu.memory_space<vmem>> -> memref<17xf32, #tpu.memory_space<vmem>>
          %gather3A_809 = tpu.vector_load_idx %gather3A_808[%select_n3A_791] : memref<17xf32, #tpu.memory_space<vmem>>[vector<16xi32>], vector<16xf32>,
          %gather3A_810 = arith.constant 144 : i32
          %gather3A_811 = tpu.memref_slice %arg5[%gather3A_810] : memref<768xf32, #tpu.memory_space<vmem>> -> memref<17xf32, #tpu.memory_space<vmem>>
          %gather3A_812 = tpu.vector_load_idx %gather3A_811[%select_n3A_791] : memref<17xf32, #tpu.memory_space<vmem>>[vector<16xi32>], vector<16xf32>,
          %gather3A_813 = arith.constant 168 : i32
          %gather3A_814 = tpu.memref_slice %arg5[%gather3A_813] : memref<768xf32, #tpu.memory_space<vmem>> -> memref<17xf32, #tpu.memory_space<vmem>>
          %gather3A_815 = tpu.vector_load_idx %gather3A_814[%select_n3A_791] : memref<17xf32, #tpu.memory_space<vmem>>[vector<16xi32>], vector<16xf32>,
          %gather3A_816 = arith.constant 192 : i32
          %gather3A_817 = tpu.memref_slice %arg5[%gather3A_816] : memref<768xf32, #tpu.memory_space<vmem>> -> memref<17xf32, #tpu.memory_space<vmem>>
          %gather3A_818 = tpu.vector_load_idx %gather3A_817[%select_n3A_791] : memref<17xf32, #tpu.memory_space<vmem>>[vector<16xi32>], vector<16xf32>,
          %mul3A_819 = arith.constant 16 : i32
          %mul3A_820 = arith.muli %scan3A_764, %mul3A_819 : i32
          %swap3A_821 = arith.constant 0 : i32
          %swap3A_822 = arith.index_cast %swap3A_821 : i32 to index
          %swap3A_823 = arith.index_cast %mul3A_820 : i32 to index
          %swap3A_824 = tpu.vector_load %arg11[%swap3A_822, %swap3A_823] {strides = array<i32>} : memref<32x1280xf32, #tpu.memory_space<vmem>>, vector<16xf32>,
          tpu.vector_store %arg11[%swap3A_822, %swap3A_823], %gather3A_794 {strides = array<i32>} : memref<32x1280xf32, #tpu.memory_space<vmem>>, vector<16xf32>,
          %gather3A_825 = arith.constant 216 : i32
          %gather3A_826 = tpu.memref_slice %arg5[%gather3A_825] : memref<768xf32, #tpu.memory_space<vmem>> -> memref<17xf32, #tpu.memory_space<vmem>>
          %gather3A_827 = tpu.vector_load_idx %gather3A_826[%select_n3A_791] : memref<17xf32, #tpu.memory_space<vmem>>[vector<16xi32>], vector<16xf32>,
          %mul3A_828 = arith.constant 16 : i32
          %mul3A_829 = arith.muli %scan3A_764, %mul3A_828 : i32
          %swap3A_830 = arith.constant 1 : i32
          %swap3A_831 = arith.index_cast %swap3A_830 : i32 to index
          %swap3A_832 = arith.index_cast %mul3A_829 : i32 to index
          %swap3A_833 = tpu.vector_load %arg11[%swap3A_831, %swap3A_832] {strides = array<i32>} : memref<32x1280xf32, #tpu.memory_space<vmem>>, vector<16xf32>,
          tpu.vector_store %arg11[%swap3A_831, %swap3A_832], %gather3A_797 {strides = array<i32>} : memref<32x1280xf32, #tpu.memory_space<vmem>>, vector<16xf32>,
          %gather3A_834 = arith.constant 240 : i32
          %gather3A_835 = tpu.memref_slice %arg5[%gather3A_834] : memref<768xf32, #tpu.memory_space<vmem>> -> memref<17xf32, #tpu.memory_space<vmem>>
          %gather3A_836 = tpu.vector_load_idx %gather3A_835[%select_n3A_791] : memref<17xf32, #tpu.memory_space<vmem>>[vector<16xi32>], vector<16xf32>,
          %mul3A_837 = arith.constant 16 : i32
          %mul3A_838 = arith.muli %scan3A_764, %mul3A_837 : i32
          %swap3A_839 = arith.constant 2 : i32
          %swap3A_840 = arith.index_cast %swap3A_839 : i32 to index
          %swap3A_841 = arith.index_cast %mul3A_838 : i32 to index
          %swap3A_842 = tpu.vector_load %arg11[%swap3A_840, %swap3A_841] {strides = array<i32>} : memref<32x1280xf32, #tpu.memory_space<vmem>>, vector<16xf32>,
          tpu.vector_store %arg11[%swap3A_840, %swap3A_841], %gather3A_800 {strides = array<i32>} : memref<32x1280xf32, #tpu.memory_space<vmem>>, vector<16xf32>,
          %gather3A_843 = arith.constant 264 : i32
          %gather3A_844 = tpu.memref_slice %arg5[%gather3A_843] : memref<768xf32, #tpu.memory_space<vmem>> -> memref<17xf32, #tpu.memory_space<vmem>>
          %gather3A_845 = tpu.vector_load_idx %gather3A_844[%select_n3A_791] : memref<17xf32, #tpu.memory_space<vmem>>[vector<16xi32>], vector<16xf32>,
          %mul3A_846 = arith.constant 16 : i32
          %mul3A_847 = arith.muli %scan3A_764, %mul3A_846 : i32
          %swap3A_848 = arith.constant 3 : i32
          %swap3A_849 = arith.index_cast %swap3A_848 : i32 to index
          %swap3A_850 = arith.index_cast %mul3A_847 : i32 to index
          %swap3A_851 = tpu.vector_load %arg11[%swap3A_849, %swap3A_850] {strides = array<i32>} : memref<32x1280xf32, #tpu.memory_space<vmem>>, vector<16xf32>,
          tpu.vector_store %arg11[%swap3A_849, %swap3A_850], %gather3A_803 {strides = array<i32>} : memref<32x1280xf32, #tpu.memory_space<vmem>>, vector<16xf32>,
          %gather3A_852 = arith.constant 288 : i32
          %gather3A_853 = tpu.memref_slice %arg5[%gather3A_852] : memref<768xf32, #tpu.memory_space<vmem>> -> memref<17xf32, #tpu.memory_space<vmem>>
          %gather3A_854 = tpu.vector_load_idx %gather3A_853[%select_n3A_791] : memref<17xf32, #tpu.memory_space<vmem>>[vector<16xi32>], vector<16xf32>,
          %mul3A_855 = arith.constant 16 : i32
          %mul3A_856 = arith.muli %scan3A_764, %mul3A_855 : i32
          %swap3A_857 = arith.constant 4 : i32
          %swap3A_858 = arith.index_cast %swap3A_857 : i32 to index
          %swap3A_859 = arith.index_cast %mul3A_856 : i32 to index
          %swap3A_860 = tpu.vector_load %arg11[%swap3A_858, %swap3A_859] {strides = array<i32>} : memref<32x1280xf32, #tpu.memory_space<vmem>>, vector<16xf32>,
          tpu.vector_store %arg11[%swap3A_858, %swap3A_859], %gather3A_806 {strides = array<i32>} : memref<32x1280xf32, #tpu.memory_space<vmem>>, vector<16xf32>,
          %gather3A_861 = arith.constant 312 : i32
          %gather3A_862 = tpu.memref_slice %arg5[%gather3A_861] : memref<768xf32, #tpu.memory_space<vmem>> -> memref<17xf32, #tpu.memory_space<vmem>>
          %gather3A_863 = tpu.vector_load_idx %gather3A_862[%select_n3A_791] : memref<17xf32, #tpu.memory_space<vmem>>[vector<16xi32>], vector<16xf32>,
          %mul3A_864 = arith.constant 16 : i32
          %mul3A_865 = arith.muli %scan3A_764, %mul3A_864 : i32
          %swap3A_866 = arith.constant 5 : i32
          %swap3A_867 = arith.index_cast %swap3A_866 : i32 to index
          %swap3A_868 = arith.index_cast %mul3A_865 : i32 to index
          %swap3A_869 = tpu.vector_load %arg11[%swap3A_867, %swap3A_868] {strides = array<i32>} : memref<32x1280xf32, #tpu.memory_space<vmem>>, vector<16xf32>,
          tpu.vector_store %arg11[%swap3A_867, %swap3A_868], %gather3A_809 {strides = array<i32>} : memref<32x1280xf32, #tpu.memory_space<vmem>>, vector<16xf32>,
          %gather3A_870 = arith.constant 336 : i32
          %gather3A_871 = tpu.memref_slice %arg5[%gather3A_870] : memref<768xf32, #tpu.memory_space<vmem>> -> memref<17xf32, #tpu.memory_space<vmem>>
          %gather3A_872 = tpu.vector_load_idx %gather3A_871[%select_n3A_791] : memref<17xf32, #tpu.memory_space<vmem>>[vector<16xi32>], vector<16xf32>,
          %mul3A_873 = arith.constant 16 : i32
          %mul3A_874 = arith.muli %scan3A_764, %mul3A_873 : i32
          %swap3A_875 = arith.constant 6 : i32
          %swap3A_876 = arith.index_cast %swap3A_875 : i32 to index
          %swap3A_877 = arith.index_cast %mul3A_874 : i32 to index
          %swap3A_878 = tpu.vector_load %arg11[%swap3A_876, %swap3A_877] {strides = array<i32>} : memref<32x1280xf32, #tpu.memory_space<vmem>>, vector<16xf32>,
          tpu.vector_store %arg11[%swap3A_876, %swap3A_877], %gather3A_812 {strides = array<i32>} : memref<32x1280xf32, #tpu.memory_space<vmem>>, vector<16xf32>,
          %gather3A_879 = arith.constant 360 : i32
          %gather3A_880 = tpu.memref_slice %arg5[%gather3A_879] : memref<768xf32, #tpu.memory_space<vmem>> -> memref<17xf32, #tpu.memory_space<vmem>>
          %gather3A_881 = tpu.vector_load_idx %gather3A_880[%select_n3A_791] : memref<17xf32, #tpu.memory_space<vmem>>[vector<16xi32>], vector<16xf32>,
          %mul3A_882 = arith.constant 16 : i32
          %mul3A_883 = arith.muli %scan3A_764, %mul3A_882 : i32
          %swap3A_884 = arith.constant 7 : i32
          %swap3A_885 = arith.index_cast %swap3A_884 : i32 to index
          %swap3A_886 = arith.index_cast %mul3A_883 : i32 to index
          %swap3A_887 = tpu.vector_load %arg11[%swap3A_885, %swap3A_886] {strides = array<i32>} : memref<32x1280xf32, #tpu.memory_space<vmem>>, vector<16xf32>,
          tpu.vector_store %arg11[%swap3A_885, %swap3A_886], %gather3A_815 {strides = array<i32>} : memref<32x1280xf32, #tpu.memory_space<vmem>>, vector<16xf32>,
          %gather3A_888 = arith.constant 384 : i32
          %gather3A_889 = tpu.memref_slice %arg5[%gather3A_888] : memref<768xf32, #tpu.memory_space<vmem>> -> memref<17xf32, #tpu.memory_space<vmem>>
          %gather3A_890 = tpu.vector_load_idx %gather3A_889[%select_n3A_791] : memref<17xf32, #tpu.memory_space<vmem>>[vector<16xi32>], vector<16xf32>,
          %mul3A_891 = arith.constant 16 : i32
          %mul3A_892 = arith.muli %scan3A_764, %mul3A_891 : i32
          %swap3A_893 = arith.constant 8 : i32
          %swap3A_894 = arith.index_cast %swap3A_893 : i32 to index
          %swap3A_895 = arith.index_cast %mul3A_892 : i32 to index
          %swap3A_896 = tpu.vector_load %arg11[%swap3A_894, %swap3A_895] {strides = array<i32>} : memref<32x1280xf32, #tpu.memory_space<vmem>>, vector<16xf32>,
          tpu.vector_store %arg11[%swap3A_894, %swap3A_895], %gather3A_818 {strides = array<i32>} : memref<32x1280xf32, #tpu.memory_space<vmem>>, vector<16xf32>,
          %gather3A_897 = arith.constant 408 : i32
          %gather3A_898 = tpu.memref_slice %arg5[%gather3A_897] : memref<768xf32, #tpu.memory_space<vmem>> -> memref<17xf32, #tpu.memory_space<vmem>>
          %gather3A_899 = tpu.vector_load_idx %gather3A_898[%select_n3A_791] : memref<17xf32, #tpu.memory_space<vmem>>[vector<16xi32>], vector<16xf32>,
          %mul3A_900 = arith.constant 16 : i32
          %mul3A_901 = arith.muli %scan3A_764, %mul3A_900 : i32
          %swap3A_902 = arith.constant 9 : i32
          %swap3A_903 = arith.index_cast %swap3A_902 : i32 to index
          %swap3A_904 = arith.index_cast %mul3A_901 : i32 to index
          %swap3A_905 = tpu.vector_load %arg11[%swap3A_903, %swap3A_904] {strides = array<i32>} : memref<32x1280xf32, #tpu.memory_space<vmem>>, vector<16xf32>,
          tpu.vector_store %arg11[%swap3A_903, %swap3A_904], %gather3A_827 {strides = array<i32>} : memref<32x1280xf32, #tpu.memory_space<vmem>>, vector<16xf32>,
          %gather3A_906 = arith.constant 432 : i32
          %gather3A_907 = tpu.memref_slice %arg5[%gather3A_906] : memref<768xf32, #tpu.memory_space<vmem>> -> memref<17xf32, #tpu.memory_space<vmem>>
          %gather3A_908 = tpu.vector_load_idx %gather3A_907[%select_n3A_791] : memref<17xf32, #tpu.memory_space<vmem>>[vector<16xi32>], vector<16xf32>,
          %mul3A_909 = arith.constant 16 : i32
          %mul3A_910 = arith.muli %scan3A_764, %mul3A_909 : i32
          %swap3A_911 = arith.constant 10 : i32
          %swap3A_912 = arith.index_cast %swap3A_911 : i32 to index
          %swap3A_913 = arith.index_cast %mul3A_910 : i32 to index
          %swap3A_914 = tpu.vector_load %arg11[%swap3A_912, %swap3A_913] {strides = array<i32>} : memref<32x1280xf32, #tpu.memory_space<vmem>>, vector<16xf32>,
          tpu.vector_store %arg11[%swap3A_912, %swap3A_913], %gather3A_836 {strides = array<i32>} : memref<32x1280xf32, #tpu.memory_space<vmem>>, vector<16xf32>,
          %gather3A_915 = arith.constant 456 : i32
          %gather3A_916 = tpu.memref_slice %arg5[%gather3A_915] : memref<768xf32, #tpu.memory_space<vmem>> -> memref<17xf32, #tpu.memory_space<vmem>>
          %gather3A_917 = tpu.vector_load_idx %gather3A_916[%select_n3A_791] : memref<17xf32, #tpu.memory_space<vmem>>[vector<16xi32>], vector<16xf32>,
          %mul3A_918 = arith.constant 16 : i32
          %mul3A_919 = arith.muli %scan3A_764, %mul3A_918 : i32
          %swap3A_920 = arith.constant 11 : i32
          %swap3A_921 = arith.index_cast %swap3A_920 : i32 to index
          %swap3A_922 = arith.index_cast %mul3A_919 : i32 to index
          %swap3A_923 = tpu.vector_load %arg11[%swap3A_921, %swap3A_922] {strides = array<i32>} : memref<32x1280xf32, #tpu.memory_space<vmem>>, vector<16xf32>,
          tpu.vector_store %arg11[%swap3A_921, %swap3A_922], %gather3A_845 {strides = array<i32>} : memref<32x1280xf32, #tpu.memory_space<vmem>>, vector<16xf32>,
          %gather3A_924 = arith.constant 480 : i32
          %gather3A_925 = tpu.memref_slice %arg5[%gather3A_924] : memref<768xf32, #tpu.memory_space<vmem>> -> memref<17xf32, #tpu.memory_space<vmem>>
          %gather3A_926 = tpu.vector_load_idx %gather3A_925[%select_n3A_791] : memref<17xf32, #tpu.memory_space<vmem>>[vector<16xi32>], vector<16xf32>,
          %mul3A_927 = arith.constant 16 : i32
          %mul3A_928 = arith.muli %scan3A_764, %mul3A_927 : i32
          %swap3A_929 = arith.constant 12 : i32
          %swap3A_930 = arith.index_cast %swap3A_929 : i32 to index
          %swap3A_931 = arith.index_cast %mul3A_928 : i32 to index
          %swap3A_932 = tpu.vector_load %arg11[%swap3A_930, %swap3A_931] {strides = array<i32>} : memref<32x1280xf32, #tpu.memory_space<vmem>>, vector<16xf32>,
          tpu.vector_store %arg11[%swap3A_930, %swap3A_931], %gather3A_854 {strides = array<i32>} : memref<32x1280xf32, #tpu.memory_space<vmem>>, vector<16xf32>,
          %gather3A_933 = arith.constant 504 : i32
          %gather3A_934 = tpu.memref_slice %arg5[%gather3A_933] : memref<768xf32, #tpu.memory_space<vmem>> -> memref<17xf32, #tpu.memory_space<vmem>>
          %gather3A_935 = tpu.vector_load_idx %gather3A_934[%select_n3A_791] : memref<17xf32, #tpu.memory_space<vmem>>[vector<16xi32>], vector<16xf32>,
          %mul3A_936 = arith.constant 16 : i32
          %mul3A_937 = arith.muli %scan3A_764, %mul3A_936 : i32
          %swap3A_938 = arith.constant 13 : i32
          %swap3A_939 = arith.index_cast %swap3A_938 : i32 to index
          %swap3A_940 = arith.index_cast %mul3A_937 : i32 to index
          %swap3A_941 = tpu.vector_load %arg11[%swap3A_939, %swap3A_940] {strides = array<i32>} : memref<32x1280xf32, #tpu.memory_space<vmem>>, vector<16xf32>,
          tpu.vector_store %arg11[%swap3A_939, %swap3A_940], %gather3A_863 {strides = array<i32>} : memref<32x1280xf32, #tpu.memory_space<vmem>>, vector<16xf32>,
          %gather3A_942 = arith.constant 528 : i32
          %gather3A_943 = tpu.memref_slice %arg5[%gather3A_942] : memref<768xf32, #tpu.memory_space<vmem>> -> memref<17xf32, #tpu.memory_space<vmem>>
          %gather3A_944 = tpu.vector_load_idx %gather3A_943[%select_n3A_791] : memref<17xf32, #tpu.memory_space<vmem>>[vector<16xi32>], vector<16xf32>,
          %mul3A_945 = arith.constant 16 : i32
          %mul3A_946 = arith.muli %scan3A_764, %mul3A_945 : i32
          %swap3A_947 = arith.constant 14 : i32
          %swap3A_948 = arith.index_cast %swap3A_947 : i32 to index
          %swap3A_949 = arith.index_cast %mul3A_946 : i32 to index
          %swap3A_950 = tpu.vector_load %arg11[%swap3A_948, %swap3A_949] {strides = array<i32>} : memref<32x1280xf32, #tpu.memory_space<vmem>>, vector<16xf32>,
          tpu.vector_store %arg11[%swap3A_948, %swap3A_949], %gather3A_872 {strides = array<i32>} : memref<32x1280xf32, #tpu.memory_space<vmem>>, vector<16xf32>,
          %gather3A_951 = arith.constant 552 : i32
          %gather3A_952 = tpu.memref_slice %arg5[%gather3A_951] : memref<768xf32, #tpu.memory_space<vmem>> -> memref<17xf32, #tpu.memory_space<vmem>>
          %gather3A_953 = tpu.vector_load_idx %gather3A_952[%select_n3A_791] : memref<17xf32, #tpu.memory_space<vmem>>[vector<16xi32>], vector<16xf32>,
          %mul3A_954 = arith.constant 16 : i32
          %mul3A_955 = arith.muli %scan3A_764, %mul3A_954 : i32
          %swap3A_956 = arith.constant 15 : i32
          %swap3A_957 = arith.index_cast %swap3A_956 : i32 to index
          %swap3A_958 = arith.index_cast %mul3A_955 : i32 to index
          %swap3A_959 = tpu.vector_load %arg11[%swap3A_957, %swap3A_958] {strides = array<i32>} : memref<32x1280xf32, #tpu.memory_space<vmem>>, vector<16xf32>,
          tpu.vector_store %arg11[%swap3A_957, %swap3A_958], %gather3A_881 {strides = array<i32>} : memref<32x1280xf32, #tpu.memory_space<vmem>>, vector<16xf32>,
          %gather3A_960 = arith.constant 576 : i32
          %gather3A_961 = tpu.memref_slice %arg5[%gather3A_960] : memref<768xf32, #tpu.memory_space<vmem>> -> memref<17xf32, #tpu.memory_space<vmem>>
          %gather3A_962 = tpu.vector_load_idx %gather3A_961[%select_n3A_791] : memref<17xf32, #tpu.memory_space<vmem>>[vector<16xi32>], vector<16xf32>,
          %mul3A_963 = arith.constant 16 : i32
          %mul3A_964 = arith.muli %scan3A_764, %mul3A_963 : i32
          %swap3A_965 = arith.constant 16 : i32
          %swap3A_966 = arith.index_cast %swap3A_965 : i32 to index
          %swap3A_967 = arith.index_cast %mul3A_964 : i32 to index
          %swap3A_968 = tpu.vector_load %arg11[%swap3A_966, %swap3A_967] {strides = array<i32>} : memref<32x1280xf32, #tpu.memory_space<vmem>>, vector<16xf32>,
          tpu.vector_store %arg11[%swap3A_966, %swap3A_967], %gather3A_890 {strides = array<i32>} : memref<32x1280xf32, #tpu.memory_space<vmem>>, vector<16xf32>,
          %gather3A_969 = arith.constant 600 : i32
          %gather3A_970 = tpu.memref_slice %arg5[%gather3A_969] : memref<768xf32, #tpu.memory_space<vmem>> -> memref<17xf32, #tpu.memory_space<vmem>>
          %gather3A_971 = tpu.vector_load_idx %gather3A_970[%select_n3A_791] : memref<17xf32, #tpu.memory_space<vmem>>[vector<16xi32>], vector<16xf32>,
          %mul3A_972 = arith.constant 16 : i32
          %mul3A_973 = arith.muli %scan3A_764, %mul3A_972 : i32
          %swap3A_974 = arith.constant 17 : i32
          %swap3A_975 = arith.index_cast %swap3A_974 : i32 to index
          %swap3A_976 = arith.index_cast %mul3A_973 : i32 to index
          %swap3A_977 = tpu.vector_load %arg11[%swap3A_975, %swap3A_976] {strides = array<i32>} : memref<32x1280xf32, #tpu.memory_space<vmem>>, vector<16xf32>,
          tpu.vector_store %arg11[%swap3A_975, %swap3A_976], %gather3A_899 {strides = array<i32>} : memref<32x1280xf32, #tpu.memory_space<vmem>>, vector<16xf32>,
          %gather3A_978 = arith.constant 624 : i32
          %gather3A_979 = tpu.memref_slice %arg5[%gather3A_978] : memref<768xf32, #tpu.memory_space<vmem>> -> memref<17xf32, #tpu.memory_space<vmem>>
          %gather3A_980 = tpu.vector_load_idx %gather3A_979[%select_n3A_791] : memref<17xf32, #tpu.memory_space<vmem>>[vector<16xi32>], vector<16xf32>,
          %mul3A_981 = arith.constant 16 : i32
          %mul3A_982 = arith.muli %scan3A_764, %mul3A_981 : i32
          %swap3A_983 = arith.constant 18 : i32
          %swap3A_984 = arith.index_cast %swap3A_983 : i32 to index
          %swap3A_985 = arith.index_cast %mul3A_982 : i32 to index
          %swap3A_986 = tpu.vector_load %arg11[%swap3A_984, %swap3A_985] {strides = array<i32>} : memref<32x1280xf32, #tpu.memory_space<vmem>>, vector<16xf32>,
          tpu.vector_store %arg11[%swap3A_984, %swap3A_985], %gather3A_908 {strides = array<i32>} : memref<32x1280xf32, #tpu.memory_space<vmem>>, vector<16xf32>,
          %gather3A_987 = arith.constant 648 : i32
          %gather3A_988 = tpu.memref_slice %arg5[%gather3A_987] : memref<768xf32, #tpu.memory_space<vmem>> -> memref<17xf32, #tpu.memory_space<vmem>>
          %gather3A_989 = tpu.vector_load_idx %gather3A_988[%select_n3A_791] : memref<17xf32, #tpu.memory_space<vmem>>[vector<16xi32>], vector<16xf32>,
          %mul3A_990 = arith.constant 16 : i32
          %mul3A_991 = arith.muli %scan3A_764, %mul3A_990 : i32
          %swap3A_992 = arith.constant 19 : i32
          %swap3A_993 = arith.index_cast %swap3A_992 : i32 to index
          %swap3A_994 = arith.index_cast %mul3A_991 : i32 to index
          %swap3A_995 = tpu.vector_load %arg11[%swap3A_993, %swap3A_994] {strides = array<i32>} : memref<32x1280xf32, #tpu.memory_space<vmem>>, vector<16xf32>,
          tpu.vector_store %arg11[%swap3A_993, %swap3A_994], %gather3A_917 {strides = array<i32>} : memref<32x1280xf32, #tpu.memory_space<vmem>>, vector<16xf32>,
          %gather3A_996 = arith.constant 672 : i32
          %gather3A_997 = tpu.memref_slice %arg5[%gather3A_996] : memref<768xf32, #tpu.memory_space<vmem>> -> memref<17xf32, #tpu.memory_space<vmem>>
          %gather3A_998 = tpu.vector_load_idx %gather3A_997[%select_n3A_791] : memref<17xf32, #tpu.memory_space<vmem>>[vector<16xi32>], vector<16xf32>,
          %mul3A_999 = arith.constant 16 : i32
          %mul3A_1000 = arith.muli %scan3A_764, %mul3A_999 : i32
          %swap3A_1001 = arith.constant 20 : i32
          %swap3A_1002 = arith.index_cast %swap3A_1001 : i32 to index
          %swap3A_1003 = arith.index_cast %mul3A_1000 : i32 to index
          %swap3A_1004 = tpu.vector_load %arg11[%swap3A_1002, %swap3A_1003] {strides = array<i32>} : memref<32x1280xf32, #tpu.memory_space<vmem>>, vector<16xf32>,
          tpu.vector_store %arg11[%swap3A_1002, %swap3A_1003], %gather3A_926 {strides = array<i32>} : memref<32x1280xf32, #tpu.memory_space<vmem>>, vector<16xf32>,
          %gather3A_1005 = arith.constant 696 : i32
          %gather3A_1006 = tpu.memref_slice %arg5[%gather3A_1005] : memref<768xf32, #tpu.memory_space<vmem>> -> memref<17xf32, #tpu.memory_space<vmem>>
          %gather3A_1007 = tpu.vector_load_idx %gather3A_1006[%select_n3A_791] : memref<17xf32, #tpu.memory_space<vmem>>[vector<16xi32>], vector<16xf32>,
          %mul3A_1008 = arith.constant 16 : i32
          %mul3A_1009 = arith.muli %scan3A_764, %mul3A_1008 : i32
          %swap3A_1010 = arith.constant 21 : i32
          %swap3A_1011 = arith.index_cast %swap3A_1010 : i32 to index
          %swap3A_1012 = arith.index_cast %mul3A_1009 : i32 to index
          %swap3A_1013 = tpu.vector_load %arg11[%swap3A_1011, %swap3A_1012] {strides = array<i32>} : memref<32x1280xf32, #tpu.memory_space<vmem>>, vector<16xf32>,
          tpu.vector_store %arg11[%swap3A_1011, %swap3A_1012], %gather3A_935 {strides = array<i32>} : memref<32x1280xf32, #tpu.memory_space<vmem>>, vector<16xf32>,
          %gather3A_1014 = arith.constant 720 : i32
          %gather3A_1015 = tpu.memref_slice %arg5[%gather3A_1014] : memref<768xf32, #tpu.memory_space<vmem>> -> memref<17xf32, #tpu.memory_space<vmem>>
          %gather3A_1016 = tpu.vector_load_idx %gather3A_1015[%select_n3A_791] : memref<17xf32, #tpu.memory_space<vmem>>[vector<16xi32>], vector<16xf32>,
          %mul3A_1017 = arith.constant 16 : i32
          %mul3A_1018 = arith.muli %scan3A_764, %mul3A_1017 : i32
          %swap3A_1019 = arith.constant 22 : i32
          %swap3A_1020 = arith.index_cast %swap3A_1019 : i32 to index
          %swap3A_1021 = arith.index_cast %mul3A_1018 : i32 to index
          %swap3A_1022 = tpu.vector_load %arg11[%swap3A_1020, %swap3A_1021] {strides = array<i32>} : memref<32x1280xf32, #tpu.memory_space<vmem>>, vector<16xf32>,
          tpu.vector_store %arg11[%swap3A_1020, %swap3A_1021], %gather3A_944 {strides = array<i32>} : memref<32x1280xf32, #tpu.memory_space<vmem>>, vector<16xf32>,
          %gather3A_1023 = arith.constant 744 : i32
          %gather3A_1024 = tpu.memref_slice %arg5[%gather3A_1023] : memref<768xf32, #tpu.memory_space<vmem>> -> memref<17xf32, #tpu.memory_space<vmem>>
          %gather3A_1025 = tpu.vector_load_idx %gather3A_1024[%select_n3A_791] : memref<17xf32, #tpu.memory_space<vmem>>[vector<16xi32>], vector<16xf32>,
          %mul3A_1026 = arith.constant 16 : i32
          %mul3A_1027 = arith.muli %scan3A_764, %mul3A_1026 : i32
          %swap3A_1028 = arith.constant 23 : i32
          %swap3A_1029 = arith.index_cast %swap3A_1028 : i32 to index
          %swap3A_1030 = arith.index_cast %mul3A_1027 : i32 to index
          %swap3A_1031 = tpu.vector_load %arg11[%swap3A_1029, %swap3A_1030] {strides = array<i32>} : memref<32x1280xf32, #tpu.memory_space<vmem>>, vector<16xf32>,
          tpu.vector_store %arg11[%swap3A_1029, %swap3A_1030], %gather3A_953 {strides = array<i32>} : memref<32x1280xf32, #tpu.memory_space<vmem>>, vector<16xf32>,
          %mul3A_1032 = arith.constant 16 : i32
          %mul3A_1033 = arith.muli %scan3A_764, %mul3A_1032 : i32
          %swap3A_1034 = arith.constant 24 : i32
          %swap3A_1035 = arith.index_cast %swap3A_1034 : i32 to index
          %swap3A_1036 = arith.index_cast %mul3A_1033 : i32 to index
          %swap3A_1037 = tpu.vector_load %arg11[%swap3A_1035, %swap3A_1036] {strides = array<i32>} : memref<32x1280xf32, #tpu.memory_space<vmem>>, vector<16xf32>,
          tpu.vector_store %arg11[%swap3A_1035, %swap3A_1036], %gather3A_962 {strides = array<i32>} : memref<32x1280xf32, #tpu.memory_space<vmem>>, vector<16xf32>,
          %mul3A_1038 = arith.constant 16 : i32
          %mul3A_1039 = arith.muli %scan3A_764, %mul3A_1038 : i32
          %swap3A_1040 = arith.constant 25 : i32
          %swap3A_1041 = arith.index_cast %swap3A_1040 : i32 to index
          %swap3A_1042 = arith.index_cast %mul3A_1039 : i32 to index
          %swap3A_1043 = tpu.vector_load %arg11[%swap3A_1041, %swap3A_1042] {strides = array<i32>} : memref<32x1280xf32, #tpu.memory_space<vmem>>, vector<16xf32>,
          tpu.vector_store %arg11[%swap3A_1041, %swap3A_1042], %gather3A_971 {strides = array<i32>} : memref<32x1280xf32, #tpu.memory_space<vmem>>, vector<16xf32>,
          %mul3A_1044 = arith.constant 16 : i32
          %mul3A_1045 = arith.muli %scan3A_764, %mul3A_1044 : i32
          %swap3A_1046 = arith.constant 26 : i32
          %swap3A_1047 = arith.index_cast %swap3A_1046 : i32 to index
          %swap3A_1048 = arith.index_cast %mul3A_1045 : i32 to index
          %swap3A_1049 = tpu.vector_load %arg11[%swap3A_1047, %swap3A_1048] {strides = array<i32>} : memref<32x1280xf32, #tpu.memory_space<vmem>>, vector<16xf32>,
          tpu.vector_store %arg11[%swap3A_1047, %swap3A_1048], %gather3A_980 {strides = array<i32>} : memref<32x1280xf32, #tpu.memory_space<vmem>>, vector<16xf32>,
          %mul3A_1050 = arith.constant 16 : i32
          %mul3A_1051 = arith.muli %scan3A_764, %mul3A_1050 : i32
          %swap3A_1052 = arith.constant 27 : i32
          %swap3A_1053 = arith.index_cast %swap3A_1052 : i32 to index
          %swap3A_1054 = arith.index_cast %mul3A_1051 : i32 to index
          %swap3A_1055 = tpu.vector_load %arg11[%swap3A_1053, %swap3A_1054] {strides = array<i32>} : memref<32x1280xf32, #tpu.memory_space<vmem>>, vector<16xf32>,
          tpu.vector_store %arg11[%swap3A_1053, %swap3A_1054], %gather3A_989 {strides = array<i32>} : memref<32x1280xf32, #tpu.memory_space<vmem>>, vector<16xf32>,
          %mul3A_1056 = arith.constant 16 : i32
          %mul3A_1057 = arith.muli %scan3A_764, %mul3A_1056 : i32
          %swap3A_1058 = arith.constant 28 : i32
          %swap3A_1059 = arith.index_cast %swap3A_1058 : i32 to index
          %swap3A_1060 = arith.index_cast %mul3A_1057 : i32 to index
          %swap3A_1061 = tpu.vector_load %arg11[%swap3A_1059, %swap3A_1060] {strides = array<i32>} : memref<32x1280xf32, #tpu.memory_space<vmem>>, vector<16xf32>,
          tpu.vector_store %arg11[%swap3A_1059, %swap3A_1060], %gather3A_998 {strides = array<i32>} : memref<32x1280xf32, #tpu.memory_space<vmem>>, vector<16xf32>,
          %mul3A_1062 = arith.constant 16 : i32
          %mul3A_1063 = arith.muli %scan3A_764, %mul3A_1062 : i32
          %swap3A_1064 = arith.constant 29 : i32
          %swap3A_1065 = arith.index_cast %swap3A_1064 : i32 to index
          %swap3A_1066 = arith.index_cast %mul3A_1063 : i32 to index
          %swap3A_1067 = tpu.vector_load %arg11[%swap3A_1065, %swap3A_1066] {strides = array<i32>} : memref<32x1280xf32, #tpu.memory_space<vmem>>, vector<16xf32>,
          tpu.vector_store %arg11[%swap3A_1065, %swap3A_1066], %gather3A_1007 {strides = array<i32>} : memref<32x1280xf32, #tpu.memory_space<vmem>>, vector<16xf32>,
          %mul3A_1068 = arith.constant 16 : i32
          %mul3A_1069 = arith.muli %scan3A_764, %mul3A_1068 : i32
          %swap3A_1070 = arith.constant 30 : i32
          %swap3A_1071 = arith.index_cast %swap3A_1070 : i32 to index
          %swap3A_1072 = arith.index_cast %mul3A_1069 : i32 to index
          %swap3A_1073 = tpu.vector_load %arg11[%swap3A_1071, %swap3A_1072] {strides = array<i32>} : memref<32x1280xf32, #tpu.memory_space<vmem>>, vector<16xf32>,
          tpu.vector_store %arg11[%swap3A_1071, %swap3A_1072], %gather3A_1016 {strides = array<i32>} : memref<32x1280xf32, #tpu.memory_space<vmem>>, vector<16xf32>,
          %mul3A_1074 = arith.constant 16 : i32
          %mul3A_1075 = arith.muli %scan3A_764, %mul3A_1074 : i32
          %swap3A_1076 = arith.constant 31 : i32
          %swap3A_1077 = arith.index_cast %swap3A_1076 : i32 to index
          %swap3A_1078 = arith.index_cast %mul3A_1075 : i32 to index
          %swap3A_1079 = tpu.vector_load %arg11[%swap3A_1077, %swap3A_1078] {strides = array<i32>} : memref<32x1280xf32, #tpu.memory_space<vmem>>, vector<16xf32>,
          tpu.vector_store %arg11[%swap3A_1077, %swap3A_1078], %gather3A_1025 {strides = array<i32>} : memref<32x1280xf32, #tpu.memory_space<vmem>>, vector<16xf32>,
          %scan3A_1080 = arith.constant 3 : i32
          %scan3A_1081 = arith.addi %scan3A_138, %scan3A_1080 : i32
          %mul3A_1082 = arith.constant 16 : i32
          %mul3A_1083 = arith.muli %scan3A_1081, %mul3A_1082 : i32
          %get3A_1084 = arith.index_cast %mul3A_1083 : i32 to index
          %get3A_1085 = tpu.vector_load %arg8[%get3A_1084] {strides = array<i32>} : memref<1280xi32, #tpu.memory_space<vmem>>, vector<16xi32>,
          %mul3A_1086 = arith.constant 16 : i32
          %mul3A_1087 = arith.muli %scan3A_1081, %mul3A_1086 : i32
          %get3A_1088 = arith.index_cast %mul3A_1087 : i32 to index
          %get3A_1089 = tpu.vector_load %arg9[%get3A_1088] {strides = array<i32>} : memref<1280xi32, #tpu.memory_space<vmem>>, vector<16xi32>,
          %sub3A_1090 = arith.subi %get3A_1085, %get3A_1089 : vector<16xi32>
          %abs3A_1091 = math.absi %sub3A_1090 : vector<16xi32>
          %sub3A_1092 = arith.constant 1 : i32
          %sub3A_1093 = vector.broadcast %sub3A_1092 : i32 to vector<16xi32>
          %sub3A_1094 = arith.subi %abs3A_1091, %sub3A_1093 : vector<16xi32>
          %convert_element_type3A_1095 = arith.sitofp %sub3A_1094 : vector<16xi32> to vector<16xf32>
          %bitcast3A_1096 = vector.bitcast %convert_element_type3A_1095 : vector<16xf32> to vector<16xi32>
          %ge3A_1097 = arith.constant 1 : i32
          %ge3A_1098 = vector.broadcast %ge3A_1097 : i32 to vector<16xi32>
          %ge3A_1099 = arith.cmpi sge, %sub3A_1094, %ge3A_1098 : vector<16xi32>
          %shift_right_arithmetic3A_1100 = arith.constant 23 : i32
          %shift_right_arithmetic3A_1101 = vector.broadcast %shift_right_arithmetic3A_1100 : i32 to vector<16xi32>
          %shift_right_arithmetic3A_1102 = arith.shrsi %bitcast3A_1096, %shift_right_arithmetic3A_1101 : vector<16xi32>
          %sub3A_1103 = arith.constant 126 : i32
          %sub3A_1104 = vector.broadcast %sub3A_1103 : i32 to vector<16xi32>
          %sub3A_1105 = arith.subi %shift_right_arithmetic3A_1102, %sub3A_1104 : vector<16xi32>
          %jit3A_1106 = arith.constant 0 : i32
          %broadcast_in_dim3A_1107 = vector.broadcast %jit3A_1106 : i32 to vector<16xi32>
          %select_n3A_1108 = arith.select %ge3A_1099, %sub3A_1105, %broadcast_in_dim3A_1107 : vector<16xi1>, vector<16xi32>
          %gather3A_1109 = arith.constant 0 : i32
          %gather3A_1110 = tpu.memref_slice %arg5[%gather3A_1109] : memref<768xf32, #tpu.memory_space<vmem>> -> memref<17xf32, #tpu.memory_space<vmem>>
          %gather3A_1111 = tpu.vector_load_idx %gather3A_1110[%select_n3A_1108] : memref<17xf32, #tpu.memory_space<vmem>>[vector<16xi32>], vector<16xf32>,
          %gather3A_1112 = arith.constant 24 : i32
          %gather3A_1113 = tpu.memref_slice %arg5[%gather3A_1112] : memref<768xf32, #tpu.memory_space<vmem>> -> memref<17xf32, #tpu.memory_space<vmem>>
          %gather3A_1114 = tpu.vector_load_idx %gather3A_1113[%select_n3A_1108] : memref<17xf32, #tpu.memory_space<vmem>>[vector<16xi32>], vector<16xf32>,
          %gather3A_1115 = arith.constant 48 : i32
          %gather3A_1116 = tpu.memref_slice %arg5[%gather3A_1115] : memref<768xf32, #tpu.memory_space<vmem>> -> memref<17xf32, #tpu.memory_space<vmem>>
          %gather3A_1117 = tpu.vector_load_idx %gather3A_1116[%select_n3A_1108] : memref<17xf32, #tpu.memory_space<vmem>>[vector<16xi32>], vector<16xf32>,
          %gather3A_1118 = arith.constant 72 : i32
          %gather3A_1119 = tpu.memref_slice %arg5[%gather3A_1118] : memref<768xf32, #tpu.memory_space<vmem>> -> memref<17xf32, #tpu.memory_space<vmem>>
          %gather3A_1120 = tpu.vector_load_idx %gather3A_1119[%select_n3A_1108] : memref<17xf32, #tpu.memory_space<vmem>>[vector<16xi32>], vector<16xf32>,
          %gather3A_1121 = arith.constant 96 : i32
          %gather3A_1122 = tpu.memref_slice %arg5[%gather3A_1121] : memref<768xf32, #tpu.memory_space<vmem>> -> memref<17xf32, #tpu.memory_space<vmem>>
          %gather3A_1123 = tpu.vector_load_idx %gather3A_1122[%select_n3A_1108] : memref<17xf32, #tpu.memory_space<vmem>>[vector<16xi32>], vector<16xf32>,
          %gather3A_1124 = arith.constant 120 : i32
          %gather3A_1125 = tpu.memref_slice %arg5[%gather3A_1124] : memref<768xf32, #tpu.memory_space<vmem>> -> memref<17xf32, #tpu.memory_space<vmem>>
          %gather3A_1126 = tpu.vector_load_idx %gather3A_1125[%select_n3A_1108] : memref<17xf32, #tpu.memory_space<vmem>>[vector<16xi32>], vector<16xf32>,
          %gather3A_1127 = arith.constant 144 : i32
          %gather3A_1128 = tpu.memref_slice %arg5[%gather3A_1127] : memref<768xf32, #tpu.memory_space<vmem>> -> memref<17xf32, #tpu.memory_space<vmem>>
          %gather3A_1129 = tpu.vector_load_idx %gather3A_1128[%select_n3A_1108] : memref<17xf32, #tpu.memory_space<vmem>>[vector<16xi32>], vector<16xf32>,
          %gather3A_1130 = arith.constant 168 : i32
          %gather3A_1131 = tpu.memref_slice %arg5[%gather3A_1130] : memref<768xf32, #tpu.memory_space<vmem>> -> memref<17xf32, #tpu.memory_space<vmem>>
          %gather3A_1132 = tpu.vector_load_idx %gather3A_1131[%select_n3A_1108] : memref<17xf32, #tpu.memory_space<vmem>>[vector<16xi32>], vector<16xf32>,
          %gather3A_1133 = arith.constant 192 : i32
          %gather3A_1134 = tpu.memref_slice %arg5[%gather3A_1133] : memref<768xf32, #tpu.memory_space<vmem>> -> memref<17xf32, #tpu.memory_space<vmem>>
          %gather3A_1135 = tpu.vector_load_idx %gather3A_1134[%select_n3A_1108] : memref<17xf32, #tpu.memory_space<vmem>>[vector<16xi32>], vector<16xf32>,
          %mul3A_1136 = arith.constant 16 : i32
          %mul3A_1137 = arith.muli %scan3A_1081, %mul3A_1136 : i32
          %swap3A_1138 = arith.constant 0 : i32
          %swap3A_1139 = arith.index_cast %swap3A_1138 : i32 to index
          %swap3A_1140 = arith.index_cast %mul3A_1137 : i32 to index
          %swap3A_1141 = tpu.vector_load %arg11[%swap3A_1139, %swap3A_1140] {strides = array<i32>} : memref<32x1280xf32, #tpu.memory_space<vmem>>, vector<16xf32>,
          tpu.vector_store %arg11[%swap3A_1139, %swap3A_1140], %gather3A_1111 {strides = array<i32>} : memref<32x1280xf32, #tpu.memory_space<vmem>>, vector<16xf32>,
          %gather3A_1142 = arith.constant 216 : i32
          %gather3A_1143 = tpu.memref_slice %arg5[%gather3A_1142] : memref<768xf32, #tpu.memory_space<vmem>> -> memref<17xf32, #tpu.memory_space<vmem>>
          %gather3A_1144 = tpu.vector_load_idx %gather3A_1143[%select_n3A_1108] : memref<17xf32, #tpu.memory_space<vmem>>[vector<16xi32>], vector<16xf32>,
          %mul3A_1145 = arith.constant 16 : i32
          %mul3A_1146 = arith.muli %scan3A_1081, %mul3A_1145 : i32
          %swap3A_1147 = arith.constant 1 : i32
          %swap3A_1148 = arith.index_cast %swap3A_1147 : i32 to index
          %swap3A_1149 = arith.index_cast %mul3A_1146 : i32 to index
          %swap3A_1150 = tpu.vector_load %arg11[%swap3A_1148, %swap3A_1149] {strides = array<i32>} : memref<32x1280xf32, #tpu.memory_space<vmem>>, vector<16xf32>,
          tpu.vector_store %arg11[%swap3A_1148, %swap3A_1149], %gather3A_1114 {strides = array<i32>} : memref<32x1280xf32, #tpu.memory_space<vmem>>, vector<16xf32>,
          %gather3A_1151 = arith.constant 240 : i32
          %gather3A_1152 = tpu.memref_slice %arg5[%gather3A_1151] : memref<768xf32, #tpu.memory_space<vmem>> -> memref<17xf32, #tpu.memory_space<vmem>>
          %gather3A_1153 = tpu.vector_load_idx %gather3A_1152[%select_n3A_1108] : memref<17xf32, #tpu.memory_space<vmem>>[vector<16xi32>], vector<16xf32>,
          %mul3A_1154 = arith.constant 16 : i32
          %mul3A_1155 = arith.muli %scan3A_1081, %mul3A_1154 : i32
          %swap3A_1156 = arith.constant 2 : i32
          %swap3A_1157 = arith.index_cast %swap3A_1156 : i32 to index
          %swap3A_1158 = arith.index_cast %mul3A_1155 : i32 to index
          %swap3A_1159 = tpu.vector_load %arg11[%swap3A_1157, %swap3A_1158] {strides = array<i32>} : memref<32x1280xf32, #tpu.memory_space<vmem>>, vector<16xf32>,
          tpu.vector_store %arg11[%swap3A_1157, %swap3A_1158], %gather3A_1117 {strides = array<i32>} : memref<32x1280xf32, #tpu.memory_space<vmem>>, vector<16xf32>,
          %gather3A_1160 = arith.constant 264 : i32
          %gather3A_1161 = tpu.memref_slice %arg5[%gather3A_1160] : memref<768xf32, #tpu.memory_space<vmem>> -> memref<17xf32, #tpu.memory_space<vmem>>
          %gather3A_1162 = tpu.vector_load_idx %gather3A_1161[%select_n3A_1108] : memref<17xf32, #tpu.memory_space<vmem>>[vector<16xi32>], vector<16xf32>,
          %mul3A_1163 = arith.constant 16 : i32
          %mul3A_1164 = arith.muli %scan3A_1081, %mul3A_1163 : i32
          %swap3A_1165 = arith.constant 3 : i32
          %swap3A_1166 = arith.index_cast %swap3A_1165 : i32 to index
          %swap3A_1167 = arith.index_cast %mul3A_1164 : i32 to index
          %swap3A_1168 = tpu.vector_load %arg11[%swap3A_1166, %swap3A_1167] {strides = array<i32>} : memref<32x1280xf32, #tpu.memory_space<vmem>>, vector<16xf32>,
          tpu.vector_store %arg11[%swap3A_1166, %swap3A_1167], %gather3A_1120 {strides = array<i32>} : memref<32x1280xf32, #tpu.memory_space<vmem>>, vector<16xf32>,
          %gather3A_1169 = arith.constant 288 : i32
          %gather3A_1170 = tpu.memref_slice %arg5[%gather3A_1169] : memref<768xf32, #tpu.memory_space<vmem>> -> memref<17xf32, #tpu.memory_space<vmem>>
          %gather3A_1171 = tpu.vector_load_idx %gather3A_1170[%select_n3A_1108] : memref<17xf32, #tpu.memory_space<vmem>>[vector<16xi32>], vector<16xf32>,
          %mul3A_1172 = arith.constant 16 : i32
          %mul3A_1173 = arith.muli %scan3A_1081, %mul3A_1172 : i32
          %swap3A_1174 = arith.constant 4 : i32
          %swap3A_1175 = arith.index_cast %swap3A_1174 : i32 to index
          %swap3A_1176 = arith.index_cast %mul3A_1173 : i32 to index
          %swap3A_1177 = tpu.vector_load %arg11[%swap3A_1175, %swap3A_1176] {strides = array<i32>} : memref<32x1280xf32, #tpu.memory_space<vmem>>, vector<16xf32>,
          tpu.vector_store %arg11[%swap3A_1175, %swap3A_1176], %gather3A_1123 {strides = array<i32>} : memref<32x1280xf32, #tpu.memory_space<vmem>>, vector<16xf32>,
          %gather3A_1178 = arith.constant 312 : i32
          %gather3A_1179 = tpu.memref_slice %arg5[%gather3A_1178] : memref<768xf32, #tpu.memory_space<vmem>> -> memref<17xf32, #tpu.memory_space<vmem>>
          %gather3A_1180 = tpu.vector_load_idx %gather3A_1179[%select_n3A_1108] : memref<17xf32, #tpu.memory_space<vmem>>[vector<16xi32>], vector<16xf32>,
          %mul3A_1181 = arith.constant 16 : i32
          %mul3A_1182 = arith.muli %scan3A_1081, %mul3A_1181 : i32
          %swap3A_1183 = arith.constant 5 : i32
          %swap3A_1184 = arith.index_cast %swap3A_1183 : i32 to index
          %swap3A_1185 = arith.index_cast %mul3A_1182 : i32 to index
          %swap3A_1186 = tpu.vector_load %arg11[%swap3A_1184, %swap3A_1185] {strides = array<i32>} : memref<32x1280xf32, #tpu.memory_space<vmem>>, vector<16xf32>,
          tpu.vector_store %arg11[%swap3A_1184, %swap3A_1185], %gather3A_1126 {strides = array<i32>} : memref<32x1280xf32, #tpu.memory_space<vmem>>, vector<16xf32>,
          %gather3A_1187 = arith.constant 336 : i32
          %gather3A_1188 = tpu.memref_slice %arg5[%gather3A_1187] : memref<768xf32, #tpu.memory_space<vmem>> -> memref<17xf32, #tpu.memory_space<vmem>>
          %gather3A_1189 = tpu.vector_load_idx %gather3A_1188[%select_n3A_1108] : memref<17xf32, #tpu.memory_space<vmem>>[vector<16xi32>], vector<16xf32>,
          %mul3A_1190 = arith.constant 16 : i32
          %mul3A_1191 = arith.muli %scan3A_1081, %mul3A_1190 : i32
          %swap3A_1192 = arith.constant 6 : i32
          %swap3A_1193 = arith.index_cast %swap3A_1192 : i32 to index
          %swap3A_1194 = arith.index_cast %mul3A_1191 : i32 to index
          %swap3A_1195 = tpu.vector_load %arg11[%swap3A_1193, %swap3A_1194] {strides = array<i32>} : memref<32x1280xf32, #tpu.memory_space<vmem>>, vector<16xf32>,
          tpu.vector_store %arg11[%swap3A_1193, %swap3A_1194], %gather3A_1129 {strides = array<i32>} : memref<32x1280xf32, #tpu.memory_space<vmem>>, vector<16xf32>,
          %gather3A_1196 = arith.constant 360 : i32
          %gather3A_1197 = tpu.memref_slice %arg5[%gather3A_1196] : memref<768xf32, #tpu.memory_space<vmem>> -> memref<17xf32, #tpu.memory_space<vmem>>
          %gather3A_1198 = tpu.vector_load_idx %gather3A_1197[%select_n3A_1108] : memref<17xf32, #tpu.memory_space<vmem>>[vector<16xi32>], vector<16xf32>,
          %mul3A_1199 = arith.constant 16 : i32
          %mul3A_1200 = arith.muli %scan3A_1081, %mul3A_1199 : i32
          %swap3A_1201 = arith.constant 7 : i32
          %swap3A_1202 = arith.index_cast %swap3A_1201 : i32 to index
          %swap3A_1203 = arith.index_cast %mul3A_1200 : i32 to index
          %swap3A_1204 = tpu.vector_load %arg11[%swap3A_1202, %swap3A_1203] {strides = array<i32>} : memref<32x1280xf32, #tpu.memory_space<vmem>>, vector<16xf32>,
          tpu.vector_store %arg11[%swap3A_1202, %swap3A_1203], %gather3A_1132 {strides = array<i32>} : memref<32x1280xf32, #tpu.memory_space<vmem>>, vector<16xf32>,
          %gather3A_1205 = arith.constant 384 : i32
          %gather3A_1206 = tpu.memref_slice %arg5[%gather3A_1205] : memref<768xf32, #tpu.memory_space<vmem>> -> memref<17xf32, #tpu.memory_space<vmem>>
          %gather3A_1207 = tpu.vector_load_idx %gather3A_1206[%select_n3A_1108] : memref<17xf32, #tpu.memory_space<vmem>>[vector<16xi32>], vector<16xf32>,
          %mul3A_1208 = arith.constant 16 : i32
          %mul3A_1209 = arith.muli %scan3A_1081, %mul3A_1208 : i32
          %swap3A_1210 = arith.constant 8 : i32
          %swap3A_1211 = arith.index_cast %swap3A_1210 : i32 to index
          %swap3A_1212 = arith.index_cast %mul3A_1209 : i32 to index
          %swap3A_1213 = tpu.vector_load %arg11[%swap3A_1211, %swap3A_1212] {strides = array<i32>} : memref<32x1280xf32, #tpu.memory_space<vmem>>, vector<16xf32>,
          tpu.vector_store %arg11[%swap3A_1211, %swap3A_1212], %gather3A_1135 {strides = array<i32>} : memref<32x1280xf32, #tpu.memory_space<vmem>>, vector<16xf32>,
          %gather3A_1214 = arith.constant 408 : i32
          %gather3A_1215 = tpu.memref_slice %arg5[%gather3A_1214] : memref<768xf32, #tpu.memory_space<vmem>> -> memref<17xf32, #tpu.memory_space<vmem>>
          %gather3A_1216 = tpu.vector_load_idx %gather3A_1215[%select_n3A_1108] : memref<17xf32, #tpu.memory_space<vmem>>[vector<16xi32>], vector<16xf32>,
          %mul3A_1217 = arith.constant 16 : i32
          %mul3A_1218 = arith.muli %scan3A_1081, %mul3A_1217 : i32
          %swap3A_1219 = arith.constant 9 : i32
          %swap3A_1220 = arith.index_cast %swap3A_1219 : i32 to index
          %swap3A_1221 = arith.index_cast %mul3A_1218 : i32 to index
          %swap3A_1222 = tpu.vector_load %arg11[%swap3A_1220, %swap3A_1221] {strides = array<i32>} : memref<32x1280xf32, #tpu.memory_space<vmem>>, vector<16xf32>,
          tpu.vector_store %arg11[%swap3A_1220, %swap3A_1221], %gather3A_1144 {strides = array<i32>} : memref<32x1280xf32, #tpu.memory_space<vmem>>, vector<16xf32>,
          %gather3A_1223 = arith.constant 432 : i32
          %gather3A_1224 = tpu.memref_slice %arg5[%gather3A_1223] : memref<768xf32, #tpu.memory_space<vmem>> -> memref<17xf32, #tpu.memory_space<vmem>>
          %gather3A_1225 = tpu.vector_load_idx %gather3A_1224[%select_n3A_1108] : memref<17xf32, #tpu.memory_space<vmem>>[vector<16xi32>], vector<16xf32>,
          %mul3A_1226 = arith.constant 16 : i32
          %mul3A_1227 = arith.muli %scan3A_1081, %mul3A_1226 : i32
          %swap3A_1228 = arith.constant 10 : i32
          %swap3A_1229 = arith.index_cast %swap3A_1228 : i32 to index
          %swap3A_1230 = arith.index_cast %mul3A_1227 : i32 to index
          %swap3A_1231 = tpu.vector_load %arg11[%swap3A_1229, %swap3A_1230] {strides = array<i32>} : memref<32x1280xf32, #tpu.memory_space<vmem>>, vector<16xf32>,
          tpu.vector_store %arg11[%swap3A_1229, %swap3A_1230], %gather3A_1153 {strides = array<i32>} : memref<32x1280xf32, #tpu.memory_space<vmem>>, vector<16xf32>,
          %gather3A_1232 = arith.constant 456 : i32
          %gather3A_1233 = tpu.memref_slice %arg5[%gather3A_1232] : memref<768xf32, #tpu.memory_space<vmem>> -> memref<17xf32, #tpu.memory_space<vmem>>
          %gather3A_1234 = tpu.vector_load_idx %gather3A_1233[%select_n3A_1108] : memref<17xf32, #tpu.memory_space<vmem>>[vector<16xi32>], vector<16xf32>,
          %mul3A_1235 = arith.constant 16 : i32
          %mul3A_1236 = arith.muli %scan3A_1081, %mul3A_1235 : i32
          %swap3A_1237 = arith.constant 11 : i32
          %swap3A_1238 = arith.index_cast %swap3A_1237 : i32 to index
          %swap3A_1239 = arith.index_cast %mul3A_1236 : i32 to index
          %swap3A_1240 = tpu.vector_load %arg11[%swap3A_1238, %swap3A_1239] {strides = array<i32>} : memref<32x1280xf32, #tpu.memory_space<vmem>>, vector<16xf32>,
          tpu.vector_store %arg11[%swap3A_1238, %swap3A_1239], %gather3A_1162 {strides = array<i32>} : memref<32x1280xf32, #tpu.memory_space<vmem>>, vector<16xf32>,
          %gather3A_1241 = arith.constant 480 : i32
          %gather3A_1242 = tpu.memref_slice %arg5[%gather3A_1241] : memref<768xf32, #tpu.memory_space<vmem>> -> memref<17xf32, #tpu.memory_space<vmem>>
          %gather3A_1243 = tpu.vector_load_idx %gather3A_1242[%select_n3A_1108] : memref<17xf32, #tpu.memory_space<vmem>>[vector<16xi32>], vector<16xf32>,
          %mul3A_1244 = arith.constant 16 : i32
          %mul3A_1245 = arith.muli %scan3A_1081, %mul3A_1244 : i32
          %swap3A_1246 = arith.constant 12 : i32
          %swap3A_1247 = arith.index_cast %swap3A_1246 : i32 to index
          %swap3A_1248 = arith.index_cast %mul3A_1245 : i32 to index
          %swap3A_1249 = tpu.vector_load %arg11[%swap3A_1247, %swap3A_1248] {strides = array<i32>} : memref<32x1280xf32, #tpu.memory_space<vmem>>, vector<16xf32>,
          tpu.vector_store %arg11[%swap3A_1247, %swap3A_1248], %gather3A_1171 {strides = array<i32>} : memref<32x1280xf32, #tpu.memory_space<vmem>>, vector<16xf32>,
          %gather3A_1250 = arith.constant 504 : i32
          %gather3A_1251 = tpu.memref_slice %arg5[%gather3A_1250] : memref<768xf32, #tpu.memory_space<vmem>> -> memref<17xf32, #tpu.memory_space<vmem>>
          %gather3A_1252 = tpu.vector_load_idx %gather3A_1251[%select_n3A_1108] : memref<17xf32, #tpu.memory_space<vmem>>[vector<16xi32>], vector<16xf32>,
          %mul3A_1253 = arith.constant 16 : i32
          %mul3A_1254 = arith.muli %scan3A_1081, %mul3A_1253 : i32
          %swap3A_1255 = arith.constant 13 : i32
          %swap3A_1256 = arith.index_cast %swap3A_1255 : i32 to index
          %swap3A_1257 = arith.index_cast %mul3A_1254 : i32 to index
          %swap3A_1258 = tpu.vector_load %arg11[%swap3A_1256, %swap3A_1257] {strides = array<i32>} : memref<32x1280xf32, #tpu.memory_space<vmem>>, vector<16xf32>,
          tpu.vector_store %arg11[%swap3A_1256, %swap3A_1257], %gather3A_1180 {strides = array<i32>} : memref<32x1280xf32, #tpu.memory_space<vmem>>, vector<16xf32>,
          %gather3A_1259 = arith.constant 528 : i32
          %gather3A_1260 = tpu.memref_slice %arg5[%gather3A_1259] : memref<768xf32, #tpu.memory_space<vmem>> -> memref<17xf32, #tpu.memory_space<vmem>>
          %gather3A_1261 = tpu.vector_load_idx %gather3A_1260[%select_n3A_1108] : memref<17xf32, #tpu.memory_space<vmem>>[vector<16xi32>], vector<16xf32>,
          %mul3A_1262 = arith.constant 16 : i32
          %mul3A_1263 = arith.muli %scan3A_1081, %mul3A_1262 : i32
          %swap3A_1264 = arith.constant 14 : i32
          %swap3A_1265 = arith.index_cast %swap3A_1264 : i32 to index
          %swap3A_1266 = arith.index_cast %mul3A_1263 : i32 to index
          %swap3A_1267 = tpu.vector_load %arg11[%swap3A_1265, %swap3A_1266] {strides = array<i32>} : memref<32x1280xf32, #tpu.memory_space<vmem>>, vector<16xf32>,
          tpu.vector_store %arg11[%swap3A_1265, %swap3A_1266], %gather3A_1189 {strides = array<i32>} : memref<32x1280xf32, #tpu.memory_space<vmem>>, vector<16xf32>,
          %gather3A_1268 = arith.constant 552 : i32
          %gather3A_1269 = tpu.memref_slice %arg5[%gather3A_1268] : memref<768xf32, #tpu.memory_space<vmem>> -> memref<17xf32, #tpu.memory_space<vmem>>
          %gather3A_1270 = tpu.vector_load_idx %gather3A_1269[%select_n3A_1108] : memref<17xf32, #tpu.memory_space<vmem>>[vector<16xi32>], vector<16xf32>,
          %mul3A_1271 = arith.constant 16 : i32
          %mul3A_1272 = arith.muli %scan3A_1081, %mul3A_1271 : i32
          %swap3A_1273 = arith.constant 15 : i32
          %swap3A_1274 = arith.index_cast %swap3A_1273 : i32 to index
          %swap3A_1275 = arith.index_cast %mul3A_1272 : i32 to index
          %swap3A_1276 = tpu.vector_load %arg11[%swap3A_1274, %swap3A_1275] {strides = array<i32>} : memref<32x1280xf32, #tpu.memory_space<vmem>>, vector<16xf32>,
          tpu.vector_store %arg11[%swap3A_1274, %swap3A_1275], %gather3A_1198 {strides = array<i32>} : memref<32x1280xf32, #tpu.memory_space<vmem>>, vector<16xf32>,
          %gather3A_1277 = arith.constant 576 : i32
          %gather3A_1278 = tpu.memref_slice %arg5[%gather3A_1277] : memref<768xf32, #tpu.memory_space<vmem>> -> memref<17xf32, #tpu.memory_space<vmem>>
          %gather3A_1279 = tpu.vector_load_idx %gather3A_1278[%select_n3A_1108] : memref<17xf32, #tpu.memory_space<vmem>>[vector<16xi32>], vector<16xf32>,
          %mul3A_1280 = arith.constant 16 : i32
          %mul3A_1281 = arith.muli %scan3A_1081, %mul3A_1280 : i32
          %swap3A_1282 = arith.constant 16 : i32
          %swap3A_1283 = arith.index_cast %swap3A_1282 : i32 to index
          %swap3A_1284 = arith.index_cast %mul3A_1281 : i32 to index
          %swap3A_1285 = tpu.vector_load %arg11[%swap3A_1283, %swap3A_1284] {strides = array<i32>} : memref<32x1280xf32, #tpu.memory_space<vmem>>, vector<16xf32>,
          tpu.vector_store %arg11[%swap3A_1283, %swap3A_1284], %gather3A_1207 {strides = array<i32>} : memref<32x1280xf32, #tpu.memory_space<vmem>>, vector<16xf32>,
          %gather3A_1286 = arith.constant 600 : i32
          %gather3A_1287 = tpu.memref_slice %arg5[%gather3A_1286] : memref<768xf32, #tpu.memory_space<vmem>> -> memref<17xf32, #tpu.memory_space<vmem>>
          %gather3A_1288 = tpu.vector_load_idx %gather3A_1287[%select_n3A_1108] : memref<17xf32, #tpu.memory_space<vmem>>[vector<16xi32>], vector<16xf32>,
          %mul3A_1289 = arith.constant 16 : i32
          %mul3A_1290 = arith.muli %scan3A_1081, %mul3A_1289 : i32
          %swap3A_1291 = arith.constant 17 : i32
          %swap3A_1292 = arith.index_cast %swap3A_1291 : i32 to index
          %swap3A_1293 = arith.index_cast %mul3A_1290 : i32 to index
          %swap3A_1294 = tpu.vector_load %arg11[%swap3A_1292, %swap3A_1293] {strides = array<i32>} : memref<32x1280xf32, #tpu.memory_space<vmem>>, vector<16xf32>,
          tpu.vector_store %arg11[%swap3A_1292, %swap3A_1293], %gather3A_1216 {strides = array<i32>} : memref<32x1280xf32, #tpu.memory_space<vmem>>, vector<16xf32>,
          %gather3A_1295 = arith.constant 624 : i32
          %gather3A_1296 = tpu.memref_slice %arg5[%gather3A_1295] : memref<768xf32, #tpu.memory_space<vmem>> -> memref<17xf32, #tpu.memory_space<vmem>>
          %gather3A_1297 = tpu.vector_load_idx %gather3A_1296[%select_n3A_1108] : memref<17xf32, #tpu.memory_space<vmem>>[vector<16xi32>], vector<16xf32>,
          %mul3A_1298 = arith.constant 16 : i32
          %mul3A_1299 = arith.muli %scan3A_1081, %mul3A_1298 : i32
          %swap3A_1300 = arith.constant 18 : i32
          %swap3A_1301 = arith.index_cast %swap3A_1300 : i32 to index
          %swap3A_1302 = arith.index_cast %mul3A_1299 : i32 to index
          %swap3A_1303 = tpu.vector_load %arg11[%swap3A_1301, %swap3A_1302] {strides = array<i32>} : memref<32x1280xf32, #tpu.memory_space<vmem>>, vector<16xf32>,
          tpu.vector_store %arg11[%swap3A_1301, %swap3A_1302], %gather3A_1225 {strides = array<i32>} : memref<32x1280xf32, #tpu.memory_space<vmem>>, vector<16xf32>,
          %gather3A_1304 = arith.constant 648 : i32
          %gather3A_1305 = tpu.memref_slice %arg5[%gather3A_1304] : memref<768xf32, #tpu.memory_space<vmem>> -> memref<17xf32, #tpu.memory_space<vmem>>
          %gather3A_1306 = tpu.vector_load_idx %gather3A_1305[%select_n3A_1108] : memref<17xf32, #tpu.memory_space<vmem>>[vector<16xi32>], vector<16xf32>,
          %mul3A_1307 = arith.constant 16 : i32
          %mul3A_1308 = arith.muli %scan3A_1081, %mul3A_1307 : i32
          %swap3A_1309 = arith.constant 19 : i32
          %swap3A_1310 = arith.index_cast %swap3A_1309 : i32 to index
          %swap3A_1311 = arith.index_cast %mul3A_1308 : i32 to index
          %swap3A_1312 = tpu.vector_load %arg11[%swap3A_1310, %swap3A_1311] {strides = array<i32>} : memref<32x1280xf32, #tpu.memory_space<vmem>>, vector<16xf32>,
          tpu.vector_store %arg11[%swap3A_1310, %swap3A_1311], %gather3A_1234 {strides = array<i32>} : memref<32x1280xf32, #tpu.memory_space<vmem>>, vector<16xf32>,
          %gather3A_1313 = arith.constant 672 : i32
          %gather3A_1314 = tpu.memref_slice %arg5[%gather3A_1313] : memref<768xf32, #tpu.memory_space<vmem>> -> memref<17xf32, #tpu.memory_space<vmem>>
          %gather3A_1315 = tpu.vector_load_idx %gather3A_1314[%select_n3A_1108] : memref<17xf32, #tpu.memory_space<vmem>>[vector<16xi32>], vector<16xf32>,
          %mul3A_1316 = arith.constant 16 : i32
          %mul3A_1317 = arith.muli %scan3A_1081, %mul3A_1316 : i32
          %swap3A_1318 = arith.constant 20 : i32
          %swap3A_1319 = arith.index_cast %swap3A_1318 : i32 to index
          %swap3A_1320 = arith.index_cast %mul3A_1317 : i32 to index
          %swap3A_1321 = tpu.vector_load %arg11[%swap3A_1319, %swap3A_1320] {strides = array<i32>} : memref<32x1280xf32, #tpu.memory_space<vmem>>, vector<16xf32>,
          tpu.vector_store %arg11[%swap3A_1319, %swap3A_1320], %gather3A_1243 {strides = array<i32>} : memref<32x1280xf32, #tpu.memory_space<vmem>>, vector<16xf32>,
          %gather3A_1322 = arith.constant 696 : i32
          %gather3A_1323 = tpu.memref_slice %arg5[%gather3A_1322] : memref<768xf32, #tpu.memory_space<vmem>> -> memref<17xf32, #tpu.memory_space<vmem>>
          %gather3A_1324 = tpu.vector_load_idx %gather3A_1323[%select_n3A_1108] : memref<17xf32, #tpu.memory_space<vmem>>[vector<16xi32>], vector<16xf32>,
          %mul3A_1325 = arith.constant 16 : i32
          %mul3A_1326 = arith.muli %scan3A_1081, %mul3A_1325 : i32
          %swap3A_1327 = arith.constant 21 : i32
          %swap3A_1328 = arith.index_cast %swap3A_1327 : i32 to index
          %swap3A_1329 = arith.index_cast %mul3A_1326 : i32 to index
          %swap3A_1330 = tpu.vector_load %arg11[%swap3A_1328, %swap3A_1329] {strides = array<i32>} : memref<32x1280xf32, #tpu.memory_space<vmem>>, vector<16xf32>,
          tpu.vector_store %arg11[%swap3A_1328, %swap3A_1329], %gather3A_1252 {strides = array<i32>} : memref<32x1280xf32, #tpu.memory_space<vmem>>, vector<16xf32>,
          %gather3A_1331 = arith.constant 720 : i32
          %gather3A_1332 = tpu.memref_slice %arg5[%gather3A_1331] : memref<768xf32, #tpu.memory_space<vmem>> -> memref<17xf32, #tpu.memory_space<vmem>>
          %gather3A_1333 = tpu.vector_load_idx %gather3A_1332[%select_n3A_1108] : memref<17xf32, #tpu.memory_space<vmem>>[vector<16xi32>], vector<16xf32>,
          %mul3A_1334 = arith.constant 16 : i32
          %mul3A_1335 = arith.muli %scan3A_1081, %mul3A_1334 : i32
          %swap3A_1336 = arith.constant 22 : i32
          %swap3A_1337 = arith.index_cast %swap3A_1336 : i32 to index
          %swap3A_1338 = arith.index_cast %mul3A_1335 : i32 to index
          %swap3A_1339 = tpu.vector_load %arg11[%swap3A_1337, %swap3A_1338] {strides = array<i32>} : memref<32x1280xf32, #tpu.memory_space<vmem>>, vector<16xf32>,
          tpu.vector_store %arg11[%swap3A_1337, %swap3A_1338], %gather3A_1261 {strides = array<i32>} : memref<32x1280xf32, #tpu.memory_space<vmem>>, vector<16xf32>,
          %gather3A_1340 = arith.constant 744 : i32
          %gather3A_1341 = tpu.memref_slice %arg5[%gather3A_1340] : memref<768xf32, #tpu.memory_space<vmem>> -> memref<17xf32, #tpu.memory_space<vmem>>
          %gather3A_1342 = tpu.vector_load_idx %gather3A_1341[%select_n3A_1108] : memref<17xf32, #tpu.memory_space<vmem>>[vector<16xi32>], vector<16xf32>,
          %mul3A_1343 = arith.constant 16 : i32
          %mul3A_1344 = arith.muli %scan3A_1081, %mul3A_1343 : i32
          %swap3A_1345 = arith.constant 23 : i32
          %swap3A_1346 = arith.index_cast %swap3A_1345 : i32 to index
          %swap3A_1347 = arith.index_cast %mul3A_1344 : i32 to index
          %swap3A_1348 = tpu.vector_load %arg11[%swap3A_1346, %swap3A_1347] {strides = array<i32>} : memref<32x1280xf32, #tpu.memory_space<vmem>>, vector<16xf32>,
          tpu.vector_store %arg11[%swap3A_1346, %swap3A_1347], %gather3A_1270 {strides = array<i32>} : memref<32x1280xf32, #tpu.memory_space<vmem>>, vector<16xf32>,
          %mul3A_1349 = arith.constant 16 : i32
          %mul3A_1350 = arith.muli %scan3A_1081, %mul3A_1349 : i32
          %swap3A_1351 = arith.constant 24 : i32
          %swap3A_1352 = arith.index_cast %swap3A_1351 : i32 to index
          %swap3A_1353 = arith.index_cast %mul3A_1350 : i32 to index
          %swap3A_1354 = tpu.vector_load %arg11[%swap3A_1352, %swap3A_1353] {strides = array<i32>} : memref<32x1280xf32, #tpu.memory_space<vmem>>, vector<16xf32>,
          tpu.vector_store %arg11[%swap3A_1352, %swap3A_1353], %gather3A_1279 {strides = array<i32>} : memref<32x1280xf32, #tpu.memory_space<vmem>>, vector<16xf32>,
          %mul3A_1355 = arith.constant 16 : i32
          %mul3A_1356 = arith.muli %scan3A_1081, %mul3A_1355 : i32
          %swap3A_1357 = arith.constant 25 : i32
          %swap3A_1358 = arith.index_cast %swap3A_1357 : i32 to index
          %swap3A_1359 = arith.index_cast %mul3A_1356 : i32 to index
          %swap3A_1360 = tpu.vector_load %arg11[%swap3A_1358, %swap3A_1359] {strides = array<i32>} : memref<32x1280xf32, #tpu.memory_space<vmem>>, vector<16xf32>,
          tpu.vector_store %arg11[%swap3A_1358, %swap3A_1359], %gather3A_1288 {strides = array<i32>} : memref<32x1280xf32, #tpu.memory_space<vmem>>, vector<16xf32>,
          %mul3A_1361 = arith.constant 16 : i32
          %mul3A_1362 = arith.muli %scan3A_1081, %mul3A_1361 : i32
          %swap3A_1363 = arith.constant 26 : i32
          %swap3A_1364 = arith.index_cast %swap3A_1363 : i32 to index
          %swap3A_1365 = arith.index_cast %mul3A_1362 : i32 to index
          %swap3A_1366 = tpu.vector_load %arg11[%swap3A_1364, %swap3A_1365] {strides = array<i32>} : memref<32x1280xf32, #tpu.memory_space<vmem>>, vector<16xf32>,
          tpu.vector_store %arg11[%swap3A_1364, %swap3A_1365], %gather3A_1297 {strides = array<i32>} : memref<32x1280xf32, #tpu.memory_space<vmem>>, vector<16xf32>,
          %mul3A_1367 = arith.constant 16 : i32
          %mul3A_1368 = arith.muli %scan3A_1081, %mul3A_1367 : i32
          %swap3A_1369 = arith.constant 27 : i32
          %swap3A_1370 = arith.index_cast %swap3A_1369 : i32 to index
          %swap3A_1371 = arith.index_cast %mul3A_1368 : i32 to index
          %swap3A_1372 = tpu.vector_load %arg11[%swap3A_1370, %swap3A_1371] {strides = array<i32>} : memref<32x1280xf32, #tpu.memory_space<vmem>>, vector<16xf32>,
          tpu.vector_store %arg11[%swap3A_1370, %swap3A_1371], %gather3A_1306 {strides = array<i32>} : memref<32x1280xf32, #tpu.memory_space<vmem>>, vector<16xf32>,
          %mul3A_1373 = arith.constant 16 : i32
          %mul3A_1374 = arith.muli %scan3A_1081, %mul3A_1373 : i32
          %swap3A_1375 = arith.constant 28 : i32
          %swap3A_1376 = arith.index_cast %swap3A_1375 : i32 to index
          %swap3A_1377 = arith.index_cast %mul3A_1374 : i32 to index
          %swap3A_1378 = tpu.vector_load %arg11[%swap3A_1376, %swap3A_1377] {strides = array<i32>} : memref<32x1280xf32, #tpu.memory_space<vmem>>, vector<16xf32>,
          tpu.vector_store %arg11[%swap3A_1376, %swap3A_1377], %gather3A_1315 {strides = array<i32>} : memref<32x1280xf32, #tpu.memory_space<vmem>>, vector<16xf32>,
          %mul3A_1379 = arith.constant 16 : i32
          %mul3A_1380 = arith.muli %scan3A_1081, %mul3A_1379 : i32
          %swap3A_1381 = arith.constant 29 : i32
          %swap3A_1382 = arith.index_cast %swap3A_1381 : i32 to index
          %swap3A_1383 = arith.index_cast %mul3A_1380 : i32 to index
          %swap3A_1384 = tpu.vector_load %arg11[%swap3A_1382, %swap3A_1383] {strides = array<i32>} : memref<32x1280xf32, #tpu.memory_space<vmem>>, vector<16xf32>,
          tpu.vector_store %arg11[%swap3A_1382, %swap3A_1383], %gather3A_1324 {strides = array<i32>} : memref<32x1280xf32, #tpu.memory_space<vmem>>, vector<16xf32>,
          %mul3A_1385 = arith.constant 16 : i32
          %mul3A_1386 = arith.muli %scan3A_1081, %mul3A_1385 : i32
          %swap3A_1387 = arith.constant 30 : i32
          %swap3A_1388 = arith.index_cast %swap3A_1387 : i32 to index
          %swap3A_1389 = arith.index_cast %mul3A_1386 : i32 to index
          %swap3A_1390 = tpu.vector_load %arg11[%swap3A_1388, %swap3A_1389] {strides = array<i32>} : memref<32x1280xf32, #tpu.memory_space<vmem>>, vector<16xf32>,
          tpu.vector_store %arg11[%swap3A_1388, %swap3A_1389], %gather3A_1333 {strides = array<i32>} : memref<32x1280xf32, #tpu.memory_space<vmem>>, vector<16xf32>,
          %mul3A_1391 = arith.constant 16 : i32
          %mul3A_1392 = arith.muli %scan3A_1081, %mul3A_1391 : i32
          %swap3A_1393 = arith.constant 31 : i32
          %swap3A_1394 = arith.index_cast %swap3A_1393 : i32 to index
          %swap3A_1395 = arith.index_cast %mul3A_1392 : i32 to index
          %swap3A_1396 = tpu.vector_load %arg11[%swap3A_1394, %swap3A_1395] {strides = array<i32>} : memref<32x1280xf32, #tpu.memory_space<vmem>>, vector<16xf32>,
          tpu.vector_store %arg11[%swap3A_1394, %swap3A_1395], %gather3A_1342 {strides = array<i32>} : memref<32x1280xf32, #tpu.memory_space<vmem>>, vector<16xf32>,
        }
        %scan3A_122 = arith.constant 80 : i32
        %mul3A_123 = arith.constant 32 : i32
        %mul3A_124 = arith.muli %add3A_92, %mul3A_123 : i32
        %add3A_125 = arith.addi %add3A, %mul3A_124 : i32
        %mul3A_126 = arith.constant 1280 : i32
        %mul3A_127 = arith.muli %add3A_125, %mul3A_126 : i32
        %dma_start3A_128 = arith.constant 0 : i32
        %dma_start3A_129 = tpu.memref_slice %arg4[%dma_start3A_128, %mul3A_127] : memref<32x1600000xf32, #tpu.memory_space<hbm>> -> memref<32x1280xf32, #tpu.memory_space<hbm>>
        %dma_start3A_130 = arith.constant 0 : i32
        %dma_start3A_131 = tpu.memref_slice %arg4[%dma_start3A_130, %mul3A_127] : memref<32x1600000xf32, #tpu.memory_space<hbm>> -> memref<32x1280xf32, #tpu.memory_space<hbm>>
        tpu.enqueue_dma source(%arg11 : memref<32x1280xf32, #tpu.memory_space<vmem>>) target(%dma_start3A_131 : memref<32x1280xf32, #tpu.memory_space<hbm>>) target_semaphore(%arg15 : memref<!tpu.dma_semaphore, #tpu.memory_space<semaphore_mem>>)
        %add3A_132 = arith.constant 2 : i32
        %add3A_133 = arith.addi %add3A_92, %add3A_132 : i32
        %lt3A_134 = arith.cmpi slt, %add3A_133, %select_n3A : i32
        %convert_element_type3A_135 = arith.extui %lt3A_134 : i1 to i32
        %cond3A_136 = arith.constant 0 : i32
        %cond3A_137 = arith.cmpi ne, %convert_element_type3A_135, %cond3A_136 : i32
        scf.if %cond3A_137 {
          %add3A_138 = arith.constant 2 : i32
          %add3A_139 = arith.addi %add3A_92, %add3A_138 : i32
          %mul3A_140 = arith.constant 32 : i32
          %mul3A_141 = arith.muli %add3A_139, %mul3A_140 : i32
          %add3A_142 = arith.addi %add3A, %mul3A_141 : i32
          %mul3A_143 = arith.constant 1280 : i32
          %mul3A_144 = arith.muli %add3A_142, %mul3A_143 : i32
          %dma_start3A_145 = arith.constant 0 : i32
          %dma_start3A_146 = tpu.memref_slice %arg2[%dma_start3A_145, %mul3A_144] : memref<2x1600000xi32, #tpu.memory_space<hbm>> -> memref<1x1280xi32, #tpu.memory_space<hbm>>
          %dma_start3A_147 = tpu.memref_squeeze %dma_start3A_146 : memref<1x1280xi32, #tpu.memory_space<hbm>> -> memref<1280xi32, #tpu.memory_space<hbm>>
          %dma_start3A_148 = tpu.memref_slice %arg2[%dma_start3A_145, %mul3A_144] : memref<2x1600000xi32, #tpu.memory_space<hbm>> -> memref<1x1280xi32, #tpu.memory_space<hbm>>
          %dma_start3A_149 = tpu.memref_squeeze %dma_start3A_148 : memref<1x1280xi32, #tpu.memory_space<hbm>> -> memref<1280xi32, #tpu.memory_space<hbm>>
          tpu.enqueue_dma source(%dma_start3A_149 : memref<1280xi32, #tpu.memory_space<hbm>>) target(%arg8 : memref<1280xi32, #tpu.memory_space<vmem>>) target_semaphore(%arg13 : memref<!tpu.dma_semaphore, #tpu.memory_space<semaphore_mem>>)
          %dma_start3A_150 = arith.constant 1 : i32
          %dma_start3A_151 = tpu.memref_slice %arg2[%dma_start3A_150, %mul3A_144] : memref<2x1600000xi32, #tpu.memory_space<hbm>> -> memref<1x1280xi32, #tpu.memory_space<hbm>>
          %dma_start3A_152 = tpu.memref_squeeze %dma_start3A_151 : memref<1x1280xi32, #tpu.memory_space<hbm>> -> memref<1280xi32, #tpu.memory_space<hbm>>
          %dma_start3A_153 = tpu.memref_slice %arg2[%dma_start3A_150, %mul3A_144] : memref<2x1600000xi32, #tpu.memory_space<hbm>> -> memref<1x1280xi32, #tpu.memory_space<hbm>>
          %dma_start3A_154 = tpu.memref_squeeze %dma_start3A_153 : memref<1x1280xi32, #tpu.memory_space<hbm>> -> memref<1280xi32, #tpu.memory_space<hbm>>
          tpu.enqueue_dma source(%dma_start3A_154 : memref<1280xi32, #tpu.memory_space<hbm>>) target(%arg9 : memref<1280xi32, #tpu.memory_space<vmem>>) target_semaphore(%arg13 : memref<!tpu.dma_semaphore, #tpu.memory_space<semaphore_mem>>)
        } else {
        }
      } else {
      }
    }
    %scan3A_34 = arith.constant 20 : i32
    %sub3A = arith.constant 1 : i32
    %sub3A_35 = arith.subi %select_n3A, %sub3A : i32
    %mul3A_36 = arith.constant 32 : i32
    %mul3A_37 = arith.muli %sub3A_35, %mul3A_36 : i32
    %add3A_38 = arith.addi %add3A, %mul3A_37 : i32
    %mul3A_39 = arith.constant 1280 : i32
    %mul3A_40 = arith.muli %add3A_38, %mul3A_39 : i32
    %dma_wait3A = arith.constant 0 : i32
    %dma_wait3A_41 = tpu.memref_slice %arg4[%dma_wait3A, %mul3A_40] : memref<32x1600000xf32, #tpu.memory_space<hbm>> -> memref<32x1280xf32, #tpu.memory_space<hbm>>
    %dma_wait3A_42 = arith.constant 0 : i32
    %dma_wait3A_43 = tpu.memref_slice %arg4[%dma_wait3A_42, %mul3A_40] : memref<32x1600000xf32, #tpu.memory_space<hbm>> -> memref<32x1280xf32, #tpu.memory_space<hbm>>
    tpu.wait_dma2 semaphore(%arg14 : memref<!tpu.dma_semaphore, #tpu.memory_space<semaphore_mem>>) src(%arg10 : memref<32x1280xf32, #tpu.memory_space<vmem>>) dst(%dma_wait3A_43 : memref<32x1280xf32, #tpu.memory_space<hbm>>)
    %eq3A = arith.constant 40 : i32
    %eq3A_44 = arith.cmpi eq, %select_n3A, %eq3A : i32
    %convert_element_type3A = arith.extui %eq3A_44 : i1 to i32
    %cond3A = arith.constant 0 : i32
    %cond3A_45 = arith.cmpi ne, %convert_element_type3A, %cond3A : i32
    scf.if %cond3A_45 {
      %sub3A_46 = arith.constant 1 : i32
      %sub3A_47 = arith.subi %select_n3A, %sub3A_46 : i32
      %mul3A_48 = arith.constant 32 : i32
      %mul3A_49 = arith.muli %sub3A_47, %mul3A_48 : i32
      %add3A_50 = arith.addi %add3A, %mul3A_49 : i32
      %mul3A_51 = arith.constant 1280 : i32
      %mul3A_52 = arith.muli %add3A_50, %mul3A_51 : i32
      %dma_wait3A_53 = arith.constant 0 : i32
      %dma_wait3A_54 = tpu.memref_slice %arg4[%dma_wait3A_53, %mul3A_52] : memref<32x1600000xf32, #tpu.memory_space<hbm>> -> memref<32x1280xf32, #tpu.memory_space<hbm>>
      %dma_wait3A_55 = arith.constant 0 : i32
      %dma_wait3A_56 = tpu.memref_slice %arg4[%dma_wait3A_55, %mul3A_52] : memref<32x1600000xf32, #tpu.memory_space<hbm>> -> memref<32x1280xf32, #tpu.memory_space<hbm>>
      tpu.wait_dma2 semaphore(%arg15 : memref<!tpu.dma_semaphore, #tpu.memory_space<semaphore_mem>>) src(%arg11 : memref<32x1280xf32, #tpu.memory_space<vmem>>) dst(%dma_wait3A_56 : memref<32x1280xf32, #tpu.memory_space<hbm>>)
    } else {
    }
    return
  }
}

</mosaic_0001>

<sc_bundles>
// kernel: kernel.3.cloned.1.call-start
scs
__scs_entry_jumppad:
0x0: {  	(pc) =	sbr.rel $0x88, $3  }
0x1: {  	(tag) =	ssettag $0x0;
	lr =	simm.s32 $0x1  }
0x2: {  	[smem:$0x3F9F] =	sst lr;
	_ =	strace $0xD0000000  }
0x3: {  	_ = 	snop  }
0x4: {  	_ = 	snop  }
0x5: {  	_ = 	snop  }
0x6: {  	_ = 	snop  }
0x7: {  	_ = 	snop  }
__scs_overlays_trampoline_lowered:
0x8: {  	[smem:$0x3FAE] =	sst s0  }
0x9: {  	[smem:$0x3FAF] =	sst s1  }
0xa: {  	[smem:$0x3FB0] =	sst s2  }
0xb: {  	[smem:$0x3FB1] =	sst s3  }
0xc: {  	[smem:$0x3FB2] =	sst s4  }
0xd: {  	[smem:$0x3FB3] =	sst s5  }
0xe: {  	[smem:$0x3FB4] =	sst s6  }
0xf: {  	[smem:$0x3FB5] =	sst s7  }
0x10: {  	[smem:$0x3FB6] =	sst s8  }
0x11: {  	[smem:$0x3FB7] =	sst s9;
	s0 =	simm.s32 @!p0 $0x0  }
0x12: {  	s1 =	sld [smem:$0x3F9D];
	s0 =	simm.s32 @p0 $0x1  }
0x13: {  	[smem:$0x3FB8] =	sst s0;
	s0 =	simm.s32 @!p1 $0x0  }
0x14: {  	s2 =	sld [smem:$0x3F9C];
	s0 =	simm.s32 @p1 $0x1  }
0x15: {  	[smem:$0x3FB9] =	sst s0;
	s0 =	simm.s32 @!p2 $0x0  }
0x16: {  	s3 =	sld [smem:$0x3FDB];
	s0 =	simm.s32 @p2 $0x1  }
0x17: {  	s4 =	simm.s32 $0x1BF5;
	[smem:$0x3FBB] =	sst s0  }
0x18: {  	s0 =	sld [smem:$0x3F9E];
	_ =	swait.ge [sflag:s4], $0x0  }
0x19: {  	s7 =	sld [smem:$0x3F9F]  }
0x1a: {  	s8 =	sadd.s32 $0xFFFFE003, lr  }
0x1b: {  	s9 =	sadd.s32 $0xFFFFFEF7, lr;
	s5 =	simm.s32 $0xFFFFFFFF;
	p2 =	slt.u32 s8, $0xFFFFF086  }
0x1c: {  	p1 =	slt.u32 s9, $0xF7A;
	s5 =	simm.s32 @!p2 $0x0  }
0x1d: {  	s5 =	simm.s32 @p1 $0x1;
	p0 =	seq.s32 s7, s2  }
0x1e: {  	s7 =	smul.u32 @!p0 $0xF7A, s2;
	p2 =	seq.s32 @!p0 s5, $0x0  }
0x1f: {  	s9 =	smul.u32 $0xF7A, s1;
	s8 =	simm.s32 @!p0 $0x1BF5;
	p2 =	por !p2, p0  }
0x20: {  	[sflag:s8] =	ssyncset.s32 @!p0 $0xFFFFF086;
	s6 =	sadd.s32 @!p0 s3, s7;
	s7 =	simm.s32 @!p0 $0x108  }
0x21: {  	s3 =	sadd.s32 s3, s9;
	s6 =	sadd.s32 @!p0 $0x88, s6;
	s7 =	simm.s32 @p2 $0x1082  }
0x22: {  	[simem:s7], [sflag:s8] =	dma.local @!p0 [hbm:s6], $0xF7A  }
0x23: {  	s9 =	sor.u32 $0xD0000000, s2;
	s6 =	simm.s32 $0x108;
	_ =	swait.ge @!p0 [sflag:s8], $0x0  }
0x24: {  	s3 =	sadd.s32 $0x88, s3;
	s6 =	simm.s32 @!p1 $0x1082;
	[sflag:s4] =	ssyncset.s32 $0xFFFFF086  }
0x25: {  	[simem:s6], [sflag:s4] =	dma.local [hbm:s3], $0xF7A  }
0x26: {  	[smem:$0x3F9F] =	sst s1;
	(tag) =	ssettag s2;
	_ =	strace s9  }
0x27: {  	s1 =	sld [smem:$0x3FAF]  }
0x28: {  	s2 =	sld [smem:$0x3FB0]  }
0x29: {  	s4 =	sld [smem:$0x3FB2]  }
0x2a: {  	p0 =	seq.s32 s5, $0x0;
	s5 =	sld [smem:$0x3FB3]  }
0x2b: {  	s6 =	sld [smem:$0x3FB4]  }
0x2c: {  	s7 =	sld [smem:$0x3FB5]  }
0x2d: {  	s3 =	simm.s32 $0x108;
	s8 =	sld [smem:$0x3FB6]  }
0x2e: {  	s3 =	simm.s32 @!p0 $0x1082;
	s9 =	sld [smem:$0x3FB7]  }
0x2f: {  	lr =	sadd.s32 s0, s3;
	s0 =	sld [smem:$0x3FAE]  }
0x30: {  	s3 =	sld [smem:$0x3FB1]  }
0x31: {  	[smem:$0x3FBA] =	sst s10  }
0x32: {  	s10 =	sld [smem:$0x3FB8];
	_ =	sdelay $0x3  }
0x33: {  	p0 =	seq.s32 s10, $0x1;
	s10 =	sld [smem:$0x3FBA];
	_ =	sdelay $0x3  }
0x34: {  	[smem:$0x3FBA] =	sst s10  }
0x35: {  	s10 =	sld [smem:$0x3FB9];
	_ =	sdelay $0x3  }
0x36: {  	p1 =	seq.s32 s10, $0x1;
	s10 =	sld [smem:$0x3FBA];
	_ =	sdelay $0x3  }
0x37: {  	[smem:$0x3FBA] =	sst s10  }
0x38: {  	s10 =	sld [smem:$0x3FBB]  }
0x39: {  	_ = 	snop;
	(pc) =	sbr.ind lr, $3  }
0x3a: {  	_ = 	snop  }
0x3b: {  	_ = 	snop  }
0x3c: {  	p2 =	seq.s32 s10, $0x1;
	s10 =	sld [smem:$0x3FBA]  }
0x3d: {  	_ =	shalt  }
0x3e: {  	_ =	shalt  }
0x3f: {  	_ =	shalt  }
0x40: {  	_ =	shalt  }
0x41: {  	_ =	shalt  }
0x42: {  	_ =	shalt  }
0x43: {  	_ =	shalt  }
0x44: {  	_ =	shalt  }
0x45: {  	_ =	shalt  }
0x46: {  	_ =	shalt  }
0x47: {  	_ =	shalt  }
0x48: {  	_ =	shalt  }
0x49: {  	_ =	shalt  }
0x4a: {  	_ =	shalt  }
0x4b: {  	_ =	shalt  }
0x4c: {  	_ =	shalt  }
0x4d: {  	_ =	shalt  }
0x4e: {  	_ =	shalt  }
0x4f: {  	_ =	shalt  }
0x50: {  	_ =	shalt  }
0x51: {  	_ =	shalt  }
0x52: {  	_ =	shalt  }
0x53: {  	_ =	shalt  }
0x54: {  	_ =	shalt  }
0x55: {  	_ =	shalt  }
0x56: {  	_ =	shalt  }
0x57: {  	_ =	shalt  }
0x58: {  	_ =	shalt  }
0x59: {  	_ =	shalt  }
0x5a: {  	_ =	shalt  }
0x5b: {  	_ =	shalt  }
0x5c: {  	_ =	shalt  }
0x5d: {  	_ =	shalt  }
0x5e: {  	_ =	shalt  }
0x5f: {  	_ =	shalt  }
0x60: {  	_ =	shalt  }
0x61: {  	_ =	shalt  }
0x62: {  	_ =	shalt  }
0x63: {  	_ =	shalt  }
0x64: {  	_ =	shalt  }
0x65: {  	_ =	shalt  }
0x66: {  	_ =	shalt  }
0x67: {  	_ =	shalt  }
0x68: {  	_ =	shalt  }
0x69: {  	_ =	shalt  }
0x6a: {  	_ =	shalt  }
0x6b: {  	_ =	shalt  }
0x6c: {  	_ =	shalt  }
0x6d: {  	_ =	shalt  }
0x6e: {  	_ =	shalt  }
0x6f: {  	_ =	shalt  }
0x70: {  	_ =	shalt  }
0x71: {  	_ =	shalt  }
0x72: {  	_ =	shalt  }
0x73: {  	_ =	shalt  }
0x74: {  	_ =	shalt  }
0x75: {  	_ =	shalt  }
0x76: {  	_ =	shalt  }
0x77: {  	_ =	shalt  }
0x78: {  	_ =	shalt  }
0x79: {  	_ =	shalt  }
0x7a: {  	_ =	shalt  }
0x7b: {  	_ =	shalt  }
0x7c: {  	_ =	shalt  }
0x7d: {  	_ =	shalt  }
0x7e: {  	_ =	shalt  }
0x7f: {  	_ =	shalt  }
0x80: {  	_ =	shalt  }
0x81: {  	_ =	shalt  }
0x82: {  	_ =	shalt  }
0x83: {  	_ =	shalt  }
0x84: {  	_ =	shalt  }
0x85: {  	_ =	shalt  }
0x86: {  	_ =	shalt  }
0x87: {  	_ =	shalt  }
.Lfunc_end0:
.L_simem_size_0:
called_computation_lowered:
.L_overlay_start_0:
0x88: {  	s2 =	sld [smem:$0x3FD9]  }
0x89: {  	s3 =	sld [smem:$0x3FFE];
	_ =	sdelay $0x1  }
0x8a: {  	s1 =	srdreg.scid  }
0x8b: {  	s0 =	sand.u32 $0x1, s1  }
0x8c: {  	s17 =	sshll.u32 s0, $0xA;
	s2 =	sadd.s32 s3, s2  }
0x8d: {  	s2 =	sadd.s32 s2, s17  }
0x8e: {  	[smem:$0x3FC6] =	sst s2  }
0x8f: {  	_ = 	snop  }
0x90: {  	s2 =	sld [smem:$0x3FC9]  }
0x91: {  	s18 =	sld [smem:$0x3FD0];
	(tm) =	ssettm $0x1  }
0x92: {  	s4 =	sld [smem:$0x3FFB];
	_ =	sdelay $0x3  }
0x93: {  	_ =	strace s4  }
0x94: {  	s4 =	sld [smem:$0x3FFC];
	_ =	sdelay $0x3  }
0x95: {  	_ =	strace s4  }
0x96: {  	s4 =	sld [smem:$0x3FFD];
	_ =	sdelay $0x3  }
0x97: {  	_ =	strace s4  }
0x98: {  	_ =	strace $0x8FFFFFFF  }
0x99: {  	s19 =	sld [smem:$0x3FDB];
	_ =	sdelay $0x1  }
0x9a: {  	s5 =	simm.s32 $_scs_section_size  }
0x9b: {  	s6 =	simm.s32 $_size__tile_overlayer_lowered;
	s7 =	simm.s32 $_tile_overlayer_lowered  }
0x9c: {  	s22 =	simm.s32 $0x1BFF;
	s21 =	sshll.u32 s7, $0x1;
	s4 =	sadd.s32 s5, s19  }
0x9d: {  	s8 =	simm.s32 $0x0;
	s20 =	sshll.u32 s6, $0x1;
	s6 =	sadd.s32 s21, s4  }
0x9e: {  	[timem:s8], [sflag:s22] =	dma.local [hbm:s6], s20  }
0x9f: {  	_ =	swait.ge [sflag:s22], s20  }
0xa0: {  	s5 =	ssub.s32 $0x0, s20;
	[sflag:s22] =	ssyncset.done $0x0  }
0xa1: {  	[sflag:s22] =	ssyncadd.s32 s5;
	_ =	sdelay $0x1  }
0xa2: {  	s23 =	simm.s32 $0x1B8B  }
0xa3: {  	_ =	swait.ge [sflag:s23], $0x1  }
0xa4: {  	[sflag:s23] =	ssyncset.done $0x0  }
0xa5: {  	s25 =	simm.s32 $0x1B8E;
	s24 =	sld [smem:$0x3FFE];
	[sflag:s23] =	ssyncadd.s32 $0xFFFFFFFF  }
0xa6: {  	s26 =	simm.s32 $execute0_lowered;
	[smem:$0x3FD2] =	sst s25  }
0xa7: {  	s6 =	sshll.u32 s26, $0x1;
	_ =	strace $0x80000046;
	[dreg:$0x1] =	wrdreg $0xFFFFFFFF  }
0xa8: {  	s28 =	simm.s32 $_size_execute0_lowered;
	s4 =	sadd.s32 s4, s6;
	[dreg:$0x0] =	wrdreg $0x0  }
0xa9: {  	s6 =	sshll.u32 s28, $0x1;
	[dreg:$0x2] =	wrdreg s4  }
0xaa: {  	[dreg:$0x3] =	wrdreg s6  }
0xab: {  	[dreg:$0x4] =	wrdreg $0xC0  }
0xac: {  	_ =	task [dreg:s8], $0x5FFFF  }
0xad: {  	[dreg:$0x1] =	wrdreg $0xFFFFFFFF  }
0xae: {  	[dreg:$0x0] =	wrdreg $0x60  }
0xaf: {  	[dreg:$0x2] =	wrdreg s2  }
0xb0: {  	[dreg:$0x3] =	wrdreg s24  }
0xb1: {  	[dreg:$0x4] =	wrdreg s18  }
0xb2: {  	[dreg:$0x5] =	wrdreg $0x9  }
0xb3: {  	_ =	task.clear_ibuf [dreg:s8], $0x6FFFF;
	_ =	strace $0x90000046  }
0xb4: {  	s29 =	simm.s32 $0x9;
	_ =	strace $0x80000048  }
0xb5: {  	_ =	swait.ge [sflag:s29], $0x1  }
0xb6: {  	[sflag:s29] =	ssyncadd.s32 $0xFFFFFFFF  }
0xb7: {  	_ =	strace $0x90000048  }
0xb8: {  	_ =	sfence  }
0xb9: {  	s30 =	sld [smem:$0x0];
	_ =	sdelay $0x2  }
0xba: {  	s31 =	sshll.u32 s1, $0xD;
	s1 =	sshrl.u32 s1, $0x2  }
0xbb: {  	s3 =	sand.u32 $0x4000, s31;
	s1 =	sadd.s32 s1, s30  }
0xbc: {  	s0 =	sor.u32 s3, s0;
	s1 =	sshll.u32 s1, $0x11  }
0xbd: {  	s0 =	sor.u32 s1, s0  }
0xbe: {  	s0 =	sadd.s32 $0x8F2B, s0  }
0xbf: {  	[sflag:s0] =	ssyncadd.remote.s32 $0x1  }
0xc0: {  	_ =	sfence.sel $0xFFFF  }
0xc1: {  	[dreg:$0x0] =	wrdreg $0xFFFFFFFF;
	(pc) =	sbr.abs _section_cstart, $3  }
0xc2: {  	[dreg:$0x1] =	wrdreg $0xFFFFFFFF  }
0xc3: {  	_ =	task.clear_ibuf [dreg:s8], $0x2FFFF;
	_ =	strace $0x9FFFFFFF  }
0xc4: {  	(tm) =	ssettm $0x7FFFFFFF  }
0xc5: {  	_ =	shalt  }
tec
execute0_lowered:
.L_overlay_start_1:
0x0: {  	(tag) =	ssettag $0x1  }
0x1: {  	s5 =	rddreg [dreg:$0x0]  }
0x2: {  	s0 =	rddreg [dreg:$0x1];
	s1 =	srdreg.scid  }
0x3: {  	s2 =	stileid.u32;
	s29 =	simm.s32 $0x0;
	s6 =	simm.s32 $0x30  }
0x4: {  	s7 =	simm.s32 $0x48;
	s8 =	simm.s32 $0x60;
	s9 =	simm.s32 $0x78  }
0x5: {  	s10 =	simm.s32 $0x90;
	s11 =	simm.s32 $0xA8;
	s12 =	simm.s32 $0xC0  }
0x6: {  	s13 =	simm.s32 $0xD8;
	s14 =	simm.s32 $0xF0;
	s15 =	simm.s32 $0x108  }
0x7: {  	s16 =	simm.s32 $0x120;
	s23 =	simm.s32 $0x138;
	s18 =	simm.s32 $0x150  }
0x8: {  	s1 =	sand.u32 $0x1, s1;
	s3 =	sshll.u32 s2, $0x1;
	[smem:$0x7FF] =	sst s29  }
0x9: {  	s0 =	sadd.s32 $0x400, s0;
	p0 =	seq.s32 s2, $0x0;
	s3 =	sor.u32 s1, s3  }
0xa: {  	s28 =	sadd.s32 $0x10, s5;
	s4 =	ssub.s32 $0x2, s1;
	[dreg:$0x4] =	wrdreg s3  }
0xb: {  	s24 =	sshrl.u32 s4, $0x1;
	s3 =	smul.u32 $0xA00, s3;
	_ =	strace $0x80000047  }
0xc: {  	[dreg:$0x5] =	wrdreg s0;
	s25 =	ssub.s32 s4, s24;
	s4 =	simm.s32 $0x28  }
0xd: {  	s19 =	simm.s32 $0x180;
	[dreg:$0x8] =	wrdreg s28;
	s4 =	simm.s32 @!p0 $0x27  }
0xe: {  	s26 =	sshrl.u32 s3, $0x3;
	s0 =	smax.u32 s25, $0x1;
	[dreg:$0x6] =	wrdreg s4  }
.Ltmp0:
0xf: {  	s1 =	sadd.s32 s26, s28;
	[dreg:$0xc] =	wrdreg s0;
	(pc) =	sbr.rel .LBB2_1-.Ltmp0, $4  }
0x10: {  	s20 =	simm.s32 $0x198;
	s3 =	sadd.s32 s5, s26;
	[dreg:$0x9] =	wrdreg s1  }
0x11: {  	s21 =	simm.s32 $0x1B0;
	s30 =	sadd.s32 $0x2800, s3;
	[dreg:$0x7] =	wrdreg s3  }
0x12: {  	p0 =	sne.s32 s2, $0x0;
	s31 =	sadd.s32 $0x2810, s3;
	[dreg:$0xa] =	wrdreg s30  }
0x13: {  	s2 =	simm.s32 $0x0;
	s26 =	simm.s32 $0x168;
	[dreg:$0xb] =	wrdreg s31  }
.LBB2_9:
0x14: {  	s0 =	simm.s32 $0x3  }
0x15: {  	_ =	swait.ge [sflag:s0], $0xA000  }
0x16: {  	[sflag:s0] =	ssyncset.done $0x0  }
0x17: {  	[sflag:s0] =	ssyncadd.s32 $0xFFFF6000;
	s0 =	simm.s32 @!p0 $0x4  }
0x18: {  	_ =	swait.ge @!p0 [sflag:s0], $0xA000  }
0x19: {  	s2 =	rddreg [dreg:$0xd]  }
0x1a: {  	s1 =	rddreg [dreg:$0xc];
	s2 =	sadd.s32 $0x1, s2  }
0x1b: {  	p1 =	sne.s32 s2, s1  }
.Ltmp1:
0x1c: {  	_ = 	snop;
	(pc) =	sbr.rel @!p1 .LBB2_10-.Ltmp1, $3  }
0x1d: {  	_ =	sdelay $0x1  }
0x1e: {  	[sflag:s0] =	ssyncset.done @!p0 $0x0  }
0x1f: {  	[sflag:s0] =	ssyncadd.s32 @!p0 $0xFFFF6000  }
.LBB2_1:
0x20: {  	[dreg:$0xd] =	wrdreg s2  }
0x21: {  	s0 =	rddreg [dreg:$0x5];
	s4 =	simm.s32 $0x5  }
0x22: {  	[tilespmem:s29], [sflag:$0x5] =	stream.linear.gather [hbm4b:s0+s29], $0x300, $0x38;
	[tilespmem:$0x15700] =	vst v63  }
0x23: {  	_ =	swait.ge [sflag:s4], $0x300  }
0x24: {  	s1 =	simm.s32 $0x80;
	s17 =	simm.s32 $0x100;
	[sflag:s4] =	ssyncset.done $0x0  }
0x25: {  	s3 =	simm.s32 $0x300;
	s5 =	rddreg [dreg:$0x7];
	[sflag:s4] =	ssyncadd.s32 $0xFFFFFD00  }
0x26: {  	[tilespmem:s3], [sflag:$0x1] =	stream.strided.gather [hbm4b:s5+s1], $0x500, s17, s1, $0x38;
	[tilespmem:$0x15700] =	vst v63  }
0x27: {  	s24 =	simm.s32 $0x800;
	s22 =	rddreg [dreg:$0x9]  }
0x28: {  	[tilespmem:s24], [sflag:$0x1] =	stream.strided.gather [hbm4b:s22+s1], $0x500, s17, s1, $0x38;
	[tilespmem:$0x15700] =	vst v63  }
.Ltmp2:
0x29: {  	_ = 	snop;
	(pc) =	sbr.rel .LBB2_2-.Ltmp2, $4  }
0x2a: {  	s28 =	simm.s32 $0xD00;
	s25 =	rddreg [dreg:$0xa]  }
0x2b: {  	[tilespmem:s28], [sflag:$0x2] =	stream.strided.gather [hbm4b:s25+s1], $0x500, s17, s1, $0x38;
	[tilespmem:$0x15700] =	vst v63  }
0x2c: {  	s31 =	simm.s32 $0x1200;
	s2 =	simm.s32 $0x0;
	s30 =	rddreg [dreg:$0xb]  }
0x2d: {  	[tilespmem:s31], [sflag:$0x2] =	stream.strided.gather [hbm4b:s30+s1], $0x500, s17, s1, $0x38;
	[tilespmem:$0x15700] =	vst v63  }
.LBB2_8:
0x2e: {  	s2 =	rddreg [dreg:$0xe]  }
0x2f: {  	s2 =	sadd.s32 $0x1, s2  }
0x30: {  	p1 =	sne.s32 s2, $0x14  }
.Ltmp3:
0x31: {  	_ = 	snop;
	(pc) =	sbr.rel @!p1 .LBB2_9-.Ltmp3, $1  }
0x32: {  	_ =	sdelay $0x3  }
.LBB2_2:
0x33: {  	s0 =	simm.s32 $0x1  }
0x34: {  	_ =	swait.ge [sflag:s0], $0x500  }
0x35: {  	[sflag:s0] =	ssyncset.done $0x0  }
0x36: {  	[sflag:s0] =	ssyncadd.s32 $0xFFFFFB00  }
0x37: {  	_ =	swait.ge [sflag:s0], $0x500  }
0x38: {  	p1 =	seq.s32 s2, $0x0;
	[sflag:s0] =	ssyncset.done $0x0  }
0x39: {  	s1 =	sshll.u32 s2, $0x6;
	[sflag:s0] =	ssyncadd.s32 $0xFFFFFB00;
	s0 =	simm.s32 @!p1 $0x3  }
0x3a: {  	s30 =	sshll.u32 s2, $0x1;
	_ =	swait.ge @!p1 [sflag:s0], $0xA000;
	[dreg:$0xe] =	wrdreg s2  }
0x3b: {  	p2 =	por $0x0, $0x0;
	s3 =	simm.s32 $0x0;
	[dreg:$0xf] =	wrdreg s30  }
0x3c: {  	s4 =	simm.s32 $0x0;
	[sflag:s0] =	ssyncset.done @!p1 $0x0;
	s31 =	rddreg [dreg:$0x4]  }
0x3d: {  	s2 =	simm.s32 $0x800;
	s1 =	sor.u32 s31, s1;
	[sflag:s0] =	ssyncadd.s32 @!p1 $0xFFFF6000  }
0x3e: {  	s0 =	simm.s32 $0x300;
	[dreg:$0x11] =	wrdreg s1;
	s1 =	simm.s32 $0xFFFFFFFC  }
.LBB2_3:
0x3f: {  	v0 =	vld [tilespmem:s0+$0x0]  }
0x40: {  	v1 =	vld [tilespmem:s2+$0x0];
	_ =	sdelay $0x4  }
0x41: {  	v0 =	vsub.s32 v0, v1  }
0x42: {  	v1 =	vsub.s32 $0x0, v0  }
0x43: {  	v0 =	vmin.u32 v0, v1  }
0x44: {  	v0 =	vadd.s32 $0xFFFFFFFF, v0  }
0x45: {  	v52 =	vcvt.s32.f32 v0;
	_ =	sdelay $0x1  }
0x46: {  	v1 =	vshra.s32 v52, $0x17  }
0x47: {  	vm0 =	vgt.s32 v0, $0x0;
	v53 =	vadd.s32 $0xFFFFFF82, v1  }
0x48: {  	v0 =	vnsel vm0, $0x0, v53;
	_ =	sdelay $0x4  }
0x49: {  	s5 =	simm.s32 $0x18;
	v54 =	vld.idx.msk [tilespmem:v0+s29+$0x0], $0xffff  }
0x4a: {  	v2 =	vld.idx.msk [tilespmem:v0+s5+$0x0], $0xffff  }
0x4b: {  	v3 =	vld.idx.msk [tilespmem:v0+s6+$0x0], $0xffff  }
0x4c: {  	v4 =	vld.idx.msk [tilespmem:v0+s7+$0x0], $0xffff  }
0x4d: {  	v5 =	vld.idx.msk [tilespmem:v0+s8+$0x0], $0xffff  }
0x4e: {  	[dreg:$0x14] =	wrdreg s0;
	s0 =	sand.u32 $0x3C00, s4;
	v6 =	vld.idx.msk [tilespmem:v0+s9+$0x0], $0xffff  }
0x4f: {  	[dreg:$0x12] =	wrdreg s1;
	s1 =	sand.u32 $0x40, s3;
	s31 =	sadd.s32 $0x1700, s0;
	v7 =	vld.idx.msk [tilespmem:v0+s10+$0x0], $0xffff  }
0x50: {  	[dreg:$0x18] =	wrdreg s3;
	s3 =	simm.s32 $0x1;
	v8 =	vld.idx.msk [tilespmem:v0+s11+$0x0], $0xffff;
	s11 =	sor.u32 s1, s31  }
0x51: {  	s3 =	simm.s32 @!p2 $0x0;
	v9 =	vld.idx.msk [tilespmem:v0+s12+$0x0], $0xffff;
	[tilespmem:s11+$0x0] =	vst v54  }
0x52: {  	s3 =	sshll.u32 s3, $0x6;
	v1 =	vld.idx.msk [tilespmem:v0+s13+$0x0], $0xffff;
	[tilespmem:s11+$0x80] =	vst v2  }
0x53: {  	s28 =	sadd.s32 s3, s4;
	v2 =	vld.idx.msk [tilespmem:v0+s14+$0x0], $0xffff;
	[tilespmem:s11+$0x100] =	vst v3  }
0x54: {  	s12 =	sor.u32 $0x200, s28;
	v3 =	vld.idx.msk [tilespmem:v0+s15+$0x0], $0xffff;
	[tilespmem:s11+$0x180] =	vst v4  }
0x55: {  	s13 =	sor.u32 $0x280, s28;
	v4 =	vld.idx.msk [tilespmem:v0+s16+$0x0], $0xffff;
	[tilespmem:s12+$0x1700] =	vst v5  }
0x56: {  	s14 =	sor.u32 $0x300, s28;
	v5 =	vld.idx.msk [tilespmem:v0+s23+$0x0], $0xffff;
	[tilespmem:s13+$0x1700] =	vst v6  }
0x57: {  	s15 =	sor.u32 $0x380, s28;
	s23 =	sadd.s32 $0x3F00, s0;
	v6 =	vld.idx.msk [tilespmem:v0+s18+$0x0], $0xffff;
	[tilespmem:s14+$0x1700] =	vst v7  }
0x58: {  	s7 =	sadd.s32 $0x3F80, s0;
	s16 =	sor.u32 s1, s23;
	v7 =	vld.idx.msk [tilespmem:v0+s26+$0x0], $0xffff;
	[tilespmem:s15+$0x1700] =	vst v8  }
0x59: {  	s24 =	sor.u32 $0x4000, s0;
	s17 =	sor.u32 s1, s7;
	v8 =	vld.idx.msk [tilespmem:v0+s19+$0x0], $0xffff;
	[tilespmem:s16+$0x0] =	vst v9  }
0x5a: {  	s8 =	sor.u32 $0x4080, s0;
	s18 =	sor.u32 s1, s24;
	v9 =	vld.idx.msk [tilespmem:v0+s20+$0x0], $0xffff;
	[tilespmem:s17+$0x0] =	vst v1  }
0x5b: {  	s19 =	simm.s32 $0x1C8;
	s20 =	sor.u32 s1, s8;
	s17 =	sor.u32 $0x4100, s0;
	v1 =	vld.idx.msk [tilespmem:v0+s21+$0x0], $0xffff;
	[tilespmem:s18+$0x0] =	vst v2  }
0x5c: {  	s21 =	simm.s32 $0x1E0;
	s22 =	sor.u32 s1, s17;
	v2 =	vld.idx.msk [tilespmem:v0+s19+$0x0], $0xffff;
	[tilespmem:s20+$0x0] =	vst v3  }
0x5d: {  	s25 =	simm.s32 $0x1F8;
	v3 =	vld.idx.msk [tilespmem:v0+s21+$0x0], $0xffff;
	[tilespmem:s22+$0x0] =	vst v4;
	s22 =	sor.u32 $0x4180, s0  }
0x5e: {  	[dreg:$0x19] =	wrdreg s4;
	v4 =	vld.idx.msk [tilespmem:v0+s25+$0x0], $0xffff;
	s26 =	sor.u32 s1, s22;
	s25 =	sor.u32 $0x4200, s0  }
0x5f: {  	s30 =	simm.s32 $0x210;
	s4 =	sor.u32 $0x4280, s0;
	[tilespmem:s26+$0x0] =	vst v5;
	s3 =	sor.u32 s1, s25  }
0x60: {  	s5 =	simm.s32 $0x228;
	s6 =	sor.u32 s1, s4;
	v5 =	vld.idx.msk [tilespmem:v0+s30+$0x0], $0xffff;
	[tilespmem:s3+$0x0] =	vst v6  }
0x61: {  	v6 =	vld.idx.msk [tilespmem:v0+s5+$0x0], $0xffff;
	[tilespmem:s6+$0x0] =	vst v7;
	s6 =	sadd.s32 $0x6700, s0  }
0x62: {  	s9 =	simm.s32 $0x240;
	s10 =	sor.u32 s1, s6  }
0x63: {  	s11 =	simm.s32 $0x258;
	s20 =	sadd.s32 $0x6780, s0;
	v7 =	vld.idx.msk [tilespmem:v0+s9+$0x0], $0xffff;
	[tilespmem:s10+$0x0] =	vst v8  }
0x64: {  	[dreg:$0x1d] =	wrdreg s4;
	s12 =	sor.u32 s1, s20;
	v8 =	vld.idx.msk [tilespmem:v0+s11+$0x0], $0xffff;
	s11 =	sadd.s32 $0x6800, s0  }
0x65: {  	s13 =	simm.s32 $0x270;
	[tilespmem:s12+$0x0] =	vst v9;
	s12 =	sadd.s32 $0x6880, s0;
	s14 =	sor.u32 s1, s11  }
0x66: {  	s15 =	simm.s32 $0x288;
	v9 =	vld.idx.msk [tilespmem:v0+s13+$0x0], $0xffff;
	s16 =	sor.u32 s1, s12;
	s13 =	sadd.s32 $0x6900, s0;
	[tilespmem:s14+$0x0] =	vst v1  }
0x67: {  	s18 =	simm.s32 $0x2A0;
	s21 =	sadd.s32 $0x6980, s0;
	s19 =	sor.u32 s1, s13;
	v1 =	vld.idx.msk [tilespmem:v0+s15+$0x0], $0xffff;
	[tilespmem:s16+$0x0] =	vst v2  }
0x68: {  	s26 =	simm.s32 $0x2B8;
	s30 =	sor.u32 s1, s21;
	s14 =	sadd.s32 $0x6A00, s0;
	v2 =	vld.idx.msk [tilespmem:v0+s18+$0x0], $0xffff;
	[tilespmem:s19+$0x0] =	vst v3  }
0x69: {  	s3 =	simm.s32 $0x2D0;
	s4 =	sor.u32 s1, s14;
	s15 =	sadd.s32 $0x6A80, s0;
	v3 =	vld.idx.msk [tilespmem:v0+s26+$0x0], $0xffff;
	[tilespmem:s30+$0x0] =	vst v4  }
0x6a: {  	s5 =	simm.s32 $0x2E8;
	s16 =	sadd.s32 $0x8F00, s0;
	s9 =	sor.u32 s1, s15;
	v4 =	vld.idx.msk [tilespmem:v0+s3+$0x0], $0xffff;
	[tilespmem:s4+$0x0] =	vst v5  }
0x6b: {  	s10 =	sor.u32 s1, s16;
	v0 =	vld.idx.msk [tilespmem:v0+s5+$0x0], $0xffff;
	[tilespmem:s9+$0x0] =	vst v6;
	s5 =	sadd.s32 $0x8F80, s0  }
0x6c: {  	s9 =	sadd.s32 $0x9000, s0;
	[tilespmem:s10+$0x0] =	vst v7;
	s18 =	sor.u32 s1, s5  }
0x6d: {  	[dreg:$0x1f] =	wrdreg s21;
	s21 =	sadd.s32 $0x9080, s0;
	s19 =	sor.u32 s1, s9;
	[tilespmem:s18+$0x0] =	vst v8  }
0x6e: {  	[dreg:$0x16] =	wrdreg s2;
	s2 =	sadd.s32 $0x9100, s0;
	s26 =	sor.u32 s1, s21;
	[tilespmem:s19+$0x0] =	vst v9  }
0x6f: {  	s30 =	sor.u32 s1, s2;
	s10 =	sadd.s32 $0x9180, s0;
	[tilespmem:s26+$0x0] =	vst v1  }
0x70: {  	s29 =	sor.u32 $0x10, s1;
	s3 =	sor.u32 s1, s10;
	s18 =	sadd.s32 $0x9200, s0;
	[tilespmem:s30+$0x0] =	vst v2  }
0x71: {  	s19 =	sadd.s32 $0x9280, s0;
	s4 =	sor.u32 s1, s18;
	s26 =	rddreg [dreg:$0x18];
	[tilespmem:s3+$0x0] =	vst v3  }
0x72: {  	[smem:$0x7F8] =	sst s21;
	s30 =	sor.u32 s1, s19;
	s21 =	sand.u32 $0x780, s26;
	[tilespmem:s4+$0x0] =	vst v4  }
0x73: {  	s0 =	sor.u32 s21, s29;
	[tilespmem:s30+$0x0] =	vst v0  }
0x74: {  	v0 =	vld [tilespmem:s0+$0x300]  }
0x75: {  	v1 =	vld [tilespmem:s0+$0x800];
	_ =	sdelay $0x4  }
0x76: {  	v0 =	vsub.s32 v0, v1  }
0x77: {  	v1 =	vsub.s32 $0x0, v0  }
0x78: {  	v0 =	vmin.u32 v0, v1  }
0x79: {  	v0 =	vadd.s32 $0xFFFFFFFF, v0  }
0x7a: {  	v55 =	vcvt.s32.f32 v0;
	_ =	sdelay $0x1  }
0x7b: {  	v1 =	vshra.s32 v55, $0x17  }
0x7c: {  	vm13 =	vgt.s32 v0, $0x0;
	v56 =	vadd.s32 $0xFFFFFF82, v1  }
0x7d: {  	v0 =	vnsel vm13, $0x0, v56;
	_ =	sdelay $0x3  }
0x7e: {  	s3 =	simm.s32 $0x0  }
0x7f: {  	s4 =	simm.s32 $0x18;
	v57 =	vld.idx.msk [tilespmem:v0+s3+$0x0], $0xffff  }
0x80: {  	s30 =	simm.s32 $0x30;
	v2 =	vld.idx.msk [tilespmem:v0+s4+$0x0], $0xffff  }
0x81: {  	s0 =	simm.s32 $0x48;
	v3 =	vld.idx.msk [tilespmem:v0+s30+$0x0], $0xffff  }
0x82: {  	v4 =	vld.idx.msk [tilespmem:v0+s0+$0x0], $0xffff;
	s3 =	simm.s32 $0x60  }
0x83: {  	s4 =	simm.s32 $0x78;
	v5 =	vld.idx.msk [tilespmem:v0+s3+$0x0], $0xffff  }
0x84: {  	s30 =	simm.s32 $0x90;
	v6 =	vld.idx.msk [tilespmem:v0+s4+$0x0], $0xffff  }
0x85: {  	s0 =	simm.s32 $0xA8;
	v7 =	vld.idx.msk [tilespmem:v0+s30+$0x0], $0xffff  }
0x86: {  	v8 =	vld.idx.msk [tilespmem:v0+s0+$0x0], $0xffff;
	s3 =	simm.s32 $0xC0;
	s30 =	sor.u32 s29, s31  }
0x87: {  	s4 =	simm.s32 $0xD8;
	v9 =	vld.idx.msk [tilespmem:v0+s3+$0x0], $0xffff;
	[tilespmem:s30+$0x0] =	vst v57  }
0x88: {  	s0 =	simm.s32 $0xF0;
	v1 =	vld.idx.msk [tilespmem:v0+s4+$0x0], $0xffff;
	[tilespmem:s30+$0x80] =	vst v2  }
0x89: {  	s3 =	simm.s32 $0x108;
	v2 =	vld.idx.msk [tilespmem:v0+s0+$0x0], $0xffff;
	[tilespmem:s30+$0x100] =	vst v3  }
0x8a: {  	v3 =	vld.idx.msk [tilespmem:v0+s3+$0x0], $0xffff;
	[tilespmem:s30+$0x180] =	vst v4;
	s30 =	sadd.s32 $0x10, s28  }
0x8b: {  	s4 =	simm.s32 $0x120;
	s0 =	sor.u32 $0x200, s30  }
0x8c: {  	s3 =	simm.s32 $0x138;
	v4 =	vld.idx.msk [tilespmem:v0+s4+$0x0], $0xffff;
	s4 =	sor.u32 $0x280, s30;
	[tilespmem:s0+$0x1700] =	vst v5  }
0x8d: {  	s0 =	simm.s32 $0x150;
	v5 =	vld.idx.msk [tilespmem:v0+s3+$0x0], $0xffff;
	[tilespmem:s4+$0x1700] =	vst v6;
	s3 =	sor.u32 $0x300, s30  }
0x8e: {  	s4 =	simm.s32 $0x168;
	s30 =	sor.u32 $0x380, s30;
	v6 =	vld.idx.msk [tilespmem:v0+s0+$0x0], $0xffff;
	[tilespmem:s3+$0x1700] =	vst v7  }
0x8f: {  	s0 =	simm.s32 $0x180;
	s3 =	sor.u32 s29, s23;
	v7 =	vld.idx.msk [tilespmem:v0+s4+$0x0], $0xffff;
	[tilespmem:s30+$0x1700] =	vst v8  }
0x90: {  	[smem:$0x7F9] =	sst s8;
	s4 =	simm.s32 $0x198;
	s30 =	sor.u32 s29, s7;
	v8 =	vld.idx.msk [tilespmem:v0+s0+$0x0], $0xffff;
	[tilespmem:s3+$0x0] =	vst v9  }
0x91: {  	s0 =	simm.s32 $0x1B0;
	s3 =	sor.u32 s29, s24;
	v9 =	vld.idx.msk [tilespmem:v0+s4+$0x0], $0xffff;
	s4 =	smov.u32 s7;
	[tilespmem:s30+$0x0] =	vst v1  }
0x92: {  	s7 =	simm.s32 $0x1C8;
	v1 =	vld.idx.msk [tilespmem:v0+s0+$0x0], $0xffff;
	[tilespmem:s3+$0x0] =	vst v2;
	s0 =	smov.u32 s8;
	s8 =	sor.u32 s29, s8  }
0x93: {  	[smem:$0x7FA] =	sst s17;
	s30 =	simm.s32 $0x1E0;
	s3 =	sor.u32 s29, s17;
	v2 =	vld.idx.msk [tilespmem:v0+s7+$0x0], $0xffff;
	[tilespmem:s8+$0x0] =	vst v3  }
0x94: {  	s7 =	smov.u32 s17;
	s8 =	simm.s32 $0x1F8;
	s17 =	sor.u32 s29, s22;
	v3 =	vld.idx.msk [tilespmem:v0+s30+$0x0], $0xffff;
	[tilespmem:s3+$0x0] =	vst v4  }
0x95: {  	s30 =	simm.s32 $0x210;
	s3 =	sor.u32 s29, s25;
	v4 =	vld.idx.msk [tilespmem:v0+s8+$0x0], $0xffff;
	[tilespmem:s17+$0x0] =	vst v5  }
0x96: {  	s8 =	simm.s32 $0x228;
	v5 =	vld.idx.msk [tilespmem:v0+s30+$0x0], $0xffff;
	[tilespmem:s3+$0x0] =	vst v6  }
0x97: {  	v6 =	vld.idx.msk [tilespmem:v0+s8+$0x0], $0xffff;
	s8 =	rddreg [dreg:$0x1d]  }
0x98: {  	s17 =	sor.u32 s29, s8  }
0x99: {  	s30 =	simm.s32 $0x240;
	s3 =	sor.u32 s29, s6;
	[tilespmem:s17+$0x0] =	vst v7  }
0x9a: {  	s17 =	simm.s32 $0x258;
	v7 =	vld.idx.msk [tilespmem:v0+s30+$0x0], $0xffff;
	[tilespmem:s3+$0x0] =	vst v8;
	s30 =	sor.u32 s29, s20  }
0x9b: {  	s3 =	simm.s32 $0x270;
	v8 =	vld.idx.msk [tilespmem:v0+s17+$0x0], $0xffff;
	s17 =	smov.u32 s20;
	[tilespmem:s30+$0x0] =	vst v9;
	s20 =	sor.u32 s29, s11  }
0x9c: {  	s30 =	simm.s32 $0x288;
	v9 =	vld.idx.msk [tilespmem:v0+s3+$0x0], $0xffff;
	[tilespmem:s20+$0x0] =	vst v1;
	s3 =	sor.u32 s29, s12  }
0x9d: {  	s20 =	simm.s32 $0x2A0;
	v1 =	vld.idx.msk [tilespmem:v0+s30+$0x0], $0xffff;
	[tilespmem:s3+$0x0] =	vst v2;
	s30 =	sor.u32 s29, s13  }
0x9e: {  	s3 =	simm.s32 $0x2B8;
	v2 =	vld.idx.msk [tilespmem:v0+s20+$0x0], $0xffff;
	[tilespmem:s30+$0x0] =	vst v3  }
0x9f: {  	v3 =	vld.idx.msk [tilespmem:v0+s3+$0x0], $0xffff;
	s3 =	rddreg [dreg:$0x1f]  }
0xa0: {  	s20 =	sor.u32 s29, s3  }
0xa1: {  	s30 =	simm.s32 $0x2D0;
	[tilespmem:s20+$0x0] =	vst v4;
	s20 =	sor.u32 s29, s14  }
0xa2: {  	v4 =	vld.idx.msk [tilespmem:v0+s30+$0x0], $0xffff;
	[tilespmem:s20+$0x0] =	vst v5;
	s30 =	simm.s32 $0x2E8;
	s20 =	sor.u32 s29, s15  }
0xa3: {  	v0 =	vld.idx.msk [tilespmem:v0+s30+$0x0], $0xffff;
	[tilespmem:s20+$0x0] =	vst v6;
	s30 =	sor.u32 s29, s16  }
0xa4: {  	[smem:$0x7FC] =	sst s9;
	s20 =	sor.u32 s29, s5;
	[tilespmem:s30+$0x0] =	vst v7  }
0xa5: {  	s30 =	sor.u32 s29, s9;
	[tilespmem:s20+$0x0] =	vst v8;
	s20 =	smov.u32 s9;
	s9 =	sld [smem:$0x7F8]  }
0xa6: {  	_ =	sdelay $0x1  }
0xa7: {  	[tilespmem:s30+$0x0] =	vst v9;
	s30 =	sor.u32 s29, s9  }
0xa8: {  	[tilespmem:s30+$0x0] =	vst v1;
	s30 =	sor.u32 s29, s2  }
0xa9: {  	[tilespmem:s30+$0x0] =	vst v2;
	s30 =	sor.u32 s29, s10  }
0xaa: {  	[tilespmem:s30+$0x0] =	vst v3;
	s30 =	sor.u32 s29, s18  }
0xab: {  	[tilespmem:s30+$0x0] =	vst v4;
	s30 =	sor.u32 s29, s19;
	s29 =	sor.u32 $0x20, s1  }
0xac: {  	[tilespmem:s30+$0x0] =	vst v0;
	s30 =	sor.u32 s21, s29  }
0xad: {  	v0 =	vld [tilespmem:s30+$0x300]  }
0xae: {  	v1 =	vld [tilespmem:s30+$0x800];
	_ =	sdelay $0x4  }
0xaf: {  	v0 =	vsub.s32 v0, v1  }
0xb0: {  	v1 =	vsub.s32 $0x0, v0  }
0xb1: {  	v0 =	vmin.u32 v0, v1  }
0xb2: {  	v0 =	vadd.s32 $0xFFFFFFFF, v0  }
0xb3: {  	v58 =	vcvt.s32.f32 v0;
	_ =	sdelay $0x1  }
0xb4: {  	v1 =	vshra.s32 v58, $0x17  }
0xb5: {  	vm14 =	vgt.s32 v0, $0x0;
	v59 =	vadd.s32 $0xFFFFFF82, v1  }
0xb6: {  	v0 =	vnsel vm14, $0x0, v59;
	_ =	sdelay $0x3  }
0xb7: {  	s30 =	simm.s32 $0x0  }
0xb8: {  	v60 =	vld.idx.msk [tilespmem:v0+s30+$0x0], $0xffff;
	s30 =	simm.s32 $0x18  }
0xb9: {  	v2 =	vld.idx.msk [tilespmem:v0+s30+$0x0], $0xffff;
	s30 =	simm.s32 $0x30  }
0xba: {  	v3 =	vld.idx.msk [tilespmem:v0+s30+$0x0], $0xffff;
	s30 =	simm.s32 $0x48  }
0xbb: {  	v4 =	vld.idx.msk [tilespmem:v0+s30+$0x0], $0xffff;
	s30 =	simm.s32 $0x60  }
0xbc: {  	v5 =	vld.idx.msk [tilespmem:v0+s30+$0x0], $0xffff;
	s30 =	simm.s32 $0x78  }
0xbd: {  	v6 =	vld.idx.msk [tilespmem:v0+s30+$0x0], $0xffff;
	s30 =	simm.s32 $0x90  }
0xbe: {  	v7 =	vld.idx.msk [tilespmem:v0+s30+$0x0], $0xffff;
	s30 =	simm.s32 $0xA8  }
0xbf: {  	s26 =	sor.u32 s29, s31;
	v8 =	vld.idx.msk [tilespmem:v0+s30+$0x0], $0xffff;
	s30 =	simm.s32 $0xC0  }
0xc0: {  	v9 =	vld.idx.msk [tilespmem:v0+s30+$0x0], $0xffff;
	[tilespmem:s26+$0x0] =	vst v60;
	s30 =	simm.s32 $0xD8  }
0xc1: {  	v1 =	vld.idx.msk [tilespmem:v0+s30+$0x0], $0xffff;
	[tilespmem:s26+$0x80] =	vst v2;
	s30 =	simm.s32 $0xF0  }
0xc2: {  	v2 =	vld.idx.msk [tilespmem:v0+s30+$0x0], $0xffff;
	[tilespmem:s26+$0x100] =	vst v3;
	s30 =	simm.s32 $0x108  }
0xc3: {  	v3 =	vld.idx.msk [tilespmem:v0+s30+$0x0], $0xffff;
	[tilespmem:s26+$0x180] =	vst v4;
	s26 =	sadd.s32 $0x20, s28;
	s30 =	simm.s32 $0x120  }
0xc4: {  	v4 =	vld.idx.msk [tilespmem:v0+s30+$0x0], $0xffff;
	s30 =	sor.u32 $0x200, s26  }
0xc5: {  	[tilespmem:s30+$0x1700] =	vst v5;
	s30 =	simm.s32 $0x138  }
0xc6: {  	v5 =	vld.idx.msk [tilespmem:v0+s30+$0x0], $0xffff;
	s30 =	sor.u32 $0x280, s26  }
0xc7: {  	[tilespmem:s30+$0x1700] =	vst v6;
	s30 =	simm.s32 $0x150  }
0xc8: {  	v6 =	vld.idx.msk [tilespmem:v0+s30+$0x0], $0xffff;
	s30 =	sor.u32 $0x300, s26  }
0xc9: {  	s26 =	sor.u32 $0x380, s26;
	[tilespmem:s30+$0x1700] =	vst v7;
	s30 =	simm.s32 $0x168  }
0xca: {  	v7 =	vld.idx.msk [tilespmem:v0+s30+$0x0], $0xffff;
	[tilespmem:s26+$0x1700] =	vst v8;
	s30 =	simm.s32 $0x180  }
0xcb: {  	v8 =	vld.idx.msk [tilespmem:v0+s30+$0x0], $0xffff;
	s30 =	sor.u32 s29, s23  }
0xcc: {  	[tilespmem:s30+$0x0] =	vst v9;
	s30 =	simm.s32 $0x198  }
0xcd: {  	v9 =	vld.idx.msk [tilespmem:v0+s30+$0x0], $0xffff;
	s30 =	sor.u32 s29, s4  }
0xce: {  	[tilespmem:s30+$0x0] =	vst v1;
	s30 =	simm.s32 $0x1B0  }
0xcf: {  	v1 =	vld.idx.msk [tilespmem:v0+s30+$0x0], $0xffff;
	s30 =	sor.u32 s29, s24  }
0xd0: {  	[tilespmem:s30+$0x0] =	vst v2;
	s30 =	simm.s32 $0x1C8  }
0xd1: {  	v2 =	vld.idx.msk [tilespmem:v0+s30+$0x0], $0xffff;
	s30 =	sor.u32 s29, s0  }
0xd2: {  	s7 =	sor.u32 s29, s7;
	s0 =	simm.s32 $0x1E0;
	[tilespmem:s30+$0x0] =	vst v3  }
0xd3: {  	s30 =	simm.s32 $0x1F8;
	v3 =	vld.idx.msk [tilespmem:v0+s0+$0x0], $0xffff;
	[tilespmem:s7+$0x0] =	vst v4;
	s0 =	sor.u32 s29, s22  }
0xd4: {  	s7 =	simm.s32 $0x210;
	v4 =	vld.idx.msk [tilespmem:v0+s30+$0x0], $0xffff;
	[tilespmem:s0+$0x0] =	vst v5;
	s30 =	sor.u32 s29, s25  }
0xd5: {  	s0 =	simm.s32 $0x228;
	v5 =	vld.idx.msk [tilespmem:v0+s7+$0x0], $0xffff;
	[tilespmem:s30+$0x0] =	vst v6;
	s7 =	sor.u32 s29, s8  }
0xd6: {  	s8 =	simm.s32 $0x240;
	s30 =	sor.u32 s29, s6;
	v6 =	vld.idx.msk [tilespmem:v0+s0+$0x0], $0xffff;
	[tilespmem:s7+$0x0] =	vst v7  }
0xd7: {  	s7 =	smov.u32 s6;
	s0 =	simm.s32 $0x258;
	s6 =	sor.u32 s29, s17;
	v7 =	vld.idx.msk [tilespmem:v0+s8+$0x0], $0xffff;
	[tilespmem:s30+$0x0] =	vst v8  }
0xd8: {  	s8 =	simm.s32 $0x270;
	s30 =	sor.u32 s29, s11;
	v8 =	vld.idx.msk [tilespmem:v0+s0+$0x0], $0xffff;
	[tilespmem:s6+$0x0] =	vst v9  }
0xd9: {  	s0 =	simm.s32 $0x288;
	s6 =	sor.u32 s29, s12;
	v9 =	vld.idx.msk [tilespmem:v0+s8+$0x0], $0xffff;
	[tilespmem:s30+$0x0] =	vst v1  }
0xda: {  	s8 =	simm.s32 $0x2A0;
	s30 =	sor.u32 s29, s13;
	v1 =	vld.idx.msk [tilespmem:v0+s0+$0x0], $0xffff;
	[tilespmem:s6+$0x0] =	vst v2  }
0xdb: {  	s0 =	simm.s32 $0x2B8;
	s6 =	sor.u32 s29, s3;
	v2 =	vld.idx.msk [tilespmem:v0+s8+$0x0], $0xffff;
	[tilespmem:s30+$0x0] =	vst v3  }
0xdc: {  	s30 =	simm.s32 $0x2D0;
	v3 =	vld.idx.msk [tilespmem:v0+s0+$0x0], $0xffff;
	[tilespmem:s6+$0x0] =	vst v4;
	s0 =	sor.u32 s29, s14  }
0xdd: {  	s8 =	smov.u32 s3;
	s3 =	simm.s32 $0x2E8;
	s6 =	sor.u32 s29, s15;
	v4 =	vld.idx.msk [tilespmem:v0+s30+$0x0], $0xffff;
	[tilespmem:s0+$0x0] =	vst v5  }
0xde: {  	[smem:$0x7FB] =	sst s16;
	s16 =	sor.u32 s29, s16;
	v0 =	vld.idx.msk [tilespmem:v0+s3+$0x0], $0xffff;
	[tilespmem:s6+$0x0] =	vst v6  }
0xdf: {  	s30 =	sor.u32 s29, s5;
	[tilespmem:s16+$0x0] =	vst v7  }
0xe0: {  	s0 =	sor.u32 s29, s20;
	[tilespmem:s30+$0x0] =	vst v8  }
0xe1: {  	s3 =	sor.u32 s29, s9;
	[tilespmem:s0+$0x0] =	vst v9  }
0xe2: {  	s6 =	smov.u32 s5;
	s5 =	sor.u32 s29, s2;
	[tilespmem:s3+$0x0] =	vst v1  }
0xe3: {  	s20 =	smov.u32 s9;
	s9 =	sor.u32 s29, s10;
	[tilespmem:s5+$0x0] =	vst v2  }
0xe4: {  	s30 =	smov.u32 s10;
	s10 =	sor.u32 s29, s18;
	[tilespmem:s9+$0x0] =	vst v3  }
0xe5: {  	s1 =	sor.u32 $0x30, s1;
	s16 =	sor.u32 s29, s19;
	[tilespmem:s10+$0x0] =	vst v4  }
0xe6: {  	s21 =	sor.u32 s21, s1;
	[tilespmem:s16+$0x0] =	vst v0  }
0xe7: {  	v0 =	vld [tilespmem:s21+$0x300]  }
0xe8: {  	v1 =	vld [tilespmem:s21+$0x800];
	_ =	sdelay $0x4  }
0xe9: {  	v0 =	vsub.s32 v0, v1  }
0xea: {  	v1 =	vsub.s32 $0x0, v0  }
0xeb: {  	v0 =	vmin.u32 v0, v1  }
0xec: {  	v0 =	vadd.s32 $0xFFFFFFFF, v0  }
0xed: {  	v61 =	vcvt.s32.f32 v0;
	_ =	sdelay $0x1  }
0xee: {  	v1 =	vshra.s32 v61, $0x17  }
0xef: {  	vm15 =	vgt.s32 v0, $0x0;
	v62 =	vadd.s32 $0xFFFFFF82, v1  }
0xf0: {  	v0 =	vnsel vm15, $0x0, v62;
	_ =	sdelay $0x3  }
0xf1: {  	s29 =	simm.s32 $0x0  }
0xf2: {  	[smem:$0x7FD] =	sst s18;
	s18 =	simm.s32 $0x18;
	v63 =	vld.idx.msk [tilespmem:v0+s29+$0x0], $0xffff  }
0xf3: {  	s0 =	smov.u32 s19;
	s19 =	simm.s32 $0x30;
	v2 =	vld.idx.msk [tilespmem:v0+s18+$0x0], $0xffff  }
0xf4: {  	s26 =	simm.s32 $0x48;
	v3 =	vld.idx.msk [tilespmem:v0+s19+$0x0], $0xffff  }
0xf5: {  	s3 =	smov.u32 s2;
	s2 =	simm.s32 $0x60;
	v4 =	vld.idx.msk [tilespmem:v0+s26+$0x0], $0xffff  }
0xf6: {  	s5 =	simm.s32 $0x78;
	v5 =	vld.idx.msk [tilespmem:v0+s2+$0x0], $0xffff  }
0xf7: {  	s9 =	simm.s32 $0x90;
	v6 =	vld.idx.msk [tilespmem:v0+s5+$0x0], $0xffff  }
0xf8: {  	s10 =	simm.s32 $0xA8;
	v7 =	vld.idx.msk [tilespmem:v0+s9+$0x0], $0xffff  }
0xf9: {  	s16 =	simm.s32 $0xC0;
	v8 =	vld.idx.msk [tilespmem:v0+s10+$0x0], $0xffff;
	s18 =	sor.u32 s1, s31  }
0xfa: {  	v9 =	vld.idx.msk [tilespmem:v0+s16+$0x0], $0xffff;
	s19 =	simm.s32 $0xD8;
	[tilespmem:s18+$0x0] =	vst v63  }
0xfb: {  	s31 =	simm.s32 $0xF0;
	v1 =	vld.idx.msk [tilespmem:v0+s19+$0x0], $0xffff;
	[tilespmem:s18+$0x80] =	vst v2  }
0xfc: {  	s2 =	simm.s32 $0x108;
	s5 =	sadd.s32 $0x30, s28;
	v2 =	vld.idx.msk [tilespmem:v0+s31+$0x0], $0xffff;
	[tilespmem:s18+$0x100] =	vst v3  }
0xfd: {  	s9 =	simm.s32 $0x120;
	s10 =	sor.u32 $0x200, s5;
	v3 =	vld.idx.msk [tilespmem:v0+s2+$0x0], $0xffff;
	[tilespmem:s18+$0x180] =	vst v4  }
0xfe: {  	s16 =	simm.s32 $0x138;
	s18 =	sor.u32 $0x280, s5;
	v4 =	vld.idx.msk [tilespmem:v0+s9+$0x0], $0xffff;
	[tilespmem:s10+$0x1700] =	vst v5  }
0xff: {  	s19 =	simm.s32 $0x150;
	s31 =	sor.u32 $0x300, s5;
	v5 =	vld.idx.msk [tilespmem:v0+s16+$0x0], $0xffff;
	[tilespmem:s18+$0x1700] =	vst v6  }
0x100: {  	s26 =	simm.s32 $0x168;
	s21 =	sor.u32 $0x380, s5;
	v6 =	vld.idx.msk [tilespmem:v0+s19+$0x0], $0xffff;
	[tilespmem:s31+$0x1700] =	vst v7  }
0x101: {  	s2 =	simm.s32 $0x180;
	s5 =	sor.u32 s1, s23;
	s23 =	sld [smem:$0x7F9];
	v7 =	vld.idx.msk [tilespmem:v0+s26+$0x0], $0xffff;
	[tilespmem:s21+$0x1700] =	vst v8  }
0x102: {  	s9 =	simm.s32 $0x198;
	s10 =	sor.u32 s1, s4;
	v8 =	vld.idx.msk [tilespmem:v0+s2+$0x0], $0xffff;
	[tilespmem:s5+$0x0] =	vst v9;
	s5 =	sld [smem:$0x7FA]  }
0x103: {  	s16 =	simm.s32 $0x1B0;
	s18 =	sor.u32 s1, s24;
	v9 =	vld.idx.msk [tilespmem:v0+s9+$0x0], $0xffff;
	[tilespmem:s10+$0x0] =	vst v1  }
0x104: {  	s28 =	simm.s32 $0x1C8;
	s24 =	sor.u32 s1, s23;
	v1 =	vld.idx.msk [tilespmem:v0+s16+$0x0], $0xffff;
	[tilespmem:s18+$0x0] =	vst v2  }
0x105: {  	s19 =	simm.s32 $0x1E0;
	v2 =	vld.idx.msk [tilespmem:v0+s28+$0x0], $0xffff;
	[tilespmem:s24+$0x0] =	vst v3;
	s9 =	sor.u32 s1, s5  }
0x106: {  	p2 =	por !p2, !p2;
	s31 =	simm.s32 $0x1F8;
	s18 =	sor.u32 s1, s22;
	v3 =	vld.idx.msk [tilespmem:v0+s19+$0x0], $0xffff;
	[tilespmem:s9+$0x0] =	vst v4  }
0x107: {  	s10 =	simm.s32 $0x210;
	s22 =	sor.u32 s1, s25;
	s25 =	rddreg [dreg:$0x1d];
	v4 =	vld.idx.msk [tilespmem:v0+s31+$0x0], $0xffff;
	[tilespmem:s18+$0x0] =	vst v5  }
0x108: {  	s13 =	sor.u32 s1, s13;
	s19 =	simm.s32 $0x228;
	s31 =	sor.u32 s1, s25;
	v5 =	vld.idx.msk [tilespmem:v0+s10+$0x0], $0xffff;
	[tilespmem:s22+$0x0] =	vst v6  }
0x109: {  	s6 =	sor.u32 s1, s6;
	s24 =	simm.s32 $0x240;
	s9 =	sor.u32 s1, s7;
	v6 =	vld.idx.msk [tilespmem:v0+s19+$0x0], $0xffff;
	[tilespmem:s31+$0x0] =	vst v7  }
0x10a: {  	s0 =	sor.u32 s1, s0;
	s2 =	simm.s32 $0x258;
	s22 =	sor.u32 s1, s17;
	v7 =	vld.idx.msk [tilespmem:v0+s24+$0x0], $0xffff;
	[tilespmem:s9+$0x0] =	vst v8  }
0x10b: {  	s4 =	rddreg [dreg:$0x19];
	s25 =	sor.u32 s1, s11;
	s10 =	simm.s32 $0x270;
	v8 =	vld.idx.msk [tilespmem:v0+s2+$0x0], $0xffff;
	[tilespmem:s22+$0x0] =	vst v9  }
0x10c: {  	s4 =	sadd.s32 $0x200, s4;
	s24 =	simm.s32 $0x288;
	s2 =	sor.u32 s1, s12;
	v9 =	vld.idx.msk [tilespmem:v0+s10+$0x0], $0xffff;
	[tilespmem:s25+$0x0] =	vst v1  }
0x10d: {  	s23 =	simm.s32 $0x138;
	s21 =	simm.s32 $0x1B0;
	s31 =	simm.s32 $0x2A0;
	v1 =	vld.idx.msk [tilespmem:v0+s24+$0x0], $0xffff;
	[tilespmem:s2+$0x0] =	vst v2  }
0x10e: {  	s7 =	simm.s32 $0x2B8;
	s22 =	sor.u32 s1, s8;
	v2 =	vld.idx.msk [tilespmem:v0+s31+$0x0], $0xffff;
	[tilespmem:s13+$0x0] =	vst v3;
	s31 =	sld [smem:$0x7FB]  }
0x10f: {  	s16 =	simm.s32 $0x120;
	s17 =	simm.s32 $0x2D0;
	s25 =	sor.u32 s1, s14;
	v3 =	vld.idx.msk [tilespmem:v0+s7+$0x0], $0xffff;
	[tilespmem:s22+$0x0] =	vst v4  }
0x110: {  	s28 =	sor.u32 s1, s15;
	s8 =	sld [smem:$0x7FC];
	s24 =	simm.s32 $0x2E8;
	v4 =	vld.idx.msk [tilespmem:v0+s17+$0x0], $0xffff;
	[tilespmem:s25+$0x0] =	vst v5  }
0x111: {  	s15 =	simm.s32 $0x108;
	s25 =	sld [smem:$0x7FD];
	v0 =	vld.idx.msk [tilespmem:v0+s24+$0x0], $0xffff;
	[tilespmem:s28+$0x0] =	vst v6;
	s2 =	sor.u32 s1, s31  }
0x112: {  	s18 =	simm.s32 $0x150;
	s11 =	simm.s32 $0xA8;
	s17 =	sor.u32 s1, s20;
	[tilespmem:s2+$0x0] =	vst v7  }
0x113: {  	s20 =	sor.u32 s1, s3;
	s28 =	rddreg [dreg:$0x12];
	s2 =	sor.u32 s1, s8;
	[tilespmem:s6+$0x0] =	vst v8  }
0x114: {  	s24 =	sor.u32 s1, s30;
	[tilespmem:s2+$0x0] =	vst v9;
	s2 =	sor.u32 s1, s25;
	s1 =	sadd.s32 $0x4, s28  }
0x115: {  	s19 =	simm.s32 $0x180;
	s9 =	simm.s32 $0x78;
	p3 =	slt.u32 s1, $0x4C  }
.Ltmp4:
0x116: {  	s12 =	simm.s32 $0xC0;
	s10 =	simm.s32 $0x90;
	[tilespmem:s17+$0x0] =	vst v1;
	(pc) =	sbr.rel @p3 .LBB2_3-.Ltmp4, $4  }
0x117: {  	s14 =	simm.s32 $0xF0;
	s13 =	simm.s32 $0xD8;
	s22 =	rddreg [dreg:$0x18];
	[tilespmem:s20+$0x0] =	vst v2  }
0x118: {  	s7 =	simm.s32 $0x48;
	s3 =	sadd.s32 $0x40, s22;
	s30 =	rddreg [dreg:$0x16];
	[tilespmem:s24+$0x0] =	vst v3  }
0x119: {  	s31 =	rddreg [dreg:$0x14];
	s8 =	simm.s32 $0x60;
	s6 =	simm.s32 $0x30;
	[tilespmem:s2+$0x0] =	vst v4  }
0x11a: {  	s20 =	simm.s32 $0x198;
	s2 =	sadd.s32 $0x40, s30;
	[tilespmem:s0+$0x0] =	vst v0;
	s0 =	sadd.s32 $0x40, s31  }
0x11b: {  	s22 =	rddreg [dreg:$0xf]  }
0x11c: {  	s5 =	rddreg [dreg:$0x6]  }
0x11d: {  	s1 =	rddreg [dreg:$0x11]  }
0x11e: {  	s2 =	rddreg [dreg:$0x4];
	s0 =	sadd.s32 $0x2, s22  }
0x11f: {  	s30 =	rddreg [dreg:$0x2];
	s1 =	smul.u32 $0x500, s1;
	p2 =	sge.u32 s0, s5  }
0x120: {  	s31 =	simm.s32 $0x2800;
	s3 =	simm.s32 $0xC35000;
	s0 =	sshll.u32 @!p2 s0, $0x5  }
0x121: {  	s4 =	simm.s32 $0x1700;
	s1 =	sadd.s32 s30, s1;
	s0 =	sor.u32 @!p2 s2, s0  }
0x122: {  	[hbm4b:s1+s31] =	stream.strided.scatter [tilespmem:s4], [sflag:$0x3], $0xA000, s3, s31, $0x38;
	[tilespmem:$0x15700] =	vst v63  }
0x123: {  	s0 =	smul.u32 @!p2 $0x140, s0  }
0x124: {  	s1 =	rddreg [dreg:$0x0];
	s2 =	simm.s32 @!p2 $0x80  }
0x125: {  	s3 =	simm.s32 @!p2 $0x100;
	s4 =	simm.s32 @!p2 $0x300;
	s1 =	sadd.s32 @!p2 s1, s0  }
0x126: {  	[tilespmem:s4], [sflag:$0x1] =	stream.strided.gather @!p2 [hbm4b:s1+s2], $0x500, s3, s2, $0x38;
	[tilespmem:$0x15700] =	vst v63  }
0x127: {  	s1 =	rddreg [dreg:$0x8]  }
0x128: {  	s0 =	sadd.s32 @!p2 s0, s1;
	s1 =	simm.s32 @!p2 $0x800  }
0x129: {  	[tilespmem:s1], [sflag:$0x1] =	stream.strided.gather @!p2 [hbm4b:s0+s2], $0x500, s3, s2, $0x38;
	[tilespmem:$0x15700] =	vst v63  }
0x12a: {  	s1 =	sor.u32 $0x1, s22  }
0x12b: {  	p2 =	sge.u32 s1, s5  }
.Ltmp5:
0x12c: {  	_ = 	snop;
	(pc) =	sbr.rel @p2 .LBB2_8-.Ltmp5, $4  }
0x12d: {  	s0 =	simm.s32 @!p1 $0x4  }
0x12e: {  	_ =	swait.ge @!p1 [sflag:s0], $0xA000  }
0x12f: {  	[sflag:s0] =	ssyncset.done @!p1 $0x0  }
0x130: {  	[sflag:s0] =	ssyncadd.s32 @!p1 $0xFFFF6000  }
0x131: {  	[dreg:$0x10] =	wrdreg s1;
	s0 =	simm.s32 $0x2  }
0x132: {  	_ =	swait.ge [sflag:s0], $0x500  }
0x133: {  	[sflag:s0] =	ssyncset.done $0x0  }
0x134: {  	[sflag:s0] =	ssyncadd.s32 $0xFFFFFB00  }
0x135: {  	s1 =	simm.s32 $0xFFFFFFFC;
	p1 =	por $0x0, $0x0;
	_ =	swait.ge [sflag:s0], $0x500  }
0x136: {  	s3 =	simm.s32 $0x0;
	s2 =	simm.s32 $0x1200;
	[sflag:s0] =	ssyncset.done $0x0  }
0x137: {  	s4 =	simm.s32 $0x0;
	[sflag:s0] =	ssyncadd.s32 $0xFFFFFB00;
	s0 =	simm.s32 $0xD00  }
.LBB2_6:
0x138: {  	v0 =	vld [tilespmem:s0+$0x0]  }
0x139: {  	v1 =	vld [tilespmem:s2+$0x0];
	_ =	sdelay $0x4  }
0x13a: {  	v0 =	vsub.s32 v0, v1  }
0x13b: {  	v1 =	vsub.s32 $0x0, v0  }
0x13c: {  	v0 =	vmin.u32 v0, v1  }
0x13d: {  	v0 =	vadd.s32 $0xFFFFFFFF, v0  }
0x13e: {  	v52 =	vcvt.s32.f32 v0;
	_ =	sdelay $0x1  }
0x13f: {  	v1 =	vshra.s32 v52, $0x17  }
0x140: {  	vm0 =	vgt.s32 v0, $0x0;
	v53 =	vadd.s32 $0xFFFFFF82, v1  }
0x141: {  	v0 =	vnsel vm0, $0x0, v53;
	_ =	sdelay $0x4  }
0x142: {  	s5 =	simm.s32 $0x18;
	v54 =	vld.idx.msk [tilespmem:v0+s29+$0x0], $0xffff  }
0x143: {  	v2 =	vld.idx.msk [tilespmem:v0+s5+$0x0], $0xffff  }
0x144: {  	v3 =	vld.idx.msk [tilespmem:v0+s6+$0x0], $0xffff  }
0x145: {  	v4 =	vld.idx.msk [tilespmem:v0+s7+$0x0], $0xffff  }
0x146: {  	v5 =	vld.idx.msk [tilespmem:v0+s8+$0x0], $0xffff  }
0x147: {  	[dreg:$0x15] =	wrdreg s0;
	s0 =	sand.u32 $0x3C00, s4;
	v6 =	vld.idx.msk [tilespmem:v0+s9+$0x0], $0xffff  }
0x148: {  	[dreg:$0x13] =	wrdreg s1;
	s1 =	sand.u32 $0x40, s3;
	s31 =	sadd.s32 $0xB700, s0;
	v7 =	vld.idx.msk [tilespmem:v0+s10+$0x0], $0xffff  }
0x149: {  	[dreg:$0x1a] =	wrdreg s3;
	s3 =	simm.s32 $0x1;
	v8 =	vld.idx.msk [tilespmem:v0+s11+$0x0], $0xffff;
	s11 =	sor.u32 s1, s31  }
0x14a: {  	s3 =	simm.s32 @!p1 $0x0;
	v9 =	vld.idx.msk [tilespmem:v0+s12+$0x0], $0xffff;
	[tilespmem:s11+$0x0] =	vst v54  }
0x14b: {  	s3 =	sshll.u32 s3, $0x6;
	v1 =	vld.idx.msk [tilespmem:v0+s13+$0x0], $0xffff;
	[tilespmem:s11+$0x80] =	vst v2  }
0x14c: {  	s28 =	sadd.s32 s3, s4;
	v2 =	vld.idx.msk [tilespmem:v0+s14+$0x0], $0xffff;
	[tilespmem:s11+$0x100] =	vst v3  }
0x14d: {  	s12 =	sor.u32 $0x200, s28;
	v3 =	vld.idx.msk [tilespmem:v0+s15+$0x0], $0xffff;
	[tilespmem:s11+$0x180] =	vst v4  }
0x14e: {  	s13 =	sor.u32 $0x280, s28;
	v4 =	vld.idx.msk [tilespmem:v0+s16+$0x0], $0xffff;
	[tilespmem:s12+$0xB700] =	vst v5  }
0x14f: {  	s14 =	sor.u32 $0x300, s28;
	v5 =	vld.idx.msk [tilespmem:v0+s23+$0x0], $0xffff;
	[tilespmem:s13+$0xB700] =	vst v6  }
0x150: {  	s15 =	sor.u32 $0x380, s28;
	s23 =	sadd.s32 $0xDF00, s0;
	v6 =	vld.idx.msk [tilespmem:v0+s18+$0x0], $0xffff;
	[tilespmem:s14+$0xB700] =	vst v7  }
0x151: {  	[dreg:$0x1b] =	wrdreg s4;
	s7 =	sadd.s32 $0xDF80, s0;
	s16 =	sor.u32 s1, s23;
	v7 =	vld.idx.msk [tilespmem:v0+s26+$0x0], $0xffff;
	[tilespmem:s15+$0xB700] =	vst v8  }
0x152: {  	s30 =	simm.s32 $0x1F8;
	s24 =	sadd.s32 $0xE000, s0;
	s17 =	sor.u32 s1, s7;
	v8 =	vld.idx.msk [tilespmem:v0+s19+$0x0], $0xffff;
	[tilespmem:s16+$0x0] =	vst v9  }
0x153: {  	s22 =	sadd.s32 $0xE100, s0;
	s18 =	sor.u32 s1, s24;
	v9 =	vld.idx.msk [tilespmem:v0+s20+$0x0], $0xffff;
	[tilespmem:s17+$0x0] =	vst v1;
	s17 =	sadd.s32 $0xE080, s0  }
0x154: {  	s25 =	sor.u32 s1, s22;
	s19 =	simm.s32 $0x1C8;
	v1 =	vld.idx.msk [tilespmem:v0+s21+$0x0], $0xffff;
	[tilespmem:s18+$0x0] =	vst v2;
	s20 =	sor.u32 s1, s17  }
0x155: {  	s4 =	simm.s32 $0x210;
	s26 =	sadd.s32 $0xE180, s0;
	s21 =	simm.s32 $0x1E0;
	v2 =	vld.idx.msk [tilespmem:v0+s19+$0x0], $0xffff;
	[tilespmem:s20+$0x0] =	vst v3  }
0x156: {  	s6 =	sadd.s32 $0xE280, s0;
	s3 =	sor.u32 s1, s26;
	v3 =	vld.idx.msk [tilespmem:v0+s21+$0x0], $0xffff;
	[tilespmem:s25+$0x0] =	vst v4;
	s25 =	sadd.s32 $0xE200, s0  }
0x157: {  	s8 =	simm.s32 $0x228;
	s10 =	simm.s32 $0x240;
	v4 =	vld.idx.msk [tilespmem:v0+s30+$0x0], $0xffff;
	[tilespmem:s3+$0x0] =	vst v5;
	s5 =	sor.u32 s1, s25  }
0x158: {  	[dreg:$0x1e] =	wrdreg s6;
	s9 =	sor.u32 s1, s6;
	s6 =	sadd.s32 $0x10700, s0;
	v5 =	vld.idx.msk [tilespmem:v0+s4+$0x0], $0xffff;
	[tilespmem:s5+$0x0] =	vst v6  }
0x159: {  	s11 =	sor.u32 s1, s6;
	s12 =	simm.s32 $0x258;
	s20 =	sadd.s32 $0x10780, s0;
	v6 =	vld.idx.msk [tilespmem:v0+s8+$0x0], $0xffff;
	[tilespmem:s9+$0x0] =	vst v7  }
0x15a: {  	s14 =	simm.s32 $0x270;
	s13 =	sor.u32 s1, s20;
	v7 =	vld.idx.msk [tilespmem:v0+s10+$0x0], $0xffff;
	[tilespmem:s11+$0x0] =	vst v8;
	s11 =	sadd.s32 $0x10800, s0  }
0x15b: {  	[dreg:$0x1c] =	wrdreg s26;
	v8 =	vld.idx.msk [tilespmem:v0+s12+$0x0], $0xffff;
	[tilespmem:s13+$0x0] =	vst v9;
	s15 =	sor.u32 s1, s11;
	s12 =	sadd.s32 $0x10880, s0  }
0x15c: {  	s16 =	simm.s32 $0x288;
	s13 =	sadd.s32 $0x10900, s0;
	v9 =	vld.idx.msk [tilespmem:v0+s14+$0x0], $0xffff;
	[tilespmem:s15+$0x0] =	vst v1;
	s18 =	sor.u32 s1, s12  }
0x15d: {  	s26 =	sadd.s32 $0x10980, s0;
	s19 =	simm.s32 $0x2A0;
	s21 =	sor.u32 s1, s13;
	v1 =	vld.idx.msk [tilespmem:v0+s16+$0x0], $0xffff;
	[tilespmem:s18+$0x0] =	vst v2  }
0x15e: {  	s30 =	simm.s32 $0x2B8;
	s4 =	sor.u32 s1, s26;
	s14 =	sadd.s32 $0x10A00, s0;
	v2 =	vld.idx.msk [tilespmem:v0+s19+$0x0], $0xffff;
	[tilespmem:s21+$0x0] =	vst v3  }
0x15f: {  	s5 =	simm.s32 $0x2D0;
	s15 =	sadd.s32 $0x10A80, s0;
	s8 =	sor.u32 s1, s14;
	v3 =	vld.idx.msk [tilespmem:v0+s30+$0x0], $0xffff;
	[tilespmem:s4+$0x0] =	vst v4  }
0x160: {  	s9 =	simm.s32 $0x2E8;
	s10 =	sor.u32 s1, s15;
	s16 =	sadd.s32 $0x12F00, s0;
	v4 =	vld.idx.msk [tilespmem:v0+s5+$0x0], $0xffff;
	[tilespmem:s8+$0x0] =	vst v5  }
0x161: {  	s18 =	sor.u32 s1, s16;
	s5 =	sadd.s32 $0x12F80, s0;
	v0 =	vld.idx.msk [tilespmem:v0+s9+$0x0], $0xffff;
	[tilespmem:s10+$0x0] =	vst v6  }
0x162: {  	s8 =	sadd.s32 $0x13000, s0;
	s19 =	sor.u32 s1, s5;
	[tilespmem:s18+$0x0] =	vst v7  }
0x163: {  	[dreg:$0x17] =	wrdreg s2;
	s21 =	sor.u32 s1, s8;
	s9 =	sadd.s32 $0x13080, s0;
	[tilespmem:s19+$0x0] =	vst v8  }
0x164: {  	s2 =	sadd.s32 $0x13100, s0;
	[smem:$0x7F1] =	sst s26;
	s26 =	sor.u32 s1, s9;
	[tilespmem:s21+$0x0] =	vst v9  }
0x165: {  	s30 =	sor.u32 s1, s2;
	s19 =	sadd.s32 $0x13180, s0;
	[tilespmem:s26+$0x0] =	vst v1  }
0x166: {  	s10 =	sadd.s32 $0x13200, s0;
	s3 =	sor.u32 s1, s19;
	[tilespmem:s30+$0x0] =	vst v2  }
0x167: {  	s18 =	sadd.s32 $0x13280, s0;
	s4 =	sor.u32 s1, s10;
	s26 =	rddreg [dreg:$0x1a];
	[tilespmem:s3+$0x0] =	vst v3  }
0x168: {  	s29 =	sor.u32 $0x10, s1;
	s30 =	sor.u32 s1, s18;
	s21 =	sand.u32 $0x780, s26;
	[tilespmem:s4+$0x0] =	vst v4  }
0x169: {  	s0 =	sor.u32 s21, s29;
	[tilespmem:s30+$0x0] =	vst v0  }
0x16a: {  	v0 =	vld [tilespmem:s0+$0xD00]  }
0x16b: {  	v1 =	vld [tilespmem:s0+$0x1200];
	_ =	sdelay $0x4  }
0x16c: {  	v0 =	vsub.s32 v0, v1  }
0x16d: {  	v1 =	vsub.s32 $0x0, v0  }
0x16e: {  	v0 =	vmin.u32 v0, v1  }
0x16f: {  	v0 =	vadd.s32 $0xFFFFFFFF, v0  }
0x170: {  	v55 =	vcvt.s32.f32 v0;
	_ =	sdelay $0x1  }
0x171: {  	v1 =	vshra.s32 v55, $0x17  }
0x172: {  	vm13 =	vgt.s32 v0, $0x0;
	v56 =	vadd.s32 $0xFFFFFF82, v1  }
0x173: {  	v0 =	vnsel vm13, $0x0, v56;
	_ =	sdelay $0x3  }
0x174: {  	s3 =	simm.s32 $0x0  }
0x175: {  	s4 =	simm.s32 $0x18;
	v57 =	vld.idx.msk [tilespmem:v0+s3+$0x0], $0xffff  }
0x176: {  	s30 =	simm.s32 $0x30;
	v2 =	vld.idx.msk [tilespmem:v0+s4+$0x0], $0xffff  }
0x177: {  	s0 =	simm.s32 $0x48;
	v3 =	vld.idx.msk [tilespmem:v0+s30+$0x0], $0xffff  }
0x178: {  	v4 =	vld.idx.msk [tilespmem:v0+s0+$0x0], $0xffff;
	s3 =	simm.s32 $0x60  }
0x179: {  	s4 =	simm.s32 $0x78;
	v5 =	vld.idx.msk [tilespmem:v0+s3+$0x0], $0xffff  }
0x17a: {  	s30 =	simm.s32 $0x90;
	v6 =	vld.idx.msk [tilespmem:v0+s4+$0x0], $0xffff  }
0x17b: {  	s0 =	simm.s32 $0xA8;
	v7 =	vld.idx.msk [tilespmem:v0+s30+$0x0], $0xffff  }
0x17c: {  	v8 =	vld.idx.msk [tilespmem:v0+s0+$0x0], $0xffff;
	s3 =	simm.s32 $0xC0;
	s30 =	sor.u32 s29, s31  }
0x17d: {  	s4 =	simm.s32 $0xD8;
	v9 =	vld.idx.msk [tilespmem:v0+s3+$0x0], $0xffff;
	[tilespmem:s30+$0x0] =	vst v57  }
0x17e: {  	s0 =	simm.s32 $0xF0;
	v1 =	vld.idx.msk [tilespmem:v0+s4+$0x0], $0xffff;
	[tilespmem:s30+$0x80] =	vst v2  }
0x17f: {  	s3 =	simm.s32 $0x108;
	v2 =	vld.idx.msk [tilespmem:v0+s0+$0x0], $0xffff;
	[tilespmem:s30+$0x100] =	vst v3  }
0x180: {  	v3 =	vld.idx.msk [tilespmem:v0+s3+$0x0], $0xffff;
	[tilespmem:s30+$0x180] =	vst v4;
	s30 =	sadd.s32 $0x10, s28  }
0x181: {  	s4 =	simm.s32 $0x120;
	s0 =	sor.u32 $0x200, s30  }
0x182: {  	s3 =	simm.s32 $0x138;
	v4 =	vld.idx.msk [tilespmem:v0+s4+$0x0], $0xffff;
	s4 =	sor.u32 $0x280, s30;
	[tilespmem:s0+$0xB700] =	vst v5  }
0x183: {  	s0 =	simm.s32 $0x150;
	v5 =	vld.idx.msk [tilespmem:v0+s3+$0x0], $0xffff;
	[tilespmem:s4+$0xB700] =	vst v6;
	s3 =	sor.u32 $0x300, s30  }
0x184: {  	s4 =	simm.s32 $0x168;
	s30 =	sor.u32 $0x380, s30;
	v6 =	vld.idx.msk [tilespmem:v0+s0+$0x0], $0xffff;
	[tilespmem:s3+$0xB700] =	vst v7  }
0x185: {  	s0 =	simm.s32 $0x180;
	s3 =	sor.u32 s29, s23;
	v7 =	vld.idx.msk [tilespmem:v0+s4+$0x0], $0xffff;
	[tilespmem:s30+$0xB700] =	vst v8  }
0x186: {  	s4 =	simm.s32 $0x198;
	v8 =	vld.idx.msk [tilespmem:v0+s0+$0x0], $0xffff;
	[tilespmem:s3+$0x0] =	vst v9  }
0x187: {  	[smem:$0x7F4] =	sst s22;
	v9 =	vld.idx.msk [tilespmem:v0+s4+$0x0], $0xffff;
	s4 =	smov.u32 s7;
	s7 =	sor.u32 s29, s7  }
0x188: {  	[smem:$0x7F3] =	sst s17;
	s30 =	simm.s32 $0x1B0;
	s0 =	sor.u32 s29, s24;
	[tilespmem:s7+$0x0] =	vst v1  }
0x189: {  	s3 =	simm.s32 $0x1C8;
	s7 =	sor.u32 s29, s17;
	v1 =	vld.idx.msk [tilespmem:v0+s30+$0x0], $0xffff;
	[tilespmem:s0+$0x0] =	vst v2;
	s0 =	smov.u32 s17  }
0x18a: {  	s17 =	simm.s32 $0x1E0;
	v2 =	vld.idx.msk [tilespmem:v0+s3+$0x0], $0xffff;
	[tilespmem:s7+$0x0] =	vst v3;
	s7 =	smov.u32 s22;
	s22 =	sor.u32 s29, s22  }
0x18b: {  	v3 =	vld.idx.msk [tilespmem:v0+s17+$0x0], $0xffff;
	[tilespmem:s22+$0x0] =	vst v4;
	s22 =	rddreg [dreg:$0x1c]  }
0x18c: {  	[smem:$0x7F2] =	sst s25;
	s30 =	simm.s32 $0x1F8;
	s3 =	sor.u32 s29, s22  }
0x18d: {  	s17 =	simm.s32 $0x210;
	v4 =	vld.idx.msk [tilespmem:v0+s30+$0x0], $0xffff;
	s30 =	sor.u32 s29, s25;
	s25 =	rddreg [dreg:$0x1e];
	[tilespmem:s3+$0x0] =	vst v5  }
0x18e: {  	s3 =	simm.s32 $0x228;
	v5 =	vld.idx.msk [tilespmem:v0+s17+$0x0], $0xffff;
	[tilespmem:s30+$0x0] =	vst v6;
	s17 =	sor.u32 s29, s25  }
0x18f: {  	s30 =	simm.s32 $0x240;
	v6 =	vld.idx.msk [tilespmem:v0+s3+$0x0], $0xffff;
	[tilespmem:s17+$0x0] =	vst v7;
	s3 =	sor.u32 s29, s6  }
0x190: {  	s17 =	simm.s32 $0x258;
	v7 =	vld.idx.msk [tilespmem:v0+s30+$0x0], $0xffff;
	[tilespmem:s3+$0x0] =	vst v8;
	s30 =	sor.u32 s29, s20  }
0x191: {  	s3 =	simm.s32 $0x270;
	v8 =	vld.idx.msk [tilespmem:v0+s17+$0x0], $0xffff;
	s17 =	smov.u32 s20;
	[tilespmem:s30+$0x0] =	vst v9;
	s20 =	sor.u32 s29, s11  }
0x192: {  	s30 =	simm.s32 $0x288;
	v9 =	vld.idx.msk [tilespmem:v0+s3+$0x0], $0xffff;
	[tilespmem:s20+$0x0] =	vst v1;
	s3 =	sor.u32 s29, s12  }
0x193: {  	s20 =	simm.s32 $0x2A0;
	v1 =	vld.idx.msk [tilespmem:v0+s30+$0x0], $0xffff;
	[tilespmem:s3+$0x0] =	vst v2;
	s30 =	sor.u32 s29, s13  }
0x194: {  	s3 =	simm.s32 $0x2B8;
	v2 =	vld.idx.msk [tilespmem:v0+s20+$0x0], $0xffff;
	[tilespmem:s30+$0x0] =	vst v3  }
0x195: {  	v3 =	vld.idx.msk [tilespmem:v0+s3+$0x0], $0xffff;
	s3 =	sld [smem:$0x7F1];
	_ =	sdelay $0x2  }
0x196: {  	s20 =	sor.u32 s29, s3  }
0x197: {  	s30 =	simm.s32 $0x2D0;
	[tilespmem:s20+$0x0] =	vst v4;
	s20 =	sor.u32 s29, s14  }
0x198: {  	v4 =	vld.idx.msk [tilespmem:v0+s30+$0x0], $0xffff;
	[tilespmem:s20+$0x0] =	vst v5;
	s30 =	simm.s32 $0x2E8;
	s20 =	sor.u32 s29, s15  }
0x199: {  	v0 =	vld.idx.msk [tilespmem:v0+s30+$0x0], $0xffff;
	[tilespmem:s20+$0x0] =	vst v6;
	s30 =	sor.u32 s29, s16  }
0x19a: {  	s20 =	sor.u32 s29, s5;
	[tilespmem:s30+$0x0] =	vst v7  }
0x19b: {  	s30 =	sor.u32 s29, s8;
	[tilespmem:s20+$0x0] =	vst v8  }
0x19c: {  	[tilespmem:s30+$0x0] =	vst v9;
	s30 =	sor.u32 s29, s9  }
0x19d: {  	[smem:$0x7F6] =	sst s8;
	s20 =	smov.u32 s8;
	s8 =	sor.u32 s29, s2;
	[tilespmem:s30+$0x0] =	vst v1  }
0x19e: {  	s30 =	sor.u32 s29, s19;
	[tilespmem:s8+$0x0] =	vst v2  }
0x19f: {  	s8 =	sor.u32 s29, s10;
	[tilespmem:s30+$0x0] =	vst v3  }
0x1a0: {  	s30 =	sor.u32 s29, s18;
	s29 =	sor.u32 $0x20, s1;
	[tilespmem:s8+$0x0] =	vst v4  }
0x1a1: {  	s8 =	sor.u32 s21, s29;
	[tilespmem:s30+$0x0] =	vst v0  }
0x1a2: {  	v0 =	vld [tilespmem:s8+$0xD00]  }
0x1a3: {  	v1 =	vld [tilespmem:s8+$0x1200];
	_ =	sdelay $0x4  }
0x1a4: {  	v0 =	vsub.s32 v0, v1  }
0x1a5: {  	v1 =	vsub.s32 $0x0, v0  }
0x1a6: {  	v0 =	vmin.u32 v0, v1  }
0x1a7: {  	v0 =	vadd.s32 $0xFFFFFFFF, v0  }
0x1a8: {  	v58 =	vcvt.s32.f32 v0;
	_ =	sdelay $0x1  }
0x1a9: {  	v1 =	vshra.s32 v58, $0x17  }
0x1aa: {  	vm14 =	vgt.s32 v0, $0x0;
	v59 =	vadd.s32 $0xFFFFFF82, v1  }
0x1ab: {  	v0 =	vnsel vm14, $0x0, v59;
	_ =	sdelay $0x3  }
0x1ac: {  	s30 =	simm.s32 $0x0  }
0x1ad: {  	s8 =	simm.s32 $0x18;
	v60 =	vld.idx.msk [tilespmem:v0+s30+$0x0], $0xffff  }
0x1ae: {  	v2 =	vld.idx.msk [tilespmem:v0+s8+$0x0], $0xffff;
	s30 =	simm.s32 $0x30  }
0x1af: {  	s8 =	simm.s32 $0x48;
	v3 =	vld.idx.msk [tilespmem:v0+s30+$0x0], $0xffff  }
0x1b0: {  	v4 =	vld.idx.msk [tilespmem:v0+s8+$0x0], $0xffff;
	s30 =	simm.s32 $0x60  }
0x1b1: {  	s8 =	simm.s32 $0x78;
	v5 =	vld.idx.msk [tilespmem:v0+s30+$0x0], $0xffff  }
0x1b2: {  	v6 =	vld.idx.msk [tilespmem:v0+s8+$0x0], $0xffff;
	s30 =	simm.s32 $0x90  }
0x1b3: {  	s8 =	simm.s32 $0xA8;
	v7 =	vld.idx.msk [tilespmem:v0+s30+$0x0], $0xffff  }
0x1b4: {  	s26 =	sor.u32 s29, s31;
	v8 =	vld.idx.msk [tilespmem:v0+s8+$0x0], $0xffff;
	s30 =	simm.s32 $0xC0  }
0x1b5: {  	s8 =	simm.s32 $0xD8;
	v9 =	vld.idx.msk [tilespmem:v0+s30+$0x0], $0xffff;
	[tilespmem:s26+$0x0] =	vst v60  }
0x1b6: {  	v1 =	vld.idx.msk [tilespmem:v0+s8+$0x0], $0xffff;
	[tilespmem:s26+$0x80] =	vst v2;
	s8 =	simm.s32 $0xF0  }
0x1b7: {  	v2 =	vld.idx.msk [tilespmem:v0+s8+$0x0], $0xffff;
	[tilespmem:s26+$0x100] =	vst v3;
	s8 =	simm.s32 $0x108  }
0x1b8: {  	v3 =	vld.idx.msk [tilespmem:v0+s8+$0x0], $0xffff;
	[tilespmem:s26+$0x180] =	vst v4;
	s26 =	sadd.s32 $0x20, s28;
	s8 =	simm.s32 $0x120  }
0x1b9: {  	v4 =	vld.idx.msk [tilespmem:v0+s8+$0x0], $0xffff;
	s8 =	sor.u32 $0x200, s26  }
0x1ba: {  	[tilespmem:s8+$0xB700] =	vst v5;
	s8 =	simm.s32 $0x138  }
0x1bb: {  	v5 =	vld.idx.msk [tilespmem:v0+s8+$0x0], $0xffff;
	s8 =	sor.u32 $0x280, s26  }
0x1bc: {  	[tilespmem:s8+$0xB700] =	vst v6;
	s8 =	simm.s32 $0x150  }
0x1bd: {  	v6 =	vld.idx.msk [tilespmem:v0+s8+$0x0], $0xffff;
	s8 =	sor.u32 $0x300, s26  }
0x1be: {  	s26 =	sor.u32 $0x380, s26;
	[tilespmem:s8+$0xB700] =	vst v7;
	s8 =	simm.s32 $0x168  }
0x1bf: {  	s30 =	simm.s32 $0x180;
	v7 =	vld.idx.msk [tilespmem:v0+s8+$0x0], $0xffff;
	[tilespmem:s26+$0xB700] =	vst v8;
	s8 =	sor.u32 s29, s23  }
0x1c0: {  	v8 =	vld.idx.msk [tilespmem:v0+s30+$0x0], $0xffff;
	[tilespmem:s8+$0x0] =	vst v9;
	s30 =	simm.s32 $0x198;
	s8 =	sor.u32 s29, s4  }
0x1c1: {  	v9 =	vld.idx.msk [tilespmem:v0+s30+$0x0], $0xffff;
	[tilespmem:s8+$0x0] =	vst v1;
	s30 =	simm.s32 $0x1B0;
	s8 =	sor.u32 s29, s24  }
0x1c2: {  	s0 =	sor.u32 s29, s0;
	v1 =	vld.idx.msk [tilespmem:v0+s30+$0x0], $0xffff;
	[tilespmem:s8+$0x0] =	vst v2;
	s30 =	simm.s32 $0x1C8  }
0x1c3: {  	s8 =	simm.s32 $0x1E0;
	v2 =	vld.idx.msk [tilespmem:v0+s30+$0x0], $0xffff;
	[tilespmem:s0+$0x0] =	vst v3;
	s30 =	sor.u32 s29, s7  }
0x1c4: {  	s0 =	simm.s32 $0x1F8;
	v3 =	vld.idx.msk [tilespmem:v0+s8+$0x0], $0xffff;
	[tilespmem:s30+$0x0] =	vst v4  }
0x1c5: {  	v4 =	vld.idx.msk [tilespmem:v0+s0+$0x0], $0xffff;
	s0 =	sld [smem:$0x7F2];
	_ =	sdelay $0x1  }
0x1c6: {  	s7 =	sor.u32 s29, s22  }
0x1c7: {  	s8 =	simm.s32 $0x210;
	[tilespmem:s7+$0x0] =	vst v5;
	s22 =	sor.u32 s29, s0  }
0x1c8: {  	s30 =	simm.s32 $0x228;
	s7 =	sor.u32 s29, s25;
	v5 =	vld.idx.msk [tilespmem:v0+s8+$0x0], $0xffff;
	[tilespmem:s22+$0x0] =	vst v6  }
0x1c9: {  	s8 =	simm.s32 $0x240;
	s22 =	sor.u32 s29, s6;
	v6 =	vld.idx.msk [tilespmem:v0+s30+$0x0], $0xffff;
	[tilespmem:s7+$0x0] =	vst v7  }
0x1ca: {  	s7 =	smov.u32 s6;
	s30 =	simm.s32 $0x258;
	s6 =	sor.u32 s29, s17;
	v7 =	vld.idx.msk [tilespmem:v0+s8+$0x0], $0xffff;
	[tilespmem:s22+$0x0] =	vst v8  }
0x1cb: {  	s8 =	simm.s32 $0x270;
	s22 =	sor.u32 s29, s11;
	v8 =	vld.idx.msk [tilespmem:v0+s30+$0x0], $0xffff;
	[tilespmem:s6+$0x0] =	vst v9  }
0x1cc: {  	s30 =	simm.s32 $0x288;
	s6 =	sor.u32 s29, s12;
	v9 =	vld.idx.msk [tilespmem:v0+s8+$0x0], $0xffff;
	[tilespmem:s22+$0x0] =	vst v1  }
0x1cd: {  	s8 =	simm.s32 $0x2A0;
	s22 =	sor.u32 s29, s13;
	v1 =	vld.idx.msk [tilespmem:v0+s30+$0x0], $0xffff;
	[tilespmem:s6+$0x0] =	vst v2  }
0x1ce: {  	s30 =	simm.s32 $0x2B8;
	s6 =	sor.u32 s29, s3;
	v2 =	vld.idx.msk [tilespmem:v0+s8+$0x0], $0xffff;
	[tilespmem:s22+$0x0] =	vst v3  }
0x1cf: {  	s22 =	simm.s32 $0x2D0;
	v3 =	vld.idx.msk [tilespmem:v0+s30+$0x0], $0xffff;
	[tilespmem:s6+$0x0] =	vst v4;
	s30 =	sor.u32 s29, s14  }
0x1d0: {  	s8 =	smov.u32 s3;
	s3 =	simm.s32 $0x2E8;
	s6 =	sor.u32 s29, s15;
	v4 =	vld.idx.msk [tilespmem:v0+s22+$0x0], $0xffff;
	[tilespmem:s30+$0x0] =	vst v5  }
0x1d1: {  	[smem:$0x7F5] =	sst s16;
	s16 =	sor.u32 s29, s16;
	v0 =	vld.idx.msk [tilespmem:v0+s3+$0x0], $0xffff;
	[tilespmem:s6+$0x0] =	vst v6  }
0x1d2: {  	s22 =	sor.u32 s29, s5;
	[tilespmem:s16+$0x0] =	vst v7  }
0x1d3: {  	s30 =	sor.u32 s29, s20;
	[tilespmem:s22+$0x0] =	vst v8  }
0x1d4: {  	s3 =	sor.u32 s29, s9;
	[tilespmem:s30+$0x0] =	vst v9  }
0x1d5: {  	s6 =	smov.u32 s5;
	s5 =	sor.u32 s29, s2;
	[tilespmem:s3+$0x0] =	vst v1  }
0x1d6: {  	s20 =	smov.u32 s9;
	s9 =	sor.u32 s29, s19;
	[tilespmem:s5+$0x0] =	vst v2  }
0x1d7: {  	s16 =	sor.u32 s29, s10;
	[tilespmem:s9+$0x0] =	vst v3  }
0x1d8: {  	s1 =	sor.u32 $0x30, s1;
	s30 =	smov.u32 s19;
	s19 =	sor.u32 s29, s18;
	[tilespmem:s16+$0x0] =	vst v4  }
0x1d9: {  	s21 =	sor.u32 s21, s1;
	[tilespmem:s19+$0x0] =	vst v0  }
0x1da: {  	v0 =	vld [tilespmem:s21+$0xD00]  }
0x1db: {  	v1 =	vld [tilespmem:s21+$0x1200];
	_ =	sdelay $0x4  }
0x1dc: {  	v0 =	vsub.s32 v0, v1  }
0x1dd: {  	v1 =	vsub.s32 $0x0, v0  }
0x1de: {  	v0 =	vmin.u32 v0, v1  }
0x1df: {  	v0 =	vadd.s32 $0xFFFFFFFF, v0  }
0x1e0: {  	v61 =	vcvt.s32.f32 v0;
	_ =	sdelay $0x1  }
0x1e1: {  	v1 =	vshra.s32 v61, $0x17  }
0x1e2: {  	vm15 =	vgt.s32 v0, $0x0;
	v62 =	vadd.s32 $0xFFFFFF82, v1  }
0x1e3: {  	v0 =	vnsel vm15, $0x0, v62;
	_ =	sdelay $0x3  }
0x1e4: {  	s29 =	simm.s32 $0x0  }
0x1e5: {  	s26 =	simm.s32 $0x18;
	v63 =	vld.idx.msk [tilespmem:v0+s29+$0x0], $0xffff  }
0x1e6: {  	s5 =	simm.s32 $0x30;
	v2 =	vld.idx.msk [tilespmem:v0+s26+$0x0], $0xffff  }
0x1e7: {  	s9 =	simm.s32 $0x48;
	v3 =	vld.idx.msk [tilespmem:v0+s5+$0x0], $0xffff  }
0x1e8: {  	[smem:$0x7F7] =	sst s10;
	s10 =	simm.s32 $0x60;
	v4 =	vld.idx.msk [tilespmem:v0+s9+$0x0], $0xffff  }
0x1e9: {  	s16 =	simm.s32 $0x78;
	v5 =	vld.idx.msk [tilespmem:v0+s10+$0x0], $0xffff  }
0x1ea: {  	s22 =	smov.u32 s18;
	s18 =	simm.s32 $0x90;
	v6 =	vld.idx.msk [tilespmem:v0+s16+$0x0], $0xffff  }
0x1eb: {  	s19 =	simm.s32 $0xA8;
	v7 =	vld.idx.msk [tilespmem:v0+s18+$0x0], $0xffff  }
0x1ec: {  	s3 =	smov.u32 s2;
	s2 =	sor.u32 s1, s31;
	v8 =	vld.idx.msk [tilespmem:v0+s19+$0x0], $0xffff;
	s26 =	simm.s32 $0xC0  }
0x1ed: {  	s5 =	simm.s32 $0xD8;
	v9 =	vld.idx.msk [tilespmem:v0+s26+$0x0], $0xffff;
	[tilespmem:s2+$0x0] =	vst v63  }
0x1ee: {  	s9 =	simm.s32 $0xF0;
	v1 =	vld.idx.msk [tilespmem:v0+s5+$0x0], $0xffff;
	[tilespmem:s2+$0x80] =	vst v2  }
0x1ef: {  	s10 =	simm.s32 $0x108;
	s16 =	sadd.s32 $0x30, s28;
	v2 =	vld.idx.msk [tilespmem:v0+s9+$0x0], $0xffff;
	[tilespmem:s2+$0x100] =	vst v3  }
0x1f0: {  	s18 =	simm.s32 $0x120;
	s19 =	sor.u32 $0x200, s16;
	v3 =	vld.idx.msk [tilespmem:v0+s10+$0x0], $0xffff;
	[tilespmem:s2+$0x180] =	vst v4  }
0x1f1: {  	s31 =	simm.s32 $0x138;
	s2 =	sor.u32 $0x280, s16;
	v4 =	vld.idx.msk [tilespmem:v0+s18+$0x0], $0xffff;
	[tilespmem:s19+$0xB700] =	vst v5  }
0x1f2: {  	s5 =	simm.s32 $0x150;
	s9 =	sor.u32 $0x300, s16;
	v5 =	vld.idx.msk [tilespmem:v0+s31+$0x0], $0xffff;
	[tilespmem:s2+$0xB700] =	vst v6  }
0x1f3: {  	s26 =	simm.s32 $0x168;
	s21 =	sor.u32 $0x380, s16;
	v6 =	vld.idx.msk [tilespmem:v0+s5+$0x0], $0xffff;
	[tilespmem:s9+$0xB700] =	vst v7  }
0x1f4: {  	s10 =	simm.s32 $0x180;
	s16 =	sor.u32 s1, s23;
	s5 =	sld [smem:$0x7F3];
	v7 =	vld.idx.msk [tilespmem:v0+s26+$0x0], $0xffff;
	[tilespmem:s21+$0xB700] =	vst v8  }
0x1f5: {  	s18 =	simm.s32 $0x198;
	s19 =	sor.u32 s1, s4;
	v8 =	vld.idx.msk [tilespmem:v0+s10+$0x0], $0xffff;
	[tilespmem:s16+$0x0] =	vst v9;
	s16 =	sld [smem:$0x7F4]  }
0x1f6: {  	s24 =	sor.u32 s1, s24;
	s23 =	simm.s32 $0x1B0;
	v9 =	vld.idx.msk [tilespmem:v0+s18+$0x0], $0xffff;
	[tilespmem:s19+$0x0] =	vst v1  }
0x1f7: {  	s28 =	simm.s32 $0x1C8;
	s9 =	sor.u32 s1, s5;
	v1 =	vld.idx.msk [tilespmem:v0+s23+$0x0], $0xffff;
	[tilespmem:s24+$0x0] =	vst v2  }
0x1f8: {  	s31 =	simm.s32 $0x1E0;
	s23 =	rddreg [dreg:$0x1c];
	v2 =	vld.idx.msk [tilespmem:v0+s28+$0x0], $0xffff;
	[tilespmem:s9+$0x0] =	vst v3;
	s18 =	sor.u32 s1, s16  }
0x1f9: {  	s10 =	simm.s32 $0x1F8;
	s24 =	sor.u32 s1, s23;
	v3 =	vld.idx.msk [tilespmem:v0+s31+$0x0], $0xffff;
	[tilespmem:s18+$0x0] =	vst v4  }
0x1fa: {  	s2 =	sor.u32 s1, s0;
	s19 =	simm.s32 $0x210;
	v4 =	vld.idx.msk [tilespmem:v0+s10+$0x0], $0xffff;
	[tilespmem:s24+$0x0] =	vst v5  }
0x1fb: {  	s9 =	sor.u32 s1, s25;
	s31 =	simm.s32 $0x228;
	v5 =	vld.idx.msk [tilespmem:v0+s19+$0x0], $0xffff;
	[tilespmem:s2+$0x0] =	vst v6  }
0x1fc: {  	s5 =	simm.s32 $0x240;
	s24 =	sor.u32 s1, s7;
	v6 =	vld.idx.msk [tilespmem:v0+s31+$0x0], $0xffff;
	[tilespmem:s9+$0x0] =	vst v7  }
0x1fd: {  	p1 =	por !p1, !p1;
	s10 =	simm.s32 $0x258;
	s31 =	sor.u32 s1, s17;
	v7 =	vld.idx.msk [tilespmem:v0+s5+$0x0], $0xffff;
	[tilespmem:s24+$0x0] =	vst v8  }
0x1fe: {  	s4 =	rddreg [dreg:$0x1b];
	s25 =	simm.s32 $0x270;
	s2 =	sor.u32 s1, s11;
	v8 =	vld.idx.msk [tilespmem:v0+s10+$0x0], $0xffff;
	[tilespmem:s31+$0x0] =	vst v9  }
0x1ff: {  	s12 =	sor.u32 s1, s12;
	s0 =	simm.s32 $0x288;
	s4 =	sadd.s32 $0x200, s4;
	v9 =	vld.idx.msk [tilespmem:v0+s25+$0x0], $0xffff;
	[tilespmem:s2+$0x0] =	vst v1  }
0x200: {  	s7 =	simm.s32 $0x2A0;
	s17 =	simm.s32 $0x2B8;
	s24 =	sor.u32 s1, s13;
	v1 =	vld.idx.msk [tilespmem:v0+s0+$0x0], $0xffff;
	[tilespmem:s12+$0x0] =	vst v2  }
0x201: {  	s31 =	sor.u32 s1, s8;
	s8 =	sor.u32 s1, s15;
	s15 =	sld [smem:$0x7F5];
	v2 =	vld.idx.msk [tilespmem:v0+s7+$0x0], $0xffff;
	[tilespmem:s24+$0x0] =	vst v3  }
0x202: {  	s21 =	simm.s32 $0x1B0;
	s25 =	simm.s32 $0x2D0;
	s2 =	sor.u32 s1, s14;
	v3 =	vld.idx.msk [tilespmem:v0+s17+$0x0], $0xffff;
	[tilespmem:s31+$0x0] =	vst v4  }
0x203: {  	s23 =	simm.s32 $0x138;
	s0 =	simm.s32 $0x2E8;
	v4 =	vld.idx.msk [tilespmem:v0+s25+$0x0], $0xffff;
	[tilespmem:s2+$0x0] =	vst v5;
	s25 =	sld [smem:$0x7F6]  }
0x204: {  	s16 =	simm.s32 $0x120;
	s18 =	simm.s32 $0x150;
	s17 =	sor.u32 s1, s15;
	v0 =	vld.idx.msk [tilespmem:v0+s0+$0x0], $0xffff;
	[tilespmem:s8+$0x0] =	vst v6  }
0x205: {  	s19 =	simm.s32 $0x180;
	s24 =	sor.u32 s1, s6;
	[tilespmem:s17+$0x0] =	vst v7;
	s17 =	sld [smem:$0x7F7]  }
0x206: {  	s11 =	simm.s32 $0xA8;
	s5 =	sor.u32 s1, s30;
	[tilespmem:s24+$0x0] =	vst v8;
	s28 =	sor.u32 s1, s25  }
0x207: {  	s31 =	sor.u32 s1, s20;
	s0 =	sor.u32 s1, s3;
	[tilespmem:s28+$0x0] =	vst v9;
	s28 =	rddreg [dreg:$0x13]  }
0x208: {  	s25 =	sor.u32 s1, s22;
	s24 =	sor.u32 s1, s17;
	s1 =	sadd.s32 $0x4, s28  }
0x209: {  	s9 =	simm.s32 $0x78;
	s13 =	simm.s32 $0xD8;
	p2 =	slt.u32 s1, $0x4C  }
.Ltmp6:
0x20a: {  	s30 =	rddreg [dreg:$0x17];
	s10 =	simm.s32 $0x90;
	[tilespmem:s31+$0x0] =	vst v1;
	(pc) =	sbr.rel @p2 .LBB2_6-.Ltmp6, $4  }
0x20b: {  	s14 =	simm.s32 $0xF0;
	s12 =	simm.s32 $0xC0;
	s7 =	simm.s32 $0x48;
	[tilespmem:s0+$0x0] =	vst v2  }
0x20c: {  	s6 =	simm.s32 $0x30;
	s15 =	simm.s32 $0x108;
	s3 =	rddreg [dreg:$0x1a];
	[tilespmem:s5+$0x0] =	vst v3  }
0x20d: {  	s20 =	simm.s32 $0x198;
	s2 =	sadd.s32 $0x40, s30;
	s31 =	rddreg [dreg:$0x15];
	[tilespmem:s24+$0x0] =	vst v4  }
0x20e: {  	s8 =	simm.s32 $0x60;
	s3 =	sadd.s32 $0x40, s3;
	s0 =	sadd.s32 $0x40, s31;
	[tilespmem:s25+$0x0] =	vst v0  }
0x20f: {  	s0 =	rddreg [dreg:$0x10]  }
0x210: {  	s1 =	rddreg [dreg:$0xf]  }
0x211: {  	s2 =	rddreg [dreg:$0x4]  }
0x212: {  	s3 =	rddreg [dreg:$0x6];
	s0 =	sshll.u32 s0, $0x5;
	s1 =	sadd.s32 $0x3, s1  }
0x213: {  	s0 =	sor.u32 s2, s0;
	p1 =	sge.u32 s1, s3  }
0x214: {  	s28 =	rddreg [dreg:$0x2];
	s0 =	smul.u32 $0x500, s0;
	s1 =	sshll.u32 @!p1 s1, $0x5  }
0x215: {  	s30 =	simm.s32 $0x2800;
	s31 =	simm.s32 $0xC35000;
	s1 =	sor.u32 @!p1 s2, s1  }
0x216: {  	s4 =	simm.s32 $0xB700;
	s0 =	sadd.s32 s28, s0;
	s1 =	smul.u32 @!p1 $0x140, s1  }
0x217: {  	[hbm4b:s0+s30] =	stream.strided.scatter [tilespmem:s4], [sflag:$0x4], $0xA000, s31, s30, $0x38;
	[tilespmem:$0x15700] =	vst v63  }
0x218: {  	s3 =	simm.s32 @!p1 $0x100;
	s2 =	simm.s32 @!p1 $0x80;
	s0 =	rddreg [dreg:$0x0]  }
.Ltmp7:
0x219: {  	s4 =	simm.s32 @!p1 $0xD00;
	s0 =	sadd.s32 @!p1 s0, s1;
	(pc) =	sbr.rel .LBB2_8-.Ltmp7, $4  }
0x21a: {  	[tilespmem:s4], [sflag:$0x2] =	stream.strided.gather @!p1 [hbm4b:s0+s2], $0x500, s3, s2, $0x38;
	[tilespmem:$0x15700] =	vst v63  }
0x21b: {  	s0 =	rddreg [dreg:$0x8]  }
0x21c: {  	s0 =	sadd.s32 @!p1 s1, s0;
	s1 =	simm.s32 @!p1 $0x1200  }
0x21d: {  	[tilespmem:s1], [sflag:$0x2] =	stream.strided.gather @!p1 [hbm4b:s0+s2], $0x500, s3, s2, $0x38;
	[tilespmem:$0x15700] =	vst v63  }
.LBB2_10:
0x21e: {  	_ =	sfence.sel $0x180000  }
0x21f: {  	[bflag:$0x0] =	sbarrier.arrive $0xFFFF  }
0x220: {  	_ =	strace $0x90000047  }
0x221: {  	[bflag:$0x2] =	sbarrier.arrive $0xFFFF  }
0x222: {  	s0 =	rddreg [dreg:$0x3]  }
0x223: {  	s0 =	sadd.s32 @!p0 $0x100000, s0  }
0x224: {  	[sflag:s0] =	ssyncadd.tile.s32 @!p0 $0x1;
	_ =	shalt  }
.Lfunc_end2:
_tile_overlayer_lowered:
.L_overlay_start_2:
0x225: {  	(tag) =	ssettag $0x2  }
0x226: {  	s0 =	rddreg [dreg:$0x0];
	s2 =	stileid.u32  }
0x227: {  	s1 =	rddreg [dreg:$0x1];
	p0 =	sne.s32 s2, $0x0  }
0x228: {  	s3 =	rddreg [dreg:$0x2];
	[bflag:$0x3] =	sbarrier.arrive $0xFFFF;
	s2 =	simm.s32 @!p0 $0x1C05  }
0x229: {  	[timem:s3], [sflag:s2] =	dma.local @!p0 [hbm:s0], s1  }
0x22a: {  	s0 =	simm.s32 @!p0 $0x5  }
0x22b: {  	_ =	swait.ge @!p0 [sflag:s0], s1  }
0x22c: {  	s1 =	ssub.s32 @!p0 $0x0, s1;
	[sflag:s0] =	ssyncset.done @!p0 $0x0  }
0x22d: {  	[sflag:s0] =	ssyncadd.s32 @!p0 s1  }
0x22e: {  	[bflag:$0x3] =	sbarrier.arrive $0xFFFF  }
0x22f: {  	_ =	shalt  }

</sc_bundles>
